<compile_context>
chip_gen: v7x
topology: tpu7x:2x2x1
jax: 0.10.2.dev20260603
libtpu: 0.0.44.dev20260713+nightly
codegen_flags: <defaults>
</compile_context>

<pallas_src>
import jax
import jax.numpy as jnp
from jax import lax
from jax.experimental import pallas as pl
from jax.experimental.pallas import tpu as pltpu
from jax.experimental.pallas import tpu_sc as plsc

_HIDDEN = 64
_EPS = 1e-12
_NC = 2
_NS = 16
_NW = _NC * _NS
_BLK = 128
_SEQ = 50
_NBB = 16384 // _BLK
_NBLK = _SEQ * _NBB


def _ln_body(ids_hbm, table_hbm, gamma_hbm, beta_hbm, out_hbm,
             iv0, iv1, pidx0, pidx1, rows0, rows1, ov0, ov1, gb_v, rot_v,
             gtab_v, isem, gsem, wsem):
    wid = lax.axis_index("s") * _NC + lax.axis_index("c")
    nper = _NBLK // _NW
    blk0 = wid * nper
    iv = (iv0, iv1)
    pidx = (pidx0, pidx1)
    rows = (rows0, rows1)
    ov = (ov0, ov1)

    pltpu.sync_copy(gamma_hbm, gb_v.at[0])
    pltpu.sync_copy(beta_hbm, gb_v.at[1])
    g4 = [gb_v[0, pl.ds(16 * j, 16)] for j in range(4)]
    b4 = [gb_v[1, pl.ds(16 * j, 16)] for j in range(4)]
    lanes = lax.iota(jnp.int32, 16)
    perms = [lax.bitwise_xor(lanes, jnp.int32(1 << p)) for p in range(4)]
    dnums = lax.GatherDimensionNumbers(
        offset_dims=(), collapsed_slice_dims=(0,), start_index_map=(0,))

    def _shuf(x, p):
        return lax.gather(x, p.reshape(16, 1), dnums, (1,),
                          indices_are_sorted=False, unique_indices=True,
                          mode=lax.GatherScatterMode.PROMISE_IN_BOUNDS)

    for k in range(16):
        pk = lax.bitwise_and(lanes + k, 15)
        for j in range(4):
            rot_v[k * 4 + j, :] = pk + 16 * j
            gtab_v[k * 4 + j, :] = _shuf(g4[j], pk)
            gtab_v[64 + k * 4 + j, :] = _shuf(b4[j], pk)

    def _ids_src(i):
        blk = blk0 + i
        l = blk // _NBB
        bt = blk - l * _NBB
        return ids_hbm.at[l, pl.ds(bt * _BLK, _BLK)]

    def _fire_idx(i, s):
        pltpu.async_copy(_ids_src(i), iv[s], isem.at[s])

    def _wait_idx(i, s):
        pltpu.make_async_copy(_ids_src(i), iv[s], isem.at[s]).wait()

    def _shift_fire_gather(s):
        for j in range(8):
            pidx[s][pl.ds(16 * j, 16)] = lax.shift_right_logical(
                iv[s][pl.ds(16 * j, 16)], 1)
        pltpu.async_copy(table_hbm.at[pidx[s]], rows[s], gsem.at[s])

    def _wait_gather(s):
        pltpu.make_async_copy(table_hbm.at[pidx[s]], rows[s],
                              gsem.at[s]).wait()

    def _fire_out(i, s):
        blk = blk0 + i
        l = blk // _NBB
        bt = blk - l * _NBB
        pltpu.async_copy(ov[s], out_hbm.at[l, :, bt], wsem.at[s])

    def _wait_out(i, s):
        blk = blk0 + i
        l = blk // _NBB
        bt = blk - l * _NBB
        pltpu.make_async_copy(ov[s], out_hbm.at[l, :, bt],
                              wsem.at[s]).wait()

    def _compute(s):
        rv, o2 = rows[s], ov[s]

        def grp_body(gi, _):
            b0 = gi * 16
            rowv = lanes + b0
            iv16 = iv[s][pl.ds(b0, 16)]
            pv64 = lax.shift_left(lax.bitwise_and(iv16, 1), 6)
            z = jnp.zeros((16,), jnp.float32)

            @plsc.parallel_loop(0, 64, step=1, unroll=8, carry=(z, z))
            def p1(t, cr):
                a, q = cr
                ccon = rot_v[t, :]
                xx = plsc.load_gather(rv, [rowv, pv64 + ccon])
                return (a + xx, q + xx * xx)

            s16, q16 = p1
            mean = s16 * (1.0 / 64.0)
            v = q16 * (1.0 / 64.0) - mean * mean + _EPS
            ib = lax.bitcast_convert_type(v, jnp.int32)
            ib = jnp.int32(0x5F3759DF) - lax.shift_right_logical(ib, 1)
            y = lax.bitcast_convert_type(ib, jnp.float32)
            hv = 0.5 * v
            y = y * (1.5 - hv * y * y)
            y = y * (1.5 - hv * y * y)
            y = y * (1.5 - hv * y * y)

            @plsc.parallel_loop(0, 64, step=1, unroll=8)
            def p2(t):
                ccon = rot_v[t, :]
                xx = plsc.load_gather(rv, [rowv, pv64 + ccon])
                val = (xx - mean) * y * gtab_v[t, :] + gtab_v[64 + t, :]
                plsc.store_scatter(
                    o2, [lax.shift_right_logical(ccon, 3),
                         lax.bitwise_and(ccon, 7), rowv], val)

            return 0

        lax.fori_loop(0, _BLK // 16, grp_body, 0)

    _fire_idx(0, 0)
    _wait_idx(0, 0)
    _shift_fire_gather(0)
    _fire_idx(1, 1)

    def step_body(st, _):
        for bi in range(2):
            i = st * 2 + bi
            s, o = bi, 1 - bi

            @pl.when(i + 1 < nper)
            def _():
                _wait_idx(i + 1, o)
                _shift_fire_gather(o)

            _wait_gather(s)

            @pl.when(i >= 2)
            def _():
                _wait_out(i - 2, s)

            _compute(s)

            @pl.when(i + 2 < nper)
            def _():
                _fire_idx(i + 2, s)

            _fire_out(i, s)
        return 0

    lax.fori_loop(0, nper // 2, step_body, 0)
    _wait_out(nper - 2, 0)
    _wait_out(nper - 1, 1)


def _make_call():
    mesh = plsc.VectorSubcoreMesh(core_axis_name="c", subcore_axis_name="s")
    return pl.kernel(
        _ln_body,
        out_type=jax.ShapeDtypeStruct((_SEQ, 8, _NBB, 8, _BLK), jnp.float32),
        mesh=mesh,
        scratch_types=[
            pltpu.VMEM((_BLK,), jnp.int32),
            pltpu.VMEM((_BLK,), jnp.int32),
            pltpu.VMEM((_BLK,), jnp.int32),
            pltpu.VMEM((_BLK,), jnp.int32),
            pltpu.VMEM((_BLK, 128), jnp.float32),
            pltpu.VMEM((_BLK, 128), jnp.float32),
            pltpu.VMEM((8, 8, _BLK), jnp.float32),
            pltpu.VMEM((8, 8, _BLK), jnp.float32),
            pltpu.VMEM((2, _HIDDEN), jnp.float32),
            pltpu.VMEM((64, 16), jnp.int32),
            pltpu.VMEM((128, 16), jnp.float32),
            pltpu.SemaphoreType.DMA((2,)),
            pltpu.SemaphoreType.DMA((2,)),
            pltpu.SemaphoreType.DMA((2,)),
        ],
        compiler_params=pltpu.CompilerParams(use_tc_tiling_on_sc=True,
                                             needs_layout_passes=False),
    )


@jax.jit
def kernel(idiom_ids, table, gamma, beta):
    ids_t = idiom_ids.T.astype(jnp.int32)
    table2 = table.reshape(500000, 128)
    out5 = _make_call()(ids_t, table2, gamma, beta)
    return out5.transpose(2, 4, 0, 1, 3).reshape(16384, _SEQ, _HIDDEN)

# --- scband reference (transcript-rebuilt; emitter-appended) ---
"""Pipeline reference for scband-contrastive-chengyu-bertidiom-embedding-31817117729343 (READ-ONLY COPY).

The authoritative reference and input builder live on the scoring server;
editing this copy changes nothing except your own understanding.
"""

import jax, jax.numpy as jnp
import numpy as np

VOCAB = 1000000
HIDDEN = 64
EPS = 1e-12


def setup_inputs(seed: int = 0) -> dict:
    key = jax.random.key(seed)
    k1, k2 = jax.random.split(key)
    idiom_ids = jax.random.randint(k1, (16384, 50), 0, VOCAB, dtype=jnp.int64 if jax.config.jax_enable_x64 else jnp.int32)
    table = jax.random.normal(k2, (VOCAB, HIDDEN), dtype=jnp.float32) * 0.02
    gamma = jnp.ones((HIDDEN,), dtype=jnp.float32)
    beta = jnp.zeros((HIDDEN,), dtype=jnp.float32)
    return {"idiom_ids": idiom_ids, "table": table, "gamma": gamma, "beta": beta}


def reference(idiom_ids, table, gamma, beta):
    # embedding lookup (gather)
    emb = jnp.take(table, idiom_ids, axis=0)  # [B, L, H]
    # LayerNorm over last dim
    mean = jnp.mean(emb, axis=-1, keepdims=True)
    var = jnp.mean(jnp.square(emb - mean), axis=-1, keepdims=True)
    normed = (emb - mean) / jnp.sqrt(var + EPS)
    out = normed * gamma + beta
    # dropout is identity in eval mode
    return out

if __name__ == "__main__":
    import jax
    _d = setup_inputs()
    print(jax.jit(kernel)(*tuple(_d.values())))

</pallas_src>

<mosaic_0001>
#map = affine_map<(d0, d1) -> (0, 0)>
#map1 = affine_map<(d0, d1) -> (0)>
#map2 = affine_map<(d0, d1) -> (0, 0, 0, 0, 0)>
module attributes {stable_mosaic.version = 14 : i64} {
  func.func @_ln_body(%arg0: i32, %arg1: i32, %arg2: memref<50x16384xi32, #tpu.memory_space<hbm>>, %arg3: memref<500000x128xf32, #tpu.memory_space<hbm>>, %arg4: memref<64xf32, #tpu.memory_space<hbm>>, %arg5: memref<64xf32, #tpu.memory_space<hbm>>, %arg6: memref<50x8x128x8x128xf32, #tpu.memory_space<hbm>>, %arg7: memref<128xi32, #tpu.memory_space<vmem>>, %arg8: memref<128xi32, #tpu.memory_space<vmem>>, %arg9: memref<128xi32, #tpu.memory_space<vmem>>, %arg10: memref<128xi32, #tpu.memory_space<vmem>>, %arg11: memref<128x128xf32, #tpu.memory_space<vmem>>, %arg12: memref<128x128xf32, #tpu.memory_space<vmem>>, %arg13: memref<8x8x128xf32, #tpu.memory_space<vmem>>, %arg14: memref<8x8x128xf32, #tpu.memory_space<vmem>>, %arg15: memref<2x64xf32, #tpu.memory_space<vmem>>, %arg16: memref<64x16xi32, #tpu.memory_space<vmem>>, %arg17: memref<128x16xf32, #tpu.memory_space<vmem>>, %arg18: memref<2x!tpu.dma_semaphore, #tpu.memory_space<semaphore_mem>>, %arg19: memref<2x!tpu.dma_semaphore, #tpu.memory_space<semaphore_mem>>, %arg20: memref<2x!tpu.dma_semaphore, #tpu.memory_space<semaphore_mem>>) attributes {dimension_semantics = [#tpu.dimension_semantics<core_parallel>, #tpu.dimension_semantics<subcore_parallel>], iteration_bounds = array<i64: 2, 16>, scalar_prefetch = 0 : i64, scratch_operands = 14 : i64, tpu.core_type = #tpu.core_type<sc_vector_subcore>, window_params = [{transform_indices = #map}, {transform_indices = #map}, {transform_indices = #map1}, {transform_indices = #map1}, {transform_indices = #map2}]} {
    %mul3A = arith.constant 2 : i32
    %mul3A_0 = arith.muli %arg1, %mul3A : i32
    %add3A = arith.addi %mul3A_0, %arg0 : i32
    %mul3A_1 = arith.constant 200 : i32
    %mul3A_2 = arith.muli %add3A, %mul3A_1 : i32
    %run_scoped3A = arith.constant 0 : i32
    "tpu.region"() ({
      %run_scoped3A_1738 = tpu.sem_alloc : memref<!tpu.dma_semaphore, #tpu.memory_space<semaphore_mem>>
      %dma_start3A_1739 = arith.constant 0 : i32
      %dma_start3A_1740 = tpu.memref_slice %arg15[%run_scoped3A, %dma_start3A_1739] : memref<2x64xf32, #tpu.memory_space<vmem>> -> memref<1x64xf32, #tpu.memory_space<vmem>>
      %dma_start3A_1741 = tpu.memref_squeeze %dma_start3A_1740 : memref<1x64xf32, #tpu.memory_space<vmem>> -> memref<64xf32, #tpu.memory_space<vmem>>
      %dma_start3A_1742 = arith.constant 0 : i32
      %dma_start3A_1743 = tpu.memref_slice %arg15[%run_scoped3A, %dma_start3A_1742] : memref<2x64xf32, #tpu.memory_space<vmem>> -> memref<1x64xf32, #tpu.memory_space<vmem>>
      %dma_start3A_1744 = tpu.memref_squeeze %dma_start3A_1743 : memref<1x64xf32, #tpu.memory_space<vmem>> -> memref<64xf32, #tpu.memory_space<vmem>>
      tpu.enqueue_dma source(%arg4 : memref<64xf32, #tpu.memory_space<hbm>>) target(%dma_start3A_1744 : memref<64xf32, #tpu.memory_space<vmem>>) target_semaphore(%run_scoped3A_1738 : memref<!tpu.dma_semaphore, #tpu.memory_space<semaphore_mem>>)
      %dma_wait3A_1745 = arith.constant 0 : i32
      %dma_wait3A_1746 = tpu.memref_slice %arg15[%run_scoped3A, %dma_wait3A_1745] : memref<2x64xf32, #tpu.memory_space<vmem>> -> memref<1x64xf32, #tpu.memory_space<vmem>>
      %dma_wait3A_1747 = tpu.memref_squeeze %dma_wait3A_1746 : memref<1x64xf32, #tpu.memory_space<vmem>> -> memref<64xf32, #tpu.memory_space<vmem>>
      %dma_wait3A_1748 = arith.constant 0 : i32
      %dma_wait3A_1749 = tpu.memref_slice %arg15[%run_scoped3A, %dma_wait3A_1748] : memref<2x64xf32, #tpu.memory_space<vmem>> -> memref<1x64xf32, #tpu.memory_space<vmem>>
      %dma_wait3A_1750 = tpu.memref_squeeze %dma_wait3A_1749 : memref<1x64xf32, #tpu.memory_space<vmem>> -> memref<64xf32, #tpu.memory_space<vmem>>
      tpu.wait_dma2 semaphore(%run_scoped3A_1738 : memref<!tpu.dma_semaphore, #tpu.memory_space<semaphore_mem>>) src(%arg4 : memref<64xf32, #tpu.memory_space<hbm>>) dst(%dma_wait3A_1750 : memref<64xf32, #tpu.memory_space<vmem>>)
      tpu.yield
    }) : () -> ()
    %run_scoped3A_3 = arith.constant 1 : i32
    "tpu.region"() ({
      %run_scoped3A_1738 = tpu.sem_alloc : memref<!tpu.dma_semaphore, #tpu.memory_space<semaphore_mem>>
      %dma_start3A_1739 = arith.constant 0 : i32
      %dma_start3A_1740 = tpu.memref_slice %arg15[%run_scoped3A_3, %dma_start3A_1739] : memref<2x64xf32, #tpu.memory_space<vmem>> -> memref<1x64xf32, #tpu.memory_space<vmem>>
      %dma_start3A_1741 = tpu.memref_squeeze %dma_start3A_1740 : memref<1x64xf32, #tpu.memory_space<vmem>> -> memref<64xf32, #tpu.memory_space<vmem>>
      %dma_start3A_1742 = arith.constant 0 : i32
      %dma_start3A_1743 = tpu.memref_slice %arg15[%run_scoped3A_3, %dma_start3A_1742] : memref<2x64xf32, #tpu.memory_space<vmem>> -> memref<1x64xf32, #tpu.memory_space<vmem>>
      %dma_start3A_1744 = tpu.memref_squeeze %dma_start3A_1743 : memref<1x64xf32, #tpu.memory_space<vmem>> -> memref<64xf32, #tpu.memory_space<vmem>>
      tpu.enqueue_dma source(%arg5 : memref<64xf32, #tpu.memory_space<hbm>>) target(%dma_start3A_1744 : memref<64xf32, #tpu.memory_space<vmem>>) target_semaphore(%run_scoped3A_1738 : memref<!tpu.dma_semaphore, #tpu.memory_space<semaphore_mem>>)
      %dma_wait3A_1745 = arith.constant 0 : i32
      %dma_wait3A_1746 = tpu.memref_slice %arg15[%run_scoped3A_3, %dma_wait3A_1745] : memref<2x64xf32, #tpu.memory_space<vmem>> -> memref<1x64xf32, #tpu.memory_space<vmem>>
      %dma_wait3A_1747 = tpu.memref_squeeze %dma_wait3A_1746 : memref<1x64xf32, #tpu.memory_space<vmem>> -> memref<64xf32, #tpu.memory_space<vmem>>
      %dma_wait3A_1748 = arith.constant 0 : i32
      %dma_wait3A_1749 = tpu.memref_slice %arg15[%run_scoped3A_3, %dma_wait3A_1748] : memref<2x64xf32, #tpu.memory_space<vmem>> -> memref<1x64xf32, #tpu.memory_space<vmem>>
      %dma_wait3A_1750 = tpu.memref_squeeze %dma_wait3A_1749 : memref<1x64xf32, #tpu.memory_space<vmem>> -> memref<64xf32, #tpu.memory_space<vmem>>
      tpu.wait_dma2 semaphore(%run_scoped3A_1738 : memref<!tpu.dma_semaphore, #tpu.memory_space<semaphore_mem>>) src(%arg5 : memref<64xf32, #tpu.memory_space<hbm>>) dst(%dma_wait3A_1750 : memref<64xf32, #tpu.memory_space<vmem>>)
      tpu.yield
    }) : () -> ()
    %get3A = arith.constant 0 : i32
    %get3A_4 = arith.index_cast %get3A : i32 to index
    %get3A_5 = arith.constant 0 : index
    %get3A_6 = tpu.vector_load %arg15[%get3A_4, %get3A_5] {strides = array<i32>} : memref<2x64xf32, #tpu.memory_space<vmem>>, vector<16xf32>,
    %get3A_7 = arith.constant 0 : i32
    %get3A_8 = arith.index_cast %get3A_7 : i32 to index
    %get3A_9 = arith.constant 16 : index
    %get3A_10 = tpu.vector_load %arg15[%get3A_8, %get3A_9] {strides = array<i32>} : memref<2x64xf32, #tpu.memory_space<vmem>>, vector<16xf32>,
    %get3A_11 = arith.constant 0 : i32
    %get3A_12 = arith.index_cast %get3A_11 : i32 to index
    %get3A_13 = arith.constant 32 : index
    %get3A_14 = tpu.vector_load %arg15[%get3A_12, %get3A_13] {strides = array<i32>} : memref<2x64xf32, #tpu.memory_space<vmem>>, vector<16xf32>,
    %get3A_15 = arith.constant 0 : i32
    %get3A_16 = arith.index_cast %get3A_15 : i32 to index
    %get3A_17 = arith.constant 48 : index
    %get3A_18 = tpu.vector_load %arg15[%get3A_16, %get3A_17] {strides = array<i32>} : memref<2x64xf32, #tpu.memory_space<vmem>>, vector<16xf32>,
    %get3A_19 = arith.constant 1 : i32
    %get3A_20 = arith.index_cast %get3A_19 : i32 to index
    %get3A_21 = arith.constant 0 : index
    %get3A_22 = tpu.vector_load %arg15[%get3A_20, %get3A_21] {strides = array<i32>} : memref<2x64xf32, #tpu.memory_space<vmem>>, vector<16xf32>,
    %get3A_23 = arith.constant 1 : i32
    %get3A_24 = arith.index_cast %get3A_23 : i32 to index
    %get3A_25 = arith.constant 16 : index
    %get3A_26 = tpu.vector_load %arg15[%get3A_24, %get3A_25] {strides = array<i32>} : memref<2x64xf32, #tpu.memory_space<vmem>>, vector<16xf32>,
    %get3A_27 = arith.constant 1 : i32
    %get3A_28 = arith.index_cast %get3A_27 : i32 to index
    %get3A_29 = arith.constant 32 : index
    %get3A_30 = tpu.vector_load %arg15[%get3A_28, %get3A_29] {strides = array<i32>} : memref<2x64xf32, #tpu.memory_space<vmem>>, vector<16xf32>,
    %get3A_31 = arith.constant 1 : i32
    %get3A_32 = arith.index_cast %get3A_31 : i32 to index
    %get3A_33 = arith.constant 48 : index
    %get3A_34 = tpu.vector_load %arg15[%get3A_32, %get3A_33] {strides = array<i32>} : memref<2x64xf32, #tpu.memory_space<vmem>>, vector<16xf32>,
    %iota3A = tpu.iota {dimensions = array<i32: 0>} : vector<16xi32>
    %xor3A = arith.constant 1 : i32
    %xor3A_35 = vector.broadcast %xor3A : i32 to vector<16xi32>
    %xor3A_36 = arith.xori %iota3A, %xor3A_35 : vector<16xi32>
    %xor3A_37 = arith.constant 2 : i32
    %xor3A_38 = vector.broadcast %xor3A_37 : i32 to vector<16xi32>
    %xor3A_39 = arith.xori %iota3A, %xor3A_38 : vector<16xi32>
    %xor3A_40 = arith.constant 4 : i32
    %xor3A_41 = vector.broadcast %xor3A_40 : i32 to vector<16xi32>
    %xor3A_42 = arith.xori %iota3A, %xor3A_41 : vector<16xi32>
    %xor3A_43 = arith.constant 8 : i32
    %xor3A_44 = vector.broadcast %xor3A_43 : i32 to vector<16xi32>
    %xor3A_45 = arith.xori %iota3A, %xor3A_44 : vector<16xi32>
    %add3A_46 = arith.constant 0 : i32
    %add3A_47 = vector.broadcast %add3A_46 : i32 to vector<16xi32>
    %add3A_48 = arith.addi %iota3A, %add3A_47 : vector<16xi32>
    %and3A = arith.constant 15 : i32
    %and3A_49 = vector.broadcast %and3A : i32 to vector<16xi32>
    %and3A_50 = arith.andi %add3A_48, %and3A_49 : vector<16xi32>
    %add3A_51 = arith.constant 0 : i32
    %add3A_52 = vector.broadcast %add3A_51 : i32 to vector<16xi32>
    %add3A_53 = arith.addi %and3A_50, %add3A_52 : vector<16xi32>
    %swap3A = arith.constant 0 : i32
    %swap3A_54 = arith.index_cast %swap3A : i32 to index
    %swap3A_55 = arith.constant 0 : index
    %swap3A_56 = tpu.vector_load %arg16[%swap3A_54, %swap3A_55] {strides = array<i32>} : memref<64x16xi32, #tpu.memory_space<vmem>>, vector<16xi32>,
    tpu.vector_store %arg16[%swap3A_54, %swap3A_55], %add3A_53 {strides = array<i32>} : memref<64x16xi32, #tpu.memory_space<vmem>>, vector<16xi32>,
    %reshape3A = vector.shape_cast %and3A_50 : vector<16xi32> to vector<16x1xi32>
    %gather3A = vector.shape_cast %reshape3A : vector<16x1xi32> to vector<16xi32>
    %gather3A_57 = tpu.dynamic_gather %get3A_6[%gather3A] in [0] : vector<16xf32>, vector<16xi32> -> vector<16xf32>
    %swap3A_58 = arith.constant 0 : i32
    %swap3A_59 = arith.index_cast %swap3A_58 : i32 to index
    %swap3A_60 = arith.constant 0 : index
    %swap3A_61 = tpu.vector_load %arg17[%swap3A_59, %swap3A_60] {strides = array<i32>} : memref<128x16xf32, #tpu.memory_space<vmem>>, vector<16xf32>,
    tpu.vector_store %arg17[%swap3A_59, %swap3A_60], %gather3A_57 {strides = array<i32>} : memref<128x16xf32, #tpu.memory_space<vmem>>, vector<16xf32>,
    %reshape3A_62 = vector.shape_cast %and3A_50 : vector<16xi32> to vector<16x1xi32>
    %gather3A_63 = vector.shape_cast %reshape3A_62 : vector<16x1xi32> to vector<16xi32>
    %gather3A_64 = tpu.dynamic_gather %get3A_22[%gather3A_63] in [0] : vector<16xf32>, vector<16xi32> -> vector<16xf32>
    %swap3A_65 = arith.constant 64 : i32
    %swap3A_66 = arith.index_cast %swap3A_65 : i32 to index
    %swap3A_67 = arith.constant 0 : index
    %swap3A_68 = tpu.vector_load %arg17[%swap3A_66, %swap3A_67] {strides = array<i32>} : memref<128x16xf32, #tpu.memory_space<vmem>>, vector<16xf32>,
    tpu.vector_store %arg17[%swap3A_66, %swap3A_67], %gather3A_64 {strides = array<i32>} : memref<128x16xf32, #tpu.memory_space<vmem>>, vector<16xf32>,
    %add3A_69 = arith.constant 16 : i32
    %add3A_70 = vector.broadcast %add3A_69 : i32 to vector<16xi32>
    %add3A_71 = arith.addi %and3A_50, %add3A_70 : vector<16xi32>
    %swap3A_72 = arith.constant 1 : i32
    %swap3A_73 = arith.index_cast %swap3A_72 : i32 to index
    %swap3A_74 = arith.constant 0 : index
    %swap3A_75 = tpu.vector_load %arg16[%swap3A_73, %swap3A_74] {strides = array<i32>} : memref<64x16xi32, #tpu.memory_space<vmem>>, vector<16xi32>,
    tpu.vector_store %arg16[%swap3A_73, %swap3A_74], %add3A_71 {strides = array<i32>} : memref<64x16xi32, #tpu.memory_space<vmem>>, vector<16xi32>,
    %reshape3A_76 = vector.shape_cast %and3A_50 : vector<16xi32> to vector<16x1xi32>
    %gather3A_77 = vector.shape_cast %reshape3A_76 : vector<16x1xi32> to vector<16xi32>
    %gather3A_78 = tpu.dynamic_gather %get3A_10[%gather3A_77] in [0] : vector<16xf32>, vector<16xi32> -> vector<16xf32>
    %swap3A_79 = arith.constant 1 : i32
    %swap3A_80 = arith.index_cast %swap3A_79 : i32 to index
    %swap3A_81 = arith.constant 0 : index
    %swap3A_82 = tpu.vector_load %arg17[%swap3A_80, %swap3A_81] {strides = array<i32>} : memref<128x16xf32, #tpu.memory_space<vmem>>, vector<16xf32>,
    tpu.vector_store %arg17[%swap3A_80, %swap3A_81], %gather3A_78 {strides = array<i32>} : memref<128x16xf32, #tpu.memory_space<vmem>>, vector<16xf32>,
    %reshape3A_83 = vector.shape_cast %and3A_50 : vector<16xi32> to vector<16x1xi32>
    %gather3A_84 = vector.shape_cast %reshape3A_83 : vector<16x1xi32> to vector<16xi32>
    %gather3A_85 = tpu.dynamic_gather %get3A_26[%gather3A_84] in [0] : vector<16xf32>, vector<16xi32> -> vector<16xf32>
    %swap3A_86 = arith.constant 65 : i32
    %swap3A_87 = arith.index_cast %swap3A_86 : i32 to index
    %swap3A_88 = arith.constant 0 : index
    %swap3A_89 = tpu.vector_load %arg17[%swap3A_87, %swap3A_88] {strides = array<i32>} : memref<128x16xf32, #tpu.memory_space<vmem>>, vector<16xf32>,
    tpu.vector_store %arg17[%swap3A_87, %swap3A_88], %gather3A_85 {strides = array<i32>} : memref<128x16xf32, #tpu.memory_space<vmem>>, vector<16xf32>,
    %add3A_90 = arith.constant 32 : i32
    %add3A_91 = vector.broadcast %add3A_90 : i32 to vector<16xi32>
    %add3A_92 = arith.addi %and3A_50, %add3A_91 : vector<16xi32>
    %swap3A_93 = arith.constant 2 : i32
    %swap3A_94 = arith.index_cast %swap3A_93 : i32 to index
    %swap3A_95 = arith.constant 0 : index
    %swap3A_96 = tpu.vector_load %arg16[%swap3A_94, %swap3A_95] {strides = array<i32>} : memref<64x16xi32, #tpu.memory_space<vmem>>, vector<16xi32>,
    tpu.vector_store %arg16[%swap3A_94, %swap3A_95], %add3A_92 {strides = array<i32>} : memref<64x16xi32, #tpu.memory_space<vmem>>, vector<16xi32>,
    %reshape3A_97 = vector.shape_cast %and3A_50 : vector<16xi32> to vector<16x1xi32>
    %gather3A_98 = vector.shape_cast %reshape3A_97 : vector<16x1xi32> to vector<16xi32>
    %gather3A_99 = tpu.dynamic_gather %get3A_14[%gather3A_98] in [0] : vector<16xf32>, vector<16xi32> -> vector<16xf32>
    %swap3A_100 = arith.constant 2 : i32
    %swap3A_101 = arith.index_cast %swap3A_100 : i32 to index
    %swap3A_102 = arith.constant 0 : index
    %swap3A_103 = tpu.vector_load %arg17[%swap3A_101, %swap3A_102] {strides = array<i32>} : memref<128x16xf32, #tpu.memory_space<vmem>>, vector<16xf32>,
    tpu.vector_store %arg17[%swap3A_101, %swap3A_102], %gather3A_99 {strides = array<i32>} : memref<128x16xf32, #tpu.memory_space<vmem>>, vector<16xf32>,
    %reshape3A_104 = vector.shape_cast %and3A_50 : vector<16xi32> to vector<16x1xi32>
    %gather3A_105 = vector.shape_cast %reshape3A_104 : vector<16x1xi32> to vector<16xi32>
    %gather3A_106 = tpu.dynamic_gather %get3A_30[%gather3A_105] in [0] : vector<16xf32>, vector<16xi32> -> vector<16xf32>
    %swap3A_107 = arith.constant 66 : i32
    %swap3A_108 = arith.index_cast %swap3A_107 : i32 to index
    %swap3A_109 = arith.constant 0 : index
    %swap3A_110 = tpu.vector_load %arg17[%swap3A_108, %swap3A_109] {strides = array<i32>} : memref<128x16xf32, #tpu.memory_space<vmem>>, vector<16xf32>,
    tpu.vector_store %arg17[%swap3A_108, %swap3A_109], %gather3A_106 {strides = array<i32>} : memref<128x16xf32, #tpu.memory_space<vmem>>, vector<16xf32>,
    %add3A_111 = arith.constant 48 : i32
    %add3A_112 = vector.broadcast %add3A_111 : i32 to vector<16xi32>
    %add3A_113 = arith.addi %and3A_50, %add3A_112 : vector<16xi32>
    %swap3A_114 = arith.constant 3 : i32
    %swap3A_115 = arith.index_cast %swap3A_114 : i32 to index
    %swap3A_116 = arith.constant 0 : index
    %swap3A_117 = tpu.vector_load %arg16[%swap3A_115, %swap3A_116] {strides = array<i32>} : memref<64x16xi32, #tpu.memory_space<vmem>>, vector<16xi32>,
    tpu.vector_store %arg16[%swap3A_115, %swap3A_116], %add3A_113 {strides = array<i32>} : memref<64x16xi32, #tpu.memory_space<vmem>>, vector<16xi32>,
    %reshape3A_118 = vector.shape_cast %and3A_50 : vector<16xi32> to vector<16x1xi32>
    %gather3A_119 = vector.shape_cast %reshape3A_118 : vector<16x1xi32> to vector<16xi32>
    %gather3A_120 = tpu.dynamic_gather %get3A_18[%gather3A_119] in [0] : vector<16xf32>, vector<16xi32> -> vector<16xf32>
    %swap3A_121 = arith.constant 3 : i32
    %swap3A_122 = arith.index_cast %swap3A_121 : i32 to index
    %swap3A_123 = arith.constant 0 : index
    %swap3A_124 = tpu.vector_load %arg17[%swap3A_122, %swap3A_123] {strides = array<i32>} : memref<128x16xf32, #tpu.memory_space<vmem>>, vector<16xf32>,
    tpu.vector_store %arg17[%swap3A_122, %swap3A_123], %gather3A_120 {strides = array<i32>} : memref<128x16xf32, #tpu.memory_space<vmem>>, vector<16xf32>,
    %reshape3A_125 = vector.shape_cast %and3A_50 : vector<16xi32> to vector<16x1xi32>
    %gather3A_126 = vector.shape_cast %reshape3A_125 : vector<16x1xi32> to vector<16xi32>
    %gather3A_127 = tpu.dynamic_gather %get3A_34[%gather3A_126] in [0] : vector<16xf32>, vector<16xi32> -> vector<16xf32>
    %swap3A_128 = arith.constant 67 : i32
    %swap3A_129 = arith.index_cast %swap3A_128 : i32 to index
    %swap3A_130 = arith.constant 0 : index
    %swap3A_131 = tpu.vector_load %arg17[%swap3A_129, %swap3A_130] {strides = array<i32>} : memref<128x16xf32, #tpu.memory_space<vmem>>, vector<16xf32>,
    tpu.vector_store %arg17[%swap3A_129, %swap3A_130], %gather3A_127 {strides = array<i32>} : memref<128x16xf32, #tpu.memory_space<vmem>>, vector<16xf32>,
    %add3A_132 = arith.constant 1 : i32
    %add3A_133 = vector.broadcast %add3A_132 : i32 to vector<16xi32>
    %add3A_134 = arith.addi %iota3A, %add3A_133 : vector<16xi32>
    %and3A_135 = arith.constant 15 : i32
    %and3A_136 = vector.broadcast %and3A_135 : i32 to vector<16xi32>
    %and3A_137 = arith.andi %add3A_134, %and3A_136 : vector<16xi32>
    %add3A_138 = arith.constant 0 : i32
    %add3A_139 = vector.broadcast %add3A_138 : i32 to vector<16xi32>
    %add3A_140 = arith.addi %and3A_137, %add3A_139 : vector<16xi32>
    %swap3A_141 = arith.constant 4 : i32
    %swap3A_142 = arith.index_cast %swap3A_141 : i32 to index
    %swap3A_143 = arith.constant 0 : index
    %swap3A_144 = tpu.vector_load %arg16[%swap3A_142, %swap3A_143] {strides = array<i32>} : memref<64x16xi32, #tpu.memory_space<vmem>>, vector<16xi32>,
    tpu.vector_store %arg16[%swap3A_142, %swap3A_143], %add3A_140 {strides = array<i32>} : memref<64x16xi32, #tpu.memory_space<vmem>>, vector<16xi32>,
    %reshape3A_145 = vector.shape_cast %and3A_137 : vector<16xi32> to vector<16x1xi32>
    %gather3A_146 = vector.shape_cast %reshape3A_145 : vector<16x1xi32> to vector<16xi32>
    %gather3A_147 = tpu.dynamic_gather %get3A_6[%gather3A_146] in [0] : vector<16xf32>, vector<16xi32> -> vector<16xf32>
    %swap3A_148 = arith.constant 4 : i32
    %swap3A_149 = arith.index_cast %swap3A_148 : i32 to index
    %swap3A_150 = arith.constant 0 : index
    %swap3A_151 = tpu.vector_load %arg17[%swap3A_149, %swap3A_150] {strides = array<i32>} : memref<128x16xf32, #tpu.memory_space<vmem>>, vector<16xf32>,
    tpu.vector_store %arg17[%swap3A_149, %swap3A_150], %gather3A_147 {strides = array<i32>} : memref<128x16xf32, #tpu.memory_space<vmem>>, vector<16xf32>,
    %reshape3A_152 = vector.shape_cast %and3A_137 : vector<16xi32> to vector<16x1xi32>
    %gather3A_153 = vector.shape_cast %reshape3A_152 : vector<16x1xi32> to vector<16xi32>
    %gather3A_154 = tpu.dynamic_gather %get3A_22[%gather3A_153] in [0] : vector<16xf32>, vector<16xi32> -> vector<16xf32>
    %swap3A_155 = arith.constant 68 : i32
    %swap3A_156 = arith.index_cast %swap3A_155 : i32 to index
    %swap3A_157 = arith.constant 0 : index
    %swap3A_158 = tpu.vector_load %arg17[%swap3A_156, %swap3A_157] {strides = array<i32>} : memref<128x16xf32, #tpu.memory_space<vmem>>, vector<16xf32>,
    tpu.vector_store %arg17[%swap3A_156, %swap3A_157], %gather3A_154 {strides = array<i32>} : memref<128x16xf32, #tpu.memory_space<vmem>>, vector<16xf32>,
    %add3A_159 = arith.constant 16 : i32
    %add3A_160 = vector.broadcast %add3A_159 : i32 to vector<16xi32>
    %add3A_161 = arith.addi %and3A_137, %add3A_160 : vector<16xi32>
    %swap3A_162 = arith.constant 5 : i32
    %swap3A_163 = arith.index_cast %swap3A_162 : i32 to index
    %swap3A_164 = arith.constant 0 : index
    %swap3A_165 = tpu.vector_load %arg16[%swap3A_163, %swap3A_164] {strides = array<i32>} : memref<64x16xi32, #tpu.memory_space<vmem>>, vector<16xi32>,
    tpu.vector_store %arg16[%swap3A_163, %swap3A_164], %add3A_161 {strides = array<i32>} : memref<64x16xi32, #tpu.memory_space<vmem>>, vector<16xi32>,
    %reshape3A_166 = vector.shape_cast %and3A_137 : vector<16xi32> to vector<16x1xi32>
    %gather3A_167 = vector.shape_cast %reshape3A_166 : vector<16x1xi32> to vector<16xi32>
    %gather3A_168 = tpu.dynamic_gather %get3A_10[%gather3A_167] in [0] : vector<16xf32>, vector<16xi32> -> vector<16xf32>
    %swap3A_169 = arith.constant 5 : i32
    %swap3A_170 = arith.index_cast %swap3A_169 : i32 to index
    %swap3A_171 = arith.constant 0 : index
    %swap3A_172 = tpu.vector_load %arg17[%swap3A_170, %swap3A_171] {strides = array<i32>} : memref<128x16xf32, #tpu.memory_space<vmem>>, vector<16xf32>,
    tpu.vector_store %arg17[%swap3A_170, %swap3A_171], %gather3A_168 {strides = array<i32>} : memref<128x16xf32, #tpu.memory_space<vmem>>, vector<16xf32>,
    %reshape3A_173 = vector.shape_cast %and3A_137 : vector<16xi32> to vector<16x1xi32>
    %gather3A_174 = vector.shape_cast %reshape3A_173 : vector<16x1xi32> to vector<16xi32>
    %gather3A_175 = tpu.dynamic_gather %get3A_26[%gather3A_174] in [0] : vector<16xf32>, vector<16xi32> -> vector<16xf32>
    %swap3A_176 = arith.constant 69 : i32
    %swap3A_177 = arith.index_cast %swap3A_176 : i32 to index
    %swap3A_178 = arith.constant 0 : index
    %swap3A_179 = tpu.vector_load %arg17[%swap3A_177, %swap3A_178] {strides = array<i32>} : memref<128x16xf32, #tpu.memory_space<vmem>>, vector<16xf32>,
    tpu.vector_store %arg17[%swap3A_177, %swap3A_178], %gather3A_175 {strides = array<i32>} : memref<128x16xf32, #tpu.memory_space<vmem>>, vector<16xf32>,
    %add3A_180 = arith.constant 32 : i32
    %add3A_181 = vector.broadcast %add3A_180 : i32 to vector<16xi32>
    %add3A_182 = arith.addi %and3A_137, %add3A_181 : vector<16xi32>
    %swap3A_183 = arith.constant 6 : i32
    %swap3A_184 = arith.index_cast %swap3A_183 : i32 to index
    %swap3A_185 = arith.constant 0 : index
    %swap3A_186 = tpu.vector_load %arg16[%swap3A_184, %swap3A_185] {strides = array<i32>} : memref<64x16xi32, #tpu.memory_space<vmem>>, vector<16xi32>,
    tpu.vector_store %arg16[%swap3A_184, %swap3A_185], %add3A_182 {strides = array<i32>} : memref<64x16xi32, #tpu.memory_space<vmem>>, vector<16xi32>,
    %reshape3A_187 = vector.shape_cast %and3A_137 : vector<16xi32> to vector<16x1xi32>
    %gather3A_188 = vector.shape_cast %reshape3A_187 : vector<16x1xi32> to vector<16xi32>
    %gather3A_189 = tpu.dynamic_gather %get3A_14[%gather3A_188] in [0] : vector<16xf32>, vector<16xi32> -> vector<16xf32>
    %swap3A_190 = arith.constant 6 : i32
    %swap3A_191 = arith.index_cast %swap3A_190 : i32 to index
    %swap3A_192 = arith.constant 0 : index
    %swap3A_193 = tpu.vector_load %arg17[%swap3A_191, %swap3A_192] {strides = array<i32>} : memref<128x16xf32, #tpu.memory_space<vmem>>, vector<16xf32>,
    tpu.vector_store %arg17[%swap3A_191, %swap3A_192], %gather3A_189 {strides = array<i32>} : memref<128x16xf32, #tpu.memory_space<vmem>>, vector<16xf32>,
    %reshape3A_194 = vector.shape_cast %and3A_137 : vector<16xi32> to vector<16x1xi32>
    %gather3A_195 = vector.shape_cast %reshape3A_194 : vector<16x1xi32> to vector<16xi32>
    %gather3A_196 = tpu.dynamic_gather %get3A_30[%gather3A_195] in [0] : vector<16xf32>, vector<16xi32> -> vector<16xf32>
    %swap3A_197 = arith.constant 70 : i32
    %swap3A_198 = arith.index_cast %swap3A_197 : i32 to index
    %swap3A_199 = arith.constant 0 : index
    %swap3A_200 = tpu.vector_load %arg17[%swap3A_198, %swap3A_199] {strides = array<i32>} : memref<128x16xf32, #tpu.memory_space<vmem>>, vector<16xf32>,
    tpu.vector_store %arg17[%swap3A_198, %swap3A_199], %gather3A_196 {strides = array<i32>} : memref<128x16xf32, #tpu.memory_space<vmem>>, vector<16xf32>,
    %add3A_201 = arith.constant 48 : i32
    %add3A_202 = vector.broadcast %add3A_201 : i32 to vector<16xi32>
    %add3A_203 = arith.addi %and3A_137, %add3A_202 : vector<16xi32>
    %swap3A_204 = arith.constant 7 : i32
    %swap3A_205 = arith.index_cast %swap3A_204 : i32 to index
    %swap3A_206 = arith.constant 0 : index
    %swap3A_207 = tpu.vector_load %arg16[%swap3A_205, %swap3A_206] {strides = array<i32>} : memref<64x16xi32, #tpu.memory_space<vmem>>, vector<16xi32>,
    tpu.vector_store %arg16[%swap3A_205, %swap3A_206], %add3A_203 {strides = array<i32>} : memref<64x16xi32, #tpu.memory_space<vmem>>, vector<16xi32>,
    %reshape3A_208 = vector.shape_cast %and3A_137 : vector<16xi32> to vector<16x1xi32>
    %gather3A_209 = vector.shape_cast %reshape3A_208 : vector<16x1xi32> to vector<16xi32>
    %gather3A_210 = tpu.dynamic_gather %get3A_18[%gather3A_209] in [0] : vector<16xf32>, vector<16xi32> -> vector<16xf32>
    %swap3A_211 = arith.constant 7 : i32
    %swap3A_212 = arith.index_cast %swap3A_211 : i32 to index
    %swap3A_213 = arith.constant 0 : index
    %swap3A_214 = tpu.vector_load %arg17[%swap3A_212, %swap3A_213] {strides = array<i32>} : memref<128x16xf32, #tpu.memory_space<vmem>>, vector<16xf32>,
    tpu.vector_store %arg17[%swap3A_212, %swap3A_213], %gather3A_210 {strides = array<i32>} : memref<128x16xf32, #tpu.memory_space<vmem>>, vector<16xf32>,
    %reshape3A_215 = vector.shape_cast %and3A_137 : vector<16xi32> to vector<16x1xi32>
    %gather3A_216 = vector.shape_cast %reshape3A_215 : vector<16x1xi32> to vector<16xi32>
    %gather3A_217 = tpu.dynamic_gather %get3A_34[%gather3A_216] in [0] : vector<16xf32>, vector<16xi32> -> vector<16xf32>
    %swap3A_218 = arith.constant 71 : i32
    %swap3A_219 = arith.index_cast %swap3A_218 : i32 to index
    %swap3A_220 = arith.constant 0 : index
    %swap3A_221 = tpu.vector_load %arg17[%swap3A_219, %swap3A_220] {strides = array<i32>} : memref<128x16xf32, #tpu.memory_space<vmem>>, vector<16xf32>,
    tpu.vector_store %arg17[%swap3A_219, %swap3A_220], %gather3A_217 {strides = array<i32>} : memref<128x16xf32, #tpu.memory_space<vmem>>, vector<16xf32>,
    %add3A_222 = arith.constant 2 : i32
    %add3A_223 = vector.broadcast %add3A_222 : i32 to vector<16xi32>
    %add3A_224 = arith.addi %iota3A, %add3A_223 : vector<16xi32>
    %and3A_225 = arith.constant 15 : i32
    %and3A_226 = vector.broadcast %and3A_225 : i32 to vector<16xi32>
    %and3A_227 = arith.andi %add3A_224, %and3A_226 : vector<16xi32>
    %add3A_228 = arith.constant 0 : i32
    %add3A_229 = vector.broadcast %add3A_228 : i32 to vector<16xi32>
    %add3A_230 = arith.addi %and3A_227, %add3A_229 : vector<16xi32>
    %swap3A_231 = arith.constant 8 : i32
    %swap3A_232 = arith.index_cast %swap3A_231 : i32 to index
    %swap3A_233 = arith.constant 0 : index
    %swap3A_234 = tpu.vector_load %arg16[%swap3A_232, %swap3A_233] {strides = array<i32>} : memref<64x16xi32, #tpu.memory_space<vmem>>, vector<16xi32>,
    tpu.vector_store %arg16[%swap3A_232, %swap3A_233], %add3A_230 {strides = array<i32>} : memref<64x16xi32, #tpu.memory_space<vmem>>, vector<16xi32>,
    %reshape3A_235 = vector.shape_cast %and3A_227 : vector<16xi32> to vector<16x1xi32>
    %gather3A_236 = vector.shape_cast %reshape3A_235 : vector<16x1xi32> to vector<16xi32>
    %gather3A_237 = tpu.dynamic_gather %get3A_6[%gather3A_236] in [0] : vector<16xf32>, vector<16xi32> -> vector<16xf32>
    %swap3A_238 = arith.constant 8 : i32
    %swap3A_239 = arith.index_cast %swap3A_238 : i32 to index
    %swap3A_240 = arith.constant 0 : index
    %swap3A_241 = tpu.vector_load %arg17[%swap3A_239, %swap3A_240] {strides = array<i32>} : memref<128x16xf32, #tpu.memory_space<vmem>>, vector<16xf32>,
    tpu.vector_store %arg17[%swap3A_239, %swap3A_240], %gather3A_237 {strides = array<i32>} : memref<128x16xf32, #tpu.memory_space<vmem>>, vector<16xf32>,
    %reshape3A_242 = vector.shape_cast %and3A_227 : vector<16xi32> to vector<16x1xi32>
    %gather3A_243 = vector.shape_cast %reshape3A_242 : vector<16x1xi32> to vector<16xi32>
    %gather3A_244 = tpu.dynamic_gather %get3A_22[%gather3A_243] in [0] : vector<16xf32>, vector<16xi32> -> vector<16xf32>
    %swap3A_245 = arith.constant 72 : i32
    %swap3A_246 = arith.index_cast %swap3A_245 : i32 to index
    %swap3A_247 = arith.constant 0 : index
    %swap3A_248 = tpu.vector_load %arg17[%swap3A_246, %swap3A_247] {strides = array<i32>} : memref<128x16xf32, #tpu.memory_space<vmem>>, vector<16xf32>,
    tpu.vector_store %arg17[%swap3A_246, %swap3A_247], %gather3A_244 {strides = array<i32>} : memref<128x16xf32, #tpu.memory_space<vmem>>, vector<16xf32>,
    %add3A_249 = arith.constant 16 : i32
    %add3A_250 = vector.broadcast %add3A_249 : i32 to vector<16xi32>
    %add3A_251 = arith.addi %and3A_227, %add3A_250 : vector<16xi32>
    %swap3A_252 = arith.constant 9 : i32
    %swap3A_253 = arith.index_cast %swap3A_252 : i32 to index
    %swap3A_254 = arith.constant 0 : index
    %swap3A_255 = tpu.vector_load %arg16[%swap3A_253, %swap3A_254] {strides = array<i32>} : memref<64x16xi32, #tpu.memory_space<vmem>>, vector<16xi32>,
    tpu.vector_store %arg16[%swap3A_253, %swap3A_254], %add3A_251 {strides = array<i32>} : memref<64x16xi32, #tpu.memory_space<vmem>>, vector<16xi32>,
    %reshape3A_256 = vector.shape_cast %and3A_227 : vector<16xi32> to vector<16x1xi32>
    %gather3A_257 = vector.shape_cast %reshape3A_256 : vector<16x1xi32> to vector<16xi32>
    %gather3A_258 = tpu.dynamic_gather %get3A_10[%gather3A_257] in [0] : vector<16xf32>, vector<16xi32> -> vector<16xf32>
    %swap3A_259 = arith.constant 9 : i32
    %swap3A_260 = arith.index_cast %swap3A_259 : i32 to index
    %swap3A_261 = arith.constant 0 : index
    %swap3A_262 = tpu.vector_load %arg17[%swap3A_260, %swap3A_261] {strides = array<i32>} : memref<128x16xf32, #tpu.memory_space<vmem>>, vector<16xf32>,
    tpu.vector_store %arg17[%swap3A_260, %swap3A_261], %gather3A_258 {strides = array<i32>} : memref<128x16xf32, #tpu.memory_space<vmem>>, vector<16xf32>,
    %reshape3A_263 = vector.shape_cast %and3A_227 : vector<16xi32> to vector<16x1xi32>
    %gather3A_264 = vector.shape_cast %reshape3A_263 : vector<16x1xi32> to vector<16xi32>
    %gather3A_265 = tpu.dynamic_gather %get3A_26[%gather3A_264] in [0] : vector<16xf32>, vector<16xi32> -> vector<16xf32>
    %swap3A_266 = arith.constant 73 : i32
    %swap3A_267 = arith.index_cast %swap3A_266 : i32 to index
    %swap3A_268 = arith.constant 0 : index
    %swap3A_269 = tpu.vector_load %arg17[%swap3A_267, %swap3A_268] {strides = array<i32>} : memref<128x16xf32, #tpu.memory_space<vmem>>, vector<16xf32>,
    tpu.vector_store %arg17[%swap3A_267, %swap3A_268], %gather3A_265 {strides = array<i32>} : memref<128x16xf32, #tpu.memory_space<vmem>>, vector<16xf32>,
    %add3A_270 = arith.constant 32 : i32
    %add3A_271 = vector.broadcast %add3A_270 : i32 to vector<16xi32>
    %add3A_272 = arith.addi %and3A_227, %add3A_271 : vector<16xi32>
    %swap3A_273 = arith.constant 10 : i32
    %swap3A_274 = arith.index_cast %swap3A_273 : i32 to index
    %swap3A_275 = arith.constant 0 : index
    %swap3A_276 = tpu.vector_load %arg16[%swap3A_274, %swap3A_275] {strides = array<i32>} : memref<64x16xi32, #tpu.memory_space<vmem>>, vector<16xi32>,
    tpu.vector_store %arg16[%swap3A_274, %swap3A_275], %add3A_272 {strides = array<i32>} : memref<64x16xi32, #tpu.memory_space<vmem>>, vector<16xi32>,
    %reshape3A_277 = vector.shape_cast %and3A_227 : vector<16xi32> to vector<16x1xi32>
    %gather3A_278 = vector.shape_cast %reshape3A_277 : vector<16x1xi32> to vector<16xi32>
    %gather3A_279 = tpu.dynamic_gather %get3A_14[%gather3A_278] in [0] : vector<16xf32>, vector<16xi32> -> vector<16xf32>
    %swap3A_280 = arith.constant 10 : i32
    %swap3A_281 = arith.index_cast %swap3A_280 : i32 to index
    %swap3A_282 = arith.constant 0 : index
    %swap3A_283 = tpu.vector_load %arg17[%swap3A_281, %swap3A_282] {strides = array<i32>} : memref<128x16xf32, #tpu.memory_space<vmem>>, vector<16xf32>,
    tpu.vector_store %arg17[%swap3A_281, %swap3A_282], %gather3A_279 {strides = array<i32>} : memref<128x16xf32, #tpu.memory_space<vmem>>, vector<16xf32>,
    %reshape3A_284 = vector.shape_cast %and3A_227 : vector<16xi32> to vector<16x1xi32>
    %gather3A_285 = vector.shape_cast %reshape3A_284 : vector<16x1xi32> to vector<16xi32>
    %gather3A_286 = tpu.dynamic_gather %get3A_30[%gather3A_285] in [0] : vector<16xf32>, vector<16xi32> -> vector<16xf32>
    %swap3A_287 = arith.constant 74 : i32
    %swap3A_288 = arith.index_cast %swap3A_287 : i32 to index
    %swap3A_289 = arith.constant 0 : index
    %swap3A_290 = tpu.vector_load %arg17[%swap3A_288, %swap3A_289] {strides = array<i32>} : memref<128x16xf32, #tpu.memory_space<vmem>>, vector<16xf32>,
    tpu.vector_store %arg17[%swap3A_288, %swap3A_289], %gather3A_286 {strides = array<i32>} : memref<128x16xf32, #tpu.memory_space<vmem>>, vector<16xf32>,
    %add3A_291 = arith.constant 48 : i32
    %add3A_292 = vector.broadcast %add3A_291 : i32 to vector<16xi32>
    %add3A_293 = arith.addi %and3A_227, %add3A_292 : vector<16xi32>
    %swap3A_294 = arith.constant 11 : i32
    %swap3A_295 = arith.index_cast %swap3A_294 : i32 to index
    %swap3A_296 = arith.constant 0 : index
    %swap3A_297 = tpu.vector_load %arg16[%swap3A_295, %swap3A_296] {strides = array<i32>} : memref<64x16xi32, #tpu.memory_space<vmem>>, vector<16xi32>,
    tpu.vector_store %arg16[%swap3A_295, %swap3A_296], %add3A_293 {strides = array<i32>} : memref<64x16xi32, #tpu.memory_space<vmem>>, vector<16xi32>,
    %reshape3A_298 = vector.shape_cast %and3A_227 : vector<16xi32> to vector<16x1xi32>
    %gather3A_299 = vector.shape_cast %reshape3A_298 : vector<16x1xi32> to vector<16xi32>
    %gather3A_300 = tpu.dynamic_gather %get3A_18[%gather3A_299] in [0] : vector<16xf32>, vector<16xi32> -> vector<16xf32>
    %swap3A_301 = arith.constant 11 : i32
    %swap3A_302 = arith.index_cast %swap3A_301 : i32 to index
    %swap3A_303 = arith.constant 0 : index
    %swap3A_304 = tpu.vector_load %arg17[%swap3A_302, %swap3A_303] {strides = array<i32>} : memref<128x16xf32, #tpu.memory_space<vmem>>, vector<16xf32>,
    tpu.vector_store %arg17[%swap3A_302, %swap3A_303], %gather3A_300 {strides = array<i32>} : memref<128x16xf32, #tpu.memory_space<vmem>>, vector<16xf32>,
    %reshape3A_305 = vector.shape_cast %and3A_227 : vector<16xi32> to vector<16x1xi32>
    %gather3A_306 = vector.shape_cast %reshape3A_305 : vector<16x1xi32> to vector<16xi32>
    %gather3A_307 = tpu.dynamic_gather %get3A_34[%gather3A_306] in [0] : vector<16xf32>, vector<16xi32> -> vector<16xf32>
    %swap3A_308 = arith.constant 75 : i32
    %swap3A_309 = arith.index_cast %swap3A_308 : i32 to index
    %swap3A_310 = arith.constant 0 : index
    %swap3A_311 = tpu.vector_load %arg17[%swap3A_309, %swap3A_310] {strides = array<i32>} : memref<128x16xf32, #tpu.memory_space<vmem>>, vector<16xf32>,
    tpu.vector_store %arg17[%swap3A_309, %swap3A_310], %gather3A_307 {strides = array<i32>} : memref<128x16xf32, #tpu.memory_space<vmem>>, vector<16xf32>,
    %add3A_312 = arith.constant 3 : i32
    %add3A_313 = vector.broadcast %add3A_312 : i32 to vector<16xi32>
    %add3A_314 = arith.addi %iota3A, %add3A_313 : vector<16xi32>
    %and3A_315 = arith.constant 15 : i32
    %and3A_316 = vector.broadcast %and3A_315 : i32 to vector<16xi32>
    %and3A_317 = arith.andi %add3A_314, %and3A_316 : vector<16xi32>
    %add3A_318 = arith.constant 0 : i32
    %add3A_319 = vector.broadcast %add3A_318 : i32 to vector<16xi32>
    %add3A_320 = arith.addi %and3A_317, %add3A_319 : vector<16xi32>
    %swap3A_321 = arith.constant 12 : i32
    %swap3A_322 = arith.index_cast %swap3A_321 : i32 to index
    %swap3A_323 = arith.constant 0 : index
    %swap3A_324 = tpu.vector_load %arg16[%swap3A_322, %swap3A_323] {strides = array<i32>} : memref<64x16xi32, #tpu.memory_space<vmem>>, vector<16xi32>,
    tpu.vector_store %arg16[%swap3A_322, %swap3A_323], %add3A_320 {strides = array<i32>} : memref<64x16xi32, #tpu.memory_space<vmem>>, vector<16xi32>,
    %reshape3A_325 = vector.shape_cast %and3A_317 : vector<16xi32> to vector<16x1xi32>
    %gather3A_326 = vector.shape_cast %reshape3A_325 : vector<16x1xi32> to vector<16xi32>
    %gather3A_327 = tpu.dynamic_gather %get3A_6[%gather3A_326] in [0] : vector<16xf32>, vector<16xi32> -> vector<16xf32>
    %swap3A_328 = arith.constant 12 : i32
    %swap3A_329 = arith.index_cast %swap3A_328 : i32 to index
    %swap3A_330 = arith.constant 0 : index
    %swap3A_331 = tpu.vector_load %arg17[%swap3A_329, %swap3A_330] {strides = array<i32>} : memref<128x16xf32, #tpu.memory_space<vmem>>, vector<16xf32>,
    tpu.vector_store %arg17[%swap3A_329, %swap3A_330], %gather3A_327 {strides = array<i32>} : memref<128x16xf32, #tpu.memory_space<vmem>>, vector<16xf32>,
    %reshape3A_332 = vector.shape_cast %and3A_317 : vector<16xi32> to vector<16x1xi32>
    %gather3A_333 = vector.shape_cast %reshape3A_332 : vector<16x1xi32> to vector<16xi32>
    %gather3A_334 = tpu.dynamic_gather %get3A_22[%gather3A_333] in [0] : vector<16xf32>, vector<16xi32> -> vector<16xf32>
    %swap3A_335 = arith.constant 76 : i32
    %swap3A_336 = arith.index_cast %swap3A_335 : i32 to index
    %swap3A_337 = arith.constant 0 : index
    %swap3A_338 = tpu.vector_load %arg17[%swap3A_336, %swap3A_337] {strides = array<i32>} : memref<128x16xf32, #tpu.memory_space<vmem>>, vector<16xf32>,
    tpu.vector_store %arg17[%swap3A_336, %swap3A_337], %gather3A_334 {strides = array<i32>} : memref<128x16xf32, #tpu.memory_space<vmem>>, vector<16xf32>,
    %add3A_339 = arith.constant 16 : i32
    %add3A_340 = vector.broadcast %add3A_339 : i32 to vector<16xi32>
    %add3A_341 = arith.addi %and3A_317, %add3A_340 : vector<16xi32>
    %swap3A_342 = arith.constant 13 : i32
    %swap3A_343 = arith.index_cast %swap3A_342 : i32 to index
    %swap3A_344 = arith.constant 0 : index
    %swap3A_345 = tpu.vector_load %arg16[%swap3A_343, %swap3A_344] {strides = array<i32>} : memref<64x16xi32, #tpu.memory_space<vmem>>, vector<16xi32>,
    tpu.vector_store %arg16[%swap3A_343, %swap3A_344], %add3A_341 {strides = array<i32>} : memref<64x16xi32, #tpu.memory_space<vmem>>, vector<16xi32>,
    %reshape3A_346 = vector.shape_cast %and3A_317 : vector<16xi32> to vector<16x1xi32>
    %gather3A_347 = vector.shape_cast %reshape3A_346 : vector<16x1xi32> to vector<16xi32>
    %gather3A_348 = tpu.dynamic_gather %get3A_10[%gather3A_347] in [0] : vector<16xf32>, vector<16xi32> -> vector<16xf32>
    %swap3A_349 = arith.constant 13 : i32
    %swap3A_350 = arith.index_cast %swap3A_349 : i32 to index
    %swap3A_351 = arith.constant 0 : index
    %swap3A_352 = tpu.vector_load %arg17[%swap3A_350, %swap3A_351] {strides = array<i32>} : memref<128x16xf32, #tpu.memory_space<vmem>>, vector<16xf32>,
    tpu.vector_store %arg17[%swap3A_350, %swap3A_351], %gather3A_348 {strides = array<i32>} : memref<128x16xf32, #tpu.memory_space<vmem>>, vector<16xf32>,
    %reshape3A_353 = vector.shape_cast %and3A_317 : vector<16xi32> to vector<16x1xi32>
    %gather3A_354 = vector.shape_cast %reshape3A_353 : vector<16x1xi32> to vector<16xi32>
    %gather3A_355 = tpu.dynamic_gather %get3A_26[%gather3A_354] in [0] : vector<16xf32>, vector<16xi32> -> vector<16xf32>
    %swap3A_356 = arith.constant 77 : i32
    %swap3A_357 = arith.index_cast %swap3A_356 : i32 to index
    %swap3A_358 = arith.constant 0 : index
    %swap3A_359 = tpu.vector_load %arg17[%swap3A_357, %swap3A_358] {strides = array<i32>} : memref<128x16xf32, #tpu.memory_space<vmem>>, vector<16xf32>,
    tpu.vector_store %arg17[%swap3A_357, %swap3A_358], %gather3A_355 {strides = array<i32>} : memref<128x16xf32, #tpu.memory_space<vmem>>, vector<16xf32>,
    %add3A_360 = arith.constant 32 : i32
    %add3A_361 = vector.broadcast %add3A_360 : i32 to vector<16xi32>
    %add3A_362 = arith.addi %and3A_317, %add3A_361 : vector<16xi32>
    %swap3A_363 = arith.constant 14 : i32
    %swap3A_364 = arith.index_cast %swap3A_363 : i32 to index
    %swap3A_365 = arith.constant 0 : index
    %swap3A_366 = tpu.vector_load %arg16[%swap3A_364, %swap3A_365] {strides = array<i32>} : memref<64x16xi32, #tpu.memory_space<vmem>>, vector<16xi32>,
    tpu.vector_store %arg16[%swap3A_364, %swap3A_365], %add3A_362 {strides = array<i32>} : memref<64x16xi32, #tpu.memory_space<vmem>>, vector<16xi32>,
    %reshape3A_367 = vector.shape_cast %and3A_317 : vector<16xi32> to vector<16x1xi32>
    %gather3A_368 = vector.shape_cast %reshape3A_367 : vector<16x1xi32> to vector<16xi32>
    %gather3A_369 = tpu.dynamic_gather %get3A_14[%gather3A_368] in [0] : vector<16xf32>, vector<16xi32> -> vector<16xf32>
    %swap3A_370 = arith.constant 14 : i32
    %swap3A_371 = arith.index_cast %swap3A_370 : i32 to index
    %swap3A_372 = arith.constant 0 : index
    %swap3A_373 = tpu.vector_load %arg17[%swap3A_371, %swap3A_372] {strides = array<i32>} : memref<128x16xf32, #tpu.memory_space<vmem>>, vector<16xf32>,
    tpu.vector_store %arg17[%swap3A_371, %swap3A_372], %gather3A_369 {strides = array<i32>} : memref<128x16xf32, #tpu.memory_space<vmem>>, vector<16xf32>,
    %reshape3A_374 = vector.shape_cast %and3A_317 : vector<16xi32> to vector<16x1xi32>
    %gather3A_375 = vector.shape_cast %reshape3A_374 : vector<16x1xi32> to vector<16xi32>
    %gather3A_376 = tpu.dynamic_gather %get3A_30[%gather3A_375] in [0] : vector<16xf32>, vector<16xi32> -> vector<16xf32>
    %swap3A_377 = arith.constant 78 : i32
    %swap3A_378 = arith.index_cast %swap3A_377 : i32 to index
    %swap3A_379 = arith.constant 0 : index
    %swap3A_380 = tpu.vector_load %arg17[%swap3A_378, %swap3A_379] {strides = array<i32>} : memref<128x16xf32, #tpu.memory_space<vmem>>, vector<16xf32>,
    tpu.vector_store %arg17[%swap3A_378, %swap3A_379], %gather3A_376 {strides = array<i32>} : memref<128x16xf32, #tpu.memory_space<vmem>>, vector<16xf32>,
    %add3A_381 = arith.constant 48 : i32
    %add3A_382 = vector.broadcast %add3A_381 : i32 to vector<16xi32>
    %add3A_383 = arith.addi %and3A_317, %add3A_382 : vector<16xi32>
    %swap3A_384 = arith.constant 15 : i32
    %swap3A_385 = arith.index_cast %swap3A_384 : i32 to index
    %swap3A_386 = arith.constant 0 : index
    %swap3A_387 = tpu.vector_load %arg16[%swap3A_385, %swap3A_386] {strides = array<i32>} : memref<64x16xi32, #tpu.memory_space<vmem>>, vector<16xi32>,
    tpu.vector_store %arg16[%swap3A_385, %swap3A_386], %add3A_383 {strides = array<i32>} : memref<64x16xi32, #tpu.memory_space<vmem>>, vector<16xi32>,
    %reshape3A_388 = vector.shape_cast %and3A_317 : vector<16xi32> to vector<16x1xi32>
    %gather3A_389 = vector.shape_cast %reshape3A_388 : vector<16x1xi32> to vector<16xi32>
    %gather3A_390 = tpu.dynamic_gather %get3A_18[%gather3A_389] in [0] : vector<16xf32>, vector<16xi32> -> vector<16xf32>
    %swap3A_391 = arith.constant 15 : i32
    %swap3A_392 = arith.index_cast %swap3A_391 : i32 to index
    %swap3A_393 = arith.constant 0 : index
    %swap3A_394 = tpu.vector_load %arg17[%swap3A_392, %swap3A_393] {strides = array<i32>} : memref<128x16xf32, #tpu.memory_space<vmem>>, vector<16xf32>,
    tpu.vector_store %arg17[%swap3A_392, %swap3A_393], %gather3A_390 {strides = array<i32>} : memref<128x16xf32, #tpu.memory_space<vmem>>, vector<16xf32>,
    %reshape3A_395 = vector.shape_cast %and3A_317 : vector<16xi32> to vector<16x1xi32>
    %gather3A_396 = vector.shape_cast %reshape3A_395 : vector<16x1xi32> to vector<16xi32>
    %gather3A_397 = tpu.dynamic_gather %get3A_34[%gather3A_396] in [0] : vector<16xf32>, vector<16xi32> -> vector<16xf32>
    %swap3A_398 = arith.constant 79 : i32
    %swap3A_399 = arith.index_cast %swap3A_398 : i32 to index
    %swap3A_400 = arith.constant 0 : index
    %swap3A_401 = tpu.vector_load %arg17[%swap3A_399, %swap3A_400] {strides = array<i32>} : memref<128x16xf32, #tpu.memory_space<vmem>>, vector<16xf32>,
    tpu.vector_store %arg17[%swap3A_399, %swap3A_400], %gather3A_397 {strides = array<i32>} : memref<128x16xf32, #tpu.memory_space<vmem>>, vector<16xf32>,
    %add3A_402 = arith.constant 4 : i32
    %add3A_403 = vector.broadcast %add3A_402 : i32 to vector<16xi32>
    %add3A_404 = arith.addi %iota3A, %add3A_403 : vector<16xi32>
    %and3A_405 = arith.constant 15 : i32
    %and3A_406 = vector.broadcast %and3A_405 : i32 to vector<16xi32>
    %and3A_407 = arith.andi %add3A_404, %and3A_406 : vector<16xi32>
    %add3A_408 = arith.constant 0 : i32
    %add3A_409 = vector.broadcast %add3A_408 : i32 to vector<16xi32>
    %add3A_410 = arith.addi %and3A_407, %add3A_409 : vector<16xi32>
    %swap3A_411 = arith.constant 16 : i32
    %swap3A_412 = arith.index_cast %swap3A_411 : i32 to index
    %swap3A_413 = arith.constant 0 : index
    %swap3A_414 = tpu.vector_load %arg16[%swap3A_412, %swap3A_413] {strides = array<i32>} : memref<64x16xi32, #tpu.memory_space<vmem>>, vector<16xi32>,
    tpu.vector_store %arg16[%swap3A_412, %swap3A_413], %add3A_410 {strides = array<i32>} : memref<64x16xi32, #tpu.memory_space<vmem>>, vector<16xi32>,
    %reshape3A_415 = vector.shape_cast %and3A_407 : vector<16xi32> to vector<16x1xi32>
    %gather3A_416 = vector.shape_cast %reshape3A_415 : vector<16x1xi32> to vector<16xi32>
    %gather3A_417 = tpu.dynamic_gather %get3A_6[%gather3A_416] in [0] : vector<16xf32>, vector<16xi32> -> vector<16xf32>
    %swap3A_418 = arith.constant 16 : i32
    %swap3A_419 = arith.index_cast %swap3A_418 : i32 to index
    %swap3A_420 = arith.constant 0 : index
    %swap3A_421 = tpu.vector_load %arg17[%swap3A_419, %swap3A_420] {strides = array<i32>} : memref<128x16xf32, #tpu.memory_space<vmem>>, vector<16xf32>,
    tpu.vector_store %arg17[%swap3A_419, %swap3A_420], %gather3A_417 {strides = array<i32>} : memref<128x16xf32, #tpu.memory_space<vmem>>, vector<16xf32>,
    %reshape3A_422 = vector.shape_cast %and3A_407 : vector<16xi32> to vector<16x1xi32>
    %gather3A_423 = vector.shape_cast %reshape3A_422 : vector<16x1xi32> to vector<16xi32>
    %gather3A_424 = tpu.dynamic_gather %get3A_22[%gather3A_423] in [0] : vector<16xf32>, vector<16xi32> -> vector<16xf32>
    %swap3A_425 = arith.constant 80 : i32
    %swap3A_426 = arith.index_cast %swap3A_425 : i32 to index
    %swap3A_427 = arith.constant 0 : index
    %swap3A_428 = tpu.vector_load %arg17[%swap3A_426, %swap3A_427] {strides = array<i32>} : memref<128x16xf32, #tpu.memory_space<vmem>>, vector<16xf32>,
    tpu.vector_store %arg17[%swap3A_426, %swap3A_427], %gather3A_424 {strides = array<i32>} : memref<128x16xf32, #tpu.memory_space<vmem>>, vector<16xf32>,
    %add3A_429 = arith.constant 16 : i32
    %add3A_430 = vector.broadcast %add3A_429 : i32 to vector<16xi32>
    %add3A_431 = arith.addi %and3A_407, %add3A_430 : vector<16xi32>
    %swap3A_432 = arith.constant 17 : i32
    %swap3A_433 = arith.index_cast %swap3A_432 : i32 to index
    %swap3A_434 = arith.constant 0 : index
    %swap3A_435 = tpu.vector_load %arg16[%swap3A_433, %swap3A_434] {strides = array<i32>} : memref<64x16xi32, #tpu.memory_space<vmem>>, vector<16xi32>,
    tpu.vector_store %arg16[%swap3A_433, %swap3A_434], %add3A_431 {strides = array<i32>} : memref<64x16xi32, #tpu.memory_space<vmem>>, vector<16xi32>,
    %reshape3A_436 = vector.shape_cast %and3A_407 : vector<16xi32> to vector<16x1xi32>
    %gather3A_437 = vector.shape_cast %reshape3A_436 : vector<16x1xi32> to vector<16xi32>
    %gather3A_438 = tpu.dynamic_gather %get3A_10[%gather3A_437] in [0] : vector<16xf32>, vector<16xi32> -> vector<16xf32>
    %swap3A_439 = arith.constant 17 : i32
    %swap3A_440 = arith.index_cast %swap3A_439 : i32 to index
    %swap3A_441 = arith.constant 0 : index
    %swap3A_442 = tpu.vector_load %arg17[%swap3A_440, %swap3A_441] {strides = array<i32>} : memref<128x16xf32, #tpu.memory_space<vmem>>, vector<16xf32>,
    tpu.vector_store %arg17[%swap3A_440, %swap3A_441], %gather3A_438 {strides = array<i32>} : memref<128x16xf32, #tpu.memory_space<vmem>>, vector<16xf32>,
    %reshape3A_443 = vector.shape_cast %and3A_407 : vector<16xi32> to vector<16x1xi32>
    %gather3A_444 = vector.shape_cast %reshape3A_443 : vector<16x1xi32> to vector<16xi32>
    %gather3A_445 = tpu.dynamic_gather %get3A_26[%gather3A_444] in [0] : vector<16xf32>, vector<16xi32> -> vector<16xf32>
    %swap3A_446 = arith.constant 81 : i32
    %swap3A_447 = arith.index_cast %swap3A_446 : i32 to index
    %swap3A_448 = arith.constant 0 : index
    %swap3A_449 = tpu.vector_load %arg17[%swap3A_447, %swap3A_448] {strides = array<i32>} : memref<128x16xf32, #tpu.memory_space<vmem>>, vector<16xf32>,
    tpu.vector_store %arg17[%swap3A_447, %swap3A_448], %gather3A_445 {strides = array<i32>} : memref<128x16xf32, #tpu.memory_space<vmem>>, vector<16xf32>,
    %add3A_450 = arith.constant 32 : i32
    %add3A_451 = vector.broadcast %add3A_450 : i32 to vector<16xi32>
    %add3A_452 = arith.addi %and3A_407, %add3A_451 : vector<16xi32>
    %swap3A_453 = arith.constant 18 : i32
    %swap3A_454 = arith.index_cast %swap3A_453 : i32 to index
    %swap3A_455 = arith.constant 0 : index
    %swap3A_456 = tpu.vector_load %arg16[%swap3A_454, %swap3A_455] {strides = array<i32>} : memref<64x16xi32, #tpu.memory_space<vmem>>, vector<16xi32>,
    tpu.vector_store %arg16[%swap3A_454, %swap3A_455], %add3A_452 {strides = array<i32>} : memref<64x16xi32, #tpu.memory_space<vmem>>, vector<16xi32>,
    %reshape3A_457 = vector.shape_cast %and3A_407 : vector<16xi32> to vector<16x1xi32>
    %gather3A_458 = vector.shape_cast %reshape3A_457 : vector<16x1xi32> to vector<16xi32>
    %gather3A_459 = tpu.dynamic_gather %get3A_14[%gather3A_458] in [0] : vector<16xf32>, vector<16xi32> -> vector<16xf32>
    %swap3A_460 = arith.constant 18 : i32
    %swap3A_461 = arith.index_cast %swap3A_460 : i32 to index
    %swap3A_462 = arith.constant 0 : index
    %swap3A_463 = tpu.vector_load %arg17[%swap3A_461, %swap3A_462] {strides = array<i32>} : memref<128x16xf32, #tpu.memory_space<vmem>>, vector<16xf32>,
    tpu.vector_store %arg17[%swap3A_461, %swap3A_462], %gather3A_459 {strides = array<i32>} : memref<128x16xf32, #tpu.memory_space<vmem>>, vector<16xf32>,
    %reshape3A_464 = vector.shape_cast %and3A_407 : vector<16xi32> to vector<16x1xi32>
    %gather3A_465 = vector.shape_cast %reshape3A_464 : vector<16x1xi32> to vector<16xi32>
    %gather3A_466 = tpu.dynamic_gather %get3A_30[%gather3A_465] in [0] : vector<16xf32>, vector<16xi32> -> vector<16xf32>
    %swap3A_467 = arith.constant 82 : i32
    %swap3A_468 = arith.index_cast %swap3A_467 : i32 to index
    %swap3A_469 = arith.constant 0 : index
    %swap3A_470 = tpu.vector_load %arg17[%swap3A_468, %swap3A_469] {strides = array<i32>} : memref<128x16xf32, #tpu.memory_space<vmem>>, vector<16xf32>,
    tpu.vector_store %arg17[%swap3A_468, %swap3A_469], %gather3A_466 {strides = array<i32>} : memref<128x16xf32, #tpu.memory_space<vmem>>, vector<16xf32>,
    %add3A_471 = arith.constant 48 : i32
    %add3A_472 = vector.broadcast %add3A_471 : i32 to vector<16xi32>
    %add3A_473 = arith.addi %and3A_407, %add3A_472 : vector<16xi32>
    %swap3A_474 = arith.constant 19 : i32
    %swap3A_475 = arith.index_cast %swap3A_474 : i32 to index
    %swap3A_476 = arith.constant 0 : index
    %swap3A_477 = tpu.vector_load %arg16[%swap3A_475, %swap3A_476] {strides = array<i32>} : memref<64x16xi32, #tpu.memory_space<vmem>>, vector<16xi32>,
    tpu.vector_store %arg16[%swap3A_475, %swap3A_476], %add3A_473 {strides = array<i32>} : memref<64x16xi32, #tpu.memory_space<vmem>>, vector<16xi32>,
    %reshape3A_478 = vector.shape_cast %and3A_407 : vector<16xi32> to vector<16x1xi32>
    %gather3A_479 = vector.shape_cast %reshape3A_478 : vector<16x1xi32> to vector<16xi32>
    %gather3A_480 = tpu.dynamic_gather %get3A_18[%gather3A_479] in [0] : vector<16xf32>, vector<16xi32> -> vector<16xf32>
    %swap3A_481 = arith.constant 19 : i32
    %swap3A_482 = arith.index_cast %swap3A_481 : i32 to index
    %swap3A_483 = arith.constant 0 : index
    %swap3A_484 = tpu.vector_load %arg17[%swap3A_482, %swap3A_483] {strides = array<i32>} : memref<128x16xf32, #tpu.memory_space<vmem>>, vector<16xf32>,
    tpu.vector_store %arg17[%swap3A_482, %swap3A_483], %gather3A_480 {strides = array<i32>} : memref<128x16xf32, #tpu.memory_space<vmem>>, vector<16xf32>,
    %reshape3A_485 = vector.shape_cast %and3A_407 : vector<16xi32> to vector<16x1xi32>
    %gather3A_486 = vector.shape_cast %reshape3A_485 : vector<16x1xi32> to vector<16xi32>
    %gather3A_487 = tpu.dynamic_gather %get3A_34[%gather3A_486] in [0] : vector<16xf32>, vector<16xi32> -> vector<16xf32>
    %swap3A_488 = arith.constant 83 : i32
    %swap3A_489 = arith.index_cast %swap3A_488 : i32 to index
    %swap3A_490 = arith.constant 0 : index
    %swap3A_491 = tpu.vector_load %arg17[%swap3A_489, %swap3A_490] {strides = array<i32>} : memref<128x16xf32, #tpu.memory_space<vmem>>, vector<16xf32>,
    tpu.vector_store %arg17[%swap3A_489, %swap3A_490], %gather3A_487 {strides = array<i32>} : memref<128x16xf32, #tpu.memory_space<vmem>>, vector<16xf32>,
    %add3A_492 = arith.constant 5 : i32
    %add3A_493 = vector.broadcast %add3A_492 : i32 to vector<16xi32>
    %add3A_494 = arith.addi %iota3A, %add3A_493 : vector<16xi32>
    %and3A_495 = arith.constant 15 : i32
    %and3A_496 = vector.broadcast %and3A_495 : i32 to vector<16xi32>
    %and3A_497 = arith.andi %add3A_494, %and3A_496 : vector<16xi32>
    %add3A_498 = arith.constant 0 : i32
    %add3A_499 = vector.broadcast %add3A_498 : i32 to vector<16xi32>
    %add3A_500 = arith.addi %and3A_497, %add3A_499 : vector<16xi32>
    %swap3A_501 = arith.constant 20 : i32
    %swap3A_502 = arith.index_cast %swap3A_501 : i32 to index
    %swap3A_503 = arith.constant 0 : index
    %swap3A_504 = tpu.vector_load %arg16[%swap3A_502, %swap3A_503] {strides = array<i32>} : memref<64x16xi32, #tpu.memory_space<vmem>>, vector<16xi32>,
    tpu.vector_store %arg16[%swap3A_502, %swap3A_503], %add3A_500 {strides = array<i32>} : memref<64x16xi32, #tpu.memory_space<vmem>>, vector<16xi32>,
    %reshape3A_505 = vector.shape_cast %and3A_497 : vector<16xi32> to vector<16x1xi32>
    %gather3A_506 = vector.shape_cast %reshape3A_505 : vector<16x1xi32> to vector<16xi32>
    %gather3A_507 = tpu.dynamic_gather %get3A_6[%gather3A_506] in [0] : vector<16xf32>, vector<16xi32> -> vector<16xf32>
    %swap3A_508 = arith.constant 20 : i32
    %swap3A_509 = arith.index_cast %swap3A_508 : i32 to index
    %swap3A_510 = arith.constant 0 : index
    %swap3A_511 = tpu.vector_load %arg17[%swap3A_509, %swap3A_510] {strides = array<i32>} : memref<128x16xf32, #tpu.memory_space<vmem>>, vector<16xf32>,
    tpu.vector_store %arg17[%swap3A_509, %swap3A_510], %gather3A_507 {strides = array<i32>} : memref<128x16xf32, #tpu.memory_space<vmem>>, vector<16xf32>,
    %reshape3A_512 = vector.shape_cast %and3A_497 : vector<16xi32> to vector<16x1xi32>
    %gather3A_513 = vector.shape_cast %reshape3A_512 : vector<16x1xi32> to vector<16xi32>
    %gather3A_514 = tpu.dynamic_gather %get3A_22[%gather3A_513] in [0] : vector<16xf32>, vector<16xi32> -> vector<16xf32>
    %swap3A_515 = arith.constant 84 : i32
    %swap3A_516 = arith.index_cast %swap3A_515 : i32 to index
    %swap3A_517 = arith.constant 0 : index
    %swap3A_518 = tpu.vector_load %arg17[%swap3A_516, %swap3A_517] {strides = array<i32>} : memref<128x16xf32, #tpu.memory_space<vmem>>, vector<16xf32>,
    tpu.vector_store %arg17[%swap3A_516, %swap3A_517], %gather3A_514 {strides = array<i32>} : memref<128x16xf32, #tpu.memory_space<vmem>>, vector<16xf32>,
    %add3A_519 = arith.constant 16 : i32
    %add3A_520 = vector.broadcast %add3A_519 : i32 to vector<16xi32>
    %add3A_521 = arith.addi %and3A_497, %add3A_520 : vector<16xi32>
    %swap3A_522 = arith.constant 21 : i32
    %swap3A_523 = arith.index_cast %swap3A_522 : i32 to index
    %swap3A_524 = arith.constant 0 : index
    %swap3A_525 = tpu.vector_load %arg16[%swap3A_523, %swap3A_524] {strides = array<i32>} : memref<64x16xi32, #tpu.memory_space<vmem>>, vector<16xi32>,
    tpu.vector_store %arg16[%swap3A_523, %swap3A_524], %add3A_521 {strides = array<i32>} : memref<64x16xi32, #tpu.memory_space<vmem>>, vector<16xi32>,
    %reshape3A_526 = vector.shape_cast %and3A_497 : vector<16xi32> to vector<16x1xi32>
    %gather3A_527 = vector.shape_cast %reshape3A_526 : vector<16x1xi32> to vector<16xi32>
    %gather3A_528 = tpu.dynamic_gather %get3A_10[%gather3A_527] in [0] : vector<16xf32>, vector<16xi32> -> vector<16xf32>
    %swap3A_529 = arith.constant 21 : i32
    %swap3A_530 = arith.index_cast %swap3A_529 : i32 to index
    %swap3A_531 = arith.constant 0 : index
    %swap3A_532 = tpu.vector_load %arg17[%swap3A_530, %swap3A_531] {strides = array<i32>} : memref<128x16xf32, #tpu.memory_space<vmem>>, vector<16xf32>,
    tpu.vector_store %arg17[%swap3A_530, %swap3A_531], %gather3A_528 {strides = array<i32>} : memref<128x16xf32, #tpu.memory_space<vmem>>, vector<16xf32>,
    %reshape3A_533 = vector.shape_cast %and3A_497 : vector<16xi32> to vector<16x1xi32>
    %gather3A_534 = vector.shape_cast %reshape3A_533 : vector<16x1xi32> to vector<16xi32>
    %gather3A_535 = tpu.dynamic_gather %get3A_26[%gather3A_534] in [0] : vector<16xf32>, vector<16xi32> -> vector<16xf32>
    %swap3A_536 = arith.constant 85 : i32
    %swap3A_537 = arith.index_cast %swap3A_536 : i32 to index
    %swap3A_538 = arith.constant 0 : index
    %swap3A_539 = tpu.vector_load %arg17[%swap3A_537, %swap3A_538] {strides = array<i32>} : memref<128x16xf32, #tpu.memory_space<vmem>>, vector<16xf32>,
    tpu.vector_store %arg17[%swap3A_537, %swap3A_538], %gather3A_535 {strides = array<i32>} : memref<128x16xf32, #tpu.memory_space<vmem>>, vector<16xf32>,
    %add3A_540 = arith.constant 32 : i32
    %add3A_541 = vector.broadcast %add3A_540 : i32 to vector<16xi32>
    %add3A_542 = arith.addi %and3A_497, %add3A_541 : vector<16xi32>
    %swap3A_543 = arith.constant 22 : i32
    %swap3A_544 = arith.index_cast %swap3A_543 : i32 to index
    %swap3A_545 = arith.constant 0 : index
    %swap3A_546 = tpu.vector_load %arg16[%swap3A_544, %swap3A_545] {strides = array<i32>} : memref<64x16xi32, #tpu.memory_space<vmem>>, vector<16xi32>,
    tpu.vector_store %arg16[%swap3A_544, %swap3A_545], %add3A_542 {strides = array<i32>} : memref<64x16xi32, #tpu.memory_space<vmem>>, vector<16xi32>,
    %reshape3A_547 = vector.shape_cast %and3A_497 : vector<16xi32> to vector<16x1xi32>
    %gather3A_548 = vector.shape_cast %reshape3A_547 : vector<16x1xi32> to vector<16xi32>
    %gather3A_549 = tpu.dynamic_gather %get3A_14[%gather3A_548] in [0] : vector<16xf32>, vector<16xi32> -> vector<16xf32>
    %swap3A_550 = arith.constant 22 : i32
    %swap3A_551 = arith.index_cast %swap3A_550 : i32 to index
    %swap3A_552 = arith.constant 0 : index
    %swap3A_553 = tpu.vector_load %arg17[%swap3A_551, %swap3A_552] {strides = array<i32>} : memref<128x16xf32, #tpu.memory_space<vmem>>, vector<16xf32>,
    tpu.vector_store %arg17[%swap3A_551, %swap3A_552], %gather3A_549 {strides = array<i32>} : memref<128x16xf32, #tpu.memory_space<vmem>>, vector<16xf32>,
    %reshape3A_554 = vector.shape_cast %and3A_497 : vector<16xi32> to vector<16x1xi32>
    %gather3A_555 = vector.shape_cast %reshape3A_554 : vector<16x1xi32> to vector<16xi32>
    %gather3A_556 = tpu.dynamic_gather %get3A_30[%gather3A_555] in [0] : vector<16xf32>, vector<16xi32> -> vector<16xf32>
    %swap3A_557 = arith.constant 86 : i32
    %swap3A_558 = arith.index_cast %swap3A_557 : i32 to index
    %swap3A_559 = arith.constant 0 : index
    %swap3A_560 = tpu.vector_load %arg17[%swap3A_558, %swap3A_559] {strides = array<i32>} : memref<128x16xf32, #tpu.memory_space<vmem>>, vector<16xf32>,
    tpu.vector_store %arg17[%swap3A_558, %swap3A_559], %gather3A_556 {strides = array<i32>} : memref<128x16xf32, #tpu.memory_space<vmem>>, vector<16xf32>,
    %add3A_561 = arith.constant 48 : i32
    %add3A_562 = vector.broadcast %add3A_561 : i32 to vector<16xi32>
    %add3A_563 = arith.addi %and3A_497, %add3A_562 : vector<16xi32>
    %swap3A_564 = arith.constant 23 : i32
    %swap3A_565 = arith.index_cast %swap3A_564 : i32 to index
    %swap3A_566 = arith.constant 0 : index
    %swap3A_567 = tpu.vector_load %arg16[%swap3A_565, %swap3A_566] {strides = array<i32>} : memref<64x16xi32, #tpu.memory_space<vmem>>, vector<16xi32>,
    tpu.vector_store %arg16[%swap3A_565, %swap3A_566], %add3A_563 {strides = array<i32>} : memref<64x16xi32, #tpu.memory_space<vmem>>, vector<16xi32>,
    %reshape3A_568 = vector.shape_cast %and3A_497 : vector<16xi32> to vector<16x1xi32>
    %gather3A_569 = vector.shape_cast %reshape3A_568 : vector<16x1xi32> to vector<16xi32>
    %gather3A_570 = tpu.dynamic_gather %get3A_18[%gather3A_569] in [0] : vector<16xf32>, vector<16xi32> -> vector<16xf32>
    %swap3A_571 = arith.constant 23 : i32
    %swap3A_572 = arith.index_cast %swap3A_571 : i32 to index
    %swap3A_573 = arith.constant 0 : index
    %swap3A_574 = tpu.vector_load %arg17[%swap3A_572, %swap3A_573] {strides = array<i32>} : memref<128x16xf32, #tpu.memory_space<vmem>>, vector<16xf32>,
    tpu.vector_store %arg17[%swap3A_572, %swap3A_573], %gather3A_570 {strides = array<i32>} : memref<128x16xf32, #tpu.memory_space<vmem>>, vector<16xf32>,
    %reshape3A_575 = vector.shape_cast %and3A_497 : vector<16xi32> to vector<16x1xi32>
    %gather3A_576 = vector.shape_cast %reshape3A_575 : vector<16x1xi32> to vector<16xi32>
    %gather3A_577 = tpu.dynamic_gather %get3A_34[%gather3A_576] in [0] : vector<16xf32>, vector<16xi32> -> vector<16xf32>
    %swap3A_578 = arith.constant 87 : i32
    %swap3A_579 = arith.index_cast %swap3A_578 : i32 to index
    %swap3A_580 = arith.constant 0 : index
    %swap3A_581 = tpu.vector_load %arg17[%swap3A_579, %swap3A_580] {strides = array<i32>} : memref<128x16xf32, #tpu.memory_space<vmem>>, vector<16xf32>,
    tpu.vector_store %arg17[%swap3A_579, %swap3A_580], %gather3A_577 {strides = array<i32>} : memref<128x16xf32, #tpu.memory_space<vmem>>, vector<16xf32>,
    %add3A_582 = arith.constant 6 : i32
    %add3A_583 = vector.broadcast %add3A_582 : i32 to vector<16xi32>
    %add3A_584 = arith.addi %iota3A, %add3A_583 : vector<16xi32>
    %and3A_585 = arith.constant 15 : i32
    %and3A_586 = vector.broadcast %and3A_585 : i32 to vector<16xi32>
    %and3A_587 = arith.andi %add3A_584, %and3A_586 : vector<16xi32>
    %add3A_588 = arith.constant 0 : i32
    %add3A_589 = vector.broadcast %add3A_588 : i32 to vector<16xi32>
    %add3A_590 = arith.addi %and3A_587, %add3A_589 : vector<16xi32>
    %swap3A_591 = arith.constant 24 : i32
    %swap3A_592 = arith.index_cast %swap3A_591 : i32 to index
    %swap3A_593 = arith.constant 0 : index
    %swap3A_594 = tpu.vector_load %arg16[%swap3A_592, %swap3A_593] {strides = array<i32>} : memref<64x16xi32, #tpu.memory_space<vmem>>, vector<16xi32>,
    tpu.vector_store %arg16[%swap3A_592, %swap3A_593], %add3A_590 {strides = array<i32>} : memref<64x16xi32, #tpu.memory_space<vmem>>, vector<16xi32>,
    %reshape3A_595 = vector.shape_cast %and3A_587 : vector<16xi32> to vector<16x1xi32>
    %gather3A_596 = vector.shape_cast %reshape3A_595 : vector<16x1xi32> to vector<16xi32>
    %gather3A_597 = tpu.dynamic_gather %get3A_6[%gather3A_596] in [0] : vector<16xf32>, vector<16xi32> -> vector<16xf32>
    %swap3A_598 = arith.constant 24 : i32
    %swap3A_599 = arith.index_cast %swap3A_598 : i32 to index
    %swap3A_600 = arith.constant 0 : index
    %swap3A_601 = tpu.vector_load %arg17[%swap3A_599, %swap3A_600] {strides = array<i32>} : memref<128x16xf32, #tpu.memory_space<vmem>>, vector<16xf32>,
    tpu.vector_store %arg17[%swap3A_599, %swap3A_600], %gather3A_597 {strides = array<i32>} : memref<128x16xf32, #tpu.memory_space<vmem>>, vector<16xf32>,
    %reshape3A_602 = vector.shape_cast %and3A_587 : vector<16xi32> to vector<16x1xi32>
    %gather3A_603 = vector.shape_cast %reshape3A_602 : vector<16x1xi32> to vector<16xi32>
    %gather3A_604 = tpu.dynamic_gather %get3A_22[%gather3A_603] in [0] : vector<16xf32>, vector<16xi32> -> vector<16xf32>
    %swap3A_605 = arith.constant 88 : i32
    %swap3A_606 = arith.index_cast %swap3A_605 : i32 to index
    %swap3A_607 = arith.constant 0 : index
    %swap3A_608 = tpu.vector_load %arg17[%swap3A_606, %swap3A_607] {strides = array<i32>} : memref<128x16xf32, #tpu.memory_space<vmem>>, vector<16xf32>,
    tpu.vector_store %arg17[%swap3A_606, %swap3A_607], %gather3A_604 {strides = array<i32>} : memref<128x16xf32, #tpu.memory_space<vmem>>, vector<16xf32>,
    %add3A_609 = arith.constant 16 : i32
    %add3A_610 = vector.broadcast %add3A_609 : i32 to vector<16xi32>
    %add3A_611 = arith.addi %and3A_587, %add3A_610 : vector<16xi32>
    %swap3A_612 = arith.constant 25 : i32
    %swap3A_613 = arith.index_cast %swap3A_612 : i32 to index
    %swap3A_614 = arith.constant 0 : index
    %swap3A_615 = tpu.vector_load %arg16[%swap3A_613, %swap3A_614] {strides = array<i32>} : memref<64x16xi32, #tpu.memory_space<vmem>>, vector<16xi32>,
    tpu.vector_store %arg16[%swap3A_613, %swap3A_614], %add3A_611 {strides = array<i32>} : memref<64x16xi32, #tpu.memory_space<vmem>>, vector<16xi32>,
    %reshape3A_616 = vector.shape_cast %and3A_587 : vector<16xi32> to vector<16x1xi32>
    %gather3A_617 = vector.shape_cast %reshape3A_616 : vector<16x1xi32> to vector<16xi32>
    %gather3A_618 = tpu.dynamic_gather %get3A_10[%gather3A_617] in [0] : vector<16xf32>, vector<16xi32> -> vector<16xf32>
    %swap3A_619 = arith.constant 25 : i32
    %swap3A_620 = arith.index_cast %swap3A_619 : i32 to index
    %swap3A_621 = arith.constant 0 : index
    %swap3A_622 = tpu.vector_load %arg17[%swap3A_620, %swap3A_621] {strides = array<i32>} : memref<128x16xf32, #tpu.memory_space<vmem>>, vector<16xf32>,
    tpu.vector_store %arg17[%swap3A_620, %swap3A_621], %gather3A_618 {strides = array<i32>} : memref<128x16xf32, #tpu.memory_space<vmem>>, vector<16xf32>,
    %reshape3A_623 = vector.shape_cast %and3A_587 : vector<16xi32> to vector<16x1xi32>
    %gather3A_624 = vector.shape_cast %reshape3A_623 : vector<16x1xi32> to vector<16xi32>
    %gather3A_625 = tpu.dynamic_gather %get3A_26[%gather3A_624] in [0] : vector<16xf32>, vector<16xi32> -> vector<16xf32>
    %swap3A_626 = arith.constant 89 : i32
    %swap3A_627 = arith.index_cast %swap3A_626 : i32 to index
    %swap3A_628 = arith.constant 0 : index
    %swap3A_629 = tpu.vector_load %arg17[%swap3A_627, %swap3A_628] {strides = array<i32>} : memref<128x16xf32, #tpu.memory_space<vmem>>, vector<16xf32>,
    tpu.vector_store %arg17[%swap3A_627, %swap3A_628], %gather3A_625 {strides = array<i32>} : memref<128x16xf32, #tpu.memory_space<vmem>>, vector<16xf32>,
    %add3A_630 = arith.constant 32 : i32
    %add3A_631 = vector.broadcast %add3A_630 : i32 to vector<16xi32>
    %add3A_632 = arith.addi %and3A_587, %add3A_631 : vector<16xi32>
    %swap3A_633 = arith.constant 26 : i32
    %swap3A_634 = arith.index_cast %swap3A_633 : i32 to index
    %swap3A_635 = arith.constant 0 : index
    %swap3A_636 = tpu.vector_load %arg16[%swap3A_634, %swap3A_635] {strides = array<i32>} : memref<64x16xi32, #tpu.memory_space<vmem>>, vector<16xi32>,
    tpu.vector_store %arg16[%swap3A_634, %swap3A_635], %add3A_632 {strides = array<i32>} : memref<64x16xi32, #tpu.memory_space<vmem>>, vector<16xi32>,
    %reshape3A_637 = vector.shape_cast %and3A_587 : vector<16xi32> to vector<16x1xi32>
    %gather3A_638 = vector.shape_cast %reshape3A_637 : vector<16x1xi32> to vector<16xi32>
    %gather3A_639 = tpu.dynamic_gather %get3A_14[%gather3A_638] in [0] : vector<16xf32>, vector<16xi32> -> vector<16xf32>
    %swap3A_640 = arith.constant 26 : i32
    %swap3A_641 = arith.index_cast %swap3A_640 : i32 to index
    %swap3A_642 = arith.constant 0 : index
    %swap3A_643 = tpu.vector_load %arg17[%swap3A_641, %swap3A_642] {strides = array<i32>} : memref<128x16xf32, #tpu.memory_space<vmem>>, vector<16xf32>,
    tpu.vector_store %arg17[%swap3A_641, %swap3A_642], %gather3A_639 {strides = array<i32>} : memref<128x16xf32, #tpu.memory_space<vmem>>, vector<16xf32>,
    %reshape3A_644 = vector.shape_cast %and3A_587 : vector<16xi32> to vector<16x1xi32>
    %gather3A_645 = vector.shape_cast %reshape3A_644 : vector<16x1xi32> to vector<16xi32>
    %gather3A_646 = tpu.dynamic_gather %get3A_30[%gather3A_645] in [0] : vector<16xf32>, vector<16xi32> -> vector<16xf32>
    %swap3A_647 = arith.constant 90 : i32
    %swap3A_648 = arith.index_cast %swap3A_647 : i32 to index
    %swap3A_649 = arith.constant 0 : index
    %swap3A_650 = tpu.vector_load %arg17[%swap3A_648, %swap3A_649] {strides = array<i32>} : memref<128x16xf32, #tpu.memory_space<vmem>>, vector<16xf32>,
    tpu.vector_store %arg17[%swap3A_648, %swap3A_649], %gather3A_646 {strides = array<i32>} : memref<128x16xf32, #tpu.memory_space<vmem>>, vector<16xf32>,
    %add3A_651 = arith.constant 48 : i32
    %add3A_652 = vector.broadcast %add3A_651 : i32 to vector<16xi32>
    %add3A_653 = arith.addi %and3A_587, %add3A_652 : vector<16xi32>
    %swap3A_654 = arith.constant 27 : i32
    %swap3A_655 = arith.index_cast %swap3A_654 : i32 to index
    %swap3A_656 = arith.constant 0 : index
    %swap3A_657 = tpu.vector_load %arg16[%swap3A_655, %swap3A_656] {strides = array<i32>} : memref<64x16xi32, #tpu.memory_space<vmem>>, vector<16xi32>,
    tpu.vector_store %arg16[%swap3A_655, %swap3A_656], %add3A_653 {strides = array<i32>} : memref<64x16xi32, #tpu.memory_space<vmem>>, vector<16xi32>,
    %reshape3A_658 = vector.shape_cast %and3A_587 : vector<16xi32> to vector<16x1xi32>
    %gather3A_659 = vector.shape_cast %reshape3A_658 : vector<16x1xi32> to vector<16xi32>
    %gather3A_660 = tpu.dynamic_gather %get3A_18[%gather3A_659] in [0] : vector<16xf32>, vector<16xi32> -> vector<16xf32>
    %swap3A_661 = arith.constant 27 : i32
    %swap3A_662 = arith.index_cast %swap3A_661 : i32 to index
    %swap3A_663 = arith.constant 0 : index
    %swap3A_664 = tpu.vector_load %arg17[%swap3A_662, %swap3A_663] {strides = array<i32>} : memref<128x16xf32, #tpu.memory_space<vmem>>, vector<16xf32>,
    tpu.vector_store %arg17[%swap3A_662, %swap3A_663], %gather3A_660 {strides = array<i32>} : memref<128x16xf32, #tpu.memory_space<vmem>>, vector<16xf32>,
    %reshape3A_665 = vector.shape_cast %and3A_587 : vector<16xi32> to vector<16x1xi32>
    %gather3A_666 = vector.shape_cast %reshape3A_665 : vector<16x1xi32> to vector<16xi32>
    %gather3A_667 = tpu.dynamic_gather %get3A_34[%gather3A_666] in [0] : vector<16xf32>, vector<16xi32> -> vector<16xf32>
    %swap3A_668 = arith.constant 91 : i32
    %swap3A_669 = arith.index_cast %swap3A_668 : i32 to index
    %swap3A_670 = arith.constant 0 : index
    %swap3A_671 = tpu.vector_load %arg17[%swap3A_669, %swap3A_670] {strides = array<i32>} : memref<128x16xf32, #tpu.memory_space<vmem>>, vector<16xf32>,
    tpu.vector_store %arg17[%swap3A_669, %swap3A_670], %gather3A_667 {strides = array<i32>} : memref<128x16xf32, #tpu.memory_space<vmem>>, vector<16xf32>,
    %add3A_672 = arith.constant 7 : i32
    %add3A_673 = vector.broadcast %add3A_672 : i32 to vector<16xi32>
    %add3A_674 = arith.addi %iota3A, %add3A_673 : vector<16xi32>
    %and3A_675 = arith.constant 15 : i32
    %and3A_676 = vector.broadcast %and3A_675 : i32 to vector<16xi32>
    %and3A_677 = arith.andi %add3A_674, %and3A_676 : vector<16xi32>
    %add3A_678 = arith.constant 0 : i32
    %add3A_679 = vector.broadcast %add3A_678 : i32 to vector<16xi32>
    %add3A_680 = arith.addi %and3A_677, %add3A_679 : vector<16xi32>
    %swap3A_681 = arith.constant 28 : i32
    %swap3A_682 = arith.index_cast %swap3A_681 : i32 to index
    %swap3A_683 = arith.constant 0 : index
    %swap3A_684 = tpu.vector_load %arg16[%swap3A_682, %swap3A_683] {strides = array<i32>} : memref<64x16xi32, #tpu.memory_space<vmem>>, vector<16xi32>,
    tpu.vector_store %arg16[%swap3A_682, %swap3A_683], %add3A_680 {strides = array<i32>} : memref<64x16xi32, #tpu.memory_space<vmem>>, vector<16xi32>,
    %reshape3A_685 = vector.shape_cast %and3A_677 : vector<16xi32> to vector<16x1xi32>
    %gather3A_686 = vector.shape_cast %reshape3A_685 : vector<16x1xi32> to vector<16xi32>
    %gather3A_687 = tpu.dynamic_gather %get3A_6[%gather3A_686] in [0] : vector<16xf32>, vector<16xi32> -> vector<16xf32>
    %swap3A_688 = arith.constant 28 : i32
    %swap3A_689 = arith.index_cast %swap3A_688 : i32 to index
    %swap3A_690 = arith.constant 0 : index
    %swap3A_691 = tpu.vector_load %arg17[%swap3A_689, %swap3A_690] {strides = array<i32>} : memref<128x16xf32, #tpu.memory_space<vmem>>, vector<16xf32>,
    tpu.vector_store %arg17[%swap3A_689, %swap3A_690], %gather3A_687 {strides = array<i32>} : memref<128x16xf32, #tpu.memory_space<vmem>>, vector<16xf32>,
    %reshape3A_692 = vector.shape_cast %and3A_677 : vector<16xi32> to vector<16x1xi32>
    %gather3A_693 = vector.shape_cast %reshape3A_692 : vector<16x1xi32> to vector<16xi32>
    %gather3A_694 = tpu.dynamic_gather %get3A_22[%gather3A_693] in [0] : vector<16xf32>, vector<16xi32> -> vector<16xf32>
    %swap3A_695 = arith.constant 92 : i32
    %swap3A_696 = arith.index_cast %swap3A_695 : i32 to index
    %swap3A_697 = arith.constant 0 : index
    %swap3A_698 = tpu.vector_load %arg17[%swap3A_696, %swap3A_697] {strides = array<i32>} : memref<128x16xf32, #tpu.memory_space<vmem>>, vector<16xf32>,
    tpu.vector_store %arg17[%swap3A_696, %swap3A_697], %gather3A_694 {strides = array<i32>} : memref<128x16xf32, #tpu.memory_space<vmem>>, vector<16xf32>,
    %add3A_699 = arith.constant 16 : i32
    %add3A_700 = vector.broadcast %add3A_699 : i32 to vector<16xi32>
    %add3A_701 = arith.addi %and3A_677, %add3A_700 : vector<16xi32>
    %swap3A_702 = arith.constant 29 : i32
    %swap3A_703 = arith.index_cast %swap3A_702 : i32 to index
    %swap3A_704 = arith.constant 0 : index
    %swap3A_705 = tpu.vector_load %arg16[%swap3A_703, %swap3A_704] {strides = array<i32>} : memref<64x16xi32, #tpu.memory_space<vmem>>, vector<16xi32>,
    tpu.vector_store %arg16[%swap3A_703, %swap3A_704], %add3A_701 {strides = array<i32>} : memref<64x16xi32, #tpu.memory_space<vmem>>, vector<16xi32>,
    %reshape3A_706 = vector.shape_cast %and3A_677 : vector<16xi32> to vector<16x1xi32>
    %gather3A_707 = vector.shape_cast %reshape3A_706 : vector<16x1xi32> to vector<16xi32>
    %gather3A_708 = tpu.dynamic_gather %get3A_10[%gather3A_707] in [0] : vector<16xf32>, vector<16xi32> -> vector<16xf32>
    %swap3A_709 = arith.constant 29 : i32
    %swap3A_710 = arith.index_cast %swap3A_709 : i32 to index
    %swap3A_711 = arith.constant 0 : index
    %swap3A_712 = tpu.vector_load %arg17[%swap3A_710, %swap3A_711] {strides = array<i32>} : memref<128x16xf32, #tpu.memory_space<vmem>>, vector<16xf32>,
    tpu.vector_store %arg17[%swap3A_710, %swap3A_711], %gather3A_708 {strides = array<i32>} : memref<128x16xf32, #tpu.memory_space<vmem>>, vector<16xf32>,
    %reshape3A_713 = vector.shape_cast %and3A_677 : vector<16xi32> to vector<16x1xi32>
    %gather3A_714 = vector.shape_cast %reshape3A_713 : vector<16x1xi32> to vector<16xi32>
    %gather3A_715 = tpu.dynamic_gather %get3A_26[%gather3A_714] in [0] : vector<16xf32>, vector<16xi32> -> vector<16xf32>
    %swap3A_716 = arith.constant 93 : i32
    %swap3A_717 = arith.index_cast %swap3A_716 : i32 to index
    %swap3A_718 = arith.constant 0 : index
    %swap3A_719 = tpu.vector_load %arg17[%swap3A_717, %swap3A_718] {strides = array<i32>} : memref<128x16xf32, #tpu.memory_space<vmem>>, vector<16xf32>,
    tpu.vector_store %arg17[%swap3A_717, %swap3A_718], %gather3A_715 {strides = array<i32>} : memref<128x16xf32, #tpu.memory_space<vmem>>, vector<16xf32>,
    %add3A_720 = arith.constant 32 : i32
    %add3A_721 = vector.broadcast %add3A_720 : i32 to vector<16xi32>
    %add3A_722 = arith.addi %and3A_677, %add3A_721 : vector<16xi32>
    %swap3A_723 = arith.constant 30 : i32
    %swap3A_724 = arith.index_cast %swap3A_723 : i32 to index
    %swap3A_725 = arith.constant 0 : index
    %swap3A_726 = tpu.vector_load %arg16[%swap3A_724, %swap3A_725] {strides = array<i32>} : memref<64x16xi32, #tpu.memory_space<vmem>>, vector<16xi32>,
    tpu.vector_store %arg16[%swap3A_724, %swap3A_725], %add3A_722 {strides = array<i32>} : memref<64x16xi32, #tpu.memory_space<vmem>>, vector<16xi32>,
    %reshape3A_727 = vector.shape_cast %and3A_677 : vector<16xi32> to vector<16x1xi32>
    %gather3A_728 = vector.shape_cast %reshape3A_727 : vector<16x1xi32> to vector<16xi32>
    %gather3A_729 = tpu.dynamic_gather %get3A_14[%gather3A_728] in [0] : vector<16xf32>, vector<16xi32> -> vector<16xf32>
    %swap3A_730 = arith.constant 30 : i32
    %swap3A_731 = arith.index_cast %swap3A_730 : i32 to index
    %swap3A_732 = arith.constant 0 : index
    %swap3A_733 = tpu.vector_load %arg17[%swap3A_731, %swap3A_732] {strides = array<i32>} : memref<128x16xf32, #tpu.memory_space<vmem>>, vector<16xf32>,
    tpu.vector_store %arg17[%swap3A_731, %swap3A_732], %gather3A_729 {strides = array<i32>} : memref<128x16xf32, #tpu.memory_space<vmem>>, vector<16xf32>,
    %reshape3A_734 = vector.shape_cast %and3A_677 : vector<16xi32> to vector<16x1xi32>
    %gather3A_735 = vector.shape_cast %reshape3A_734 : vector<16x1xi32> to vector<16xi32>
    %gather3A_736 = tpu.dynamic_gather %get3A_30[%gather3A_735] in [0] : vector<16xf32>, vector<16xi32> -> vector<16xf32>
    %swap3A_737 = arith.constant 94 : i32
    %swap3A_738 = arith.index_cast %swap3A_737 : i32 to index
    %swap3A_739 = arith.constant 0 : index
    %swap3A_740 = tpu.vector_load %arg17[%swap3A_738, %swap3A_739] {strides = array<i32>} : memref<128x16xf32, #tpu.memory_space<vmem>>, vector<16xf32>,
    tpu.vector_store %arg17[%swap3A_738, %swap3A_739], %gather3A_736 {strides = array<i32>} : memref<128x16xf32, #tpu.memory_space<vmem>>, vector<16xf32>,
    %add3A_741 = arith.constant 48 : i32
    %add3A_742 = vector.broadcast %add3A_741 : i32 to vector<16xi32>
    %add3A_743 = arith.addi %and3A_677, %add3A_742 : vector<16xi32>
    %swap3A_744 = arith.constant 31 : i32
    %swap3A_745 = arith.index_cast %swap3A_744 : i32 to index
    %swap3A_746 = arith.constant 0 : index
    %swap3A_747 = tpu.vector_load %arg16[%swap3A_745, %swap3A_746] {strides = array<i32>} : memref<64x16xi32, #tpu.memory_space<vmem>>, vector<16xi32>,
    tpu.vector_store %arg16[%swap3A_745, %swap3A_746], %add3A_743 {strides = array<i32>} : memref<64x16xi32, #tpu.memory_space<vmem>>, vector<16xi32>,
    %reshape3A_748 = vector.shape_cast %and3A_677 : vector<16xi32> to vector<16x1xi32>
    %gather3A_749 = vector.shape_cast %reshape3A_748 : vector<16x1xi32> to vector<16xi32>
    %gather3A_750 = tpu.dynamic_gather %get3A_18[%gather3A_749] in [0] : vector<16xf32>, vector<16xi32> -> vector<16xf32>
    %swap3A_751 = arith.constant 31 : i32
    %swap3A_752 = arith.index_cast %swap3A_751 : i32 to index
    %swap3A_753 = arith.constant 0 : index
    %swap3A_754 = tpu.vector_load %arg17[%swap3A_752, %swap3A_753] {strides = array<i32>} : memref<128x16xf32, #tpu.memory_space<vmem>>, vector<16xf32>,
    tpu.vector_store %arg17[%swap3A_752, %swap3A_753], %gather3A_750 {strides = array<i32>} : memref<128x16xf32, #tpu.memory_space<vmem>>, vector<16xf32>,
    %reshape3A_755 = vector.shape_cast %and3A_677 : vector<16xi32> to vector<16x1xi32>
    %gather3A_756 = vector.shape_cast %reshape3A_755 : vector<16x1xi32> to vector<16xi32>
    %gather3A_757 = tpu.dynamic_gather %get3A_34[%gather3A_756] in [0] : vector<16xf32>, vector<16xi32> -> vector<16xf32>
    %swap3A_758 = arith.constant 95 : i32
    %swap3A_759 = arith.index_cast %swap3A_758 : i32 to index
    %swap3A_760 = arith.constant 0 : index
    %swap3A_761 = tpu.vector_load %arg17[%swap3A_759, %swap3A_760] {strides = array<i32>} : memref<128x16xf32, #tpu.memory_space<vmem>>, vector<16xf32>,
    tpu.vector_store %arg17[%swap3A_759, %swap3A_760], %gather3A_757 {strides = array<i32>} : memref<128x16xf32, #tpu.memory_space<vmem>>, vector<16xf32>,
    %add3A_762 = arith.constant 8 : i32
    %add3A_763 = vector.broadcast %add3A_762 : i32 to vector<16xi32>
    %add3A_764 = arith.addi %iota3A, %add3A_763 : vector<16xi32>
    %and3A_765 = arith.constant 15 : i32
    %and3A_766 = vector.broadcast %and3A_765 : i32 to vector<16xi32>
    %and3A_767 = arith.andi %add3A_764, %and3A_766 : vector<16xi32>
    %add3A_768 = arith.constant 0 : i32
    %add3A_769 = vector.broadcast %add3A_768 : i32 to vector<16xi32>
    %add3A_770 = arith.addi %and3A_767, %add3A_769 : vector<16xi32>
    %swap3A_771 = arith.constant 32 : i32
    %swap3A_772 = arith.index_cast %swap3A_771 : i32 to index
    %swap3A_773 = arith.constant 0 : index
    %swap3A_774 = tpu.vector_load %arg16[%swap3A_772, %swap3A_773] {strides = array<i32>} : memref<64x16xi32, #tpu.memory_space<vmem>>, vector<16xi32>,
    tpu.vector_store %arg16[%swap3A_772, %swap3A_773], %add3A_770 {strides = array<i32>} : memref<64x16xi32, #tpu.memory_space<vmem>>, vector<16xi32>,
    %reshape3A_775 = vector.shape_cast %and3A_767 : vector<16xi32> to vector<16x1xi32>
    %gather3A_776 = vector.shape_cast %reshape3A_775 : vector<16x1xi32> to vector<16xi32>
    %gather3A_777 = tpu.dynamic_gather %get3A_6[%gather3A_776] in [0] : vector<16xf32>, vector<16xi32> -> vector<16xf32>
    %swap3A_778 = arith.constant 32 : i32
    %swap3A_779 = arith.index_cast %swap3A_778 : i32 to index
    %swap3A_780 = arith.constant 0 : index
    %swap3A_781 = tpu.vector_load %arg17[%swap3A_779, %swap3A_780] {strides = array<i32>} : memref<128x16xf32, #tpu.memory_space<vmem>>, vector<16xf32>,
    tpu.vector_store %arg17[%swap3A_779, %swap3A_780], %gather3A_777 {strides = array<i32>} : memref<128x16xf32, #tpu.memory_space<vmem>>, vector<16xf32>,
    %reshape3A_782 = vector.shape_cast %and3A_767 : vector<16xi32> to vector<16x1xi32>
    %gather3A_783 = vector.shape_cast %reshape3A_782 : vector<16x1xi32> to vector<16xi32>
    %gather3A_784 = tpu.dynamic_gather %get3A_22[%gather3A_783] in [0] : vector<16xf32>, vector<16xi32> -> vector<16xf32>
    %swap3A_785 = arith.constant 96 : i32
    %swap3A_786 = arith.index_cast %swap3A_785 : i32 to index
    %swap3A_787 = arith.constant 0 : index
    %swap3A_788 = tpu.vector_load %arg17[%swap3A_786, %swap3A_787] {strides = array<i32>} : memref<128x16xf32, #tpu.memory_space<vmem>>, vector<16xf32>,
    tpu.vector_store %arg17[%swap3A_786, %swap3A_787], %gather3A_784 {strides = array<i32>} : memref<128x16xf32, #tpu.memory_space<vmem>>, vector<16xf32>,
    %add3A_789 = arith.constant 16 : i32
    %add3A_790 = vector.broadcast %add3A_789 : i32 to vector<16xi32>
    %add3A_791 = arith.addi %and3A_767, %add3A_790 : vector<16xi32>
    %swap3A_792 = arith.constant 33 : i32
    %swap3A_793 = arith.index_cast %swap3A_792 : i32 to index
    %swap3A_794 = arith.constant 0 : index
    %swap3A_795 = tpu.vector_load %arg16[%swap3A_793, %swap3A_794] {strides = array<i32>} : memref<64x16xi32, #tpu.memory_space<vmem>>, vector<16xi32>,
    tpu.vector_store %arg16[%swap3A_793, %swap3A_794], %add3A_791 {strides = array<i32>} : memref<64x16xi32, #tpu.memory_space<vmem>>, vector<16xi32>,
    %reshape3A_796 = vector.shape_cast %and3A_767 : vector<16xi32> to vector<16x1xi32>
    %gather3A_797 = vector.shape_cast %reshape3A_796 : vector<16x1xi32> to vector<16xi32>
    %gather3A_798 = tpu.dynamic_gather %get3A_10[%gather3A_797] in [0] : vector<16xf32>, vector<16xi32> -> vector<16xf32>
    %swap3A_799 = arith.constant 33 : i32
    %swap3A_800 = arith.index_cast %swap3A_799 : i32 to index
    %swap3A_801 = arith.constant 0 : index
    %swap3A_802 = tpu.vector_load %arg17[%swap3A_800, %swap3A_801] {strides = array<i32>} : memref<128x16xf32, #tpu.memory_space<vmem>>, vector<16xf32>,
    tpu.vector_store %arg17[%swap3A_800, %swap3A_801], %gather3A_798 {strides = array<i32>} : memref<128x16xf32, #tpu.memory_space<vmem>>, vector<16xf32>,
    %reshape3A_803 = vector.shape_cast %and3A_767 : vector<16xi32> to vector<16x1xi32>
    %gather3A_804 = vector.shape_cast %reshape3A_803 : vector<16x1xi32> to vector<16xi32>
    %gather3A_805 = tpu.dynamic_gather %get3A_26[%gather3A_804] in [0] : vector<16xf32>, vector<16xi32> -> vector<16xf32>
    %swap3A_806 = arith.constant 97 : i32
    %swap3A_807 = arith.index_cast %swap3A_806 : i32 to index
    %swap3A_808 = arith.constant 0 : index
    %swap3A_809 = tpu.vector_load %arg17[%swap3A_807, %swap3A_808] {strides = array<i32>} : memref<128x16xf32, #tpu.memory_space<vmem>>, vector<16xf32>,
    tpu.vector_store %arg17[%swap3A_807, %swap3A_808], %gather3A_805 {strides = array<i32>} : memref<128x16xf32, #tpu.memory_space<vmem>>, vector<16xf32>,
    %add3A_810 = arith.constant 32 : i32
    %add3A_811 = vector.broadcast %add3A_810 : i32 to vector<16xi32>
    %add3A_812 = arith.addi %and3A_767, %add3A_811 : vector<16xi32>
    %swap3A_813 = arith.constant 34 : i32
    %swap3A_814 = arith.index_cast %swap3A_813 : i32 to index
    %swap3A_815 = arith.constant 0 : index
    %swap3A_816 = tpu.vector_load %arg16[%swap3A_814, %swap3A_815] {strides = array<i32>} : memref<64x16xi32, #tpu.memory_space<vmem>>, vector<16xi32>,
    tpu.vector_store %arg16[%swap3A_814, %swap3A_815], %add3A_812 {strides = array<i32>} : memref<64x16xi32, #tpu.memory_space<vmem>>, vector<16xi32>,
    %reshape3A_817 = vector.shape_cast %and3A_767 : vector<16xi32> to vector<16x1xi32>
    %gather3A_818 = vector.shape_cast %reshape3A_817 : vector<16x1xi32> to vector<16xi32>
    %gather3A_819 = tpu.dynamic_gather %get3A_14[%gather3A_818] in [0] : vector<16xf32>, vector<16xi32> -> vector<16xf32>
    %swap3A_820 = arith.constant 34 : i32
    %swap3A_821 = arith.index_cast %swap3A_820 : i32 to index
    %swap3A_822 = arith.constant 0 : index
    %swap3A_823 = tpu.vector_load %arg17[%swap3A_821, %swap3A_822] {strides = array<i32>} : memref<128x16xf32, #tpu.memory_space<vmem>>, vector<16xf32>,
    tpu.vector_store %arg17[%swap3A_821, %swap3A_822], %gather3A_819 {strides = array<i32>} : memref<128x16xf32, #tpu.memory_space<vmem>>, vector<16xf32>,
    %reshape3A_824 = vector.shape_cast %and3A_767 : vector<16xi32> to vector<16x1xi32>
    %gather3A_825 = vector.shape_cast %reshape3A_824 : vector<16x1xi32> to vector<16xi32>
    %gather3A_826 = tpu.dynamic_gather %get3A_30[%gather3A_825] in [0] : vector<16xf32>, vector<16xi32> -> vector<16xf32>
    %swap3A_827 = arith.constant 98 : i32
    %swap3A_828 = arith.index_cast %swap3A_827 : i32 to index
    %swap3A_829 = arith.constant 0 : index
    %swap3A_830 = tpu.vector_load %arg17[%swap3A_828, %swap3A_829] {strides = array<i32>} : memref<128x16xf32, #tpu.memory_space<vmem>>, vector<16xf32>,
    tpu.vector_store %arg17[%swap3A_828, %swap3A_829], %gather3A_826 {strides = array<i32>} : memref<128x16xf32, #tpu.memory_space<vmem>>, vector<16xf32>,
    %add3A_831 = arith.constant 48 : i32
    %add3A_832 = vector.broadcast %add3A_831 : i32 to vector<16xi32>
    %add3A_833 = arith.addi %and3A_767, %add3A_832 : vector<16xi32>
    %swap3A_834 = arith.constant 35 : i32
    %swap3A_835 = arith.index_cast %swap3A_834 : i32 to index
    %swap3A_836 = arith.constant 0 : index
    %swap3A_837 = tpu.vector_load %arg16[%swap3A_835, %swap3A_836] {strides = array<i32>} : memref<64x16xi32, #tpu.memory_space<vmem>>, vector<16xi32>,
    tpu.vector_store %arg16[%swap3A_835, %swap3A_836], %add3A_833 {strides = array<i32>} : memref<64x16xi32, #tpu.memory_space<vmem>>, vector<16xi32>,
    %reshape3A_838 = vector.shape_cast %and3A_767 : vector<16xi32> to vector<16x1xi32>
    %gather3A_839 = vector.shape_cast %reshape3A_838 : vector<16x1xi32> to vector<16xi32>
    %gather3A_840 = tpu.dynamic_gather %get3A_18[%gather3A_839] in [0] : vector<16xf32>, vector<16xi32> -> vector<16xf32>
    %swap3A_841 = arith.constant 35 : i32
    %swap3A_842 = arith.index_cast %swap3A_841 : i32 to index
    %swap3A_843 = arith.constant 0 : index
    %swap3A_844 = tpu.vector_load %arg17[%swap3A_842, %swap3A_843] {strides = array<i32>} : memref<128x16xf32, #tpu.memory_space<vmem>>, vector<16xf32>,
    tpu.vector_store %arg17[%swap3A_842, %swap3A_843], %gather3A_840 {strides = array<i32>} : memref<128x16xf32, #tpu.memory_space<vmem>>, vector<16xf32>,
    %reshape3A_845 = vector.shape_cast %and3A_767 : vector<16xi32> to vector<16x1xi32>
    %gather3A_846 = vector.shape_cast %reshape3A_845 : vector<16x1xi32> to vector<16xi32>
    %gather3A_847 = tpu.dynamic_gather %get3A_34[%gather3A_846] in [0] : vector<16xf32>, vector<16xi32> -> vector<16xf32>
    %swap3A_848 = arith.constant 99 : i32
    %swap3A_849 = arith.index_cast %swap3A_848 : i32 to index
    %swap3A_850 = arith.constant 0 : index
    %swap3A_851 = tpu.vector_load %arg17[%swap3A_849, %swap3A_850] {strides = array<i32>} : memref<128x16xf32, #tpu.memory_space<vmem>>, vector<16xf32>,
    tpu.vector_store %arg17[%swap3A_849, %swap3A_850], %gather3A_847 {strides = array<i32>} : memref<128x16xf32, #tpu.memory_space<vmem>>, vector<16xf32>,
    %add3A_852 = arith.constant 9 : i32
    %add3A_853 = vector.broadcast %add3A_852 : i32 to vector<16xi32>
    %add3A_854 = arith.addi %iota3A, %add3A_853 : vector<16xi32>
    %and3A_855 = arith.constant 15 : i32
    %and3A_856 = vector.broadcast %and3A_855 : i32 to vector<16xi32>
    %and3A_857 = arith.andi %add3A_854, %and3A_856 : vector<16xi32>
    %add3A_858 = arith.constant 0 : i32
    %add3A_859 = vector.broadcast %add3A_858 : i32 to vector<16xi32>
    %add3A_860 = arith.addi %and3A_857, %add3A_859 : vector<16xi32>
    %swap3A_861 = arith.constant 36 : i32
    %swap3A_862 = arith.index_cast %swap3A_861 : i32 to index
    %swap3A_863 = arith.constant 0 : index
    %swap3A_864 = tpu.vector_load %arg16[%swap3A_862, %swap3A_863] {strides = array<i32>} : memref<64x16xi32, #tpu.memory_space<vmem>>, vector<16xi32>,
    tpu.vector_store %arg16[%swap3A_862, %swap3A_863], %add3A_860 {strides = array<i32>} : memref<64x16xi32, #tpu.memory_space<vmem>>, vector<16xi32>,
    %reshape3A_865 = vector.shape_cast %and3A_857 : vector<16xi32> to vector<16x1xi32>
    %gather3A_866 = vector.shape_cast %reshape3A_865 : vector<16x1xi32> to vector<16xi32>
    %gather3A_867 = tpu.dynamic_gather %get3A_6[%gather3A_866] in [0] : vector<16xf32>, vector<16xi32> -> vector<16xf32>
    %swap3A_868 = arith.constant 36 : i32
    %swap3A_869 = arith.index_cast %swap3A_868 : i32 to index
    %swap3A_870 = arith.constant 0 : index
    %swap3A_871 = tpu.vector_load %arg17[%swap3A_869, %swap3A_870] {strides = array<i32>} : memref<128x16xf32, #tpu.memory_space<vmem>>, vector<16xf32>,
    tpu.vector_store %arg17[%swap3A_869, %swap3A_870], %gather3A_867 {strides = array<i32>} : memref<128x16xf32, #tpu.memory_space<vmem>>, vector<16xf32>,
    %reshape3A_872 = vector.shape_cast %and3A_857 : vector<16xi32> to vector<16x1xi32>
    %gather3A_873 = vector.shape_cast %reshape3A_872 : vector<16x1xi32> to vector<16xi32>
    %gather3A_874 = tpu.dynamic_gather %get3A_22[%gather3A_873] in [0] : vector<16xf32>, vector<16xi32> -> vector<16xf32>
    %swap3A_875 = arith.constant 100 : i32
    %swap3A_876 = arith.index_cast %swap3A_875 : i32 to index
    %swap3A_877 = arith.constant 0 : index
    %swap3A_878 = tpu.vector_load %arg17[%swap3A_876, %swap3A_877] {strides = array<i32>} : memref<128x16xf32, #tpu.memory_space<vmem>>, vector<16xf32>,
    tpu.vector_store %arg17[%swap3A_876, %swap3A_877], %gather3A_874 {strides = array<i32>} : memref<128x16xf32, #tpu.memory_space<vmem>>, vector<16xf32>,
    %add3A_879 = arith.constant 16 : i32
    %add3A_880 = vector.broadcast %add3A_879 : i32 to vector<16xi32>
    %add3A_881 = arith.addi %and3A_857, %add3A_880 : vector<16xi32>
    %swap3A_882 = arith.constant 37 : i32
    %swap3A_883 = arith.index_cast %swap3A_882 : i32 to index
    %swap3A_884 = arith.constant 0 : index
    %swap3A_885 = tpu.vector_load %arg16[%swap3A_883, %swap3A_884] {strides = array<i32>} : memref<64x16xi32, #tpu.memory_space<vmem>>, vector<16xi32>,
    tpu.vector_store %arg16[%swap3A_883, %swap3A_884], %add3A_881 {strides = array<i32>} : memref<64x16xi32, #tpu.memory_space<vmem>>, vector<16xi32>,
    %reshape3A_886 = vector.shape_cast %and3A_857 : vector<16xi32> to vector<16x1xi32>
    %gather3A_887 = vector.shape_cast %reshape3A_886 : vector<16x1xi32> to vector<16xi32>
    %gather3A_888 = tpu.dynamic_gather %get3A_10[%gather3A_887] in [0] : vector<16xf32>, vector<16xi32> -> vector<16xf32>
    %swap3A_889 = arith.constant 37 : i32
    %swap3A_890 = arith.index_cast %swap3A_889 : i32 to index
    %swap3A_891 = arith.constant 0 : index
    %swap3A_892 = tpu.vector_load %arg17[%swap3A_890, %swap3A_891] {strides = array<i32>} : memref<128x16xf32, #tpu.memory_space<vmem>>, vector<16xf32>,
    tpu.vector_store %arg17[%swap3A_890, %swap3A_891], %gather3A_888 {strides = array<i32>} : memref<128x16xf32, #tpu.memory_space<vmem>>, vector<16xf32>,
    %reshape3A_893 = vector.shape_cast %and3A_857 : vector<16xi32> to vector<16x1xi32>
    %gather3A_894 = vector.shape_cast %reshape3A_893 : vector<16x1xi32> to vector<16xi32>
    %gather3A_895 = tpu.dynamic_gather %get3A_26[%gather3A_894] in [0] : vector<16xf32>, vector<16xi32> -> vector<16xf32>
    %swap3A_896 = arith.constant 101 : i32
    %swap3A_897 = arith.index_cast %swap3A_896 : i32 to index
    %swap3A_898 = arith.constant 0 : index
    %swap3A_899 = tpu.vector_load %arg17[%swap3A_897, %swap3A_898] {strides = array<i32>} : memref<128x16xf32, #tpu.memory_space<vmem>>, vector<16xf32>,
    tpu.vector_store %arg17[%swap3A_897, %swap3A_898], %gather3A_895 {strides = array<i32>} : memref<128x16xf32, #tpu.memory_space<vmem>>, vector<16xf32>,
    %add3A_900 = arith.constant 32 : i32
    %add3A_901 = vector.broadcast %add3A_900 : i32 to vector<16xi32>
    %add3A_902 = arith.addi %and3A_857, %add3A_901 : vector<16xi32>
    %swap3A_903 = arith.constant 38 : i32
    %swap3A_904 = arith.index_cast %swap3A_903 : i32 to index
    %swap3A_905 = arith.constant 0 : index
    %swap3A_906 = tpu.vector_load %arg16[%swap3A_904, %swap3A_905] {strides = array<i32>} : memref<64x16xi32, #tpu.memory_space<vmem>>, vector<16xi32>,
    tpu.vector_store %arg16[%swap3A_904, %swap3A_905], %add3A_902 {strides = array<i32>} : memref<64x16xi32, #tpu.memory_space<vmem>>, vector<16xi32>,
    %reshape3A_907 = vector.shape_cast %and3A_857 : vector<16xi32> to vector<16x1xi32>
    %gather3A_908 = vector.shape_cast %reshape3A_907 : vector<16x1xi32> to vector<16xi32>
    %gather3A_909 = tpu.dynamic_gather %get3A_14[%gather3A_908] in [0] : vector<16xf32>, vector<16xi32> -> vector<16xf32>
    %swap3A_910 = arith.constant 38 : i32
    %swap3A_911 = arith.index_cast %swap3A_910 : i32 to index
    %swap3A_912 = arith.constant 0 : index
    %swap3A_913 = tpu.vector_load %arg17[%swap3A_911, %swap3A_912] {strides = array<i32>} : memref<128x16xf32, #tpu.memory_space<vmem>>, vector<16xf32>,
    tpu.vector_store %arg17[%swap3A_911, %swap3A_912], %gather3A_909 {strides = array<i32>} : memref<128x16xf32, #tpu.memory_space<vmem>>, vector<16xf32>,
    %reshape3A_914 = vector.shape_cast %and3A_857 : vector<16xi32> to vector<16x1xi32>
    %gather3A_915 = vector.shape_cast %reshape3A_914 : vector<16x1xi32> to vector<16xi32>
    %gather3A_916 = tpu.dynamic_gather %get3A_30[%gather3A_915] in [0] : vector<16xf32>, vector<16xi32> -> vector<16xf32>
    %swap3A_917 = arith.constant 102 : i32
    %swap3A_918 = arith.index_cast %swap3A_917 : i32 to index
    %swap3A_919 = arith.constant 0 : index
    %swap3A_920 = tpu.vector_load %arg17[%swap3A_918, %swap3A_919] {strides = array<i32>} : memref<128x16xf32, #tpu.memory_space<vmem>>, vector<16xf32>,
    tpu.vector_store %arg17[%swap3A_918, %swap3A_919], %gather3A_916 {strides = array<i32>} : memref<128x16xf32, #tpu.memory_space<vmem>>, vector<16xf32>,
    %add3A_921 = arith.constant 48 : i32
    %add3A_922 = vector.broadcast %add3A_921 : i32 to vector<16xi32>
    %add3A_923 = arith.addi %and3A_857, %add3A_922 : vector<16xi32>
    %swap3A_924 = arith.constant 39 : i32
    %swap3A_925 = arith.index_cast %swap3A_924 : i32 to index
    %swap3A_926 = arith.constant 0 : index
    %swap3A_927 = tpu.vector_load %arg16[%swap3A_925, %swap3A_926] {strides = array<i32>} : memref<64x16xi32, #tpu.memory_space<vmem>>, vector<16xi32>,
    tpu.vector_store %arg16[%swap3A_925, %swap3A_926], %add3A_923 {strides = array<i32>} : memref<64x16xi32, #tpu.memory_space<vmem>>, vector<16xi32>,
    %reshape3A_928 = vector.shape_cast %and3A_857 : vector<16xi32> to vector<16x1xi32>
    %gather3A_929 = vector.shape_cast %reshape3A_928 : vector<16x1xi32> to vector<16xi32>
    %gather3A_930 = tpu.dynamic_gather %get3A_18[%gather3A_929] in [0] : vector<16xf32>, vector<16xi32> -> vector<16xf32>
    %swap3A_931 = arith.constant 39 : i32
    %swap3A_932 = arith.index_cast %swap3A_931 : i32 to index
    %swap3A_933 = arith.constant 0 : index
    %swap3A_934 = tpu.vector_load %arg17[%swap3A_932, %swap3A_933] {strides = array<i32>} : memref<128x16xf32, #tpu.memory_space<vmem>>, vector<16xf32>,
    tpu.vector_store %arg17[%swap3A_932, %swap3A_933], %gather3A_930 {strides = array<i32>} : memref<128x16xf32, #tpu.memory_space<vmem>>, vector<16xf32>,
    %reshape3A_935 = vector.shape_cast %and3A_857 : vector<16xi32> to vector<16x1xi32>
    %gather3A_936 = vector.shape_cast %reshape3A_935 : vector<16x1xi32> to vector<16xi32>
    %gather3A_937 = tpu.dynamic_gather %get3A_34[%gather3A_936] in [0] : vector<16xf32>, vector<16xi32> -> vector<16xf32>
    %swap3A_938 = arith.constant 103 : i32
    %swap3A_939 = arith.index_cast %swap3A_938 : i32 to index
    %swap3A_940 = arith.constant 0 : index
    %swap3A_941 = tpu.vector_load %arg17[%swap3A_939, %swap3A_940] {strides = array<i32>} : memref<128x16xf32, #tpu.memory_space<vmem>>, vector<16xf32>,
    tpu.vector_store %arg17[%swap3A_939, %swap3A_940], %gather3A_937 {strides = array<i32>} : memref<128x16xf32, #tpu.memory_space<vmem>>, vector<16xf32>,
    %add3A_942 = arith.constant 10 : i32
    %add3A_943 = vector.broadcast %add3A_942 : i32 to vector<16xi32>
    %add3A_944 = arith.addi %iota3A, %add3A_943 : vector<16xi32>
    %and3A_945 = arith.constant 15 : i32
    %and3A_946 = vector.broadcast %and3A_945 : i32 to vector<16xi32>
    %and3A_947 = arith.andi %add3A_944, %and3A_946 : vector<16xi32>
    %add3A_948 = arith.constant 0 : i32
    %add3A_949 = vector.broadcast %add3A_948 : i32 to vector<16xi32>
    %add3A_950 = arith.addi %and3A_947, %add3A_949 : vector<16xi32>
    %swap3A_951 = arith.constant 40 : i32
    %swap3A_952 = arith.index_cast %swap3A_951 : i32 to index
    %swap3A_953 = arith.constant 0 : index
    %swap3A_954 = tpu.vector_load %arg16[%swap3A_952, %swap3A_953] {strides = array<i32>} : memref<64x16xi32, #tpu.memory_space<vmem>>, vector<16xi32>,
    tpu.vector_store %arg16[%swap3A_952, %swap3A_953], %add3A_950 {strides = array<i32>} : memref<64x16xi32, #tpu.memory_space<vmem>>, vector<16xi32>,
    %reshape3A_955 = vector.shape_cast %and3A_947 : vector<16xi32> to vector<16x1xi32>
    %gather3A_956 = vector.shape_cast %reshape3A_955 : vector<16x1xi32> to vector<16xi32>
    %gather3A_957 = tpu.dynamic_gather %get3A_6[%gather3A_956] in [0] : vector<16xf32>, vector<16xi32> -> vector<16xf32>
    %swap3A_958 = arith.constant 40 : i32
    %swap3A_959 = arith.index_cast %swap3A_958 : i32 to index
    %swap3A_960 = arith.constant 0 : index
    %swap3A_961 = tpu.vector_load %arg17[%swap3A_959, %swap3A_960] {strides = array<i32>} : memref<128x16xf32, #tpu.memory_space<vmem>>, vector<16xf32>,
    tpu.vector_store %arg17[%swap3A_959, %swap3A_960], %gather3A_957 {strides = array<i32>} : memref<128x16xf32, #tpu.memory_space<vmem>>, vector<16xf32>,
    %reshape3A_962 = vector.shape_cast %and3A_947 : vector<16xi32> to vector<16x1xi32>
    %gather3A_963 = vector.shape_cast %reshape3A_962 : vector<16x1xi32> to vector<16xi32>
    %gather3A_964 = tpu.dynamic_gather %get3A_22[%gather3A_963] in [0] : vector<16xf32>, vector<16xi32> -> vector<16xf32>
    %swap3A_965 = arith.constant 104 : i32
    %swap3A_966 = arith.index_cast %swap3A_965 : i32 to index
    %swap3A_967 = arith.constant 0 : index
    %swap3A_968 = tpu.vector_load %arg17[%swap3A_966, %swap3A_967] {strides = array<i32>} : memref<128x16xf32, #tpu.memory_space<vmem>>, vector<16xf32>,
    tpu.vector_store %arg17[%swap3A_966, %swap3A_967], %gather3A_964 {strides = array<i32>} : memref<128x16xf32, #tpu.memory_space<vmem>>, vector<16xf32>,
    %add3A_969 = arith.constant 16 : i32
    %add3A_970 = vector.broadcast %add3A_969 : i32 to vector<16xi32>
    %add3A_971 = arith.addi %and3A_947, %add3A_970 : vector<16xi32>
    %swap3A_972 = arith.constant 41 : i32
    %swap3A_973 = arith.index_cast %swap3A_972 : i32 to index
    %swap3A_974 = arith.constant 0 : index
    %swap3A_975 = tpu.vector_load %arg16[%swap3A_973, %swap3A_974] {strides = array<i32>} : memref<64x16xi32, #tpu.memory_space<vmem>>, vector<16xi32>,
    tpu.vector_store %arg16[%swap3A_973, %swap3A_974], %add3A_971 {strides = array<i32>} : memref<64x16xi32, #tpu.memory_space<vmem>>, vector<16xi32>,
    %reshape3A_976 = vector.shape_cast %and3A_947 : vector<16xi32> to vector<16x1xi32>
    %gather3A_977 = vector.shape_cast %reshape3A_976 : vector<16x1xi32> to vector<16xi32>
    %gather3A_978 = tpu.dynamic_gather %get3A_10[%gather3A_977] in [0] : vector<16xf32>, vector<16xi32> -> vector<16xf32>
    %swap3A_979 = arith.constant 41 : i32
    %swap3A_980 = arith.index_cast %swap3A_979 : i32 to index
    %swap3A_981 = arith.constant 0 : index
    %swap3A_982 = tpu.vector_load %arg17[%swap3A_980, %swap3A_981] {strides = array<i32>} : memref<128x16xf32, #tpu.memory_space<vmem>>, vector<16xf32>,
    tpu.vector_store %arg17[%swap3A_980, %swap3A_981], %gather3A_978 {strides = array<i32>} : memref<128x16xf32, #tpu.memory_space<vmem>>, vector<16xf32>,
    %reshape3A_983 = vector.shape_cast %and3A_947 : vector<16xi32> to vector<16x1xi32>
    %gather3A_984 = vector.shape_cast %reshape3A_983 : vector<16x1xi32> to vector<16xi32>
    %gather3A_985 = tpu.dynamic_gather %get3A_26[%gather3A_984] in [0] : vector<16xf32>, vector<16xi32> -> vector<16xf32>
    %swap3A_986 = arith.constant 105 : i32
    %swap3A_987 = arith.index_cast %swap3A_986 : i32 to index
    %swap3A_988 = arith.constant 0 : index
    %swap3A_989 = tpu.vector_load %arg17[%swap3A_987, %swap3A_988] {strides = array<i32>} : memref<128x16xf32, #tpu.memory_space<vmem>>, vector<16xf32>,
    tpu.vector_store %arg17[%swap3A_987, %swap3A_988], %gather3A_985 {strides = array<i32>} : memref<128x16xf32, #tpu.memory_space<vmem>>, vector<16xf32>,
    %add3A_990 = arith.constant 32 : i32
    %add3A_991 = vector.broadcast %add3A_990 : i32 to vector<16xi32>
    %add3A_992 = arith.addi %and3A_947, %add3A_991 : vector<16xi32>
    %swap3A_993 = arith.constant 42 : i32
    %swap3A_994 = arith.index_cast %swap3A_993 : i32 to index
    %swap3A_995 = arith.constant 0 : index
    %swap3A_996 = tpu.vector_load %arg16[%swap3A_994, %swap3A_995] {strides = array<i32>} : memref<64x16xi32, #tpu.memory_space<vmem>>, vector<16xi32>,
    tpu.vector_store %arg16[%swap3A_994, %swap3A_995], %add3A_992 {strides = array<i32>} : memref<64x16xi32, #tpu.memory_space<vmem>>, vector<16xi32>,
    %reshape3A_997 = vector.shape_cast %and3A_947 : vector<16xi32> to vector<16x1xi32>
    %gather3A_998 = vector.shape_cast %reshape3A_997 : vector<16x1xi32> to vector<16xi32>
    %gather3A_999 = tpu.dynamic_gather %get3A_14[%gather3A_998] in [0] : vector<16xf32>, vector<16xi32> -> vector<16xf32>
    %swap3A_1000 = arith.constant 42 : i32
    %swap3A_1001 = arith.index_cast %swap3A_1000 : i32 to index
    %swap3A_1002 = arith.constant 0 : index
    %swap3A_1003 = tpu.vector_load %arg17[%swap3A_1001, %swap3A_1002] {strides = array<i32>} : memref<128x16xf32, #tpu.memory_space<vmem>>, vector<16xf32>,
    tpu.vector_store %arg17[%swap3A_1001, %swap3A_1002], %gather3A_999 {strides = array<i32>} : memref<128x16xf32, #tpu.memory_space<vmem>>, vector<16xf32>,
    %reshape3A_1004 = vector.shape_cast %and3A_947 : vector<16xi32> to vector<16x1xi32>
    %gather3A_1005 = vector.shape_cast %reshape3A_1004 : vector<16x1xi32> to vector<16xi32>
    %gather3A_1006 = tpu.dynamic_gather %get3A_30[%gather3A_1005] in [0] : vector<16xf32>, vector<16xi32> -> vector<16xf32>
    %swap3A_1007 = arith.constant 106 : i32
    %swap3A_1008 = arith.index_cast %swap3A_1007 : i32 to index
    %swap3A_1009 = arith.constant 0 : index
    %swap3A_1010 = tpu.vector_load %arg17[%swap3A_1008, %swap3A_1009] {strides = array<i32>} : memref<128x16xf32, #tpu.memory_space<vmem>>, vector<16xf32>,
    tpu.vector_store %arg17[%swap3A_1008, %swap3A_1009], %gather3A_1006 {strides = array<i32>} : memref<128x16xf32, #tpu.memory_space<vmem>>, vector<16xf32>,
    %add3A_1011 = arith.constant 48 : i32
    %add3A_1012 = vector.broadcast %add3A_1011 : i32 to vector<16xi32>
    %add3A_1013 = arith.addi %and3A_947, %add3A_1012 : vector<16xi32>
    %swap3A_1014 = arith.constant 43 : i32
    %swap3A_1015 = arith.index_cast %swap3A_1014 : i32 to index
    %swap3A_1016 = arith.constant 0 : index
    %swap3A_1017 = tpu.vector_load %arg16[%swap3A_1015, %swap3A_1016] {strides = array<i32>} : memref<64x16xi32, #tpu.memory_space<vmem>>, vector<16xi32>,
    tpu.vector_store %arg16[%swap3A_1015, %swap3A_1016], %add3A_1013 {strides = array<i32>} : memref<64x16xi32, #tpu.memory_space<vmem>>, vector<16xi32>,
    %reshape3A_1018 = vector.shape_cast %and3A_947 : vector<16xi32> to vector<16x1xi32>
    %gather3A_1019 = vector.shape_cast %reshape3A_1018 : vector<16x1xi32> to vector<16xi32>
    %gather3A_1020 = tpu.dynamic_gather %get3A_18[%gather3A_1019] in [0] : vector<16xf32>, vector<16xi32> -> vector<16xf32>
    %swap3A_1021 = arith.constant 43 : i32
    %swap3A_1022 = arith.index_cast %swap3A_1021 : i32 to index
    %swap3A_1023 = arith.constant 0 : index
    %swap3A_1024 = tpu.vector_load %arg17[%swap3A_1022, %swap3A_1023] {strides = array<i32>} : memref<128x16xf32, #tpu.memory_space<vmem>>, vector<16xf32>,
    tpu.vector_store %arg17[%swap3A_1022, %swap3A_1023], %gather3A_1020 {strides = array<i32>} : memref<128x16xf32, #tpu.memory_space<vmem>>, vector<16xf32>,
    %reshape3A_1025 = vector.shape_cast %and3A_947 : vector<16xi32> to vector<16x1xi32>
    %gather3A_1026 = vector.shape_cast %reshape3A_1025 : vector<16x1xi32> to vector<16xi32>
    %gather3A_1027 = tpu.dynamic_gather %get3A_34[%gather3A_1026] in [0] : vector<16xf32>, vector<16xi32> -> vector<16xf32>
    %swap3A_1028 = arith.constant 107 : i32
    %swap3A_1029 = arith.index_cast %swap3A_1028 : i32 to index
    %swap3A_1030 = arith.constant 0 : index
    %swap3A_1031 = tpu.vector_load %arg17[%swap3A_1029, %swap3A_1030] {strides = array<i32>} : memref<128x16xf32, #tpu.memory_space<vmem>>, vector<16xf32>,
    tpu.vector_store %arg17[%swap3A_1029, %swap3A_1030], %gather3A_1027 {strides = array<i32>} : memref<128x16xf32, #tpu.memory_space<vmem>>, vector<16xf32>,
    %add3A_1032 = arith.constant 11 : i32
    %add3A_1033 = vector.broadcast %add3A_1032 : i32 to vector<16xi32>
    %add3A_1034 = arith.addi %iota3A, %add3A_1033 : vector<16xi32>
    %and3A_1035 = arith.constant 15 : i32
    %and3A_1036 = vector.broadcast %and3A_1035 : i32 to vector<16xi32>
    %and3A_1037 = arith.andi %add3A_1034, %and3A_1036 : vector<16xi32>
    %add3A_1038 = arith.constant 0 : i32
    %add3A_1039 = vector.broadcast %add3A_1038 : i32 to vector<16xi32>
    %add3A_1040 = arith.addi %and3A_1037, %add3A_1039 : vector<16xi32>
    %swap3A_1041 = arith.constant 44 : i32
    %swap3A_1042 = arith.index_cast %swap3A_1041 : i32 to index
    %swap3A_1043 = arith.constant 0 : index
    %swap3A_1044 = tpu.vector_load %arg16[%swap3A_1042, %swap3A_1043] {strides = array<i32>} : memref<64x16xi32, #tpu.memory_space<vmem>>, vector<16xi32>,
    tpu.vector_store %arg16[%swap3A_1042, %swap3A_1043], %add3A_1040 {strides = array<i32>} : memref<64x16xi32, #tpu.memory_space<vmem>>, vector<16xi32>,
    %reshape3A_1045 = vector.shape_cast %and3A_1037 : vector<16xi32> to vector<16x1xi32>
    %gather3A_1046 = vector.shape_cast %reshape3A_1045 : vector<16x1xi32> to vector<16xi32>
    %gather3A_1047 = tpu.dynamic_gather %get3A_6[%gather3A_1046] in [0] : vector<16xf32>, vector<16xi32> -> vector<16xf32>
    %swap3A_1048 = arith.constant 44 : i32
    %swap3A_1049 = arith.index_cast %swap3A_1048 : i32 to index
    %swap3A_1050 = arith.constant 0 : index
    %swap3A_1051 = tpu.vector_load %arg17[%swap3A_1049, %swap3A_1050] {strides = array<i32>} : memref<128x16xf32, #tpu.memory_space<vmem>>, vector<16xf32>,
    tpu.vector_store %arg17[%swap3A_1049, %swap3A_1050], %gather3A_1047 {strides = array<i32>} : memref<128x16xf32, #tpu.memory_space<vmem>>, vector<16xf32>,
    %reshape3A_1052 = vector.shape_cast %and3A_1037 : vector<16xi32> to vector<16x1xi32>
    %gather3A_1053 = vector.shape_cast %reshape3A_1052 : vector<16x1xi32> to vector<16xi32>
    %gather3A_1054 = tpu.dynamic_gather %get3A_22[%gather3A_1053] in [0] : vector<16xf32>, vector<16xi32> -> vector<16xf32>
    %swap3A_1055 = arith.constant 108 : i32
    %swap3A_1056 = arith.index_cast %swap3A_1055 : i32 to index
    %swap3A_1057 = arith.constant 0 : index
    %swap3A_1058 = tpu.vector_load %arg17[%swap3A_1056, %swap3A_1057] {strides = array<i32>} : memref<128x16xf32, #tpu.memory_space<vmem>>, vector<16xf32>,
    tpu.vector_store %arg17[%swap3A_1056, %swap3A_1057], %gather3A_1054 {strides = array<i32>} : memref<128x16xf32, #tpu.memory_space<vmem>>, vector<16xf32>,
    %add3A_1059 = arith.constant 16 : i32
    %add3A_1060 = vector.broadcast %add3A_1059 : i32 to vector<16xi32>
    %add3A_1061 = arith.addi %and3A_1037, %add3A_1060 : vector<16xi32>
    %swap3A_1062 = arith.constant 45 : i32
    %swap3A_1063 = arith.index_cast %swap3A_1062 : i32 to index
    %swap3A_1064 = arith.constant 0 : index
    %swap3A_1065 = tpu.vector_load %arg16[%swap3A_1063, %swap3A_1064] {strides = array<i32>} : memref<64x16xi32, #tpu.memory_space<vmem>>, vector<16xi32>,
    tpu.vector_store %arg16[%swap3A_1063, %swap3A_1064], %add3A_1061 {strides = array<i32>} : memref<64x16xi32, #tpu.memory_space<vmem>>, vector<16xi32>,
    %reshape3A_1066 = vector.shape_cast %and3A_1037 : vector<16xi32> to vector<16x1xi32>
    %gather3A_1067 = vector.shape_cast %reshape3A_1066 : vector<16x1xi32> to vector<16xi32>
    %gather3A_1068 = tpu.dynamic_gather %get3A_10[%gather3A_1067] in [0] : vector<16xf32>, vector<16xi32> -> vector<16xf32>
    %swap3A_1069 = arith.constant 45 : i32
    %swap3A_1070 = arith.index_cast %swap3A_1069 : i32 to index
    %swap3A_1071 = arith.constant 0 : index
    %swap3A_1072 = tpu.vector_load %arg17[%swap3A_1070, %swap3A_1071] {strides = array<i32>} : memref<128x16xf32, #tpu.memory_space<vmem>>, vector<16xf32>,
    tpu.vector_store %arg17[%swap3A_1070, %swap3A_1071], %gather3A_1068 {strides = array<i32>} : memref<128x16xf32, #tpu.memory_space<vmem>>, vector<16xf32>,
    %reshape3A_1073 = vector.shape_cast %and3A_1037 : vector<16xi32> to vector<16x1xi32>
    %gather3A_1074 = vector.shape_cast %reshape3A_1073 : vector<16x1xi32> to vector<16xi32>
    %gather3A_1075 = tpu.dynamic_gather %get3A_26[%gather3A_1074] in [0] : vector<16xf32>, vector<16xi32> -> vector<16xf32>
    %swap3A_1076 = arith.constant 109 : i32
    %swap3A_1077 = arith.index_cast %swap3A_1076 : i32 to index
    %swap3A_1078 = arith.constant 0 : index
    %swap3A_1079 = tpu.vector_load %arg17[%swap3A_1077, %swap3A_1078] {strides = array<i32>} : memref<128x16xf32, #tpu.memory_space<vmem>>, vector<16xf32>,
    tpu.vector_store %arg17[%swap3A_1077, %swap3A_1078], %gather3A_1075 {strides = array<i32>} : memref<128x16xf32, #tpu.memory_space<vmem>>, vector<16xf32>,
    %add3A_1080 = arith.constant 32 : i32
    %add3A_1081 = vector.broadcast %add3A_1080 : i32 to vector<16xi32>
    %add3A_1082 = arith.addi %and3A_1037, %add3A_1081 : vector<16xi32>
    %swap3A_1083 = arith.constant 46 : i32
    %swap3A_1084 = arith.index_cast %swap3A_1083 : i32 to index
    %swap3A_1085 = arith.constant 0 : index
    %swap3A_1086 = tpu.vector_load %arg16[%swap3A_1084, %swap3A_1085] {strides = array<i32>} : memref<64x16xi32, #tpu.memory_space<vmem>>, vector<16xi32>,
    tpu.vector_store %arg16[%swap3A_1084, %swap3A_1085], %add3A_1082 {strides = array<i32>} : memref<64x16xi32, #tpu.memory_space<vmem>>, vector<16xi32>,
    %reshape3A_1087 = vector.shape_cast %and3A_1037 : vector<16xi32> to vector<16x1xi32>
    %gather3A_1088 = vector.shape_cast %reshape3A_1087 : vector<16x1xi32> to vector<16xi32>
    %gather3A_1089 = tpu.dynamic_gather %get3A_14[%gather3A_1088] in [0] : vector<16xf32>, vector<16xi32> -> vector<16xf32>
    %swap3A_1090 = arith.constant 46 : i32
    %swap3A_1091 = arith.index_cast %swap3A_1090 : i32 to index
    %swap3A_1092 = arith.constant 0 : index
    %swap3A_1093 = tpu.vector_load %arg17[%swap3A_1091, %swap3A_1092] {strides = array<i32>} : memref<128x16xf32, #tpu.memory_space<vmem>>, vector<16xf32>,
    tpu.vector_store %arg17[%swap3A_1091, %swap3A_1092], %gather3A_1089 {strides = array<i32>} : memref<128x16xf32, #tpu.memory_space<vmem>>, vector<16xf32>,
    %reshape3A_1094 = vector.shape_cast %and3A_1037 : vector<16xi32> to vector<16x1xi32>
    %gather3A_1095 = vector.shape_cast %reshape3A_1094 : vector<16x1xi32> to vector<16xi32>
    %gather3A_1096 = tpu.dynamic_gather %get3A_30[%gather3A_1095] in [0] : vector<16xf32>, vector<16xi32> -> vector<16xf32>
    %swap3A_1097 = arith.constant 110 : i32
    %swap3A_1098 = arith.index_cast %swap3A_1097 : i32 to index
    %swap3A_1099 = arith.constant 0 : index
    %swap3A_1100 = tpu.vector_load %arg17[%swap3A_1098, %swap3A_1099] {strides = array<i32>} : memref<128x16xf32, #tpu.memory_space<vmem>>, vector<16xf32>,
    tpu.vector_store %arg17[%swap3A_1098, %swap3A_1099], %gather3A_1096 {strides = array<i32>} : memref<128x16xf32, #tpu.memory_space<vmem>>, vector<16xf32>,
    %add3A_1101 = arith.constant 48 : i32
    %add3A_1102 = vector.broadcast %add3A_1101 : i32 to vector<16xi32>
    %add3A_1103 = arith.addi %and3A_1037, %add3A_1102 : vector<16xi32>
    %swap3A_1104 = arith.constant 47 : i32
    %swap3A_1105 = arith.index_cast %swap3A_1104 : i32 to index
    %swap3A_1106 = arith.constant 0 : index
    %swap3A_1107 = tpu.vector_load %arg16[%swap3A_1105, %swap3A_1106] {strides = array<i32>} : memref<64x16xi32, #tpu.memory_space<vmem>>, vector<16xi32>,
    tpu.vector_store %arg16[%swap3A_1105, %swap3A_1106], %add3A_1103 {strides = array<i32>} : memref<64x16xi32, #tpu.memory_space<vmem>>, vector<16xi32>,
    %reshape3A_1108 = vector.shape_cast %and3A_1037 : vector<16xi32> to vector<16x1xi32>
    %gather3A_1109 = vector.shape_cast %reshape3A_1108 : vector<16x1xi32> to vector<16xi32>
    %gather3A_1110 = tpu.dynamic_gather %get3A_18[%gather3A_1109] in [0] : vector<16xf32>, vector<16xi32> -> vector<16xf32>
    %swap3A_1111 = arith.constant 47 : i32
    %swap3A_1112 = arith.index_cast %swap3A_1111 : i32 to index
    %swap3A_1113 = arith.constant 0 : index
    %swap3A_1114 = tpu.vector_load %arg17[%swap3A_1112, %swap3A_1113] {strides = array<i32>} : memref<128x16xf32, #tpu.memory_space<vmem>>, vector<16xf32>,
    tpu.vector_store %arg17[%swap3A_1112, %swap3A_1113], %gather3A_1110 {strides = array<i32>} : memref<128x16xf32, #tpu.memory_space<vmem>>, vector<16xf32>,
    %reshape3A_1115 = vector.shape_cast %and3A_1037 : vector<16xi32> to vector<16x1xi32>
    %gather3A_1116 = vector.shape_cast %reshape3A_1115 : vector<16x1xi32> to vector<16xi32>
    %gather3A_1117 = tpu.dynamic_gather %get3A_34[%gather3A_1116] in [0] : vector<16xf32>, vector<16xi32> -> vector<16xf32>
    %swap3A_1118 = arith.constant 111 : i32
    %swap3A_1119 = arith.index_cast %swap3A_1118 : i32 to index
    %swap3A_1120 = arith.constant 0 : index
    %swap3A_1121 = tpu.vector_load %arg17[%swap3A_1119, %swap3A_1120] {strides = array<i32>} : memref<128x16xf32, #tpu.memory_space<vmem>>, vector<16xf32>,
    tpu.vector_store %arg17[%swap3A_1119, %swap3A_1120], %gather3A_1117 {strides = array<i32>} : memref<128x16xf32, #tpu.memory_space<vmem>>, vector<16xf32>,
    %add3A_1122 = arith.constant 12 : i32
    %add3A_1123 = vector.broadcast %add3A_1122 : i32 to vector<16xi32>
    %add3A_1124 = arith.addi %iota3A, %add3A_1123 : vector<16xi32>
    %and3A_1125 = arith.constant 15 : i32
    %and3A_1126 = vector.broadcast %and3A_1125 : i32 to vector<16xi32>
    %and3A_1127 = arith.andi %add3A_1124, %and3A_1126 : vector<16xi32>
    %add3A_1128 = arith.constant 0 : i32
    %add3A_1129 = vector.broadcast %add3A_1128 : i32 to vector<16xi32>
    %add3A_1130 = arith.addi %and3A_1127, %add3A_1129 : vector<16xi32>
    %swap3A_1131 = arith.constant 48 : i32
    %swap3A_1132 = arith.index_cast %swap3A_1131 : i32 to index
    %swap3A_1133 = arith.constant 0 : index
    %swap3A_1134 = tpu.vector_load %arg16[%swap3A_1132, %swap3A_1133] {strides = array<i32>} : memref<64x16xi32, #tpu.memory_space<vmem>>, vector<16xi32>,
    tpu.vector_store %arg16[%swap3A_1132, %swap3A_1133], %add3A_1130 {strides = array<i32>} : memref<64x16xi32, #tpu.memory_space<vmem>>, vector<16xi32>,
    %reshape3A_1135 = vector.shape_cast %and3A_1127 : vector<16xi32> to vector<16x1xi32>
    %gather3A_1136 = vector.shape_cast %reshape3A_1135 : vector<16x1xi32> to vector<16xi32>
    %gather3A_1137 = tpu.dynamic_gather %get3A_6[%gather3A_1136] in [0] : vector<16xf32>, vector<16xi32> -> vector<16xf32>
    %swap3A_1138 = arith.constant 48 : i32
    %swap3A_1139 = arith.index_cast %swap3A_1138 : i32 to index
    %swap3A_1140 = arith.constant 0 : index
    %swap3A_1141 = tpu.vector_load %arg17[%swap3A_1139, %swap3A_1140] {strides = array<i32>} : memref<128x16xf32, #tpu.memory_space<vmem>>, vector<16xf32>,
    tpu.vector_store %arg17[%swap3A_1139, %swap3A_1140], %gather3A_1137 {strides = array<i32>} : memref<128x16xf32, #tpu.memory_space<vmem>>, vector<16xf32>,
    %reshape3A_1142 = vector.shape_cast %and3A_1127 : vector<16xi32> to vector<16x1xi32>
    %gather3A_1143 = vector.shape_cast %reshape3A_1142 : vector<16x1xi32> to vector<16xi32>
    %gather3A_1144 = tpu.dynamic_gather %get3A_22[%gather3A_1143] in [0] : vector<16xf32>, vector<16xi32> -> vector<16xf32>
    %swap3A_1145 = arith.constant 112 : i32
    %swap3A_1146 = arith.index_cast %swap3A_1145 : i32 to index
    %swap3A_1147 = arith.constant 0 : index
    %swap3A_1148 = tpu.vector_load %arg17[%swap3A_1146, %swap3A_1147] {strides = array<i32>} : memref<128x16xf32, #tpu.memory_space<vmem>>, vector<16xf32>,
    tpu.vector_store %arg17[%swap3A_1146, %swap3A_1147], %gather3A_1144 {strides = array<i32>} : memref<128x16xf32, #tpu.memory_space<vmem>>, vector<16xf32>,
    %add3A_1149 = arith.constant 16 : i32
    %add3A_1150 = vector.broadcast %add3A_1149 : i32 to vector<16xi32>
    %add3A_1151 = arith.addi %and3A_1127, %add3A_1150 : vector<16xi32>
    %swap3A_1152 = arith.constant 49 : i32
    %swap3A_1153 = arith.index_cast %swap3A_1152 : i32 to index
    %swap3A_1154 = arith.constant 0 : index
    %swap3A_1155 = tpu.vector_load %arg16[%swap3A_1153, %swap3A_1154] {strides = array<i32>} : memref<64x16xi32, #tpu.memory_space<vmem>>, vector<16xi32>,
    tpu.vector_store %arg16[%swap3A_1153, %swap3A_1154], %add3A_1151 {strides = array<i32>} : memref<64x16xi32, #tpu.memory_space<vmem>>, vector<16xi32>,
    %reshape3A_1156 = vector.shape_cast %and3A_1127 : vector<16xi32> to vector<16x1xi32>
    %gather3A_1157 = vector.shape_cast %reshape3A_1156 : vector<16x1xi32> to vector<16xi32>
    %gather3A_1158 = tpu.dynamic_gather %get3A_10[%gather3A_1157] in [0] : vector<16xf32>, vector<16xi32> -> vector<16xf32>
    %swap3A_1159 = arith.constant 49 : i32
    %swap3A_1160 = arith.index_cast %swap3A_1159 : i32 to index
    %swap3A_1161 = arith.constant 0 : index
    %swap3A_1162 = tpu.vector_load %arg17[%swap3A_1160, %swap3A_1161] {strides = array<i32>} : memref<128x16xf32, #tpu.memory_space<vmem>>, vector<16xf32>,
    tpu.vector_store %arg17[%swap3A_1160, %swap3A_1161], %gather3A_1158 {strides = array<i32>} : memref<128x16xf32, #tpu.memory_space<vmem>>, vector<16xf32>,
    %reshape3A_1163 = vector.shape_cast %and3A_1127 : vector<16xi32> to vector<16x1xi32>
    %gather3A_1164 = vector.shape_cast %reshape3A_1163 : vector<16x1xi32> to vector<16xi32>
    %gather3A_1165 = tpu.dynamic_gather %get3A_26[%gather3A_1164] in [0] : vector<16xf32>, vector<16xi32> -> vector<16xf32>
    %swap3A_1166 = arith.constant 113 : i32
    %swap3A_1167 = arith.index_cast %swap3A_1166 : i32 to index
    %swap3A_1168 = arith.constant 0 : index
    %swap3A_1169 = tpu.vector_load %arg17[%swap3A_1167, %swap3A_1168] {strides = array<i32>} : memref<128x16xf32, #tpu.memory_space<vmem>>, vector<16xf32>,
    tpu.vector_store %arg17[%swap3A_1167, %swap3A_1168], %gather3A_1165 {strides = array<i32>} : memref<128x16xf32, #tpu.memory_space<vmem>>, vector<16xf32>,
    %add3A_1170 = arith.constant 32 : i32
    %add3A_1171 = vector.broadcast %add3A_1170 : i32 to vector<16xi32>
    %add3A_1172 = arith.addi %and3A_1127, %add3A_1171 : vector<16xi32>
    %swap3A_1173 = arith.constant 50 : i32
    %swap3A_1174 = arith.index_cast %swap3A_1173 : i32 to index
    %swap3A_1175 = arith.constant 0 : index
    %swap3A_1176 = tpu.vector_load %arg16[%swap3A_1174, %swap3A_1175] {strides = array<i32>} : memref<64x16xi32, #tpu.memory_space<vmem>>, vector<16xi32>,
    tpu.vector_store %arg16[%swap3A_1174, %swap3A_1175], %add3A_1172 {strides = array<i32>} : memref<64x16xi32, #tpu.memory_space<vmem>>, vector<16xi32>,
    %reshape3A_1177 = vector.shape_cast %and3A_1127 : vector<16xi32> to vector<16x1xi32>
    %gather3A_1178 = vector.shape_cast %reshape3A_1177 : vector<16x1xi32> to vector<16xi32>
    %gather3A_1179 = tpu.dynamic_gather %get3A_14[%gather3A_1178] in [0] : vector<16xf32>, vector<16xi32> -> vector<16xf32>
    %swap3A_1180 = arith.constant 50 : i32
    %swap3A_1181 = arith.index_cast %swap3A_1180 : i32 to index
    %swap3A_1182 = arith.constant 0 : index
    %swap3A_1183 = tpu.vector_load %arg17[%swap3A_1181, %swap3A_1182] {strides = array<i32>} : memref<128x16xf32, #tpu.memory_space<vmem>>, vector<16xf32>,
    tpu.vector_store %arg17[%swap3A_1181, %swap3A_1182], %gather3A_1179 {strides = array<i32>} : memref<128x16xf32, #tpu.memory_space<vmem>>, vector<16xf32>,
    %reshape3A_1184 = vector.shape_cast %and3A_1127 : vector<16xi32> to vector<16x1xi32>
    %gather3A_1185 = vector.shape_cast %reshape3A_1184 : vector<16x1xi32> to vector<16xi32>
    %gather3A_1186 = tpu.dynamic_gather %get3A_30[%gather3A_1185] in [0] : vector<16xf32>, vector<16xi32> -> vector<16xf32>
    %swap3A_1187 = arith.constant 114 : i32
    %swap3A_1188 = arith.index_cast %swap3A_1187 : i32 to index
    %swap3A_1189 = arith.constant 0 : index
    %swap3A_1190 = tpu.vector_load %arg17[%swap3A_1188, %swap3A_1189] {strides = array<i32>} : memref<128x16xf32, #tpu.memory_space<vmem>>, vector<16xf32>,
    tpu.vector_store %arg17[%swap3A_1188, %swap3A_1189], %gather3A_1186 {strides = array<i32>} : memref<128x16xf32, #tpu.memory_space<vmem>>, vector<16xf32>,
    %add3A_1191 = arith.constant 48 : i32
    %add3A_1192 = vector.broadcast %add3A_1191 : i32 to vector<16xi32>
    %add3A_1193 = arith.addi %and3A_1127, %add3A_1192 : vector<16xi32>
    %swap3A_1194 = arith.constant 51 : i32
    %swap3A_1195 = arith.index_cast %swap3A_1194 : i32 to index
    %swap3A_1196 = arith.constant 0 : index
    %swap3A_1197 = tpu.vector_load %arg16[%swap3A_1195, %swap3A_1196] {strides = array<i32>} : memref<64x16xi32, #tpu.memory_space<vmem>>, vector<16xi32>,
    tpu.vector_store %arg16[%swap3A_1195, %swap3A_1196], %add3A_1193 {strides = array<i32>} : memref<64x16xi32, #tpu.memory_space<vmem>>, vector<16xi32>,
    %reshape3A_1198 = vector.shape_cast %and3A_1127 : vector<16xi32> to vector<16x1xi32>
    %gather3A_1199 = vector.shape_cast %reshape3A_1198 : vector<16x1xi32> to vector<16xi32>
    %gather3A_1200 = tpu.dynamic_gather %get3A_18[%gather3A_1199] in [0] : vector<16xf32>, vector<16xi32> -> vector<16xf32>
    %swap3A_1201 = arith.constant 51 : i32
    %swap3A_1202 = arith.index_cast %swap3A_1201 : i32 to index
    %swap3A_1203 = arith.constant 0 : index
    %swap3A_1204 = tpu.vector_load %arg17[%swap3A_1202, %swap3A_1203] {strides = array<i32>} : memref<128x16xf32, #tpu.memory_space<vmem>>, vector<16xf32>,
    tpu.vector_store %arg17[%swap3A_1202, %swap3A_1203], %gather3A_1200 {strides = array<i32>} : memref<128x16xf32, #tpu.memory_space<vmem>>, vector<16xf32>,
    %reshape3A_1205 = vector.shape_cast %and3A_1127 : vector<16xi32> to vector<16x1xi32>
    %gather3A_1206 = vector.shape_cast %reshape3A_1205 : vector<16x1xi32> to vector<16xi32>
    %gather3A_1207 = tpu.dynamic_gather %get3A_34[%gather3A_1206] in [0] : vector<16xf32>, vector<16xi32> -> vector<16xf32>
    %swap3A_1208 = arith.constant 115 : i32
    %swap3A_1209 = arith.index_cast %swap3A_1208 : i32 to index
    %swap3A_1210 = arith.constant 0 : index
    %swap3A_1211 = tpu.vector_load %arg17[%swap3A_1209, %swap3A_1210] {strides = array<i32>} : memref<128x16xf32, #tpu.memory_space<vmem>>, vector<16xf32>,
    tpu.vector_store %arg17[%swap3A_1209, %swap3A_1210], %gather3A_1207 {strides = array<i32>} : memref<128x16xf32, #tpu.memory_space<vmem>>, vector<16xf32>,
    %add3A_1212 = arith.constant 13 : i32
    %add3A_1213 = vector.broadcast %add3A_1212 : i32 to vector<16xi32>
    %add3A_1214 = arith.addi %iota3A, %add3A_1213 : vector<16xi32>
    %and3A_1215 = arith.constant 15 : i32
    %and3A_1216 = vector.broadcast %and3A_1215 : i32 to vector<16xi32>
    %and3A_1217 = arith.andi %add3A_1214, %and3A_1216 : vector<16xi32>
    %add3A_1218 = arith.constant 0 : i32
    %add3A_1219 = vector.broadcast %add3A_1218 : i32 to vector<16xi32>
    %add3A_1220 = arith.addi %and3A_1217, %add3A_1219 : vector<16xi32>
    %swap3A_1221 = arith.constant 52 : i32
    %swap3A_1222 = arith.index_cast %swap3A_1221 : i32 to index
    %swap3A_1223 = arith.constant 0 : index
    %swap3A_1224 = tpu.vector_load %arg16[%swap3A_1222, %swap3A_1223] {strides = array<i32>} : memref<64x16xi32, #tpu.memory_space<vmem>>, vector<16xi32>,
    tpu.vector_store %arg16[%swap3A_1222, %swap3A_1223], %add3A_1220 {strides = array<i32>} : memref<64x16xi32, #tpu.memory_space<vmem>>, vector<16xi32>,
    %reshape3A_1225 = vector.shape_cast %and3A_1217 : vector<16xi32> to vector<16x1xi32>
    %gather3A_1226 = vector.shape_cast %reshape3A_1225 : vector<16x1xi32> to vector<16xi32>
    %gather3A_1227 = tpu.dynamic_gather %get3A_6[%gather3A_1226] in [0] : vector<16xf32>, vector<16xi32> -> vector<16xf32>
    %swap3A_1228 = arith.constant 52 : i32
    %swap3A_1229 = arith.index_cast %swap3A_1228 : i32 to index
    %swap3A_1230 = arith.constant 0 : index
    %swap3A_1231 = tpu.vector_load %arg17[%swap3A_1229, %swap3A_1230] {strides = array<i32>} : memref<128x16xf32, #tpu.memory_space<vmem>>, vector<16xf32>,
    tpu.vector_store %arg17[%swap3A_1229, %swap3A_1230], %gather3A_1227 {strides = array<i32>} : memref<128x16xf32, #tpu.memory_space<vmem>>, vector<16xf32>,
    %reshape3A_1232 = vector.shape_cast %and3A_1217 : vector<16xi32> to vector<16x1xi32>
    %gather3A_1233 = vector.shape_cast %reshape3A_1232 : vector<16x1xi32> to vector<16xi32>
    %gather3A_1234 = tpu.dynamic_gather %get3A_22[%gather3A_1233] in [0] : vector<16xf32>, vector<16xi32> -> vector<16xf32>
    %swap3A_1235 = arith.constant 116 : i32
    %swap3A_1236 = arith.index_cast %swap3A_1235 : i32 to index
    %swap3A_1237 = arith.constant 0 : index
    %swap3A_1238 = tpu.vector_load %arg17[%swap3A_1236, %swap3A_1237] {strides = array<i32>} : memref<128x16xf32, #tpu.memory_space<vmem>>, vector<16xf32>,
    tpu.vector_store %arg17[%swap3A_1236, %swap3A_1237], %gather3A_1234 {strides = array<i32>} : memref<128x16xf32, #tpu.memory_space<vmem>>, vector<16xf32>,
    %add3A_1239 = arith.constant 16 : i32
    %add3A_1240 = vector.broadcast %add3A_1239 : i32 to vector<16xi32>
    %add3A_1241 = arith.addi %and3A_1217, %add3A_1240 : vector<16xi32>
    %swap3A_1242 = arith.constant 53 : i32
    %swap3A_1243 = arith.index_cast %swap3A_1242 : i32 to index
    %swap3A_1244 = arith.constant 0 : index
    %swap3A_1245 = tpu.vector_load %arg16[%swap3A_1243, %swap3A_1244] {strides = array<i32>} : memref<64x16xi32, #tpu.memory_space<vmem>>, vector<16xi32>,
    tpu.vector_store %arg16[%swap3A_1243, %swap3A_1244], %add3A_1241 {strides = array<i32>} : memref<64x16xi32, #tpu.memory_space<vmem>>, vector<16xi32>,
    %reshape3A_1246 = vector.shape_cast %and3A_1217 : vector<16xi32> to vector<16x1xi32>
    %gather3A_1247 = vector.shape_cast %reshape3A_1246 : vector<16x1xi32> to vector<16xi32>
    %gather3A_1248 = tpu.dynamic_gather %get3A_10[%gather3A_1247] in [0] : vector<16xf32>, vector<16xi32> -> vector<16xf32>
    %swap3A_1249 = arith.constant 53 : i32
    %swap3A_1250 = arith.index_cast %swap3A_1249 : i32 to index
    %swap3A_1251 = arith.constant 0 : index
    %swap3A_1252 = tpu.vector_load %arg17[%swap3A_1250, %swap3A_1251] {strides = array<i32>} : memref<128x16xf32, #tpu.memory_space<vmem>>, vector<16xf32>,
    tpu.vector_store %arg17[%swap3A_1250, %swap3A_1251], %gather3A_1248 {strides = array<i32>} : memref<128x16xf32, #tpu.memory_space<vmem>>, vector<16xf32>,
    %reshape3A_1253 = vector.shape_cast %and3A_1217 : vector<16xi32> to vector<16x1xi32>
    %gather3A_1254 = vector.shape_cast %reshape3A_1253 : vector<16x1xi32> to vector<16xi32>
    %gather3A_1255 = tpu.dynamic_gather %get3A_26[%gather3A_1254] in [0] : vector<16xf32>, vector<16xi32> -> vector<16xf32>
    %swap3A_1256 = arith.constant 117 : i32
    %swap3A_1257 = arith.index_cast %swap3A_1256 : i32 to index
    %swap3A_1258 = arith.constant 0 : index
    %swap3A_1259 = tpu.vector_load %arg17[%swap3A_1257, %swap3A_1258] {strides = array<i32>} : memref<128x16xf32, #tpu.memory_space<vmem>>, vector<16xf32>,
    tpu.vector_store %arg17[%swap3A_1257, %swap3A_1258], %gather3A_1255 {strides = array<i32>} : memref<128x16xf32, #tpu.memory_space<vmem>>, vector<16xf32>,
    %add3A_1260 = arith.constant 32 : i32
    %add3A_1261 = vector.broadcast %add3A_1260 : i32 to vector<16xi32>
    %add3A_1262 = arith.addi %and3A_1217, %add3A_1261 : vector<16xi32>
    %swap3A_1263 = arith.constant 54 : i32
    %swap3A_1264 = arith.index_cast %swap3A_1263 : i32 to index
    %swap3A_1265 = arith.constant 0 : index
    %swap3A_1266 = tpu.vector_load %arg16[%swap3A_1264, %swap3A_1265] {strides = array<i32>} : memref<64x16xi32, #tpu.memory_space<vmem>>, vector<16xi32>,
    tpu.vector_store %arg16[%swap3A_1264, %swap3A_1265], %add3A_1262 {strides = array<i32>} : memref<64x16xi32, #tpu.memory_space<vmem>>, vector<16xi32>,
    %reshape3A_1267 = vector.shape_cast %and3A_1217 : vector<16xi32> to vector<16x1xi32>
    %gather3A_1268 = vector.shape_cast %reshape3A_1267 : vector<16x1xi32> to vector<16xi32>
    %gather3A_1269 = tpu.dynamic_gather %get3A_14[%gather3A_1268] in [0] : vector<16xf32>, vector<16xi32> -> vector<16xf32>
    %swap3A_1270 = arith.constant 54 : i32
    %swap3A_1271 = arith.index_cast %swap3A_1270 : i32 to index
    %swap3A_1272 = arith.constant 0 : index
    %swap3A_1273 = tpu.vector_load %arg17[%swap3A_1271, %swap3A_1272] {strides = array<i32>} : memref<128x16xf32, #tpu.memory_space<vmem>>, vector<16xf32>,
    tpu.vector_store %arg17[%swap3A_1271, %swap3A_1272], %gather3A_1269 {strides = array<i32>} : memref<128x16xf32, #tpu.memory_space<vmem>>, vector<16xf32>,
    %reshape3A_1274 = vector.shape_cast %and3A_1217 : vector<16xi32> to vector<16x1xi32>
    %gather3A_1275 = vector.shape_cast %reshape3A_1274 : vector<16x1xi32> to vector<16xi32>
    %gather3A_1276 = tpu.dynamic_gather %get3A_30[%gather3A_1275] in [0] : vector<16xf32>, vector<16xi32> -> vector<16xf32>
    %swap3A_1277 = arith.constant 118 : i32
    %swap3A_1278 = arith.index_cast %swap3A_1277 : i32 to index
    %swap3A_1279 = arith.constant 0 : index
    %swap3A_1280 = tpu.vector_load %arg17[%swap3A_1278, %swap3A_1279] {strides = array<i32>} : memref<128x16xf32, #tpu.memory_space<vmem>>, vector<16xf32>,
    tpu.vector_store %arg17[%swap3A_1278, %swap3A_1279], %gather3A_1276 {strides = array<i32>} : memref<128x16xf32, #tpu.memory_space<vmem>>, vector<16xf32>,
    %add3A_1281 = arith.constant 48 : i32
    %add3A_1282 = vector.broadcast %add3A_1281 : i32 to vector<16xi32>
    %add3A_1283 = arith.addi %and3A_1217, %add3A_1282 : vector<16xi32>
    %swap3A_1284 = arith.constant 55 : i32
    %swap3A_1285 = arith.index_cast %swap3A_1284 : i32 to index
    %swap3A_1286 = arith.constant 0 : index
    %swap3A_1287 = tpu.vector_load %arg16[%swap3A_1285, %swap3A_1286] {strides = array<i32>} : memref<64x16xi32, #tpu.memory_space<vmem>>, vector<16xi32>,
    tpu.vector_store %arg16[%swap3A_1285, %swap3A_1286], %add3A_1283 {strides = array<i32>} : memref<64x16xi32, #tpu.memory_space<vmem>>, vector<16xi32>,
    %reshape3A_1288 = vector.shape_cast %and3A_1217 : vector<16xi32> to vector<16x1xi32>
    %gather3A_1289 = vector.shape_cast %reshape3A_1288 : vector<16x1xi32> to vector<16xi32>
    %gather3A_1290 = tpu.dynamic_gather %get3A_18[%gather3A_1289] in [0] : vector<16xf32>, vector<16xi32> -> vector<16xf32>
    %swap3A_1291 = arith.constant 55 : i32
    %swap3A_1292 = arith.index_cast %swap3A_1291 : i32 to index
    %swap3A_1293 = arith.constant 0 : index
    %swap3A_1294 = tpu.vector_load %arg17[%swap3A_1292, %swap3A_1293] {strides = array<i32>} : memref<128x16xf32, #tpu.memory_space<vmem>>, vector<16xf32>,
    tpu.vector_store %arg17[%swap3A_1292, %swap3A_1293], %gather3A_1290 {strides = array<i32>} : memref<128x16xf32, #tpu.memory_space<vmem>>, vector<16xf32>,
    %reshape3A_1295 = vector.shape_cast %and3A_1217 : vector<16xi32> to vector<16x1xi32>
    %gather3A_1296 = vector.shape_cast %reshape3A_1295 : vector<16x1xi32> to vector<16xi32>
    %gather3A_1297 = tpu.dynamic_gather %get3A_34[%gather3A_1296] in [0] : vector<16xf32>, vector<16xi32> -> vector<16xf32>
    %swap3A_1298 = arith.constant 119 : i32
    %swap3A_1299 = arith.index_cast %swap3A_1298 : i32 to index
    %swap3A_1300 = arith.constant 0 : index
    %swap3A_1301 = tpu.vector_load %arg17[%swap3A_1299, %swap3A_1300] {strides = array<i32>} : memref<128x16xf32, #tpu.memory_space<vmem>>, vector<16xf32>,
    tpu.vector_store %arg17[%swap3A_1299, %swap3A_1300], %gather3A_1297 {strides = array<i32>} : memref<128x16xf32, #tpu.memory_space<vmem>>, vector<16xf32>,
    %add3A_1302 = arith.constant 14 : i32
    %add3A_1303 = vector.broadcast %add3A_1302 : i32 to vector<16xi32>
    %add3A_1304 = arith.addi %iota3A, %add3A_1303 : vector<16xi32>
    %and3A_1305 = arith.constant 15 : i32
    %and3A_1306 = vector.broadcast %and3A_1305 : i32 to vector<16xi32>
    %and3A_1307 = arith.andi %add3A_1304, %and3A_1306 : vector<16xi32>
    %add3A_1308 = arith.constant 0 : i32
    %add3A_1309 = vector.broadcast %add3A_1308 : i32 to vector<16xi32>
    %add3A_1310 = arith.addi %and3A_1307, %add3A_1309 : vector<16xi32>
    %swap3A_1311 = arith.constant 56 : i32
    %swap3A_1312 = arith.index_cast %swap3A_1311 : i32 to index
    %swap3A_1313 = arith.constant 0 : index
    %swap3A_1314 = tpu.vector_load %arg16[%swap3A_1312, %swap3A_1313] {strides = array<i32>} : memref<64x16xi32, #tpu.memory_space<vmem>>, vector<16xi32>,
    tpu.vector_store %arg16[%swap3A_1312, %swap3A_1313], %add3A_1310 {strides = array<i32>} : memref<64x16xi32, #tpu.memory_space<vmem>>, vector<16xi32>,
    %reshape3A_1315 = vector.shape_cast %and3A_1307 : vector<16xi32> to vector<16x1xi32>
    %gather3A_1316 = vector.shape_cast %reshape3A_1315 : vector<16x1xi32> to vector<16xi32>
    %gather3A_1317 = tpu.dynamic_gather %get3A_6[%gather3A_1316] in [0] : vector<16xf32>, vector<16xi32> -> vector<16xf32>
    %swap3A_1318 = arith.constant 56 : i32
    %swap3A_1319 = arith.index_cast %swap3A_1318 : i32 to index
    %swap3A_1320 = arith.constant 0 : index
    %swap3A_1321 = tpu.vector_load %arg17[%swap3A_1319, %swap3A_1320] {strides = array<i32>} : memref<128x16xf32, #tpu.memory_space<vmem>>, vector<16xf32>,
    tpu.vector_store %arg17[%swap3A_1319, %swap3A_1320], %gather3A_1317 {strides = array<i32>} : memref<128x16xf32, #tpu.memory_space<vmem>>, vector<16xf32>,
    %reshape3A_1322 = vector.shape_cast %and3A_1307 : vector<16xi32> to vector<16x1xi32>
    %gather3A_1323 = vector.shape_cast %reshape3A_1322 : vector<16x1xi32> to vector<16xi32>
    %gather3A_1324 = tpu.dynamic_gather %get3A_22[%gather3A_1323] in [0] : vector<16xf32>, vector<16xi32> -> vector<16xf32>
    %swap3A_1325 = arith.constant 120 : i32
    %swap3A_1326 = arith.index_cast %swap3A_1325 : i32 to index
    %swap3A_1327 = arith.constant 0 : index
    %swap3A_1328 = tpu.vector_load %arg17[%swap3A_1326, %swap3A_1327] {strides = array<i32>} : memref<128x16xf32, #tpu.memory_space<vmem>>, vector<16xf32>,
    tpu.vector_store %arg17[%swap3A_1326, %swap3A_1327], %gather3A_1324 {strides = array<i32>} : memref<128x16xf32, #tpu.memory_space<vmem>>, vector<16xf32>,
    %add3A_1329 = arith.constant 16 : i32
    %add3A_1330 = vector.broadcast %add3A_1329 : i32 to vector<16xi32>
    %add3A_1331 = arith.addi %and3A_1307, %add3A_1330 : vector<16xi32>
    %swap3A_1332 = arith.constant 57 : i32
    %swap3A_1333 = arith.index_cast %swap3A_1332 : i32 to index
    %swap3A_1334 = arith.constant 0 : index
    %swap3A_1335 = tpu.vector_load %arg16[%swap3A_1333, %swap3A_1334] {strides = array<i32>} : memref<64x16xi32, #tpu.memory_space<vmem>>, vector<16xi32>,
    tpu.vector_store %arg16[%swap3A_1333, %swap3A_1334], %add3A_1331 {strides = array<i32>} : memref<64x16xi32, #tpu.memory_space<vmem>>, vector<16xi32>,
    %reshape3A_1336 = vector.shape_cast %and3A_1307 : vector<16xi32> to vector<16x1xi32>
    %gather3A_1337 = vector.shape_cast %reshape3A_1336 : vector<16x1xi32> to vector<16xi32>
    %gather3A_1338 = tpu.dynamic_gather %get3A_10[%gather3A_1337] in [0] : vector<16xf32>, vector<16xi32> -> vector<16xf32>
    %swap3A_1339 = arith.constant 57 : i32
    %swap3A_1340 = arith.index_cast %swap3A_1339 : i32 to index
    %swap3A_1341 = arith.constant 0 : index
    %swap3A_1342 = tpu.vector_load %arg17[%swap3A_1340, %swap3A_1341] {strides = array<i32>} : memref<128x16xf32, #tpu.memory_space<vmem>>, vector<16xf32>,
    tpu.vector_store %arg17[%swap3A_1340, %swap3A_1341], %gather3A_1338 {strides = array<i32>} : memref<128x16xf32, #tpu.memory_space<vmem>>, vector<16xf32>,
    %reshape3A_1343 = vector.shape_cast %and3A_1307 : vector<16xi32> to vector<16x1xi32>
    %gather3A_1344 = vector.shape_cast %reshape3A_1343 : vector<16x1xi32> to vector<16xi32>
    %gather3A_1345 = tpu.dynamic_gather %get3A_26[%gather3A_1344] in [0] : vector<16xf32>, vector<16xi32> -> vector<16xf32>
    %swap3A_1346 = arith.constant 121 : i32
    %swap3A_1347 = arith.index_cast %swap3A_1346 : i32 to index
    %swap3A_1348 = arith.constant 0 : index
    %swap3A_1349 = tpu.vector_load %arg17[%swap3A_1347, %swap3A_1348] {strides = array<i32>} : memref<128x16xf32, #tpu.memory_space<vmem>>, vector<16xf32>,
    tpu.vector_store %arg17[%swap3A_1347, %swap3A_1348], %gather3A_1345 {strides = array<i32>} : memref<128x16xf32, #tpu.memory_space<vmem>>, vector<16xf32>,
    %add3A_1350 = arith.constant 32 : i32
    %add3A_1351 = vector.broadcast %add3A_1350 : i32 to vector<16xi32>
    %add3A_1352 = arith.addi %and3A_1307, %add3A_1351 : vector<16xi32>
    %swap3A_1353 = arith.constant 58 : i32
    %swap3A_1354 = arith.index_cast %swap3A_1353 : i32 to index
    %swap3A_1355 = arith.constant 0 : index
    %swap3A_1356 = tpu.vector_load %arg16[%swap3A_1354, %swap3A_1355] {strides = array<i32>} : memref<64x16xi32, #tpu.memory_space<vmem>>, vector<16xi32>,
    tpu.vector_store %arg16[%swap3A_1354, %swap3A_1355], %add3A_1352 {strides = array<i32>} : memref<64x16xi32, #tpu.memory_space<vmem>>, vector<16xi32>,
    %reshape3A_1357 = vector.shape_cast %and3A_1307 : vector<16xi32> to vector<16x1xi32>
    %gather3A_1358 = vector.shape_cast %reshape3A_1357 : vector<16x1xi32> to vector<16xi32>
    %gather3A_1359 = tpu.dynamic_gather %get3A_14[%gather3A_1358] in [0] : vector<16xf32>, vector<16xi32> -> vector<16xf32>
    %swap3A_1360 = arith.constant 58 : i32
    %swap3A_1361 = arith.index_cast %swap3A_1360 : i32 to index
    %swap3A_1362 = arith.constant 0 : index
    %swap3A_1363 = tpu.vector_load %arg17[%swap3A_1361, %swap3A_1362] {strides = array<i32>} : memref<128x16xf32, #tpu.memory_space<vmem>>, vector<16xf32>,
    tpu.vector_store %arg17[%swap3A_1361, %swap3A_1362], %gather3A_1359 {strides = array<i32>} : memref<128x16xf32, #tpu.memory_space<vmem>>, vector<16xf32>,
    %reshape3A_1364 = vector.shape_cast %and3A_1307 : vector<16xi32> to vector<16x1xi32>
    %gather3A_1365 = vector.shape_cast %reshape3A_1364 : vector<16x1xi32> to vector<16xi32>
    %gather3A_1366 = tpu.dynamic_gather %get3A_30[%gather3A_1365] in [0] : vector<16xf32>, vector<16xi32> -> vector<16xf32>
    %swap3A_1367 = arith.constant 122 : i32
    %swap3A_1368 = arith.index_cast %swap3A_1367 : i32 to index
    %swap3A_1369 = arith.constant 0 : index
    %swap3A_1370 = tpu.vector_load %arg17[%swap3A_1368, %swap3A_1369] {strides = array<i32>} : memref<128x16xf32, #tpu.memory_space<vmem>>, vector<16xf32>,
    tpu.vector_store %arg17[%swap3A_1368, %swap3A_1369], %gather3A_1366 {strides = array<i32>} : memref<128x16xf32, #tpu.memory_space<vmem>>, vector<16xf32>,
    %add3A_1371 = arith.constant 48 : i32
    %add3A_1372 = vector.broadcast %add3A_1371 : i32 to vector<16xi32>
    %add3A_1373 = arith.addi %and3A_1307, %add3A_1372 : vector<16xi32>
    %swap3A_1374 = arith.constant 59 : i32
    %swap3A_1375 = arith.index_cast %swap3A_1374 : i32 to index
    %swap3A_1376 = arith.constant 0 : index
    %swap3A_1377 = tpu.vector_load %arg16[%swap3A_1375, %swap3A_1376] {strides = array<i32>} : memref<64x16xi32, #tpu.memory_space<vmem>>, vector<16xi32>,
    tpu.vector_store %arg16[%swap3A_1375, %swap3A_1376], %add3A_1373 {strides = array<i32>} : memref<64x16xi32, #tpu.memory_space<vmem>>, vector<16xi32>,
    %reshape3A_1378 = vector.shape_cast %and3A_1307 : vector<16xi32> to vector<16x1xi32>
    %gather3A_1379 = vector.shape_cast %reshape3A_1378 : vector<16x1xi32> to vector<16xi32>
    %gather3A_1380 = tpu.dynamic_gather %get3A_18[%gather3A_1379] in [0] : vector<16xf32>, vector<16xi32> -> vector<16xf32>
    %swap3A_1381 = arith.constant 59 : i32
    %swap3A_1382 = arith.index_cast %swap3A_1381 : i32 to index
    %swap3A_1383 = arith.constant 0 : index
    %swap3A_1384 = tpu.vector_load %arg17[%swap3A_1382, %swap3A_1383] {strides = array<i32>} : memref<128x16xf32, #tpu.memory_space<vmem>>, vector<16xf32>,
    tpu.vector_store %arg17[%swap3A_1382, %swap3A_1383], %gather3A_1380 {strides = array<i32>} : memref<128x16xf32, #tpu.memory_space<vmem>>, vector<16xf32>,
    %reshape3A_1385 = vector.shape_cast %and3A_1307 : vector<16xi32> to vector<16x1xi32>
    %gather3A_1386 = vector.shape_cast %reshape3A_1385 : vector<16x1xi32> to vector<16xi32>
    %gather3A_1387 = tpu.dynamic_gather %get3A_34[%gather3A_1386] in [0] : vector<16xf32>, vector<16xi32> -> vector<16xf32>
    %swap3A_1388 = arith.constant 123 : i32
    %swap3A_1389 = arith.index_cast %swap3A_1388 : i32 to index
    %swap3A_1390 = arith.constant 0 : index
    %swap3A_1391 = tpu.vector_load %arg17[%swap3A_1389, %swap3A_1390] {strides = array<i32>} : memref<128x16xf32, #tpu.memory_space<vmem>>, vector<16xf32>,
    tpu.vector_store %arg17[%swap3A_1389, %swap3A_1390], %gather3A_1387 {strides = array<i32>} : memref<128x16xf32, #tpu.memory_space<vmem>>, vector<16xf32>,
    %add3A_1392 = arith.constant 15 : i32
    %add3A_1393 = vector.broadcast %add3A_1392 : i32 to vector<16xi32>
    %add3A_1394 = arith.addi %iota3A, %add3A_1393 : vector<16xi32>
    %and3A_1395 = arith.constant 15 : i32
    %and3A_1396 = vector.broadcast %and3A_1395 : i32 to vector<16xi32>
    %and3A_1397 = arith.andi %add3A_1394, %and3A_1396 : vector<16xi32>
    %add3A_1398 = arith.constant 0 : i32
    %add3A_1399 = vector.broadcast %add3A_1398 : i32 to vector<16xi32>
    %add3A_1400 = arith.addi %and3A_1397, %add3A_1399 : vector<16xi32>
    %swap3A_1401 = arith.constant 60 : i32
    %swap3A_1402 = arith.index_cast %swap3A_1401 : i32 to index
    %swap3A_1403 = arith.constant 0 : index
    %swap3A_1404 = tpu.vector_load %arg16[%swap3A_1402, %swap3A_1403] {strides = array<i32>} : memref<64x16xi32, #tpu.memory_space<vmem>>, vector<16xi32>,
    tpu.vector_store %arg16[%swap3A_1402, %swap3A_1403], %add3A_1400 {strides = array<i32>} : memref<64x16xi32, #tpu.memory_space<vmem>>, vector<16xi32>,
    %reshape3A_1405 = vector.shape_cast %and3A_1397 : vector<16xi32> to vector<16x1xi32>
    %gather3A_1406 = vector.shape_cast %reshape3A_1405 : vector<16x1xi32> to vector<16xi32>
    %gather3A_1407 = tpu.dynamic_gather %get3A_6[%gather3A_1406] in [0] : vector<16xf32>, vector<16xi32> -> vector<16xf32>
    %swap3A_1408 = arith.constant 60 : i32
    %swap3A_1409 = arith.index_cast %swap3A_1408 : i32 to index
    %swap3A_1410 = arith.constant 0 : index
    %swap3A_1411 = tpu.vector_load %arg17[%swap3A_1409, %swap3A_1410] {strides = array<i32>} : memref<128x16xf32, #tpu.memory_space<vmem>>, vector<16xf32>,
    tpu.vector_store %arg17[%swap3A_1409, %swap3A_1410], %gather3A_1407 {strides = array<i32>} : memref<128x16xf32, #tpu.memory_space<vmem>>, vector<16xf32>,
    %reshape3A_1412 = vector.shape_cast %and3A_1397 : vector<16xi32> to vector<16x1xi32>
    %gather3A_1413 = vector.shape_cast %reshape3A_1412 : vector<16x1xi32> to vector<16xi32>
    %gather3A_1414 = tpu.dynamic_gather %get3A_22[%gather3A_1413] in [0] : vector<16xf32>, vector<16xi32> -> vector<16xf32>
    %swap3A_1415 = arith.constant 124 : i32
    %swap3A_1416 = arith.index_cast %swap3A_1415 : i32 to index
    %swap3A_1417 = arith.constant 0 : index
    %swap3A_1418 = tpu.vector_load %arg17[%swap3A_1416, %swap3A_1417] {strides = array<i32>} : memref<128x16xf32, #tpu.memory_space<vmem>>, vector<16xf32>,
    tpu.vector_store %arg17[%swap3A_1416, %swap3A_1417], %gather3A_1414 {strides = array<i32>} : memref<128x16xf32, #tpu.memory_space<vmem>>, vector<16xf32>,
    %add3A_1419 = arith.constant 16 : i32
    %add3A_1420 = vector.broadcast %add3A_1419 : i32 to vector<16xi32>
    %add3A_1421 = arith.addi %and3A_1397, %add3A_1420 : vector<16xi32>
    %swap3A_1422 = arith.constant 61 : i32
    %swap3A_1423 = arith.index_cast %swap3A_1422 : i32 to index
    %swap3A_1424 = arith.constant 0 : index
    %swap3A_1425 = tpu.vector_load %arg16[%swap3A_1423, %swap3A_1424] {strides = array<i32>} : memref<64x16xi32, #tpu.memory_space<vmem>>, vector<16xi32>,
    tpu.vector_store %arg16[%swap3A_1423, %swap3A_1424], %add3A_1421 {strides = array<i32>} : memref<64x16xi32, #tpu.memory_space<vmem>>, vector<16xi32>,
    %reshape3A_1426 = vector.shape_cast %and3A_1397 : vector<16xi32> to vector<16x1xi32>
    %gather3A_1427 = vector.shape_cast %reshape3A_1426 : vector<16x1xi32> to vector<16xi32>
    %gather3A_1428 = tpu.dynamic_gather %get3A_10[%gather3A_1427] in [0] : vector<16xf32>, vector<16xi32> -> vector<16xf32>
    %swap3A_1429 = arith.constant 61 : i32
    %swap3A_1430 = arith.index_cast %swap3A_1429 : i32 to index
    %swap3A_1431 = arith.constant 0 : index
    %swap3A_1432 = tpu.vector_load %arg17[%swap3A_1430, %swap3A_1431] {strides = array<i32>} : memref<128x16xf32, #tpu.memory_space<vmem>>, vector<16xf32>,
    tpu.vector_store %arg17[%swap3A_1430, %swap3A_1431], %gather3A_1428 {strides = array<i32>} : memref<128x16xf32, #tpu.memory_space<vmem>>, vector<16xf32>,
    %reshape3A_1433 = vector.shape_cast %and3A_1397 : vector<16xi32> to vector<16x1xi32>
    %gather3A_1434 = vector.shape_cast %reshape3A_1433 : vector<16x1xi32> to vector<16xi32>
    %gather3A_1435 = tpu.dynamic_gather %get3A_26[%gather3A_1434] in [0] : vector<16xf32>, vector<16xi32> -> vector<16xf32>
    %swap3A_1436 = arith.constant 125 : i32
    %swap3A_1437 = arith.index_cast %swap3A_1436 : i32 to index
    %swap3A_1438 = arith.constant 0 : index
    %swap3A_1439 = tpu.vector_load %arg17[%swap3A_1437, %swap3A_1438] {strides = array<i32>} : memref<128x16xf32, #tpu.memory_space<vmem>>, vector<16xf32>,
    tpu.vector_store %arg17[%swap3A_1437, %swap3A_1438], %gather3A_1435 {strides = array<i32>} : memref<128x16xf32, #tpu.memory_space<vmem>>, vector<16xf32>,
    %add3A_1440 = arith.constant 32 : i32
    %add3A_1441 = vector.broadcast %add3A_1440 : i32 to vector<16xi32>
    %add3A_1442 = arith.addi %and3A_1397, %add3A_1441 : vector<16xi32>
    %swap3A_1443 = arith.constant 62 : i32
    %swap3A_1444 = arith.index_cast %swap3A_1443 : i32 to index
    %swap3A_1445 = arith.constant 0 : index
    %swap3A_1446 = tpu.vector_load %arg16[%swap3A_1444, %swap3A_1445] {strides = array<i32>} : memref<64x16xi32, #tpu.memory_space<vmem>>, vector<16xi32>,
    tpu.vector_store %arg16[%swap3A_1444, %swap3A_1445], %add3A_1442 {strides = array<i32>} : memref<64x16xi32, #tpu.memory_space<vmem>>, vector<16xi32>,
    %reshape3A_1447 = vector.shape_cast %and3A_1397 : vector<16xi32> to vector<16x1xi32>
    %gather3A_1448 = vector.shape_cast %reshape3A_1447 : vector<16x1xi32> to vector<16xi32>
    %gather3A_1449 = tpu.dynamic_gather %get3A_14[%gather3A_1448] in [0] : vector<16xf32>, vector<16xi32> -> vector<16xf32>
    %swap3A_1450 = arith.constant 62 : i32
    %swap3A_1451 = arith.index_cast %swap3A_1450 : i32 to index
    %swap3A_1452 = arith.constant 0 : index
    %swap3A_1453 = tpu.vector_load %arg17[%swap3A_1451, %swap3A_1452] {strides = array<i32>} : memref<128x16xf32, #tpu.memory_space<vmem>>, vector<16xf32>,
    tpu.vector_store %arg17[%swap3A_1451, %swap3A_1452], %gather3A_1449 {strides = array<i32>} : memref<128x16xf32, #tpu.memory_space<vmem>>, vector<16xf32>,
    %reshape3A_1454 = vector.shape_cast %and3A_1397 : vector<16xi32> to vector<16x1xi32>
    %gather3A_1455 = vector.shape_cast %reshape3A_1454 : vector<16x1xi32> to vector<16xi32>
    %gather3A_1456 = tpu.dynamic_gather %get3A_30[%gather3A_1455] in [0] : vector<16xf32>, vector<16xi32> -> vector<16xf32>
    %swap3A_1457 = arith.constant 126 : i32
    %swap3A_1458 = arith.index_cast %swap3A_1457 : i32 to index
    %swap3A_1459 = arith.constant 0 : index
    %swap3A_1460 = tpu.vector_load %arg17[%swap3A_1458, %swap3A_1459] {strides = array<i32>} : memref<128x16xf32, #tpu.memory_space<vmem>>, vector<16xf32>,
    tpu.vector_store %arg17[%swap3A_1458, %swap3A_1459], %gather3A_1456 {strides = array<i32>} : memref<128x16xf32, #tpu.memory_space<vmem>>, vector<16xf32>,
    %add3A_1461 = arith.constant 48 : i32
    %add3A_1462 = vector.broadcast %add3A_1461 : i32 to vector<16xi32>
    %add3A_1463 = arith.addi %and3A_1397, %add3A_1462 : vector<16xi32>
    %swap3A_1464 = arith.constant 63 : i32
    %swap3A_1465 = arith.index_cast %swap3A_1464 : i32 to index
    %swap3A_1466 = arith.constant 0 : index
    %swap3A_1467 = tpu.vector_load %arg16[%swap3A_1465, %swap3A_1466] {strides = array<i32>} : memref<64x16xi32, #tpu.memory_space<vmem>>, vector<16xi32>,
    tpu.vector_store %arg16[%swap3A_1465, %swap3A_1466], %add3A_1463 {strides = array<i32>} : memref<64x16xi32, #tpu.memory_space<vmem>>, vector<16xi32>,
    %reshape3A_1468 = vector.shape_cast %and3A_1397 : vector<16xi32> to vector<16x1xi32>
    %gather3A_1469 = vector.shape_cast %reshape3A_1468 : vector<16x1xi32> to vector<16xi32>
    %gather3A_1470 = tpu.dynamic_gather %get3A_18[%gather3A_1469] in [0] : vector<16xf32>, vector<16xi32> -> vector<16xf32>
    %swap3A_1471 = arith.constant 63 : i32
    %swap3A_1472 = arith.index_cast %swap3A_1471 : i32 to index
    %swap3A_1473 = arith.constant 0 : index
    %swap3A_1474 = tpu.vector_load %arg17[%swap3A_1472, %swap3A_1473] {strides = array<i32>} : memref<128x16xf32, #tpu.memory_space<vmem>>, vector<16xf32>,
    tpu.vector_store %arg17[%swap3A_1472, %swap3A_1473], %gather3A_1470 {strides = array<i32>} : memref<128x16xf32, #tpu.memory_space<vmem>>, vector<16xf32>,
    %reshape3A_1475 = vector.shape_cast %and3A_1397 : vector<16xi32> to vector<16x1xi32>
    %gather3A_1476 = vector.shape_cast %reshape3A_1475 : vector<16x1xi32> to vector<16xi32>
    %gather3A_1477 = tpu.dynamic_gather %get3A_34[%gather3A_1476] in [0] : vector<16xf32>, vector<16xi32> -> vector<16xf32>
    %swap3A_1478 = arith.constant 127 : i32
    %swap3A_1479 = arith.index_cast %swap3A_1478 : i32 to index
    %swap3A_1480 = arith.constant 0 : index
    %swap3A_1481 = tpu.vector_load %arg17[%swap3A_1479, %swap3A_1480] {strides = array<i32>} : memref<128x16xf32, #tpu.memory_space<vmem>>, vector<16xf32>,
    tpu.vector_store %arg17[%swap3A_1479, %swap3A_1480], %gather3A_1477 {strides = array<i32>} : memref<128x16xf32, #tpu.memory_space<vmem>>, vector<16xf32>,
    %add3A_1482 = arith.constant 0 : i32
    %add3A_1483 = arith.addi %mul3A_2, %add3A_1482 : i32
    %jit3A = arith.constant 128 : i32
    %div3A = arith.divsi %add3A_1483, %jit3A : i32
    %sign3A = arith.constant 0 : i32
    %sign3A_1484 = arith.cmpi sgt, %add3A_1483, %sign3A : i32
    %sign3A_1485 = arith.extui %sign3A_1484 : i1 to i32
    %sign3A_1486 = arith.constant 0 : i32
    %sign3A_1487 = arith.cmpi slt, %add3A_1483, %sign3A_1486 : i32
    %sign3A_1488 = arith.extui %sign3A_1487 : i1 to i32
    %sign3A_1489 = arith.subi %sign3A_1485, %sign3A_1488 : i32
    %sign3A_1490 = arith.constant 0 : i32
    %sign3A_1491 = arith.cmpi sgt, %jit3A, %sign3A_1490 : i32
    %sign3A_1492 = arith.extui %sign3A_1491 : i1 to i32
    %sign3A_1493 = arith.constant 0 : i32
    %sign3A_1494 = arith.cmpi slt, %jit3A, %sign3A_1493 : i32
    %sign3A_1495 = arith.extui %sign3A_1494 : i1 to i32
    %sign3A_1496 = arith.subi %sign3A_1492, %sign3A_1495 : i32
    %ne3A = arith.cmpi ne, %sign3A_1489, %sign3A_1496 : i32
    %rem3A = arith.remsi %add3A_1483, %jit3A : i32
    %ne3A_1497 = arith.constant 0 : i32
    %ne3A_1498 = arith.cmpi ne, %rem3A, %ne3A_1497 : i32
    %and3A_1499 = arith.andi %ne3A, %ne3A_1498 : i1
    %sub3A = arith.constant 1 : i32
    %sub3A_1500 = arith.subi %div3A, %sub3A : i32
    %select_n3A = arith.select %and3A_1499, %sub3A_1500, %div3A : i32
    %mul3A_1501 = arith.constant 128 : i32
    %mul3A_1502 = arith.muli %select_n3A, %mul3A_1501 : i32
    %sub3A_1503 = arith.subi %add3A_1483, %mul3A_1502 : i32
    %mul3A_1504 = arith.constant 128 : i32
    %mul3A_1505 = arith.muli %sub3A_1503, %mul3A_1504 : i32
    %dma_start3A = arith.constant 0 : i32
    %dma_start3A_1506 = tpu.memref_slice %arg2[%select_n3A, %mul3A_1505] : memref<50x16384xi32, #tpu.memory_space<hbm>> -> memref<1x128xi32, #tpu.memory_space<hbm>>
    %dma_start3A_1507 = tpu.memref_squeeze %dma_start3A_1506 : memref<1x128xi32, #tpu.memory_space<hbm>> -> memref<128xi32, #tpu.memory_space<hbm>>
    %dma_start3A_1508 = tpu.memref_slice %arg18[%dma_start3A] : memref<2x!tpu.dma_semaphore, #tpu.memory_space<semaphore_mem>> -> memref<1x!tpu.dma_semaphore, #tpu.memory_space<semaphore_mem>>
    %dma_start3A_1509 = tpu.memref_squeeze %dma_start3A_1508 : memref<1x!tpu.dma_semaphore, #tpu.memory_space<semaphore_mem>> -> memref<!tpu.dma_semaphore, #tpu.memory_space<semaphore_mem>>
    %dma_start3A_1510 = tpu.memref_slice %arg2[%select_n3A, %mul3A_1505] : memref<50x16384xi32, #tpu.memory_space<hbm>> -> memref<1x128xi32, #tpu.memory_space<hbm>>
    %dma_start3A_1511 = tpu.memref_squeeze %dma_start3A_1510 : memref<1x128xi32, #tpu.memory_space<hbm>> -> memref<128xi32, #tpu.memory_space<hbm>>
    tpu.enqueue_dma source(%dma_start3A_1511 : memref<128xi32, #tpu.memory_space<hbm>>) target(%arg7 : memref<128xi32, #tpu.memory_space<vmem>>) target_semaphore(%dma_start3A_1509 : memref<!tpu.dma_semaphore, #tpu.memory_space<semaphore_mem>>)
    %add3A_1512 = arith.constant 0 : i32
    %add3A_1513 = arith.addi %mul3A_2, %add3A_1512 : i32
    %jit3A_1514 = arith.constant 128 : i32
    %div3A_1515 = arith.divsi %add3A_1513, %jit3A_1514 : i32
    %sign3A_1516 = arith.constant 0 : i32
    %sign3A_1517 = arith.cmpi sgt, %add3A_1513, %sign3A_1516 : i32
    %sign3A_1518 = arith.extui %sign3A_1517 : i1 to i32
    %sign3A_1519 = arith.constant 0 : i32
    %sign3A_1520 = arith.cmpi slt, %add3A_1513, %sign3A_1519 : i32
    %sign3A_1521 = arith.extui %sign3A_1520 : i1 to i32
    %sign3A_1522 = arith.subi %sign3A_1518, %sign3A_1521 : i32
    %sign3A_1523 = arith.constant 0 : i32
    %sign3A_1524 = arith.cmpi sgt, %jit3A_1514, %sign3A_1523 : i32
    %sign3A_1525 = arith.extui %sign3A_1524 : i1 to i32
    %sign3A_1526 = arith.constant 0 : i32
    %sign3A_1527 = arith.cmpi slt, %jit3A_1514, %sign3A_1526 : i32
    %sign3A_1528 = arith.extui %sign3A_1527 : i1 to i32
    %sign3A_1529 = arith.subi %sign3A_1525, %sign3A_1528 : i32
    %ne3A_1530 = arith.cmpi ne, %sign3A_1522, %sign3A_1529 : i32
    %rem3A_1531 = arith.remsi %add3A_1513, %jit3A_1514 : i32
    %ne3A_1532 = arith.constant 0 : i32
    %ne3A_1533 = arith.cmpi ne, %rem3A_1531, %ne3A_1532 : i32
    %and3A_1534 = arith.andi %ne3A_1530, %ne3A_1533 : i1
    %sub3A_1535 = arith.constant 1 : i32
    %sub3A_1536 = arith.subi %div3A_1515, %sub3A_1535 : i32
    %select_n3A_1537 = arith.select %and3A_1534, %sub3A_1536, %div3A_1515 : i32
    %mul3A_1538 = arith.constant 128 : i32
    %mul3A_1539 = arith.muli %select_n3A_1537, %mul3A_1538 : i32
    %sub3A_1540 = arith.subi %add3A_1513, %mul3A_1539 : i32
    %mul3A_1541 = arith.constant 128 : i32
    %mul3A_1542 = arith.muli %sub3A_1540, %mul3A_1541 : i32
    %dma_wait3A = arith.constant 0 : i32
    %dma_wait3A_1543 = tpu.memref_slice %arg2[%select_n3A_1537, %mul3A_1542] : memref<50x16384xi32, #tpu.memory_space<hbm>> -> memref<1x128xi32, #tpu.memory_space<hbm>>
    %dma_wait3A_1544 = tpu.memref_squeeze %dma_wait3A_1543 : memref<1x128xi32, #tpu.memory_space<hbm>> -> memref<128xi32, #tpu.memory_space<hbm>>
    %dma_wait3A_1545 = tpu.memref_slice %arg18[%dma_wait3A] : memref<2x!tpu.dma_semaphore, #tpu.memory_space<semaphore_mem>> -> memref<1x!tpu.dma_semaphore, #tpu.memory_space<semaphore_mem>>
    %dma_wait3A_1546 = tpu.memref_squeeze %dma_wait3A_1545 : memref<1x!tpu.dma_semaphore, #tpu.memory_space<semaphore_mem>> -> memref<!tpu.dma_semaphore, #tpu.memory_space<semaphore_mem>>
    %dma_wait3A_1547 = tpu.memref_slice %arg2[%select_n3A_1537, %mul3A_1542] : memref<50x16384xi32, #tpu.memory_space<hbm>> -> memref<1x128xi32, #tpu.memory_space<hbm>>
    %dma_wait3A_1548 = tpu.memref_squeeze %dma_wait3A_1547 : memref<1x128xi32, #tpu.memory_space<hbm>> -> memref<128xi32, #tpu.memory_space<hbm>>
    tpu.wait_dma2 semaphore(%dma_wait3A_1546 : memref<!tpu.dma_semaphore, #tpu.memory_space<semaphore_mem>>) src(%dma_wait3A_1548 : memref<128xi32, #tpu.memory_space<hbm>>) dst(%arg7 : memref<128xi32, #tpu.memory_space<vmem>>)
    %get3A_1549 = arith.constant 0 : index
    %get3A_1550 = tpu.vector_load %arg7[%get3A_1549] {strides = array<i32>} : memref<128xi32, #tpu.memory_space<vmem>>, vector<16xi32>,
    %shift_right_logical3A = arith.constant 1 : i32
    %shift_right_logical3A_1551 = vector.broadcast %shift_right_logical3A : i32 to vector<16xi32>
    %shift_right_logical3A_1552 = arith.shrui %get3A_1550, %shift_right_logical3A_1551 : vector<16xi32>
    %swap3A_1553 = arith.constant 0 : index
    %swap3A_1554 = tpu.vector_load %arg9[%swap3A_1553] {strides = array<i32>} : memref<128xi32, #tpu.memory_space<vmem>>, vector<16xi32>,
    tpu.vector_store %arg9[%swap3A_1553], %shift_right_logical3A_1552 {strides = array<i32>} : memref<128xi32, #tpu.memory_space<vmem>>, vector<16xi32>,
    %get3A_1555 = arith.constant 16 : index
    %get3A_1556 = tpu.vector_load %arg7[%get3A_1555] {strides = array<i32>} : memref<128xi32, #tpu.memory_space<vmem>>, vector<16xi32>,
    %shift_right_logical3A_1557 = arith.constant 1 : i32
    %shift_right_logical3A_1558 = vector.broadcast %shift_right_logical3A_1557 : i32 to vector<16xi32>
    %shift_right_logical3A_1559 = arith.shrui %get3A_1556, %shift_right_logical3A_1558 : vector<16xi32>
    %swap3A_1560 = arith.constant 16 : index
    %swap3A_1561 = tpu.vector_load %arg9[%swap3A_1560] {strides = array<i32>} : memref<128xi32, #tpu.memory_space<vmem>>, vector<16xi32>,
    tpu.vector_store %arg9[%swap3A_1560], %shift_right_logical3A_1559 {strides = array<i32>} : memref<128xi32, #tpu.memory_space<vmem>>, vector<16xi32>,
    %get3A_1562 = arith.constant 32 : index
    %get3A_1563 = tpu.vector_load %arg7[%get3A_1562] {strides = array<i32>} : memref<128xi32, #tpu.memory_space<vmem>>, vector<16xi32>,
    %shift_right_logical3A_1564 = arith.constant 1 : i32
    %shift_right_logical3A_1565 = vector.broadcast %shift_right_logical3A_1564 : i32 to vector<16xi32>
    %shift_right_logical3A_1566 = arith.shrui %get3A_1563, %shift_right_logical3A_1565 : vector<16xi32>
    %swap3A_1567 = arith.constant 32 : index
    %swap3A_1568 = tpu.vector_load %arg9[%swap3A_1567] {strides = array<i32>} : memref<128xi32, #tpu.memory_space<vmem>>, vector<16xi32>,
    tpu.vector_store %arg9[%swap3A_1567], %shift_right_logical3A_1566 {strides = array<i32>} : memref<128xi32, #tpu.memory_space<vmem>>, vector<16xi32>,
    %get3A_1569 = arith.constant 48 : index
    %get3A_1570 = tpu.vector_load %arg7[%get3A_1569] {strides = array<i32>} : memref<128xi32, #tpu.memory_space<vmem>>, vector<16xi32>,
    %shift_right_logical3A_1571 = arith.constant 1 : i32
    %shift_right_logical3A_1572 = vector.broadcast %shift_right_logical3A_1571 : i32 to vector<16xi32>
    %shift_right_logical3A_1573 = arith.shrui %get3A_1570, %shift_right_logical3A_1572 : vector<16xi32>
    %swap3A_1574 = arith.constant 48 : index
    %swap3A_1575 = tpu.vector_load %arg9[%swap3A_1574] {strides = array<i32>} : memref<128xi32, #tpu.memory_space<vmem>>, vector<16xi32>,
    tpu.vector_store %arg9[%swap3A_1574], %shift_right_logical3A_1573 {strides = array<i32>} : memref<128xi32, #tpu.memory_space<vmem>>, vector<16xi32>,
    %get3A_1576 = arith.constant 64 : index
    %get3A_1577 = tpu.vector_load %arg7[%get3A_1576] {strides = array<i32>} : memref<128xi32, #tpu.memory_space<vmem>>, vector<16xi32>,
    %shift_right_logical3A_1578 = arith.constant 1 : i32
    %shift_right_logical3A_1579 = vector.broadcast %shift_right_logical3A_1578 : i32 to vector<16xi32>
    %shift_right_logical3A_1580 = arith.shrui %get3A_1577, %shift_right_logical3A_1579 : vector<16xi32>
    %swap3A_1581 = arith.constant 64 : index
    %swap3A_1582 = tpu.vector_load %arg9[%swap3A_1581] {strides = array<i32>} : memref<128xi32, #tpu.memory_space<vmem>>, vector<16xi32>,
    tpu.vector_store %arg9[%swap3A_1581], %shift_right_logical3A_1580 {strides = array<i32>} : memref<128xi32, #tpu.memory_space<vmem>>, vector<16xi32>,
    %get3A_1583 = arith.constant 80 : index
    %get3A_1584 = tpu.vector_load %arg7[%get3A_1583] {strides = array<i32>} : memref<128xi32, #tpu.memory_space<vmem>>, vector<16xi32>,
    %shift_right_logical3A_1585 = arith.constant 1 : i32
    %shift_right_logical3A_1586 = vector.broadcast %shift_right_logical3A_1585 : i32 to vector<16xi32>
    %shift_right_logical3A_1587 = arith.shrui %get3A_1584, %shift_right_logical3A_1586 : vector<16xi32>
    %swap3A_1588 = arith.constant 80 : index
    %swap3A_1589 = tpu.vector_load %arg9[%swap3A_1588] {strides = array<i32>} : memref<128xi32, #tpu.memory_space<vmem>>, vector<16xi32>,
    tpu.vector_store %arg9[%swap3A_1588], %shift_right_logical3A_1587 {strides = array<i32>} : memref<128xi32, #tpu.memory_space<vmem>>, vector<16xi32>,
    %get3A_1590 = arith.constant 96 : index
    %get3A_1591 = tpu.vector_load %arg7[%get3A_1590] {strides = array<i32>} : memref<128xi32, #tpu.memory_space<vmem>>, vector<16xi32>,
    %shift_right_logical3A_1592 = arith.constant 1 : i32
    %shift_right_logical3A_1593 = vector.broadcast %shift_right_logical3A_1592 : i32 to vector<16xi32>
    %shift_right_logical3A_1594 = arith.shrui %get3A_1591, %shift_right_logical3A_1593 : vector<16xi32>
    %swap3A_1595 = arith.constant 96 : index
    %swap3A_1596 = tpu.vector_load %arg9[%swap3A_1595] {strides = array<i32>} : memref<128xi32, #tpu.memory_space<vmem>>, vector<16xi32>,
    tpu.vector_store %arg9[%swap3A_1595], %shift_right_logical3A_1594 {strides = array<i32>} : memref<128xi32, #tpu.memory_space<vmem>>, vector<16xi32>,
    %get3A_1597 = arith.constant 112 : index
    %get3A_1598 = tpu.vector_load %arg7[%get3A_1597] {strides = array<i32>} : memref<128xi32, #tpu.memory_space<vmem>>, vector<16xi32>,
    %shift_right_logical3A_1599 = arith.constant 1 : i32
    %shift_right_logical3A_1600 = vector.broadcast %shift_right_logical3A_1599 : i32 to vector<16xi32>
    %shift_right_logical3A_1601 = arith.shrui %get3A_1598, %shift_right_logical3A_1600 : vector<16xi32>
    %swap3A_1602 = arith.constant 112 : index
    %swap3A_1603 = tpu.vector_load %arg9[%swap3A_1602] {strides = array<i32>} : memref<128xi32, #tpu.memory_space<vmem>>, vector<16xi32>,
    tpu.vector_store %arg9[%swap3A_1602], %shift_right_logical3A_1601 {strides = array<i32>} : memref<128xi32, #tpu.memory_space<vmem>>, vector<16xi32>,
    %dma_start3A_1604 = arith.constant 0 : i32
    %dma_start3A_1605 = arith.constant 0 : i32
    %dma_start3A_1606 = arith.constant 0 : i32
    %dma_start3A_1607 = tpu.memref_slice %arg3[%dma_start3A_1605, %dma_start3A_1606] : memref<500000x128xf32, #tpu.memory_space<hbm>> -> memref<500000x128xf32, #tpu.memory_space<hbm>>
    %dma_start3A_1608 = tpu.memref_slice %arg19[%dma_start3A_1604] : memref<2x!tpu.dma_semaphore, #tpu.memory_space<semaphore_mem>> -> memref<1x!tpu.dma_semaphore, #tpu.memory_space<semaphore_mem>>
    %dma_start3A_1609 = tpu.memref_squeeze %dma_start3A_1608 : memref<1x!tpu.dma_semaphore, #tpu.memory_space<semaphore_mem>> -> memref<!tpu.dma_semaphore, #tpu.memory_space<semaphore_mem>>
    tpu.enqueue_indirect_dma source(%dma_start3A_1607 : memref<500000x128xf32, #tpu.memory_space<hbm>>) target(%arg11 : memref<128x128xf32, #tpu.memory_space<vmem>>) offsets(%arg9 : memref<128xi32, #tpu.memory_space<vmem>>) semaphore(%dma_start3A_1609 : memref<!tpu.dma_semaphore, #tpu.memory_space<semaphore_mem>>)
    %add3A_1610 = arith.constant 1 : i32
    %add3A_1611 = arith.addi %mul3A_2, %add3A_1610 : i32
    %jit3A_1612 = arith.constant 128 : i32
    %div3A_1613 = arith.divsi %add3A_1611, %jit3A_1612 : i32
    %sign3A_1614 = arith.constant 0 : i32
    %sign3A_1615 = arith.cmpi sgt, %add3A_1611, %sign3A_1614 : i32
    %sign3A_1616 = arith.extui %sign3A_1615 : i1 to i32
    %sign3A_1617 = arith.constant 0 : i32
    %sign3A_1618 = arith.cmpi slt, %add3A_1611, %sign3A_1617 : i32
    %sign3A_1619 = arith.extui %sign3A_1618 : i1 to i32
    %sign3A_1620 = arith.subi %sign3A_1616, %sign3A_1619 : i32
    %sign3A_1621 = arith.constant 0 : i32
    %sign3A_1622 = arith.cmpi sgt, %jit3A_1612, %sign3A_1621 : i32
    %sign3A_1623 = arith.extui %sign3A_1622 : i1 to i32
    %sign3A_1624 = arith.constant 0 : i32
    %sign3A_1625 = arith.cmpi slt, %jit3A_1612, %sign3A_1624 : i32
    %sign3A_1626 = arith.extui %sign3A_1625 : i1 to i32
    %sign3A_1627 = arith.subi %sign3A_1623, %sign3A_1626 : i32
    %ne3A_1628 = arith.cmpi ne, %sign3A_1620, %sign3A_1627 : i32
    %rem3A_1629 = arith.remsi %add3A_1611, %jit3A_1612 : i32
    %ne3A_1630 = arith.constant 0 : i32
    %ne3A_1631 = arith.cmpi ne, %rem3A_1629, %ne3A_1630 : i32
    %and3A_1632 = arith.andi %ne3A_1628, %ne3A_1631 : i1
    %sub3A_1633 = arith.constant 1 : i32
    %sub3A_1634 = arith.subi %div3A_1613, %sub3A_1633 : i32
    %select_n3A_1635 = arith.select %and3A_1632, %sub3A_1634, %div3A_1613 : i32
    %mul3A_1636 = arith.constant 128 : i32
    %mul3A_1637 = arith.muli %select_n3A_1635, %mul3A_1636 : i32
    %sub3A_1638 = arith.subi %add3A_1611, %mul3A_1637 : i32
    %mul3A_1639 = arith.constant 128 : i32
    %mul3A_1640 = arith.muli %sub3A_1638, %mul3A_1639 : i32
    %dma_start3A_1641 = arith.constant 1 : i32
    %dma_start3A_1642 = tpu.memref_slice %arg2[%select_n3A_1635, %mul3A_1640] : memref<50x16384xi32, #tpu.memory_space<hbm>> -> memref<1x128xi32, #tpu.memory_space<hbm>>
    %dma_start3A_1643 = tpu.memref_squeeze %dma_start3A_1642 : memref<1x128xi32, #tpu.memory_space<hbm>> -> memref<128xi32, #tpu.memory_space<hbm>>
    %dma_start3A_1644 = tpu.memref_slice %arg18[%dma_start3A_1641] : memref<2x!tpu.dma_semaphore, #tpu.memory_space<semaphore_mem>> -> memref<1x!tpu.dma_semaphore, #tpu.memory_space<semaphore_mem>>
    %dma_start3A_1645 = tpu.memref_squeeze %dma_start3A_1644 : memref<1x!tpu.dma_semaphore, #tpu.memory_space<semaphore_mem>> -> memref<!tpu.dma_semaphore, #tpu.memory_space<semaphore_mem>>
    %dma_start3A_1646 = tpu.memref_slice %arg2[%select_n3A_1635, %mul3A_1640] : memref<50x16384xi32, #tpu.memory_space<hbm>> -> memref<1x128xi32, #tpu.memory_space<hbm>>
    %dma_start3A_1647 = tpu.memref_squeeze %dma_start3A_1646 : memref<1x128xi32, #tpu.memory_space<hbm>> -> memref<128xi32, #tpu.memory_space<hbm>>
    tpu.enqueue_dma source(%dma_start3A_1647 : memref<128xi32, #tpu.memory_space<hbm>>) target(%arg8 : memref<128xi32, #tpu.memory_space<vmem>>) target_semaphore(%dma_start3A_1645 : memref<!tpu.dma_semaphore, #tpu.memory_space<semaphore_mem>>)
    %scan3A = arith.constant 0 : i32
    %scan3A_1648 = arith.constant 0 : i32
    %scan3A_1649 = arith.constant 100 : i32
    %scan3A_1650 = arith.addi %scan3A_1648, %scan3A_1649 : i32
    %scan3A_1651 = arith.constant 1 : i32
    %scan3A_1652 = scf.for %scan3A_1738 = %scan3A_1648 to %scan3A_1650 step %scan3A_1651 iter_args(%scan3A_1739 = %scan3A) -> (i32)  : i32 {
      %mul3A_1740 = arith.constant 2 : i32
      %mul3A_1741 = arith.muli %scan3A_1738, %mul3A_1740 : i32
      %add3A_1742 = arith.constant 0 : i32
      %add3A_1743 = arith.addi %mul3A_1741, %add3A_1742 : i32
      %add3A_1744 = arith.constant 1 : i32
      %add3A_1745 = arith.addi %add3A_1743, %add3A_1744 : i32
      %lt3A = arith.constant 200 : i32
      %lt3A_1746 = arith.cmpi slt, %add3A_1745, %lt3A : i32
      %convert_element_type3A = arith.extui %lt3A_1746 : i1 to i32
      %cond3A = arith.constant 0 : i32
      %cond3A_1747 = arith.cmpi ne, %convert_element_type3A, %cond3A : i32
      scf.if %cond3A_1747 {
        %add3A_1891 = arith.constant 1 : i32
        %add3A_1892 = arith.addi %add3A_1743, %add3A_1891 : i32
        %add3A_1893 = arith.addi %mul3A_2, %add3A_1892 : i32
        %jit3A_1894 = arith.constant 128 : i32
        %div3A_1895 = arith.divsi %add3A_1893, %jit3A_1894 : i32
        %sign3A_1896 = arith.constant 0 : i32
        %sign3A_1897 = arith.cmpi sgt, %add3A_1893, %sign3A_1896 : i32
        %sign3A_1898 = arith.extui %sign3A_1897 : i1 to i32
        %sign3A_1899 = arith.constant 0 : i32
        %sign3A_1900 = arith.cmpi slt, %add3A_1893, %sign3A_1899 : i32
        %sign3A_1901 = arith.extui %sign3A_1900 : i1 to i32
        %sign3A_1902 = arith.subi %sign3A_1898, %sign3A_1901 : i32
        %sign3A_1903 = arith.constant 0 : i32
        %sign3A_1904 = arith.cmpi sgt, %jit3A_1894, %sign3A_1903 : i32
        %sign3A_1905 = arith.extui %sign3A_1904 : i1 to i32
        %sign3A_1906 = arith.constant 0 : i32
        %sign3A_1907 = arith.cmpi slt, %jit3A_1894, %sign3A_1906 : i32
        %sign3A_1908 = arith.extui %sign3A_1907 : i1 to i32
        %sign3A_1909 = arith.subi %sign3A_1905, %sign3A_1908 : i32
        %ne3A_1910 = arith.cmpi ne, %sign3A_1902, %sign3A_1909 : i32
        %rem3A_1911 = arith.remsi %add3A_1893, %jit3A_1894 : i32
        %ne3A_1912 = arith.constant 0 : i32
        %ne3A_1913 = arith.cmpi ne, %rem3A_1911, %ne3A_1912 : i32
        %and3A_1914 = arith.andi %ne3A_1910, %ne3A_1913 : i1
        %sub3A_1915 = arith.constant 1 : i32
        %sub3A_1916 = arith.subi %div3A_1895, %sub3A_1915 : i32
        %select_n3A_1917 = arith.select %and3A_1914, %sub3A_1916, %div3A_1895 : i32
        %mul3A_1918 = arith.constant 128 : i32
        %mul3A_1919 = arith.muli %select_n3A_1917, %mul3A_1918 : i32
        %sub3A_1920 = arith.subi %add3A_1893, %mul3A_1919 : i32
        %mul3A_1921 = arith.constant 128 : i32
        %mul3A_1922 = arith.muli %sub3A_1920, %mul3A_1921 : i32
        %dma_wait3A_1923 = arith.constant 1 : i32
        %dma_wait3A_1924 = tpu.memref_slice %arg2[%select_n3A_1917, %mul3A_1922] : memref<50x16384xi32, #tpu.memory_space<hbm>> -> memref<1x128xi32, #tpu.memory_space<hbm>>
        %dma_wait3A_1925 = tpu.memref_squeeze %dma_wait3A_1924 : memref<1x128xi32, #tpu.memory_space<hbm>> -> memref<128xi32, #tpu.memory_space<hbm>>
        %dma_wait3A_1926 = tpu.memref_slice %arg18[%dma_wait3A_1923] : memref<2x!tpu.dma_semaphore, #tpu.memory_space<semaphore_mem>> -> memref<1x!tpu.dma_semaphore, #tpu.memory_space<semaphore_mem>>
        %dma_wait3A_1927 = tpu.memref_squeeze %dma_wait3A_1926 : memref<1x!tpu.dma_semaphore, #tpu.memory_space<semaphore_mem>> -> memref<!tpu.dma_semaphore, #tpu.memory_space<semaphore_mem>>
        %dma_wait3A_1928 = tpu.memref_slice %arg2[%select_n3A_1917, %mul3A_1922] : memref<50x16384xi32, #tpu.memory_space<hbm>> -> memref<1x128xi32, #tpu.memory_space<hbm>>
        %dma_wait3A_1929 = tpu.memref_squeeze %dma_wait3A_1928 : memref<1x128xi32, #tpu.memory_space<hbm>> -> memref<128xi32, #tpu.memory_space<hbm>>
        tpu.wait_dma2 semaphore(%dma_wait3A_1927 : memref<!tpu.dma_semaphore, #tpu.memory_space<semaphore_mem>>) src(%dma_wait3A_1929 : memref<128xi32, #tpu.memory_space<hbm>>) dst(%arg8 : memref<128xi32, #tpu.memory_space<vmem>>)
        %get3A_1930 = arith.constant 0 : index
        %get3A_1931 = tpu.vector_load %arg8[%get3A_1930] {strides = array<i32>} : memref<128xi32, #tpu.memory_space<vmem>>, vector<16xi32>,
        %shift_right_logical3A_1932 = arith.constant 1 : i32
        %shift_right_logical3A_1933 = vector.broadcast %shift_right_logical3A_1932 : i32 to vector<16xi32>
        %shift_right_logical3A_1934 = arith.shrui %get3A_1931, %shift_right_logical3A_1933 : vector<16xi32>
        %swap3A_1935 = arith.constant 0 : index
        %swap3A_1936 = tpu.vector_load %arg10[%swap3A_1935] {strides = array<i32>} : memref<128xi32, #tpu.memory_space<vmem>>, vector<16xi32>,
        tpu.vector_store %arg10[%swap3A_1935], %shift_right_logical3A_1934 {strides = array<i32>} : memref<128xi32, #tpu.memory_space<vmem>>, vector<16xi32>,
        %get3A_1937 = arith.constant 16 : index
        %get3A_1938 = tpu.vector_load %arg8[%get3A_1937] {strides = array<i32>} : memref<128xi32, #tpu.memory_space<vmem>>, vector<16xi32>,
        %shift_right_logical3A_1939 = arith.constant 1 : i32
        %shift_right_logical3A_1940 = vector.broadcast %shift_right_logical3A_1939 : i32 to vector<16xi32>
        %shift_right_logical3A_1941 = arith.shrui %get3A_1938, %shift_right_logical3A_1940 : vector<16xi32>
        %swap3A_1942 = arith.constant 16 : index
        %swap3A_1943 = tpu.vector_load %arg10[%swap3A_1942] {strides = array<i32>} : memref<128xi32, #tpu.memory_space<vmem>>, vector<16xi32>,
        tpu.vector_store %arg10[%swap3A_1942], %shift_right_logical3A_1941 {strides = array<i32>} : memref<128xi32, #tpu.memory_space<vmem>>, vector<16xi32>,
        %get3A_1944 = arith.constant 32 : index
        %get3A_1945 = tpu.vector_load %arg8[%get3A_1944] {strides = array<i32>} : memref<128xi32, #tpu.memory_space<vmem>>, vector<16xi32>,
        %shift_right_logical3A_1946 = arith.constant 1 : i32
        %shift_right_logical3A_1947 = vector.broadcast %shift_right_logical3A_1946 : i32 to vector<16xi32>
        %shift_right_logical3A_1948 = arith.shrui %get3A_1945, %shift_right_logical3A_1947 : vector<16xi32>
        %swap3A_1949 = arith.constant 32 : index
        %swap3A_1950 = tpu.vector_load %arg10[%swap3A_1949] {strides = array<i32>} : memref<128xi32, #tpu.memory_space<vmem>>, vector<16xi32>,
        tpu.vector_store %arg10[%swap3A_1949], %shift_right_logical3A_1948 {strides = array<i32>} : memref<128xi32, #tpu.memory_space<vmem>>, vector<16xi32>,
        %get3A_1951 = arith.constant 48 : index
        %get3A_1952 = tpu.vector_load %arg8[%get3A_1951] {strides = array<i32>} : memref<128xi32, #tpu.memory_space<vmem>>, vector<16xi32>,
        %shift_right_logical3A_1953 = arith.constant 1 : i32
        %shift_right_logical3A_1954 = vector.broadcast %shift_right_logical3A_1953 : i32 to vector<16xi32>
        %shift_right_logical3A_1955 = arith.shrui %get3A_1952, %shift_right_logical3A_1954 : vector<16xi32>
        %swap3A_1956 = arith.constant 48 : index
        %swap3A_1957 = tpu.vector_load %arg10[%swap3A_1956] {strides = array<i32>} : memref<128xi32, #tpu.memory_space<vmem>>, vector<16xi32>,
        tpu.vector_store %arg10[%swap3A_1956], %shift_right_logical3A_1955 {strides = array<i32>} : memref<128xi32, #tpu.memory_space<vmem>>, vector<16xi32>,
        %get3A_1958 = arith.constant 64 : index
        %get3A_1959 = tpu.vector_load %arg8[%get3A_1958] {strides = array<i32>} : memref<128xi32, #tpu.memory_space<vmem>>, vector<16xi32>,
        %shift_right_logical3A_1960 = arith.constant 1 : i32
        %shift_right_logical3A_1961 = vector.broadcast %shift_right_logical3A_1960 : i32 to vector<16xi32>
        %shift_right_logical3A_1962 = arith.shrui %get3A_1959, %shift_right_logical3A_1961 : vector<16xi32>
        %swap3A_1963 = arith.constant 64 : index
        %swap3A_1964 = tpu.vector_load %arg10[%swap3A_1963] {strides = array<i32>} : memref<128xi32, #tpu.memory_space<vmem>>, vector<16xi32>,
        tpu.vector_store %arg10[%swap3A_1963], %shift_right_logical3A_1962 {strides = array<i32>} : memref<128xi32, #tpu.memory_space<vmem>>, vector<16xi32>,
        %get3A_1965 = arith.constant 80 : index
        %get3A_1966 = tpu.vector_load %arg8[%get3A_1965] {strides = array<i32>} : memref<128xi32, #tpu.memory_space<vmem>>, vector<16xi32>,
        %shift_right_logical3A_1967 = arith.constant 1 : i32
        %shift_right_logical3A_1968 = vector.broadcast %shift_right_logical3A_1967 : i32 to vector<16xi32>
        %shift_right_logical3A_1969 = arith.shrui %get3A_1966, %shift_right_logical3A_1968 : vector<16xi32>
        %swap3A_1970 = arith.constant 80 : index
        %swap3A_1971 = tpu.vector_load %arg10[%swap3A_1970] {strides = array<i32>} : memref<128xi32, #tpu.memory_space<vmem>>, vector<16xi32>,
        tpu.vector_store %arg10[%swap3A_1970], %shift_right_logical3A_1969 {strides = array<i32>} : memref<128xi32, #tpu.memory_space<vmem>>, vector<16xi32>,
        %get3A_1972 = arith.constant 96 : index
        %get3A_1973 = tpu.vector_load %arg8[%get3A_1972] {strides = array<i32>} : memref<128xi32, #tpu.memory_space<vmem>>, vector<16xi32>,
        %shift_right_logical3A_1974 = arith.constant 1 : i32
        %shift_right_logical3A_1975 = vector.broadcast %shift_right_logical3A_1974 : i32 to vector<16xi32>
        %shift_right_logical3A_1976 = arith.shrui %get3A_1973, %shift_right_logical3A_1975 : vector<16xi32>
        %swap3A_1977 = arith.constant 96 : index
        %swap3A_1978 = tpu.vector_load %arg10[%swap3A_1977] {strides = array<i32>} : memref<128xi32, #tpu.memory_space<vmem>>, vector<16xi32>,
        tpu.vector_store %arg10[%swap3A_1977], %shift_right_logical3A_1976 {strides = array<i32>} : memref<128xi32, #tpu.memory_space<vmem>>, vector<16xi32>,
        %get3A_1979 = arith.constant 112 : index
        %get3A_1980 = tpu.vector_load %arg8[%get3A_1979] {strides = array<i32>} : memref<128xi32, #tpu.memory_space<vmem>>, vector<16xi32>,
        %shift_right_logical3A_1981 = arith.constant 1 : i32
        %shift_right_logical3A_1982 = vector.broadcast %shift_right_logical3A_1981 : i32 to vector<16xi32>
        %shift_right_logical3A_1983 = arith.shrui %get3A_1980, %shift_right_logical3A_1982 : vector<16xi32>
        %swap3A_1984 = arith.constant 112 : index
        %swap3A_1985 = tpu.vector_load %arg10[%swap3A_1984] {strides = array<i32>} : memref<128xi32, #tpu.memory_space<vmem>>, vector<16xi32>,
        tpu.vector_store %arg10[%swap3A_1984], %shift_right_logical3A_1983 {strides = array<i32>} : memref<128xi32, #tpu.memory_space<vmem>>, vector<16xi32>,
        %dma_start3A_1986 = arith.constant 1 : i32
        %dma_start3A_1987 = arith.constant 0 : i32
        %dma_start3A_1988 = arith.constant 0 : i32
        %dma_start3A_1989 = tpu.memref_slice %arg3[%dma_start3A_1987, %dma_start3A_1988] : memref<500000x128xf32, #tpu.memory_space<hbm>> -> memref<500000x128xf32, #tpu.memory_space<hbm>>
        %dma_start3A_1990 = tpu.memref_slice %arg19[%dma_start3A_1986] : memref<2x!tpu.dma_semaphore, #tpu.memory_space<semaphore_mem>> -> memref<1x!tpu.dma_semaphore, #tpu.memory_space<semaphore_mem>>
        %dma_start3A_1991 = tpu.memref_squeeze %dma_start3A_1990 : memref<1x!tpu.dma_semaphore, #tpu.memory_space<semaphore_mem>> -> memref<!tpu.dma_semaphore, #tpu.memory_space<semaphore_mem>>
        tpu.enqueue_indirect_dma source(%dma_start3A_1989 : memref<500000x128xf32, #tpu.memory_space<hbm>>) target(%arg12 : memref<128x128xf32, #tpu.memory_space<vmem>>) offsets(%arg10 : memref<128xi32, #tpu.memory_space<vmem>>) semaphore(%dma_start3A_1991 : memref<!tpu.dma_semaphore, #tpu.memory_space<semaphore_mem>>)
      } else {
      }
      %dma_wait3A_1748 = arith.constant 0 : i32
      %dma_wait3A_1749 = arith.constant 0 : i32
      %dma_wait3A_1750 = arith.constant 0 : i32
      %dma_wait3A_1751 = tpu.memref_slice %arg3[%dma_wait3A_1749, %dma_wait3A_1750] : memref<500000x128xf32, #tpu.memory_space<hbm>> -> memref<500000x128xf32, #tpu.memory_space<hbm>>
      %dma_wait3A_1752 = tpu.memref_slice %arg19[%dma_wait3A_1748] : memref<2x!tpu.dma_semaphore, #tpu.memory_space<semaphore_mem>> -> memref<1x!tpu.dma_semaphore, #tpu.memory_space<semaphore_mem>>
      %dma_wait3A_1753 = tpu.memref_squeeze %dma_wait3A_1752 : memref<1x!tpu.dma_semaphore, #tpu.memory_space<semaphore_mem>> -> memref<!tpu.dma_semaphore, #tpu.memory_space<semaphore_mem>>
      tpu.wait_indirect_dma semaphore(%dma_wait3A_1753 : memref<!tpu.dma_semaphore, #tpu.memory_space<semaphore_mem>>) src(%dma_wait3A_1751 : memref<500000x128xf32, #tpu.memory_space<hbm>>) dst(%arg11 : memref<128x128xf32, #tpu.memory_space<vmem>>)
      %ge3A = arith.constant 2 : i32
      %ge3A_1754 = arith.cmpi sge, %add3A_1743, %ge3A : i32
      %convert_element_type3A_1755 = arith.extui %ge3A_1754 : i1 to i32
      %cond3A_1756 = arith.constant 0 : i32
      %cond3A_1757 = arith.cmpi ne, %convert_element_type3A_1755, %cond3A_1756 : i32
      scf.if %cond3A_1757 {
        %sub3A_1891 = arith.constant 2 : i32
        %sub3A_1892 = arith.subi %add3A_1743, %sub3A_1891 : i32
        %add3A_1893 = arith.addi %mul3A_2, %sub3A_1892 : i32
        %jit3A_1894 = arith.constant 128 : i32
        %div3A_1895 = arith.divsi %add3A_1893, %jit3A_1894 : i32
        %sign3A_1896 = arith.constant 0 : i32
        %sign3A_1897 = arith.cmpi sgt, %add3A_1893, %sign3A_1896 : i32
        %sign3A_1898 = arith.extui %sign3A_1897 : i1 to i32
        %sign3A_1899 = arith.constant 0 : i32
        %sign3A_1900 = arith.cmpi slt, %add3A_1893, %sign3A_1899 : i32
        %sign3A_1901 = arith.extui %sign3A_1900 : i1 to i32
        %sign3A_1902 = arith.subi %sign3A_1898, %sign3A_1901 : i32
        %sign3A_1903 = arith.constant 0 : i32
        %sign3A_1904 = arith.cmpi sgt, %jit3A_1894, %sign3A_1903 : i32
        %sign3A_1905 = arith.extui %sign3A_1904 : i1 to i32
        %sign3A_1906 = arith.constant 0 : i32
        %sign3A_1907 = arith.cmpi slt, %jit3A_1894, %sign3A_1906 : i32
        %sign3A_1908 = arith.extui %sign3A_1907 : i1 to i32
        %sign3A_1909 = arith.subi %sign3A_1905, %sign3A_1908 : i32
        %ne3A_1910 = arith.cmpi ne, %sign3A_1902, %sign3A_1909 : i32
        %rem3A_1911 = arith.remsi %add3A_1893, %jit3A_1894 : i32
        %ne3A_1912 = arith.constant 0 : i32
        %ne3A_1913 = arith.cmpi ne, %rem3A_1911, %ne3A_1912 : i32
        %and3A_1914 = arith.andi %ne3A_1910, %ne3A_1913 : i1
        %sub3A_1915 = arith.constant 1 : i32
        %sub3A_1916 = arith.subi %div3A_1895, %sub3A_1915 : i32
        %select_n3A_1917 = arith.select %and3A_1914, %sub3A_1916, %div3A_1895 : i32
        %mul3A_1918 = arith.constant 128 : i32
        %mul3A_1919 = arith.muli %select_n3A_1917, %mul3A_1918 : i32
        %sub3A_1920 = arith.subi %add3A_1893, %mul3A_1919 : i32
        %dma_wait3A_1921 = arith.constant 0 : i32
        %dma_wait3A_1922 = arith.constant 0 : i32
        %dma_wait3A_1923 = arith.constant 0 : i32
        %dma_wait3A_1924 = arith.constant 0 : i32
        %dma_wait3A_1925 = tpu.memref_slice %arg6[%select_n3A_1917, %dma_wait3A_1922, %sub3A_1920, %dma_wait3A_1923, %dma_wait3A_1924] : memref<50x8x128x8x128xf32, #tpu.memory_space<hbm>> -> memref<1x8x1x8x128xf32, #tpu.memory_space<hbm>>
        %dma_wait3A_1926 = tpu.memref_squeeze %dma_wait3A_1925 : memref<1x8x1x8x128xf32, #tpu.memory_space<hbm>> -> memref<8x8x128xf32, #tpu.memory_space<hbm>>
        %dma_wait3A_1927 = tpu.memref_slice %arg20[%dma_wait3A_1921] : memref<2x!tpu.dma_semaphore, #tpu.memory_space<semaphore_mem>> -> memref<1x!tpu.dma_semaphore, #tpu.memory_space<semaphore_mem>>
        %dma_wait3A_1928 = tpu.memref_squeeze %dma_wait3A_1927 : memref<1x!tpu.dma_semaphore, #tpu.memory_space<semaphore_mem>> -> memref<!tpu.dma_semaphore, #tpu.memory_space<semaphore_mem>>
        %dma_wait3A_1929 = arith.constant 0 : i32
        %dma_wait3A_1930 = arith.constant 0 : i32
        %dma_wait3A_1931 = arith.constant 0 : i32
        %dma_wait3A_1932 = tpu.memref_slice %arg6[%select_n3A_1917, %dma_wait3A_1929, %sub3A_1920, %dma_wait3A_1930, %dma_wait3A_1931] : memref<50x8x128x8x128xf32, #tpu.memory_space<hbm>> -> memref<1x8x1x8x128xf32, #tpu.memory_space<hbm>>
        %dma_wait3A_1933 = tpu.memref_squeeze %dma_wait3A_1932 : memref<1x8x1x8x128xf32, #tpu.memory_space<hbm>> -> memref<8x8x128xf32, #tpu.memory_space<hbm>>
        tpu.wait_dma2 semaphore(%dma_wait3A_1928 : memref<!tpu.dma_semaphore, #tpu.memory_space<semaphore_mem>>) src(%arg13 : memref<8x8x128xf32, #tpu.memory_space<vmem>>) dst(%dma_wait3A_1933 : memref<8x8x128xf32, #tpu.memory_space<hbm>>)
      } else {
      }
      %scan3A_1758 = arith.constant 0 : i32
      %scan3A_1759 = arith.constant 0 : i32
      %scan3A_1760 = arith.constant 8 : i32
      %scan3A_1761 = arith.addi %scan3A_1759, %scan3A_1760 : i32
      %scan3A_1762 = arith.constant 1 : i32
      %scan3A_1763 = scf.for %scan3A_1891 = %scan3A_1759 to %scan3A_1761 step %scan3A_1762 iter_args(%scan3A_1892 = %scan3A_1758) -> (i32)  : i32 {
        %mul3A_1893 = arith.constant 16 : i32
        %mul3A_1894 = arith.muli %scan3A_1891, %mul3A_1893 : i32
        %add3A_1895 = vector.broadcast %mul3A_1894 : i32 to vector<16xi32>
        %add3A_1896 = arith.addi %iota3A, %add3A_1895 : vector<16xi32>
        %get3A_1897 = arith.index_cast %mul3A_1894 : i32 to index
        %get3A_1898 = tpu.vector_load %arg7[%get3A_1897] {strides = array<i32>} : memref<128xi32, #tpu.memory_space<vmem>>, vector<16xi32>,
        %and3A_1899 = arith.constant 1 : i32
        %and3A_1900 = vector.broadcast %and3A_1899 : i32 to vector<16xi32>
        %and3A_1901 = arith.andi %get3A_1898, %and3A_1900 : vector<16xi32>
        %shift_left3A = arith.constant 6 : i32
        %shift_left3A_1902 = vector.broadcast %shift_left3A : i32 to vector<16xi32>
        %shift_left3A_1903 = arith.shli %and3A_1901, %shift_left3A_1902 : vector<16xi32>
        %broadcast_in_dim3A = arith.constant 0.000000e+00 : f32
        %broadcast_in_dim3A_1904 = vector.broadcast %broadcast_in_dim3A : f32 to vector<16xf32>
        %parallel_loop3A = arith.constant 0 : i32
        %parallel_loop3A_1905 = arith.constant 64 : i32
        %parallel_loop3A_1906 = arith.constant 1 : i32
        %parallel_loop3A_1907:2 = scf.for %parallel_loop3A_1951 = %parallel_loop3A to %parallel_loop3A_1905 step %parallel_loop3A_1906 iter_args(%parallel_loop3A_1952 = %broadcast_in_dim3A_1904, %parallel_loop3A_1953 = %broadcast_in_dim3A_1904) -> (vector<16xf32>, vector<16xf32>)  : i32 {
          %parallel_loop3A_1954 = arith.index_cast %parallel_loop3A_1951 : i32 to index
          %parallel_loop3A_1955 = arith.constant 0 : index
          %parallel_loop3A_1956 = tpu.vector_load %arg16[%parallel_loop3A_1954, %parallel_loop3A_1955] {strides = array<i32>} : memref<64x16xi32, #tpu.memory_space<vmem>>, vector<16xi32>,
          %parallel_loop3A_1957 = arith.addi %shift_left3A_1903, %parallel_loop3A_1956 : vector<16xi32>
          %parallel_loop3A_1958 = tpu.vector_load_idx %arg11[%add3A_1896, %parallel_loop3A_1957] : memref<128x128xf32, #tpu.memory_space<vmem>>[vector<16xi32>, vector<16xi32>], vector<16xf32>,
          %parallel_loop3A_1959 = arith.addf %parallel_loop3A_1952, %parallel_loop3A_1958 : vector<16xf32>
          %parallel_loop3A_1960 = arith.mulf %parallel_loop3A_1958, %parallel_loop3A_1958 : vector<16xf32>
          %parallel_loop3A_1961 = arith.addf %parallel_loop3A_1953, %parallel_loop3A_1960 : vector<16xf32>
          scf.yield %parallel_loop3A_1959, %parallel_loop3A_1961 : vector<16xf32>, vector<16xf32>
        } {sc.loop_unroll_factor = 8 : i64, sc.parallel_access}
        %mul3A_1908 = arith.constant 1.562500e-02 : f32
        %mul3A_1909 = vector.broadcast %mul3A_1908 : f32 to vector<16xf32>
        %mul3A_1910 = arith.mulf %parallel_loop3A_1907#0, %mul3A_1909 : vector<16xf32>
        %mul3A_1911 = arith.constant 1.562500e-02 : f32
        %mul3A_1912 = vector.broadcast %mul3A_1911 : f32 to vector<16xf32>
        %mul3A_1913 = arith.mulf %parallel_loop3A_1907#1, %mul3A_1912 : vector<16xf32>
        %mul3A_1914 = arith.mulf %mul3A_1910, %mul3A_1910 : vector<16xf32>
        %sub3A_1915 = arith.subf %mul3A_1913, %mul3A_1914 : vector<16xf32>
        %add3A_1916 = arith.constant 9.99999996E-13 : f32
        %add3A_1917 = vector.broadcast %add3A_1916 : f32 to vector<16xf32>
        %add3A_1918 = arith.addf %sub3A_1915, %add3A_1917 : vector<16xf32>
        %bitcast_convert_type3A = tpu.bitcast %add3A_1918 : vector<16xf32> -> vector<16xi32>
        %shift_right_logical3A_1919 = arith.constant 1 : i32
        %shift_right_logical3A_1920 = vector.broadcast %shift_right_logical3A_1919 : i32 to vector<16xi32>
        %shift_right_logical3A_1921 = arith.shrui %bitcast_convert_type3A, %shift_right_logical3A_1920 : vector<16xi32>
        %sub3A_1922 = arith.constant 1597463007 : i32
        %sub3A_1923 = vector.broadcast %sub3A_1922 : i32 to vector<16xi32>
        %sub3A_1924 = arith.subi %sub3A_1923, %shift_right_logical3A_1921 : vector<16xi32>
        %bitcast_convert_type3A_1925 = tpu.bitcast %sub3A_1924 : vector<16xi32> -> vector<16xf32>
        %mul3A_1926 = arith.constant 5.000000e-01 : f32
        %mul3A_1927 = vector.broadcast %mul3A_1926 : f32 to vector<16xf32>
        %mul3A_1928 = arith.mulf %mul3A_1927, %add3A_1918 : vector<16xf32>
        %mul3A_1929 = arith.mulf %mul3A_1928, %bitcast_convert_type3A_1925 : vector<16xf32>
        %mul3A_1930 = arith.mulf %mul3A_1929, %bitcast_convert_type3A_1925 : vector<16xf32>
        %sub3A_1931 = arith.constant 1.500000e+00 : f32
        %sub3A_1932 = vector.broadcast %sub3A_1931 : f32 to vector<16xf32>
        %sub3A_1933 = arith.subf %sub3A_1932, %mul3A_1930 : vector<16xf32>
        %mul3A_1934 = arith.mulf %bitcast_convert_type3A_1925, %sub3A_1933 : vector<16xf32>
        %mul3A_1935 = arith.mulf %mul3A_1928, %mul3A_1934 : vector<16xf32>
        %mul3A_1936 = arith.mulf %mul3A_1935, %mul3A_1934 : vector<16xf32>
        %sub3A_1937 = arith.constant 1.500000e+00 : f32
        %sub3A_1938 = vector.broadcast %sub3A_1937 : f32 to vector<16xf32>
        %sub3A_1939 = arith.subf %sub3A_1938, %mul3A_1936 : vector<16xf32>
        %mul3A_1940 = arith.mulf %mul3A_1934, %sub3A_1939 : vector<16xf32>
        %mul3A_1941 = arith.mulf %mul3A_1928, %mul3A_1940 : vector<16xf32>
        %mul3A_1942 = arith.mulf %mul3A_1941, %mul3A_1940 : vector<16xf32>
        %sub3A_1943 = arith.constant 1.500000e+00 : f32
        %sub3A_1944 = vector.broadcast %sub3A_1943 : f32 to vector<16xf32>
        %sub3A_1945 = arith.subf %sub3A_1944, %mul3A_1942 : vector<16xf32>
        %mul3A_1946 = arith.mulf %mul3A_1940, %sub3A_1945 : vector<16xf32>
        %parallel_loop3A_1947 = arith.constant 0 : i32
        %parallel_loop3A_1948 = arith.constant 64 : i32
        %parallel_loop3A_1949 = arith.constant 1 : i32
        scf.for %parallel_loop3A_1951 = %parallel_loop3A_1947 to %parallel_loop3A_1948 step %parallel_loop3A_1949  : i32 {
          %parallel_loop3A_1952 = arith.index_cast %parallel_loop3A_1951 : i32 to index
          %parallel_loop3A_1953 = arith.constant 0 : index
          %parallel_loop3A_1954 = tpu.vector_load %arg16[%parallel_loop3A_1952, %parallel_loop3A_1953] {strides = array<i32>} : memref<64x16xi32, #tpu.memory_space<vmem>>, vector<16xi32>,
          %parallel_loop3A_1955 = arith.addi %shift_left3A_1903, %parallel_loop3A_1954 : vector<16xi32>
          %parallel_loop3A_1956 = tpu.vector_load_idx %arg11[%add3A_1896, %parallel_loop3A_1955] : memref<128x128xf32, #tpu.memory_space<vmem>>[vector<16xi32>, vector<16xi32>], vector<16xf32>,
          %parallel_loop3A_1957 = arith.subf %parallel_loop3A_1956, %mul3A_1910 : vector<16xf32>
          %parallel_loop3A_1958 = arith.mulf %parallel_loop3A_1957, %mul3A_1946 : vector<16xf32>
          %parallel_loop3A_1959 = arith.index_cast %parallel_loop3A_1951 : i32 to index
          %parallel_loop3A_1960 = arith.constant 0 : index
          %parallel_loop3A_1961 = tpu.vector_load %arg17[%parallel_loop3A_1959, %parallel_loop3A_1960] {strides = array<i32>} : memref<128x16xf32, #tpu.memory_space<vmem>>, vector<16xf32>,
          %parallel_loop3A_1962 = arith.mulf %parallel_loop3A_1958, %parallel_loop3A_1961 : vector<16xf32>
          %parallel_loop3A_1963 = arith.constant 64 : i32
          %parallel_loop3A_1964 = arith.addi %parallel_loop3A_1963, %parallel_loop3A_1951 : i32
          %parallel_loop3A_1965 = arith.index_cast %parallel_loop3A_1964 : i32 to index
          %parallel_loop3A_1966 = arith.constant 0 : index
          %parallel_loop3A_1967 = tpu.vector_load %arg17[%parallel_loop3A_1965, %parallel_loop3A_1966] {strides = array<i32>} : memref<128x16xf32, #tpu.memory_space<vmem>>, vector<16xf32>,
          %parallel_loop3A_1968 = arith.addf %parallel_loop3A_1962, %parallel_loop3A_1967 : vector<16xf32>
          %parallel_loop3A_1969 = arith.constant 3 : i32
          %parallel_loop3A_1970 = vector.broadcast %parallel_loop3A_1969 : i32 to vector<16xi32>
          %parallel_loop3A_1971 = arith.shrui %parallel_loop3A_1954, %parallel_loop3A_1970 : vector<16xi32>
          %parallel_loop3A_1972 = arith.constant 7 : i32
          %parallel_loop3A_1973 = vector.broadcast %parallel_loop3A_1972 : i32 to vector<16xi32>
          %parallel_loop3A_1974 = arith.andi %parallel_loop3A_1954, %parallel_loop3A_1973 : vector<16xi32>
          tpu.vector_store_idx %arg13[%parallel_loop3A_1971, %parallel_loop3A_1974, %add3A_1896], %parallel_loop3A_1968 : memref<8x8x128xf32, #tpu.memory_space<vmem>>[vector<16xi32>, vector<16xi32>, vector<16xi32>], vector<16xf32>,
        } {sc.loop_unroll_factor = 8 : i64, sc.parallel_access}
        %scan3A_1950 = arith.constant 0 : i32
        scf.yield %scan3A_1950 : i32
      }
      %scan3A_1764 = arith.constant 8 : i32
      %add3A_1765 = arith.constant 2 : i32
      %add3A_1766 = arith.addi %add3A_1743, %add3A_1765 : i32
      %lt3A_1767 = arith.constant 200 : i32
      %lt3A_1768 = arith.cmpi slt, %add3A_1766, %lt3A_1767 : i32
      %convert_element_type3A_1769 = arith.extui %lt3A_1768 : i1 to i32
      %cond3A_1770 = arith.constant 0 : i32
      %cond3A_1771 = arith.cmpi ne, %convert_element_type3A_1769, %cond3A_1770 : i32
      scf.if %cond3A_1771 {
        %add3A_1891 = arith.constant 2 : i32
        %add3A_1892 = arith.addi %add3A_1743, %add3A_1891 : i32
        %add3A_1893 = arith.addi %mul3A_2, %add3A_1892 : i32
        %jit3A_1894 = arith.constant 128 : i32
        %div3A_1895 = arith.divsi %add3A_1893, %jit3A_1894 : i32
        %sign3A_1896 = arith.constant 0 : i32
        %sign3A_1897 = arith.cmpi sgt, %add3A_1893, %sign3A_1896 : i32
        %sign3A_1898 = arith.extui %sign3A_1897 : i1 to i32
        %sign3A_1899 = arith.constant 0 : i32
        %sign3A_1900 = arith.cmpi slt, %add3A_1893, %sign3A_1899 : i32
        %sign3A_1901 = arith.extui %sign3A_1900 : i1 to i32
        %sign3A_1902 = arith.subi %sign3A_1898, %sign3A_1901 : i32
        %sign3A_1903 = arith.constant 0 : i32
        %sign3A_1904 = arith.cmpi sgt, %jit3A_1894, %sign3A_1903 : i32
        %sign3A_1905 = arith.extui %sign3A_1904 : i1 to i32
        %sign3A_1906 = arith.constant 0 : i32
        %sign3A_1907 = arith.cmpi slt, %jit3A_1894, %sign3A_1906 : i32
        %sign3A_1908 = arith.extui %sign3A_1907 : i1 to i32
        %sign3A_1909 = arith.subi %sign3A_1905, %sign3A_1908 : i32
        %ne3A_1910 = arith.cmpi ne, %sign3A_1902, %sign3A_1909 : i32
        %rem3A_1911 = arith.remsi %add3A_1893, %jit3A_1894 : i32
        %ne3A_1912 = arith.constant 0 : i32
        %ne3A_1913 = arith.cmpi ne, %rem3A_1911, %ne3A_1912 : i32
        %and3A_1914 = arith.andi %ne3A_1910, %ne3A_1913 : i1
        %sub3A_1915 = arith.constant 1 : i32
        %sub3A_1916 = arith.subi %div3A_1895, %sub3A_1915 : i32
        %select_n3A_1917 = arith.select %and3A_1914, %sub3A_1916, %div3A_1895 : i32
        %mul3A_1918 = arith.constant 128 : i32
        %mul3A_1919 = arith.muli %select_n3A_1917, %mul3A_1918 : i32
        %sub3A_1920 = arith.subi %add3A_1893, %mul3A_1919 : i32
        %mul3A_1921 = arith.constant 128 : i32
        %mul3A_1922 = arith.muli %sub3A_1920, %mul3A_1921 : i32
        %dma_start3A_1923 = arith.constant 0 : i32
        %dma_start3A_1924 = tpu.memref_slice %arg2[%select_n3A_1917, %mul3A_1922] : memref<50x16384xi32, #tpu.memory_space<hbm>> -> memref<1x128xi32, #tpu.memory_space<hbm>>
        %dma_start3A_1925 = tpu.memref_squeeze %dma_start3A_1924 : memref<1x128xi32, #tpu.memory_space<hbm>> -> memref<128xi32, #tpu.memory_space<hbm>>
        %dma_start3A_1926 = tpu.memref_slice %arg18[%dma_start3A_1923] : memref<2x!tpu.dma_semaphore, #tpu.memory_space<semaphore_mem>> -> memref<1x!tpu.dma_semaphore, #tpu.memory_space<semaphore_mem>>
        %dma_start3A_1927 = tpu.memref_squeeze %dma_start3A_1926 : memref<1x!tpu.dma_semaphore, #tpu.memory_space<semaphore_mem>> -> memref<!tpu.dma_semaphore, #tpu.memory_space<semaphore_mem>>
        %dma_start3A_1928 = tpu.memref_slice %arg2[%select_n3A_1917, %mul3A_1922] : memref<50x16384xi32, #tpu.memory_space<hbm>> -> memref<1x128xi32, #tpu.memory_space<hbm>>
        %dma_start3A_1929 = tpu.memref_squeeze %dma_start3A_1928 : memref<1x128xi32, #tpu.memory_space<hbm>> -> memref<128xi32, #tpu.memory_space<hbm>>
        tpu.enqueue_dma source(%dma_start3A_1929 : memref<128xi32, #tpu.memory_space<hbm>>) target(%arg7 : memref<128xi32, #tpu.memory_space<vmem>>) target_semaphore(%dma_start3A_1927 : memref<!tpu.dma_semaphore, #tpu.memory_space<semaphore_mem>>)
      } else {
      }
      %add3A_1772 = arith.addi %mul3A_2, %add3A_1743 : i32
      %jit3A_1773 = arith.constant 128 : i32
      %div3A_1774 = arith.divsi %add3A_1772, %jit3A_1773 : i32
      %sign3A_1775 = arith.constant 0 : i32
      %sign3A_1776 = arith.cmpi sgt, %add3A_1772, %sign3A_1775 : i32
      %sign3A_1777 = arith.extui %sign3A_1776 : i1 to i32
      %sign3A_1778 = arith.constant 0 : i32
      %sign3A_1779 = arith.cmpi slt, %add3A_1772, %sign3A_1778 : i32
      %sign3A_1780 = arith.extui %sign3A_1779 : i1 to i32
      %sign3A_1781 = arith.subi %sign3A_1777, %sign3A_1780 : i32
      %sign3A_1782 = arith.constant 0 : i32
      %sign3A_1783 = arith.cmpi sgt, %jit3A_1773, %sign3A_1782 : i32
      %sign3A_1784 = arith.extui %sign3A_1783 : i1 to i32
      %sign3A_1785 = arith.constant 0 : i32
      %sign3A_1786 = arith.cmpi slt, %jit3A_1773, %sign3A_1785 : i32
      %sign3A_1787 = arith.extui %sign3A_1786 : i1 to i32
      %sign3A_1788 = arith.subi %sign3A_1784, %sign3A_1787 : i32
      %ne3A_1789 = arith.cmpi ne, %sign3A_1781, %sign3A_1788 : i32
      %rem3A_1790 = arith.remsi %add3A_1772, %jit3A_1773 : i32
      %ne3A_1791 = arith.constant 0 : i32
      %ne3A_1792 = arith.cmpi ne, %rem3A_1790, %ne3A_1791 : i32
      %and3A_1793 = arith.andi %ne3A_1789, %ne3A_1792 : i1
      %sub3A_1794 = arith.constant 1 : i32
      %sub3A_1795 = arith.subi %div3A_1774, %sub3A_1794 : i32
      %select_n3A_1796 = arith.select %and3A_1793, %sub3A_1795, %div3A_1774 : i32
      %mul3A_1797 = arith.constant 128 : i32
      %mul3A_1798 = arith.muli %select_n3A_1796, %mul3A_1797 : i32
      %sub3A_1799 = arith.subi %add3A_1772, %mul3A_1798 : i32
      %dma_start3A_1800 = arith.constant 0 : i32
      %dma_start3A_1801 = arith.constant 0 : i32
      %dma_start3A_1802 = arith.constant 0 : i32
      %dma_start3A_1803 = arith.constant 0 : i32
      %dma_start3A_1804 = tpu.memref_slice %arg6[%select_n3A_1796, %dma_start3A_1801, %sub3A_1799, %dma_start3A_1802, %dma_start3A_1803] : memref<50x8x128x8x128xf32, #tpu.memory_space<hbm>> -> memref<1x8x1x8x128xf32, #tpu.memory_space<hbm>>
      %dma_start3A_1805 = tpu.memref_squeeze %dma_start3A_1804 : memref<1x8x1x8x128xf32, #tpu.memory_space<hbm>> -> memref<8x8x128xf32, #tpu.memory_space<hbm>>
      %dma_start3A_1806 = tpu.memref_slice %arg20[%dma_start3A_1800] : memref<2x!tpu.dma_semaphore, #tpu.memory_space<semaphore_mem>> -> memref<1x!tpu.dma_semaphore, #tpu.memory_space<semaphore_mem>>
      %dma_start3A_1807 = tpu.memref_squeeze %dma_start3A_1806 : memref<1x!tpu.dma_semaphore, #tpu.memory_space<semaphore_mem>> -> memref<!tpu.dma_semaphore, #tpu.memory_space<semaphore_mem>>
      %dma_start3A_1808 = arith.constant 0 : i32
      %dma_start3A_1809 = arith.constant 0 : i32
      %dma_start3A_1810 = arith.constant 0 : i32
      %dma_start3A_1811 = tpu.memref_slice %arg6[%select_n3A_1796, %dma_start3A_1808, %sub3A_1799, %dma_start3A_1809, %dma_start3A_1810] : memref<50x8x128x8x128xf32, #tpu.memory_space<hbm>> -> memref<1x8x1x8x128xf32, #tpu.memory_space<hbm>>
      %dma_start3A_1812 = tpu.memref_squeeze %dma_start3A_1811 : memref<1x8x1x8x128xf32, #tpu.memory_space<hbm>> -> memref<8x8x128xf32, #tpu.memory_space<hbm>>
      tpu.enqueue_dma source(%arg13 : memref<8x8x128xf32, #tpu.memory_space<vmem>>) target(%dma_start3A_1812 : memref<8x8x128xf32, #tpu.memory_space<hbm>>) target_semaphore(%dma_start3A_1807 : memref<!tpu.dma_semaphore, #tpu.memory_space<semaphore_mem>>)
      %mul3A_1813 = arith.constant 2 : i32
      %mul3A_1814 = arith.muli %scan3A_1738, %mul3A_1813 : i32
      %add3A_1815 = arith.constant 1 : i32
      %add3A_1816 = arith.addi %mul3A_1814, %add3A_1815 : i32
      %add3A_1817 = arith.constant 1 : i32
      %add3A_1818 = arith.addi %add3A_1816, %add3A_1817 : i32
      %lt3A_1819 = arith.constant 200 : i32
      %lt3A_1820 = arith.cmpi slt, %add3A_1818, %lt3A_1819 : i32
      %convert_element_type3A_1821 = arith.extui %lt3A_1820 : i1 to i32
      %cond3A_1822 = arith.constant 0 : i32
      %cond3A_1823 = arith.cmpi ne, %convert_element_type3A_1821, %cond3A_1822 : i32
      scf.if %cond3A_1823 {
        %add3A_1891 = arith.constant 1 : i32
        %add3A_1892 = arith.addi %add3A_1816, %add3A_1891 : i32
        %add3A_1893 = arith.addi %mul3A_2, %add3A_1892 : i32
        %jit3A_1894 = arith.constant 128 : i32
        %div3A_1895 = arith.divsi %add3A_1893, %jit3A_1894 : i32
        %sign3A_1896 = arith.constant 0 : i32
        %sign3A_1897 = arith.cmpi sgt, %add3A_1893, %sign3A_1896 : i32
        %sign3A_1898 = arith.extui %sign3A_1897 : i1 to i32
        %sign3A_1899 = arith.constant 0 : i32
        %sign3A_1900 = arith.cmpi slt, %add3A_1893, %sign3A_1899 : i32
        %sign3A_1901 = arith.extui %sign3A_1900 : i1 to i32
        %sign3A_1902 = arith.subi %sign3A_1898, %sign3A_1901 : i32
        %sign3A_1903 = arith.constant 0 : i32
        %sign3A_1904 = arith.cmpi sgt, %jit3A_1894, %sign3A_1903 : i32
        %sign3A_1905 = arith.extui %sign3A_1904 : i1 to i32
        %sign3A_1906 = arith.constant 0 : i32
        %sign3A_1907 = arith.cmpi slt, %jit3A_1894, %sign3A_1906 : i32
        %sign3A_1908 = arith.extui %sign3A_1907 : i1 to i32
        %sign3A_1909 = arith.subi %sign3A_1905, %sign3A_1908 : i32
        %ne3A_1910 = arith.cmpi ne, %sign3A_1902, %sign3A_1909 : i32
        %rem3A_1911 = arith.remsi %add3A_1893, %jit3A_1894 : i32
        %ne3A_1912 = arith.constant 0 : i32
        %ne3A_1913 = arith.cmpi ne, %rem3A_1911, %ne3A_1912 : i32
        %and3A_1914 = arith.andi %ne3A_1910, %ne3A_1913 : i1
        %sub3A_1915 = arith.constant 1 : i32
        %sub3A_1916 = arith.subi %div3A_1895, %sub3A_1915 : i32
        %select_n3A_1917 = arith.select %and3A_1914, %sub3A_1916, %div3A_1895 : i32
        %mul3A_1918 = arith.constant 128 : i32
        %mul3A_1919 = arith.muli %select_n3A_1917, %mul3A_1918 : i32
        %sub3A_1920 = arith.subi %add3A_1893, %mul3A_1919 : i32
        %mul3A_1921 = arith.constant 128 : i32
        %mul3A_1922 = arith.muli %sub3A_1920, %mul3A_1921 : i32
        %dma_wait3A_1923 = arith.constant 0 : i32
        %dma_wait3A_1924 = tpu.memref_slice %arg2[%select_n3A_1917, %mul3A_1922] : memref<50x16384xi32, #tpu.memory_space<hbm>> -> memref<1x128xi32, #tpu.memory_space<hbm>>
        %dma_wait3A_1925 = tpu.memref_squeeze %dma_wait3A_1924 : memref<1x128xi32, #tpu.memory_space<hbm>> -> memref<128xi32, #tpu.memory_space<hbm>>
        %dma_wait3A_1926 = tpu.memref_slice %arg18[%dma_wait3A_1923] : memref<2x!tpu.dma_semaphore, #tpu.memory_space<semaphore_mem>> -> memref<1x!tpu.dma_semaphore, #tpu.memory_space<semaphore_mem>>
        %dma_wait3A_1927 = tpu.memref_squeeze %dma_wait3A_1926 : memref<1x!tpu.dma_semaphore, #tpu.memory_space<semaphore_mem>> -> memref<!tpu.dma_semaphore, #tpu.memory_space<semaphore_mem>>
        %dma_wait3A_1928 = tpu.memref_slice %arg2[%select_n3A_1917, %mul3A_1922] : memref<50x16384xi32, #tpu.memory_space<hbm>> -> memref<1x128xi32, #tpu.memory_space<hbm>>
        %dma_wait3A_1929 = tpu.memref_squeeze %dma_wait3A_1928 : memref<1x128xi32, #tpu.memory_space<hbm>> -> memref<128xi32, #tpu.memory_space<hbm>>
        tpu.wait_dma2 semaphore(%dma_wait3A_1927 : memref<!tpu.dma_semaphore, #tpu.memory_space<semaphore_mem>>) src(%dma_wait3A_1929 : memref<128xi32, #tpu.memory_space<hbm>>) dst(%arg7 : memref<128xi32, #tpu.memory_space<vmem>>)
        %get3A_1930 = arith.constant 0 : index
        %get3A_1931 = tpu.vector_load %arg7[%get3A_1930] {strides = array<i32>} : memref<128xi32, #tpu.memory_space<vmem>>, vector<16xi32>,
        %shift_right_logical3A_1932 = arith.constant 1 : i32
        %shift_right_logical3A_1933 = vector.broadcast %shift_right_logical3A_1932 : i32 to vector<16xi32>
        %shift_right_logical3A_1934 = arith.shrui %get3A_1931, %shift_right_logical3A_1933 : vector<16xi32>
        %swap3A_1935 = arith.constant 0 : index
        %swap3A_1936 = tpu.vector_load %arg9[%swap3A_1935] {strides = array<i32>} : memref<128xi32, #tpu.memory_space<vmem>>, vector<16xi32>,
        tpu.vector_store %arg9[%swap3A_1935], %shift_right_logical3A_1934 {strides = array<i32>} : memref<128xi32, #tpu.memory_space<vmem>>, vector<16xi32>,
        %get3A_1937 = arith.constant 16 : index
        %get3A_1938 = tpu.vector_load %arg7[%get3A_1937] {strides = array<i32>} : memref<128xi32, #tpu.memory_space<vmem>>, vector<16xi32>,
        %shift_right_logical3A_1939 = arith.constant 1 : i32
        %shift_right_logical3A_1940 = vector.broadcast %shift_right_logical3A_1939 : i32 to vector<16xi32>
        %shift_right_logical3A_1941 = arith.shrui %get3A_1938, %shift_right_logical3A_1940 : vector<16xi32>
        %swap3A_1942 = arith.constant 16 : index
        %swap3A_1943 = tpu.vector_load %arg9[%swap3A_1942] {strides = array<i32>} : memref<128xi32, #tpu.memory_space<vmem>>, vector<16xi32>,
        tpu.vector_store %arg9[%swap3A_1942], %shift_right_logical3A_1941 {strides = array<i32>} : memref<128xi32, #tpu.memory_space<vmem>>, vector<16xi32>,
        %get3A_1944 = arith.constant 32 : index
        %get3A_1945 = tpu.vector_load %arg7[%get3A_1944] {strides = array<i32>} : memref<128xi32, #tpu.memory_space<vmem>>, vector<16xi32>,
        %shift_right_logical3A_1946 = arith.constant 1 : i32
        %shift_right_logical3A_1947 = vector.broadcast %shift_right_logical3A_1946 : i32 to vector<16xi32>
        %shift_right_logical3A_1948 = arith.shrui %get3A_1945, %shift_right_logical3A_1947 : vector<16xi32>
        %swap3A_1949 = arith.constant 32 : index
        %swap3A_1950 = tpu.vector_load %arg9[%swap3A_1949] {strides = array<i32>} : memref<128xi32, #tpu.memory_space<vmem>>, vector<16xi32>,
        tpu.vector_store %arg9[%swap3A_1949], %shift_right_logical3A_1948 {strides = array<i32>} : memref<128xi32, #tpu.memory_space<vmem>>, vector<16xi32>,
        %get3A_1951 = arith.constant 48 : index
        %get3A_1952 = tpu.vector_load %arg7[%get3A_1951] {strides = array<i32>} : memref<128xi32, #tpu.memory_space<vmem>>, vector<16xi32>,
        %shift_right_logical3A_1953 = arith.constant 1 : i32
        %shift_right_logical3A_1954 = vector.broadcast %shift_right_logical3A_1953 : i32 to vector<16xi32>
        %shift_right_logical3A_1955 = arith.shrui %get3A_1952, %shift_right_logical3A_1954 : vector<16xi32>
        %swap3A_1956 = arith.constant 48 : index
        %swap3A_1957 = tpu.vector_load %arg9[%swap3A_1956] {strides = array<i32>} : memref<128xi32, #tpu.memory_space<vmem>>, vector<16xi32>,
        tpu.vector_store %arg9[%swap3A_1956], %shift_right_logical3A_1955 {strides = array<i32>} : memref<128xi32, #tpu.memory_space<vmem>>, vector<16xi32>,
        %get3A_1958 = arith.constant 64 : index
        %get3A_1959 = tpu.vector_load %arg7[%get3A_1958] {strides = array<i32>} : memref<128xi32, #tpu.memory_space<vmem>>, vector<16xi32>,
        %shift_right_logical3A_1960 = arith.constant 1 : i32
        %shift_right_logical3A_1961 = vector.broadcast %shift_right_logical3A_1960 : i32 to vector<16xi32>
        %shift_right_logical3A_1962 = arith.shrui %get3A_1959, %shift_right_logical3A_1961 : vector<16xi32>
        %swap3A_1963 = arith.constant 64 : index
        %swap3A_1964 = tpu.vector_load %arg9[%swap3A_1963] {strides = array<i32>} : memref<128xi32, #tpu.memory_space<vmem>>, vector<16xi32>,
        tpu.vector_store %arg9[%swap3A_1963], %shift_right_logical3A_1962 {strides = array<i32>} : memref<128xi32, #tpu.memory_space<vmem>>, vector<16xi32>,
        %get3A_1965 = arith.constant 80 : index
        %get3A_1966 = tpu.vector_load %arg7[%get3A_1965] {strides = array<i32>} : memref<128xi32, #tpu.memory_space<vmem>>, vector<16xi32>,
        %shift_right_logical3A_1967 = arith.constant 1 : i32
        %shift_right_logical3A_1968 = vector.broadcast %shift_right_logical3A_1967 : i32 to vector<16xi32>
        %shift_right_logical3A_1969 = arith.shrui %get3A_1966, %shift_right_logical3A_1968 : vector<16xi32>
        %swap3A_1970 = arith.constant 80 : index
        %swap3A_1971 = tpu.vector_load %arg9[%swap3A_1970] {strides = array<i32>} : memref<128xi32, #tpu.memory_space<vmem>>, vector<16xi32>,
        tpu.vector_store %arg9[%swap3A_1970], %shift_right_logical3A_1969 {strides = array<i32>} : memref<128xi32, #tpu.memory_space<vmem>>, vector<16xi32>,
        %get3A_1972 = arith.constant 96 : index
        %get3A_1973 = tpu.vector_load %arg7[%get3A_1972] {strides = array<i32>} : memref<128xi32, #tpu.memory_space<vmem>>, vector<16xi32>,
        %shift_right_logical3A_1974 = arith.constant 1 : i32
        %shift_right_logical3A_1975 = vector.broadcast %shift_right_logical3A_1974 : i32 to vector<16xi32>
        %shift_right_logical3A_1976 = arith.shrui %get3A_1973, %shift_right_logical3A_1975 : vector<16xi32>
        %swap3A_1977 = arith.constant 96 : index
        %swap3A_1978 = tpu.vector_load %arg9[%swap3A_1977] {strides = array<i32>} : memref<128xi32, #tpu.memory_space<vmem>>, vector<16xi32>,
        tpu.vector_store %arg9[%swap3A_1977], %shift_right_logical3A_1976 {strides = array<i32>} : memref<128xi32, #tpu.memory_space<vmem>>, vector<16xi32>,
        %get3A_1979 = arith.constant 112 : index
        %get3A_1980 = tpu.vector_load %arg7[%get3A_1979] {strides = array<i32>} : memref<128xi32, #tpu.memory_space<vmem>>, vector<16xi32>,
        %shift_right_logical3A_1981 = arith.constant 1 : i32
        %shift_right_logical3A_1982 = vector.broadcast %shift_right_logical3A_1981 : i32 to vector<16xi32>
        %shift_right_logical3A_1983 = arith.shrui %get3A_1980, %shift_right_logical3A_1982 : vector<16xi32>
        %swap3A_1984 = arith.constant 112 : index
        %swap3A_1985 = tpu.vector_load %arg9[%swap3A_1984] {strides = array<i32>} : memref<128xi32, #tpu.memory_space<vmem>>, vector<16xi32>,
        tpu.vector_store %arg9[%swap3A_1984], %shift_right_logical3A_1983 {strides = array<i32>} : memref<128xi32, #tpu.memory_space<vmem>>, vector<16xi32>,
        %dma_start3A_1986 = arith.constant 0 : i32
        %dma_start3A_1987 = arith.constant 0 : i32
        %dma_start3A_1988 = arith.constant 0 : i32
        %dma_start3A_1989 = tpu.memref_slice %arg3[%dma_start3A_1987, %dma_start3A_1988] : memref<500000x128xf32, #tpu.memory_space<hbm>> -> memref<500000x128xf32, #tpu.memory_space<hbm>>
        %dma_start3A_1990 = tpu.memref_slice %arg19[%dma_start3A_1986] : memref<2x!tpu.dma_semaphore, #tpu.memory_space<semaphore_mem>> -> memref<1x!tpu.dma_semaphore, #tpu.memory_space<semaphore_mem>>
        %dma_start3A_1991 = tpu.memref_squeeze %dma_start3A_1990 : memref<1x!tpu.dma_semaphore, #tpu.memory_space<semaphore_mem>> -> memref<!tpu.dma_semaphore, #tpu.memory_space<semaphore_mem>>
        tpu.enqueue_indirect_dma source(%dma_start3A_1989 : memref<500000x128xf32, #tpu.memory_space<hbm>>) target(%arg11 : memref<128x128xf32, #tpu.memory_space<vmem>>) offsets(%arg9 : memref<128xi32, #tpu.memory_space<vmem>>) semaphore(%dma_start3A_1991 : memref<!tpu.dma_semaphore, #tpu.memory_space<semaphore_mem>>)
      } else {
      }
      %dma_wait3A_1824 = arith.constant 1 : i32
      %dma_wait3A_1825 = arith.constant 0 : i32
      %dma_wait3A_1826 = arith.constant 0 : i32
      %dma_wait3A_1827 = tpu.memref_slice %arg3[%dma_wait3A_1825, %dma_wait3A_1826] : memref<500000x128xf32, #tpu.memory_space<hbm>> -> memref<500000x128xf32, #tpu.memory_space<hbm>>
      %dma_wait3A_1828 = tpu.memref_slice %arg19[%dma_wait3A_1824] : memref<2x!tpu.dma_semaphore, #tpu.memory_space<semaphore_mem>> -> memref<1x!tpu.dma_semaphore, #tpu.memory_space<semaphore_mem>>
      %dma_wait3A_1829 = tpu.memref_squeeze %dma_wait3A_1828 : memref<1x!tpu.dma_semaphore, #tpu.memory_space<semaphore_mem>> -> memref<!tpu.dma_semaphore, #tpu.memory_space<semaphore_mem>>
      tpu.wait_indirect_dma semaphore(%dma_wait3A_1829 : memref<!tpu.dma_semaphore, #tpu.memory_space<semaphore_mem>>) src(%dma_wait3A_1827 : memref<500000x128xf32, #tpu.memory_space<hbm>>) dst(%arg12 : memref<128x128xf32, #tpu.memory_space<vmem>>)
      %ge3A_1830 = arith.constant 2 : i32
      %ge3A_1831 = arith.cmpi sge, %add3A_1816, %ge3A_1830 : i32
      %convert_element_type3A_1832 = arith.extui %ge3A_1831 : i1 to i32
      %cond3A_1833 = arith.constant 0 : i32
      %cond3A_1834 = arith.cmpi ne, %convert_element_type3A_1832, %cond3A_1833 : i32
      scf.if %cond3A_1834 {
        %sub3A_1891 = arith.constant 2 : i32
        %sub3A_1892 = arith.subi %add3A_1816, %sub3A_1891 : i32
        %add3A_1893 = arith.addi %mul3A_2, %sub3A_1892 : i32
        %jit3A_1894 = arith.constant 128 : i32
        %div3A_1895 = arith.divsi %add3A_1893, %jit3A_1894 : i32
        %sign3A_1896 = arith.constant 0 : i32
        %sign3A_1897 = arith.cmpi sgt, %add3A_1893, %sign3A_1896 : i32
        %sign3A_1898 = arith.extui %sign3A_1897 : i1 to i32
        %sign3A_1899 = arith.constant 0 : i32
        %sign3A_1900 = arith.cmpi slt, %add3A_1893, %sign3A_1899 : i32
        %sign3A_1901 = arith.extui %sign3A_1900 : i1 to i32
        %sign3A_1902 = arith.subi %sign3A_1898, %sign3A_1901 : i32
        %sign3A_1903 = arith.constant 0 : i32
        %sign3A_1904 = arith.cmpi sgt, %jit3A_1894, %sign3A_1903 : i32
        %sign3A_1905 = arith.extui %sign3A_1904 : i1 to i32
        %sign3A_1906 = arith.constant 0 : i32
        %sign3A_1907 = arith.cmpi slt, %jit3A_1894, %sign3A_1906 : i32
        %sign3A_1908 = arith.extui %sign3A_1907 : i1 to i32
        %sign3A_1909 = arith.subi %sign3A_1905, %sign3A_1908 : i32
        %ne3A_1910 = arith.cmpi ne, %sign3A_1902, %sign3A_1909 : i32
        %rem3A_1911 = arith.remsi %add3A_1893, %jit3A_1894 : i32
        %ne3A_1912 = arith.constant 0 : i32
        %ne3A_1913 = arith.cmpi ne, %rem3A_1911, %ne3A_1912 : i32
        %and3A_1914 = arith.andi %ne3A_1910, %ne3A_1913 : i1
        %sub3A_1915 = arith.constant 1 : i32
        %sub3A_1916 = arith.subi %div3A_1895, %sub3A_1915 : i32
        %select_n3A_1917 = arith.select %and3A_1914, %sub3A_1916, %div3A_1895 : i32
        %mul3A_1918 = arith.constant 128 : i32
        %mul3A_1919 = arith.muli %select_n3A_1917, %mul3A_1918 : i32
        %sub3A_1920 = arith.subi %add3A_1893, %mul3A_1919 : i32
        %dma_wait3A_1921 = arith.constant 1 : i32
        %dma_wait3A_1922 = arith.constant 0 : i32
        %dma_wait3A_1923 = arith.constant 0 : i32
        %dma_wait3A_1924 = arith.constant 0 : i32
        %dma_wait3A_1925 = tpu.memref_slice %arg6[%select_n3A_1917, %dma_wait3A_1922, %sub3A_1920, %dma_wait3A_1923, %dma_wait3A_1924] : memref<50x8x128x8x128xf32, #tpu.memory_space<hbm>> -> memref<1x8x1x8x128xf32, #tpu.memory_space<hbm>>
        %dma_wait3A_1926 = tpu.memref_squeeze %dma_wait3A_1925 : memref<1x8x1x8x128xf32, #tpu.memory_space<hbm>> -> memref<8x8x128xf32, #tpu.memory_space<hbm>>
        %dma_wait3A_1927 = tpu.memref_slice %arg20[%dma_wait3A_1921] : memref<2x!tpu.dma_semaphore, #tpu.memory_space<semaphore_mem>> -> memref<1x!tpu.dma_semaphore, #tpu.memory_space<semaphore_mem>>
        %dma_wait3A_1928 = tpu.memref_squeeze %dma_wait3A_1927 : memref<1x!tpu.dma_semaphore, #tpu.memory_space<semaphore_mem>> -> memref<!tpu.dma_semaphore, #tpu.memory_space<semaphore_mem>>
        %dma_wait3A_1929 = arith.constant 0 : i32
        %dma_wait3A_1930 = arith.constant 0 : i32
        %dma_wait3A_1931 = arith.constant 0 : i32
        %dma_wait3A_1932 = tpu.memref_slice %arg6[%select_n3A_1917, %dma_wait3A_1929, %sub3A_1920, %dma_wait3A_1930, %dma_wait3A_1931] : memref<50x8x128x8x128xf32, #tpu.memory_space<hbm>> -> memref<1x8x1x8x128xf32, #tpu.memory_space<hbm>>
        %dma_wait3A_1933 = tpu.memref_squeeze %dma_wait3A_1932 : memref<1x8x1x8x128xf32, #tpu.memory_space<hbm>> -> memref<8x8x128xf32, #tpu.memory_space<hbm>>
        tpu.wait_dma2 semaphore(%dma_wait3A_1928 : memref<!tpu.dma_semaphore, #tpu.memory_space<semaphore_mem>>) src(%arg14 : memref<8x8x128xf32, #tpu.memory_space<vmem>>) dst(%dma_wait3A_1933 : memref<8x8x128xf32, #tpu.memory_space<hbm>>)
      } else {
      }
      %scan3A_1835 = arith.constant 0 : i32
      %scan3A_1836 = arith.constant 0 : i32
      %scan3A_1837 = arith.constant 8 : i32
      %scan3A_1838 = arith.addi %scan3A_1836, %scan3A_1837 : i32
      %scan3A_1839 = arith.constant 1 : i32
      %scan3A_1840 = scf.for %scan3A_1891 = %scan3A_1836 to %scan3A_1838 step %scan3A_1839 iter_args(%scan3A_1892 = %scan3A_1835) -> (i32)  : i32 {
        %mul3A_1893 = arith.constant 16 : i32
        %mul3A_1894 = arith.muli %scan3A_1891, %mul3A_1893 : i32
        %add3A_1895 = vector.broadcast %mul3A_1894 : i32 to vector<16xi32>
        %add3A_1896 = arith.addi %iota3A, %add3A_1895 : vector<16xi32>
        %get3A_1897 = arith.index_cast %mul3A_1894 : i32 to index
        %get3A_1898 = tpu.vector_load %arg8[%get3A_1897] {strides = array<i32>} : memref<128xi32, #tpu.memory_space<vmem>>, vector<16xi32>,
        %and3A_1899 = arith.constant 1 : i32
        %and3A_1900 = vector.broadcast %and3A_1899 : i32 to vector<16xi32>
        %and3A_1901 = arith.andi %get3A_1898, %and3A_1900 : vector<16xi32>
        %shift_left3A = arith.constant 6 : i32
        %shift_left3A_1902 = vector.broadcast %shift_left3A : i32 to vector<16xi32>
        %shift_left3A_1903 = arith.shli %and3A_1901, %shift_left3A_1902 : vector<16xi32>
        %broadcast_in_dim3A = arith.constant 0.000000e+00 : f32
        %broadcast_in_dim3A_1904 = vector.broadcast %broadcast_in_dim3A : f32 to vector<16xf32>
        %parallel_loop3A = arith.constant 0 : i32
        %parallel_loop3A_1905 = arith.constant 64 : i32
        %parallel_loop3A_1906 = arith.constant 1 : i32
        %parallel_loop3A_1907:2 = scf.for %parallel_loop3A_1951 = %parallel_loop3A to %parallel_loop3A_1905 step %parallel_loop3A_1906 iter_args(%parallel_loop3A_1952 = %broadcast_in_dim3A_1904, %parallel_loop3A_1953 = %broadcast_in_dim3A_1904) -> (vector<16xf32>, vector<16xf32>)  : i32 {
          %parallel_loop3A_1954 = arith.index_cast %parallel_loop3A_1951 : i32 to index
          %parallel_loop3A_1955 = arith.constant 0 : index
          %parallel_loop3A_1956 = tpu.vector_load %arg16[%parallel_loop3A_1954, %parallel_loop3A_1955] {strides = array<i32>} : memref<64x16xi32, #tpu.memory_space<vmem>>, vector<16xi32>,
          %parallel_loop3A_1957 = arith.addi %shift_left3A_1903, %parallel_loop3A_1956 : vector<16xi32>
          %parallel_loop3A_1958 = tpu.vector_load_idx %arg12[%add3A_1896, %parallel_loop3A_1957] : memref<128x128xf32, #tpu.memory_space<vmem>>[vector<16xi32>, vector<16xi32>], vector<16xf32>,
          %parallel_loop3A_1959 = arith.addf %parallel_loop3A_1952, %parallel_loop3A_1958 : vector<16xf32>
          %parallel_loop3A_1960 = arith.mulf %parallel_loop3A_1958, %parallel_loop3A_1958 : vector<16xf32>
          %parallel_loop3A_1961 = arith.addf %parallel_loop3A_1953, %parallel_loop3A_1960 : vector<16xf32>
          scf.yield %parallel_loop3A_1959, %parallel_loop3A_1961 : vector<16xf32>, vector<16xf32>
        } {sc.loop_unroll_factor = 8 : i64, sc.parallel_access}
        %mul3A_1908 = arith.constant 1.562500e-02 : f32
        %mul3A_1909 = vector.broadcast %mul3A_1908 : f32 to vector<16xf32>
        %mul3A_1910 = arith.mulf %parallel_loop3A_1907#0, %mul3A_1909 : vector<16xf32>
        %mul3A_1911 = arith.constant 1.562500e-02 : f32
        %mul3A_1912 = vector.broadcast %mul3A_1911 : f32 to vector<16xf32>
        %mul3A_1913 = arith.mulf %parallel_loop3A_1907#1, %mul3A_1912 : vector<16xf32>
        %mul3A_1914 = arith.mulf %mul3A_1910, %mul3A_1910 : vector<16xf32>
        %sub3A_1915 = arith.subf %mul3A_1913, %mul3A_1914 : vector<16xf32>
        %add3A_1916 = arith.constant 9.99999996E-13 : f32
        %add3A_1917 = vector.broadcast %add3A_1916 : f32 to vector<16xf32>
        %add3A_1918 = arith.addf %sub3A_1915, %add3A_1917 : vector<16xf32>
        %bitcast_convert_type3A = tpu.bitcast %add3A_1918 : vector<16xf32> -> vector<16xi32>
        %shift_right_logical3A_1919 = arith.constant 1 : i32
        %shift_right_logical3A_1920 = vector.broadcast %shift_right_logical3A_1919 : i32 to vector<16xi32>
        %shift_right_logical3A_1921 = arith.shrui %bitcast_convert_type3A, %shift_right_logical3A_1920 : vector<16xi32>
        %sub3A_1922 = arith.constant 1597463007 : i32
        %sub3A_1923 = vector.broadcast %sub3A_1922 : i32 to vector<16xi32>
        %sub3A_1924 = arith.subi %sub3A_1923, %shift_right_logical3A_1921 : vector<16xi32>
        %bitcast_convert_type3A_1925 = tpu.bitcast %sub3A_1924 : vector<16xi32> -> vector<16xf32>
        %mul3A_1926 = arith.constant 5.000000e-01 : f32
        %mul3A_1927 = vector.broadcast %mul3A_1926 : f32 to vector<16xf32>
        %mul3A_1928 = arith.mulf %mul3A_1927, %add3A_1918 : vector<16xf32>
        %mul3A_1929 = arith.mulf %mul3A_1928, %bitcast_convert_type3A_1925 : vector<16xf32>
        %mul3A_1930 = arith.mulf %mul3A_1929, %bitcast_convert_type3A_1925 : vector<16xf32>
        %sub3A_1931 = arith.constant 1.500000e+00 : f32
        %sub3A_1932 = vector.broadcast %sub3A_1931 : f32 to vector<16xf32>
        %sub3A_1933 = arith.subf %sub3A_1932, %mul3A_1930 : vector<16xf32>
        %mul3A_1934 = arith.mulf %bitcast_convert_type3A_1925, %sub3A_1933 : vector<16xf32>
        %mul3A_1935 = arith.mulf %mul3A_1928, %mul3A_1934 : vector<16xf32>
        %mul3A_1936 = arith.mulf %mul3A_1935, %mul3A_1934 : vector<16xf32>
        %sub3A_1937 = arith.constant 1.500000e+00 : f32
        %sub3A_1938 = vector.broadcast %sub3A_1937 : f32 to vector<16xf32>
        %sub3A_1939 = arith.subf %sub3A_1938, %mul3A_1936 : vector<16xf32>
        %mul3A_1940 = arith.mulf %mul3A_1934, %sub3A_1939 : vector<16xf32>
        %mul3A_1941 = arith.mulf %mul3A_1928, %mul3A_1940 : vector<16xf32>
        %mul3A_1942 = arith.mulf %mul3A_1941, %mul3A_1940 : vector<16xf32>
        %sub3A_1943 = arith.constant 1.500000e+00 : f32
        %sub3A_1944 = vector.broadcast %sub3A_1943 : f32 to vector<16xf32>
        %sub3A_1945 = arith.subf %sub3A_1944, %mul3A_1942 : vector<16xf32>
        %mul3A_1946 = arith.mulf %mul3A_1940, %sub3A_1945 : vector<16xf32>
        %parallel_loop3A_1947 = arith.constant 0 : i32
        %parallel_loop3A_1948 = arith.constant 64 : i32
        %parallel_loop3A_1949 = arith.constant 1 : i32
        scf.for %parallel_loop3A_1951 = %parallel_loop3A_1947 to %parallel_loop3A_1948 step %parallel_loop3A_1949  : i32 {
          %parallel_loop3A_1952 = arith.index_cast %parallel_loop3A_1951 : i32 to index
          %parallel_loop3A_1953 = arith.constant 0 : index
          %parallel_loop3A_1954 = tpu.vector_load %arg16[%parallel_loop3A_1952, %parallel_loop3A_1953] {strides = array<i32>} : memref<64x16xi32, #tpu.memory_space<vmem>>, vector<16xi32>,
          %parallel_loop3A_1955 = arith.addi %shift_left3A_1903, %parallel_loop3A_1954 : vector<16xi32>
          %parallel_loop3A_1956 = tpu.vector_load_idx %arg12[%add3A_1896, %parallel_loop3A_1955] : memref<128x128xf32, #tpu.memory_space<vmem>>[vector<16xi32>, vector<16xi32>], vector<16xf32>,
          %parallel_loop3A_1957 = arith.subf %parallel_loop3A_1956, %mul3A_1910 : vector<16xf32>
          %parallel_loop3A_1958 = arith.mulf %parallel_loop3A_1957, %mul3A_1946 : vector<16xf32>
          %parallel_loop3A_1959 = arith.index_cast %parallel_loop3A_1951 : i32 to index
          %parallel_loop3A_1960 = arith.constant 0 : index
          %parallel_loop3A_1961 = tpu.vector_load %arg17[%parallel_loop3A_1959, %parallel_loop3A_1960] {strides = array<i32>} : memref<128x16xf32, #tpu.memory_space<vmem>>, vector<16xf32>,
          %parallel_loop3A_1962 = arith.mulf %parallel_loop3A_1958, %parallel_loop3A_1961 : vector<16xf32>
          %parallel_loop3A_1963 = arith.constant 64 : i32
          %parallel_loop3A_1964 = arith.addi %parallel_loop3A_1963, %parallel_loop3A_1951 : i32
          %parallel_loop3A_1965 = arith.index_cast %parallel_loop3A_1964 : i32 to index
          %parallel_loop3A_1966 = arith.constant 0 : index
          %parallel_loop3A_1967 = tpu.vector_load %arg17[%parallel_loop3A_1965, %parallel_loop3A_1966] {strides = array<i32>} : memref<128x16xf32, #tpu.memory_space<vmem>>, vector<16xf32>,
          %parallel_loop3A_1968 = arith.addf %parallel_loop3A_1962, %parallel_loop3A_1967 : vector<16xf32>
          %parallel_loop3A_1969 = arith.constant 3 : i32
          %parallel_loop3A_1970 = vector.broadcast %parallel_loop3A_1969 : i32 to vector<16xi32>
          %parallel_loop3A_1971 = arith.shrui %parallel_loop3A_1954, %parallel_loop3A_1970 : vector<16xi32>
          %parallel_loop3A_1972 = arith.constant 7 : i32
          %parallel_loop3A_1973 = vector.broadcast %parallel_loop3A_1972 : i32 to vector<16xi32>
          %parallel_loop3A_1974 = arith.andi %parallel_loop3A_1954, %parallel_loop3A_1973 : vector<16xi32>
          tpu.vector_store_idx %arg14[%parallel_loop3A_1971, %parallel_loop3A_1974, %add3A_1896], %parallel_loop3A_1968 : memref<8x8x128xf32, #tpu.memory_space<vmem>>[vector<16xi32>, vector<16xi32>, vector<16xi32>], vector<16xf32>,
        } {sc.loop_unroll_factor = 8 : i64, sc.parallel_access}
        %scan3A_1950 = arith.constant 0 : i32
        scf.yield %scan3A_1950 : i32
      }
      %scan3A_1841 = arith.constant 8 : i32
      %add3A_1842 = arith.constant 2 : i32
      %add3A_1843 = arith.addi %add3A_1816, %add3A_1842 : i32
      %lt3A_1844 = arith.constant 200 : i32
      %lt3A_1845 = arith.cmpi slt, %add3A_1843, %lt3A_1844 : i32
      %convert_element_type3A_1846 = arith.extui %lt3A_1845 : i1 to i32
      %cond3A_1847 = arith.constant 0 : i32
      %cond3A_1848 = arith.cmpi ne, %convert_element_type3A_1846, %cond3A_1847 : i32
      scf.if %cond3A_1848 {
        %add3A_1891 = arith.constant 2 : i32
        %add3A_1892 = arith.addi %add3A_1816, %add3A_1891 : i32
        %add3A_1893 = arith.addi %mul3A_2, %add3A_1892 : i32
        %jit3A_1894 = arith.constant 128 : i32
        %div3A_1895 = arith.divsi %add3A_1893, %jit3A_1894 : i32
        %sign3A_1896 = arith.constant 0 : i32
        %sign3A_1897 = arith.cmpi sgt, %add3A_1893, %sign3A_1896 : i32
        %sign3A_1898 = arith.extui %sign3A_1897 : i1 to i32
        %sign3A_1899 = arith.constant 0 : i32
        %sign3A_1900 = arith.cmpi slt, %add3A_1893, %sign3A_1899 : i32
        %sign3A_1901 = arith.extui %sign3A_1900 : i1 to i32
        %sign3A_1902 = arith.subi %sign3A_1898, %sign3A_1901 : i32
        %sign3A_1903 = arith.constant 0 : i32
        %sign3A_1904 = arith.cmpi sgt, %jit3A_1894, %sign3A_1903 : i32
        %sign3A_1905 = arith.extui %sign3A_1904 : i1 to i32
        %sign3A_1906 = arith.constant 0 : i32
        %sign3A_1907 = arith.cmpi slt, %jit3A_1894, %sign3A_1906 : i32
        %sign3A_1908 = arith.extui %sign3A_1907 : i1 to i32
        %sign3A_1909 = arith.subi %sign3A_1905, %sign3A_1908 : i32
        %ne3A_1910 = arith.cmpi ne, %sign3A_1902, %sign3A_1909 : i32
        %rem3A_1911 = arith.remsi %add3A_1893, %jit3A_1894 : i32
        %ne3A_1912 = arith.constant 0 : i32
        %ne3A_1913 = arith.cmpi ne, %rem3A_1911, %ne3A_1912 : i32
        %and3A_1914 = arith.andi %ne3A_1910, %ne3A_1913 : i1
        %sub3A_1915 = arith.constant 1 : i32
        %sub3A_1916 = arith.subi %div3A_1895, %sub3A_1915 : i32
        %select_n3A_1917 = arith.select %and3A_1914, %sub3A_1916, %div3A_1895 : i32
        %mul3A_1918 = arith.constant 128 : i32
        %mul3A_1919 = arith.muli %select_n3A_1917, %mul3A_1918 : i32
        %sub3A_1920 = arith.subi %add3A_1893, %mul3A_1919 : i32
        %mul3A_1921 = arith.constant 128 : i32
        %mul3A_1922 = arith.muli %sub3A_1920, %mul3A_1921 : i32
        %dma_start3A_1923 = arith.constant 1 : i32
        %dma_start3A_1924 = tpu.memref_slice %arg2[%select_n3A_1917, %mul3A_1922] : memref<50x16384xi32, #tpu.memory_space<hbm>> -> memref<1x128xi32, #tpu.memory_space<hbm>>
        %dma_start3A_1925 = tpu.memref_squeeze %dma_start3A_1924 : memref<1x128xi32, #tpu.memory_space<hbm>> -> memref<128xi32, #tpu.memory_space<hbm>>
        %dma_start3A_1926 = tpu.memref_slice %arg18[%dma_start3A_1923] : memref<2x!tpu.dma_semaphore, #tpu.memory_space<semaphore_mem>> -> memref<1x!tpu.dma_semaphore, #tpu.memory_space<semaphore_mem>>
        %dma_start3A_1927 = tpu.memref_squeeze %dma_start3A_1926 : memref<1x!tpu.dma_semaphore, #tpu.memory_space<semaphore_mem>> -> memref<!tpu.dma_semaphore, #tpu.memory_space<semaphore_mem>>
        %dma_start3A_1928 = tpu.memref_slice %arg2[%select_n3A_1917, %mul3A_1922] : memref<50x16384xi32, #tpu.memory_space<hbm>> -> memref<1x128xi32, #tpu.memory_space<hbm>>
        %dma_start3A_1929 = tpu.memref_squeeze %dma_start3A_1928 : memref<1x128xi32, #tpu.memory_space<hbm>> -> memref<128xi32, #tpu.memory_space<hbm>>
        tpu.enqueue_dma source(%dma_start3A_1929 : memref<128xi32, #tpu.memory_space<hbm>>) target(%arg8 : memref<128xi32, #tpu.memory_space<vmem>>) target_semaphore(%dma_start3A_1927 : memref<!tpu.dma_semaphore, #tpu.memory_space<semaphore_mem>>)
      } else {
      }
      %add3A_1849 = arith.addi %mul3A_2, %add3A_1816 : i32
      %jit3A_1850 = arith.constant 128 : i32
      %div3A_1851 = arith.divsi %add3A_1849, %jit3A_1850 : i32
      %sign3A_1852 = arith.constant 0 : i32
      %sign3A_1853 = arith.cmpi sgt, %add3A_1849, %sign3A_1852 : i32
      %sign3A_1854 = arith.extui %sign3A_1853 : i1 to i32
      %sign3A_1855 = arith.constant 0 : i32
      %sign3A_1856 = arith.cmpi slt, %add3A_1849, %sign3A_1855 : i32
      %sign3A_1857 = arith.extui %sign3A_1856 : i1 to i32
      %sign3A_1858 = arith.subi %sign3A_1854, %sign3A_1857 : i32
      %sign3A_1859 = arith.constant 0 : i32
      %sign3A_1860 = arith.cmpi sgt, %jit3A_1850, %sign3A_1859 : i32
      %sign3A_1861 = arith.extui %sign3A_1860 : i1 to i32
      %sign3A_1862 = arith.constant 0 : i32
      %sign3A_1863 = arith.cmpi slt, %jit3A_1850, %sign3A_1862 : i32
      %sign3A_1864 = arith.extui %sign3A_1863 : i1 to i32
      %sign3A_1865 = arith.subi %sign3A_1861, %sign3A_1864 : i32
      %ne3A_1866 = arith.cmpi ne, %sign3A_1858, %sign3A_1865 : i32
      %rem3A_1867 = arith.remsi %add3A_1849, %jit3A_1850 : i32
      %ne3A_1868 = arith.constant 0 : i32
      %ne3A_1869 = arith.cmpi ne, %rem3A_1867, %ne3A_1868 : i32
      %and3A_1870 = arith.andi %ne3A_1866, %ne3A_1869 : i1
      %sub3A_1871 = arith.constant 1 : i32
      %sub3A_1872 = arith.subi %div3A_1851, %sub3A_1871 : i32
      %select_n3A_1873 = arith.select %and3A_1870, %sub3A_1872, %div3A_1851 : i32
      %mul3A_1874 = arith.constant 128 : i32
      %mul3A_1875 = arith.muli %select_n3A_1873, %mul3A_1874 : i32
      %sub3A_1876 = arith.subi %add3A_1849, %mul3A_1875 : i32
      %dma_start3A_1877 = arith.constant 1 : i32
      %dma_start3A_1878 = arith.constant 0 : i32
      %dma_start3A_1879 = arith.constant 0 : i32
      %dma_start3A_1880 = arith.constant 0 : i32
      %dma_start3A_1881 = tpu.memref_slice %arg6[%select_n3A_1873, %dma_start3A_1878, %sub3A_1876, %dma_start3A_1879, %dma_start3A_1880] : memref<50x8x128x8x128xf32, #tpu.memory_space<hbm>> -> memref<1x8x1x8x128xf32, #tpu.memory_space<hbm>>
      %dma_start3A_1882 = tpu.memref_squeeze %dma_start3A_1881 : memref<1x8x1x8x128xf32, #tpu.memory_space<hbm>> -> memref<8x8x128xf32, #tpu.memory_space<hbm>>
      %dma_start3A_1883 = tpu.memref_slice %arg20[%dma_start3A_1877] : memref<2x!tpu.dma_semaphore, #tpu.memory_space<semaphore_mem>> -> memref<1x!tpu.dma_semaphore, #tpu.memory_space<semaphore_mem>>
      %dma_start3A_1884 = tpu.memref_squeeze %dma_start3A_1883 : memref<1x!tpu.dma_semaphore, #tpu.memory_space<semaphore_mem>> -> memref<!tpu.dma_semaphore, #tpu.memory_space<semaphore_mem>>
      %dma_start3A_1885 = arith.constant 0 : i32
      %dma_start3A_1886 = arith.constant 0 : i32
      %dma_start3A_1887 = arith.constant 0 : i32
      %dma_start3A_1888 = tpu.memref_slice %arg6[%select_n3A_1873, %dma_start3A_1885, %sub3A_1876, %dma_start3A_1886, %dma_start3A_1887] : memref<50x8x128x8x128xf32, #tpu.memory_space<hbm>> -> memref<1x8x1x8x128xf32, #tpu.memory_space<hbm>>
      %dma_start3A_1889 = tpu.memref_squeeze %dma_start3A_1888 : memref<1x8x1x8x128xf32, #tpu.memory_space<hbm>> -> memref<8x8x128xf32, #tpu.memory_space<hbm>>
      tpu.enqueue_dma source(%arg14 : memref<8x8x128xf32, #tpu.memory_space<vmem>>) target(%dma_start3A_1889 : memref<8x8x128xf32, #tpu.memory_space<hbm>>) target_semaphore(%dma_start3A_1884 : memref<!tpu.dma_semaphore, #tpu.memory_space<semaphore_mem>>)
      %scan3A_1890 = arith.constant 0 : i32
      scf.yield %scan3A_1890 : i32
    }
    %scan3A_1653 = arith.constant 100 : i32
    %add3A_1654 = arith.constant 198 : i32
    %add3A_1655 = arith.addi %mul3A_2, %add3A_1654 : i32
    %jit3A_1656 = arith.constant 128 : i32
    %div3A_1657 = arith.divsi %add3A_1655, %jit3A_1656 : i32
    %sign3A_1658 = arith.constant 0 : i32
    %sign3A_1659 = arith.cmpi sgt, %add3A_1655, %sign3A_1658 : i32
    %sign3A_1660 = arith.extui %sign3A_1659 : i1 to i32
    %sign3A_1661 = arith.constant 0 : i32
    %sign3A_1662 = arith.cmpi slt, %add3A_1655, %sign3A_1661 : i32
    %sign3A_1663 = arith.extui %sign3A_1662 : i1 to i32
    %sign3A_1664 = arith.subi %sign3A_1660, %sign3A_1663 : i32
    %sign3A_1665 = arith.constant 0 : i32
    %sign3A_1666 = arith.cmpi sgt, %jit3A_1656, %sign3A_1665 : i32
    %sign3A_1667 = arith.extui %sign3A_1666 : i1 to i32
    %sign3A_1668 = arith.constant 0 : i32
    %sign3A_1669 = arith.cmpi slt, %jit3A_1656, %sign3A_1668 : i32
    %sign3A_1670 = arith.extui %sign3A_1669 : i1 to i32
    %sign3A_1671 = arith.subi %sign3A_1667, %sign3A_1670 : i32
    %ne3A_1672 = arith.cmpi ne, %sign3A_1664, %sign3A_1671 : i32
    %rem3A_1673 = arith.remsi %add3A_1655, %jit3A_1656 : i32
    %ne3A_1674 = arith.constant 0 : i32
    %ne3A_1675 = arith.cmpi ne, %rem3A_1673, %ne3A_1674 : i32
    %and3A_1676 = arith.andi %ne3A_1672, %ne3A_1675 : i1
    %sub3A_1677 = arith.constant 1 : i32
    %sub3A_1678 = arith.subi %div3A_1657, %sub3A_1677 : i32
    %select_n3A_1679 = arith.select %and3A_1676, %sub3A_1678, %div3A_1657 : i32
    %mul3A_1680 = arith.constant 128 : i32
    %mul3A_1681 = arith.muli %select_n3A_1679, %mul3A_1680 : i32
    %sub3A_1682 = arith.subi %add3A_1655, %mul3A_1681 : i32
    %dma_wait3A_1683 = arith.constant 0 : i32
    %dma_wait3A_1684 = arith.constant 0 : i32
    %dma_wait3A_1685 = arith.constant 0 : i32
    %dma_wait3A_1686 = arith.constant 0 : i32
    %dma_wait3A_1687 = tpu.memref_slice %arg6[%select_n3A_1679, %dma_wait3A_1684, %sub3A_1682, %dma_wait3A_1685, %dma_wait3A_1686] : memref<50x8x128x8x128xf32, #tpu.memory_space<hbm>> -> memref<1x8x1x8x128xf32, #tpu.memory_space<hbm>>
    %dma_wait3A_1688 = tpu.memref_squeeze %dma_wait3A_1687 : memref<1x8x1x8x128xf32, #tpu.memory_space<hbm>> -> memref<8x8x128xf32, #tpu.memory_space<hbm>>
    %dma_wait3A_1689 = tpu.memref_slice %arg20[%dma_wait3A_1683] : memref<2x!tpu.dma_semaphore, #tpu.memory_space<semaphore_mem>> -> memref<1x!tpu.dma_semaphore, #tpu.memory_space<semaphore_mem>>
    %dma_wait3A_1690 = tpu.memref_squeeze %dma_wait3A_1689 : memref<1x!tpu.dma_semaphore, #tpu.memory_space<semaphore_mem>> -> memref<!tpu.dma_semaphore, #tpu.memory_space<semaphore_mem>>
    %dma_wait3A_1691 = arith.constant 0 : i32
    %dma_wait3A_1692 = arith.constant 0 : i32
    %dma_wait3A_1693 = arith.constant 0 : i32
    %dma_wait3A_1694 = tpu.memref_slice %arg6[%select_n3A_1679, %dma_wait3A_1691, %sub3A_1682, %dma_wait3A_1692, %dma_wait3A_1693] : memref<50x8x128x8x128xf32, #tpu.memory_space<hbm>> -> memref<1x8x1x8x128xf32, #tpu.memory_space<hbm>>
    %dma_wait3A_1695 = tpu.memref_squeeze %dma_wait3A_1694 : memref<1x8x1x8x128xf32, #tpu.memory_space<hbm>> -> memref<8x8x128xf32, #tpu.memory_space<hbm>>
    tpu.wait_dma2 semaphore(%dma_wait3A_1690 : memref<!tpu.dma_semaphore, #tpu.memory_space<semaphore_mem>>) src(%arg13 : memref<8x8x128xf32, #tpu.memory_space<vmem>>) dst(%dma_wait3A_1695 : memref<8x8x128xf32, #tpu.memory_space<hbm>>)
    %add3A_1696 = arith.constant 199 : i32
    %add3A_1697 = arith.addi %mul3A_2, %add3A_1696 : i32
    %jit3A_1698 = arith.constant 128 : i32
    %div3A_1699 = arith.divsi %add3A_1697, %jit3A_1698 : i32
    %sign3A_1700 = arith.constant 0 : i32
    %sign3A_1701 = arith.cmpi sgt, %add3A_1697, %sign3A_1700 : i32
    %sign3A_1702 = arith.extui %sign3A_1701 : i1 to i32
    %sign3A_1703 = arith.constant 0 : i32
    %sign3A_1704 = arith.cmpi slt, %add3A_1697, %sign3A_1703 : i32
    %sign3A_1705 = arith.extui %sign3A_1704 : i1 to i32
    %sign3A_1706 = arith.subi %sign3A_1702, %sign3A_1705 : i32
    %sign3A_1707 = arith.constant 0 : i32
    %sign3A_1708 = arith.cmpi sgt, %jit3A_1698, %sign3A_1707 : i32
    %sign3A_1709 = arith.extui %sign3A_1708 : i1 to i32
    %sign3A_1710 = arith.constant 0 : i32
    %sign3A_1711 = arith.cmpi slt, %jit3A_1698, %sign3A_1710 : i32
    %sign3A_1712 = arith.extui %sign3A_1711 : i1 to i32
    %sign3A_1713 = arith.subi %sign3A_1709, %sign3A_1712 : i32
    %ne3A_1714 = arith.cmpi ne, %sign3A_1706, %sign3A_1713 : i32
    %rem3A_1715 = arith.remsi %add3A_1697, %jit3A_1698 : i32
    %ne3A_1716 = arith.constant 0 : i32
    %ne3A_1717 = arith.cmpi ne, %rem3A_1715, %ne3A_1716 : i32
    %and3A_1718 = arith.andi %ne3A_1714, %ne3A_1717 : i1
    %sub3A_1719 = arith.constant 1 : i32
    %sub3A_1720 = arith.subi %div3A_1699, %sub3A_1719 : i32
    %select_n3A_1721 = arith.select %and3A_1718, %sub3A_1720, %div3A_1699 : i32
    %mul3A_1722 = arith.constant 128 : i32
    %mul3A_1723 = arith.muli %select_n3A_1721, %mul3A_1722 : i32
    %sub3A_1724 = arith.subi %add3A_1697, %mul3A_1723 : i32
    %dma_wait3A_1725 = arith.constant 1 : i32
    %dma_wait3A_1726 = arith.constant 0 : i32
    %dma_wait3A_1727 = arith.constant 0 : i32
    %dma_wait3A_1728 = arith.constant 0 : i32
    %dma_wait3A_1729 = tpu.memref_slice %arg6[%select_n3A_1721, %dma_wait3A_1726, %sub3A_1724, %dma_wait3A_1727, %dma_wait3A_1728] : memref<50x8x128x8x128xf32, #tpu.memory_space<hbm>> -> memref<1x8x1x8x128xf32, #tpu.memory_space<hbm>>
    %dma_wait3A_1730 = tpu.memref_squeeze %dma_wait3A_1729 : memref<1x8x1x8x128xf32, #tpu.memory_space<hbm>> -> memref<8x8x128xf32, #tpu.memory_space<hbm>>
    %dma_wait3A_1731 = tpu.memref_slice %arg20[%dma_wait3A_1725] : memref<2x!tpu.dma_semaphore, #tpu.memory_space<semaphore_mem>> -> memref<1x!tpu.dma_semaphore, #tpu.memory_space<semaphore_mem>>
    %dma_wait3A_1732 = tpu.memref_squeeze %dma_wait3A_1731 : memref<1x!tpu.dma_semaphore, #tpu.memory_space<semaphore_mem>> -> memref<!tpu.dma_semaphore, #tpu.memory_space<semaphore_mem>>
    %dma_wait3A_1733 = arith.constant 0 : i32
    %dma_wait3A_1734 = arith.constant 0 : i32
    %dma_wait3A_1735 = arith.constant 0 : i32
    %dma_wait3A_1736 = tpu.memref_slice %arg6[%select_n3A_1721, %dma_wait3A_1733, %sub3A_1724, %dma_wait3A_1734, %dma_wait3A_1735] : memref<50x8x128x8x128xf32, #tpu.memory_space<hbm>> -> memref<1x8x1x8x128xf32, #tpu.memory_space<hbm>>
    %dma_wait3A_1737 = tpu.memref_squeeze %dma_wait3A_1736 : memref<1x8x1x8x128xf32, #tpu.memory_space<hbm>> -> memref<8x8x128xf32, #tpu.memory_space<hbm>>
    tpu.wait_dma2 semaphore(%dma_wait3A_1732 : memref<!tpu.dma_semaphore, #tpu.memory_space<semaphore_mem>>) src(%arg14 : memref<8x8x128xf32, #tpu.memory_space<vmem>>) dst(%dma_wait3A_1737 : memref<8x8x128xf32, #tpu.memory_space<hbm>>)
    return
  }
}

</mosaic_0001>

<sc_bundles>
// kernel: kernel.3.cloned.1.call-start
scs
__scs_entry_jumppad:
0x0: {  	(pc) =	sbr.rel $0x88, $3  }
0x1: {  	(tag) =	ssettag $0x0;
	lr =	simm.s32 $0x1  }
0x2: {  	[smem:$0x3F9D] =	sst lr;
	_ =	strace $0xD0000000  }
0x3: {  	_ = 	snop  }
0x4: {  	_ = 	snop  }
0x5: {  	_ = 	snop  }
0x6: {  	_ = 	snop  }
0x7: {  	_ = 	snop  }
__scs_overlays_trampoline_lowered:
0x8: {  	[smem:$0x3FAC] =	sst s0  }
0x9: {  	[smem:$0x3FAD] =	sst s1  }
0xa: {  	[smem:$0x3FAE] =	sst s2  }
0xb: {  	[smem:$0x3FAF] =	sst s3  }
0xc: {  	[smem:$0x3FB0] =	sst s4  }
0xd: {  	[smem:$0x3FB1] =	sst s5  }
0xe: {  	[smem:$0x3FB2] =	sst s6  }
0xf: {  	[smem:$0x3FB3] =	sst s7  }
0x10: {  	[smem:$0x3FB4] =	sst s8  }
0x11: {  	[smem:$0x3FB5] =	sst s9;
	s0 =	simm.s32 @!p0 $0x0  }
0x12: {  	s1 =	sld [smem:$0x3F9B];
	s0 =	simm.s32 @p0 $0x1  }
0x13: {  	[smem:$0x3FB6] =	sst s0;
	s0 =	simm.s32 @!p1 $0x0  }
0x14: {  	s2 =	sld [smem:$0x3F9A];
	s0 =	simm.s32 @p1 $0x1  }
0x15: {  	[smem:$0x3FB7] =	sst s0;
	s0 =	simm.s32 @!p2 $0x0  }
0x16: {  	s3 =	sld [smem:$0x3FDB];
	s0 =	simm.s32 @p2 $0x1  }
0x17: {  	s4 =	simm.s32 $0x1BF5;
	[smem:$0x3FB9] =	sst s0  }
0x18: {  	s0 =	sld [smem:$0x3F9C];
	_ =	swait.ge [sflag:s4], $0x0  }
0x19: {  	s7 =	sld [smem:$0x3F9D]  }
0x1a: {  	s8 =	sadd.s32 $0xFFFFE003, lr  }
0x1b: {  	s9 =	sadd.s32 $0xFFFFFEF7, lr;
	s5 =	simm.s32 $0xFFFFFFFF;
	p2 =	slt.u32 s8, $0xFFFFF086  }
0x1c: {  	p1 =	slt.u32 s9, $0xF7A;
	s5 =	simm.s32 @!p2 $0x0  }
0x1d: {  	s5 =	simm.s32 @p1 $0x1;
	p0 =	seq.s32 s7, s2  }
0x1e: {  	s7 =	smul.u32 @!p0 $0xF7A, s2;
	p2 =	seq.s32 @!p0 s5, $0x0  }
0x1f: {  	s9 =	smul.u32 $0xF7A, s1;
	s8 =	simm.s32 @!p0 $0x1BF5;
	p2 =	por !p2, p0  }
0x20: {  	[sflag:s8] =	ssyncset.s32 @!p0 $0xFFFFF086;
	s6 =	sadd.s32 @!p0 s3, s7;
	s7 =	simm.s32 @!p0 $0x108  }
0x21: {  	s3 =	sadd.s32 s3, s9;
	s6 =	sadd.s32 @!p0 $0x88, s6;
	s7 =	simm.s32 @p2 $0x1082  }
0x22: {  	[simem:s7], [sflag:s8] =	dma.local @!p0 [hbm:s6], $0xF7A  }
0x23: {  	s9 =	sor.u32 $0xD0000000, s2;
	s6 =	simm.s32 $0x108;
	_ =	swait.ge @!p0 [sflag:s8], $0x0  }
0x24: {  	s3 =	sadd.s32 $0x88, s3;
	s6 =	simm.s32 @!p1 $0x1082;
	[sflag:s4] =	ssyncset.s32 $0xFFFFF086  }
0x25: {  	[simem:s6], [sflag:s4] =	dma.local [hbm:s3], $0xF7A  }
0x26: {  	[smem:$0x3F9D] =	sst s1;
	(tag) =	ssettag s2;
	_ =	strace s9  }
0x27: {  	s1 =	sld [smem:$0x3FAD]  }
0x28: {  	s2 =	sld [smem:$0x3FAE]  }
0x29: {  	s4 =	sld [smem:$0x3FB0]  }
0x2a: {  	p0 =	seq.s32 s5, $0x0;
	s5 =	sld [smem:$0x3FB1]  }
0x2b: {  	s6 =	sld [smem:$0x3FB2]  }
0x2c: {  	s7 =	sld [smem:$0x3FB3]  }
0x2d: {  	s3 =	simm.s32 $0x108;
	s8 =	sld [smem:$0x3FB4]  }
0x2e: {  	s3 =	simm.s32 @!p0 $0x1082;
	s9 =	sld [smem:$0x3FB5]  }
0x2f: {  	lr =	sadd.s32 s0, s3;
	s0 =	sld [smem:$0x3FAC]  }
0x30: {  	s3 =	sld [smem:$0x3FAF]  }
0x31: {  	[smem:$0x3FB8] =	sst s10  }
0x32: {  	s10 =	sld [smem:$0x3FB6];
	_ =	sdelay $0x3  }
0x33: {  	p0 =	seq.s32 s10, $0x1;
	s10 =	sld [smem:$0x3FB8];
	_ =	sdelay $0x3  }
0x34: {  	[smem:$0x3FB8] =	sst s10  }
0x35: {  	s10 =	sld [smem:$0x3FB7];
	_ =	sdelay $0x3  }
0x36: {  	p1 =	seq.s32 s10, $0x1;
	s10 =	sld [smem:$0x3FB8];
	_ =	sdelay $0x3  }
0x37: {  	[smem:$0x3FB8] =	sst s10  }
0x38: {  	s10 =	sld [smem:$0x3FB9]  }
0x39: {  	_ = 	snop;
	(pc) =	sbr.ind lr, $3  }
0x3a: {  	_ = 	snop  }
0x3b: {  	_ = 	snop  }
0x3c: {  	p2 =	seq.s32 s10, $0x1;
	s10 =	sld [smem:$0x3FB8]  }
0x3d: {  	_ =	shalt  }
0x3e: {  	_ =	shalt  }
0x3f: {  	_ =	shalt  }
0x40: {  	_ =	shalt  }
0x41: {  	_ =	shalt  }
0x42: {  	_ =	shalt  }
0x43: {  	_ =	shalt  }
0x44: {  	_ =	shalt  }
0x45: {  	_ =	shalt  }
0x46: {  	_ =	shalt  }
0x47: {  	_ =	shalt  }
0x48: {  	_ =	shalt  }
0x49: {  	_ =	shalt  }
0x4a: {  	_ =	shalt  }
0x4b: {  	_ =	shalt  }
0x4c: {  	_ =	shalt  }
0x4d: {  	_ =	shalt  }
0x4e: {  	_ =	shalt  }
0x4f: {  	_ =	shalt  }
0x50: {  	_ =	shalt  }
0x51: {  	_ =	shalt  }
0x52: {  	_ =	shalt  }
0x53: {  	_ =	shalt  }
0x54: {  	_ =	shalt  }
0x55: {  	_ =	shalt  }
0x56: {  	_ =	shalt  }
0x57: {  	_ =	shalt  }
0x58: {  	_ =	shalt  }
0x59: {  	_ =	shalt  }
0x5a: {  	_ =	shalt  }
0x5b: {  	_ =	shalt  }
0x5c: {  	_ =	shalt  }
0x5d: {  	_ =	shalt  }
0x5e: {  	_ =	shalt  }
0x5f: {  	_ =	shalt  }
0x60: {  	_ =	shalt  }
0x61: {  	_ =	shalt  }
0x62: {  	_ =	shalt  }
0x63: {  	_ =	shalt  }
0x64: {  	_ =	shalt  }
0x65: {  	_ =	shalt  }
0x66: {  	_ =	shalt  }
0x67: {  	_ =	shalt  }
0x68: {  	_ =	shalt  }
0x69: {  	_ =	shalt  }
0x6a: {  	_ =	shalt  }
0x6b: {  	_ =	shalt  }
0x6c: {  	_ =	shalt  }
0x6d: {  	_ =	shalt  }
0x6e: {  	_ =	shalt  }
0x6f: {  	_ =	shalt  }
0x70: {  	_ =	shalt  }
0x71: {  	_ =	shalt  }
0x72: {  	_ =	shalt  }
0x73: {  	_ =	shalt  }
0x74: {  	_ =	shalt  }
0x75: {  	_ =	shalt  }
0x76: {  	_ =	shalt  }
0x77: {  	_ =	shalt  }
0x78: {  	_ =	shalt  }
0x79: {  	_ =	shalt  }
0x7a: {  	_ =	shalt  }
0x7b: {  	_ =	shalt  }
0x7c: {  	_ =	shalt  }
0x7d: {  	_ =	shalt  }
0x7e: {  	_ =	shalt  }
0x7f: {  	_ =	shalt  }
0x80: {  	_ =	shalt  }
0x81: {  	_ =	shalt  }
0x82: {  	_ =	shalt  }
0x83: {  	_ =	shalt  }
0x84: {  	_ =	shalt  }
0x85: {  	_ =	shalt  }
0x86: {  	_ =	shalt  }
0x87: {  	_ =	shalt  }
.Lfunc_end0:
.L_simem_size_0:
called_computation_lowered:
.L_overlay_start_0:
0x88: {  	s2 =	sld [smem:$0x3FD9]  }
0x89: {  	s3 =	sld [smem:$0x3FFE];
	_ =	sdelay $0x1  }
0x8a: {  	s1 =	srdreg.scid  }
0x8b: {  	s0 =	sand.u32 $0x1, s1  }
0x8c: {  	s17 =	sshll.u32 s0, $0xA;
	s2 =	sadd.s32 s3, s2  }
0x8d: {  	s2 =	sadd.s32 s2, s17  }
0x8e: {  	[smem:$0x3FC4] =	sst s2  }
0x8f: {  	_ = 	snop  }
0x90: {  	s2 =	sld [smem:$0x3FC9]  }
0x91: {  	s18 =	sld [smem:$0x3FC7]  }
0x92: {  	s4 =	sld [smem:$0x3FC6]  }
0x93: {  	s5 =	sld [smem:$0x3FD0];
	(tm) =	ssettm $0x1  }
0x94: {  	s6 =	sld [smem:$0x3FFB];
	_ =	sdelay $0x3  }
0x95: {  	_ =	strace s6  }
0x96: {  	s6 =	sld [smem:$0x3FFC];
	_ =	sdelay $0x3  }
0x97: {  	_ =	strace s6  }
0x98: {  	s6 =	sld [smem:$0x3FFD];
	_ =	sdelay $0x3  }
0x99: {  	_ =	strace s6  }
0x9a: {  	_ =	strace $0x8FFFFFFF  }
0x9b: {  	s19 =	sld [smem:$0x3FDB];
	_ =	sdelay $0x1  }
0x9c: {  	s7 =	simm.s32 $_scs_section_size  }
0x9d: {  	s8 =	simm.s32 $_size__tile_overlayer_lowered;
	s9 =	simm.s32 $_tile_overlayer_lowered  }
0x9e: {  	s22 =	simm.s32 $0x1BFF;
	s21 =	sshll.u32 s9, $0x1;
	s6 =	sadd.s32 s7, s19  }
0x9f: {  	s10 =	simm.s32 $0x0;
	s20 =	sshll.u32 s8, $0x1;
	s8 =	sadd.s32 s21, s6  }
0xa0: {  	[timem:s10], [sflag:s22] =	dma.local [hbm:s8], s20  }
0xa1: {  	_ =	swait.ge [sflag:s22], s20  }
0xa2: {  	s7 =	ssub.s32 $0x0, s20;
	[sflag:s22] =	ssyncset.done $0x0  }
0xa3: {  	[sflag:s22] =	ssyncadd.s32 s7;
	_ =	sdelay $0x1  }
0xa4: {  	s23 =	simm.s32 $0x1B8B  }
0xa5: {  	_ =	swait.ge [sflag:s23], $0x1  }
0xa6: {  	[sflag:s23] =	ssyncset.done $0x0  }
0xa7: {  	s25 =	simm.s32 $0x1B8E;
	s24 =	sld [smem:$0x3FFE];
	[sflag:s23] =	ssyncadd.s32 $0xFFFFFFFF  }
0xa8: {  	s26 =	simm.s32 $execute0_lowered;
	[smem:$0x3FD2] =	sst s25  }
0xa9: {  	s8 =	sshll.u32 s26, $0x1;
	_ =	strace $0x80000046;
	[dreg:$0x1] =	wrdreg $0xFFFFFFFF  }
0xaa: {  	s28 =	simm.s32 $_size_execute0_lowered;
	s6 =	sadd.s32 s6, s8;
	[dreg:$0x0] =	wrdreg $0x0  }
0xab: {  	s8 =	sshll.u32 s28, $0x1;
	[dreg:$0x2] =	wrdreg s6  }
0xac: {  	[dreg:$0x3] =	wrdreg s8  }
0xad: {  	[dreg:$0x4] =	wrdreg $0xC0  }
0xae: {  	_ =	task [dreg:s10], $0x5FFFF  }
0xaf: {  	[dreg:$0x1] =	wrdreg $0xFFFFFFFF  }
0xb0: {  	[dreg:$0x0] =	wrdreg $0x60  }
0xb1: {  	[dreg:$0x2] =	wrdreg s2  }
0xb2: {  	[dreg:$0x3] =	wrdreg s24  }
0xb3: {  	[dreg:$0x4] =	wrdreg s18  }
0xb4: {  	[dreg:$0x5] =	wrdreg s4  }
0xb5: {  	[dreg:$0x6] =	wrdreg s5  }
0xb6: {  	[dreg:$0x7] =	wrdreg $0x9  }
0xb7: {  	_ =	task.clear_ibuf [dreg:s10], $0x8FFFF;
	_ =	strace $0x90000046  }
0xb8: {  	s29 =	simm.s32 $0x9;
	_ =	strace $0x80000048  }
0xb9: {  	_ =	swait.ge [sflag:s29], $0x1  }
0xba: {  	[sflag:s29] =	ssyncadd.s32 $0xFFFFFFFF  }
0xbb: {  	_ =	strace $0x90000048  }
0xbc: {  	_ =	sfence  }
0xbd: {  	s30 =	sld [smem:$0x0];
	_ =	sdelay $0x2  }
0xbe: {  	s31 =	sshll.u32 s1, $0xD;
	s1 =	sshrl.u32 s1, $0x2  }
0xbf: {  	s3 =	sand.u32 $0x4000, s31;
	s1 =	sadd.s32 s1, s30  }
0xc0: {  	s0 =	sor.u32 s3, s0;
	s1 =	sshll.u32 s1, $0x11  }
0xc1: {  	s0 =	sor.u32 s1, s0  }
0xc2: {  	s0 =	sadd.s32 $0x8F2B, s0  }
0xc3: {  	[sflag:s0] =	ssyncadd.remote.s32 $0x1  }
0xc4: {  	_ =	sfence.sel $0xFFFF  }
0xc5: {  	[dreg:$0x0] =	wrdreg $0xFFFFFFFF;
	(pc) =	sbr.abs _section_cstart, $3  }
0xc6: {  	[dreg:$0x1] =	wrdreg $0xFFFFFFFF  }
0xc7: {  	_ =	task.clear_ibuf [dreg:s10], $0x2FFFF;
	_ =	strace $0x9FFFFFFF  }
0xc8: {  	(tm) =	ssettm $0x7FFFFFFF  }
0xc9: {  	_ =	shalt  }
tec
execute0_lowered:
.L_overlay_start_1:
0x0: {  	(tag) =	ssettag $0x1  }
0x1: {  	v0 =	vimm.s32 $0xFEDCBA9  }
0x2: {  	v1 =	vimm.s32 $0x87654321;
	v0 =	vunpack.c.l.s4.s8 v0  }
0x3: {  	v1 =	vunpack.c.l.s4.s8 v1  }
0x4: {  	v0 =	vunpack.c.0.s8.s32 v0  }
0x5: {  	v1 =	vunpack.c.0.s8.s32 v1  }
0x6: {  	v3 =	vimm.s32 $0x2C2B2A29;
	v4 =	vimm.s32 $0x24232221;
	[tilespmem:$0x1FA60] =	vst v0  }
0x7: {  	v11 =	vunpack.c.0.s8.s32 v3;
	[tilespmem:$0x1FA70] =	vst v1;
	v0 =	vcombine.low v1, v0;
	v1 =	vimm.s32 $0x101F1E1D  }
0x8: {  	v3 =	vimm.s32 $0x98765432;
	v8 =	vunpack.c.0.s8.s32 v1;
	v1 =	vimm.s32 $0x18171615  }
0x9: {  	v3 =	vunpack.c.l.s4.s8 v3;
	v10 =	vunpack.c.0.s8.s32 v1;
	v1 =	vimm.s32 $0x10FEDCBA  }
0xa: {  	v13 =	vunpack.c.0.s8.s32 v4;
	v0 =	vand.u32 $0xF, v0;
	v1 =	vunpack.c.l.s4.s8 v1  }
0xb: {  	v4 =	vimm.s32 $0x3C3B3A39;
	v6 =	vunpack.c.0.s8.s32 v3;
	[tilespmem:$0x1FA80] =	vst v0;
	v0 =	vimm.s32 $0x1C1B1A19  }
0xc: {  	v7 =	vunpack.c.0.s8.s32 v0;
	v0 =	vimm.s32 $0x14131211;
	v5 =	vunpack.c.0.s8.s32 v1  }
0xd: {  	v15 =	vunpack.c.0.s8.s32 v4;
	v9 =	vunpack.c.0.s8.s32 v0;
	v0 =	vimm.s32 $0x202F2E2D  }
0xe: {  	v12 =	vunpack.c.0.s8.s32 v0;
	v0 =	vimm.s32 $0x28272625;
	v4 =	vcombine.low v6, v5  }
0xf: {  	v14 =	vunpack.c.0.s8.s32 v0;
	v0 =	vimm.s32 $0x303F3E3D  }
0x10: {  	v16 =	vunpack.c.0.s8.s32 v0;
	v0 =	vand.u32 $0xF, v4  }
0x11: {  	[tilespmem:$0x1FAB0] =	vst v0;
	v0 =	vimm.s32 $0x1D1C1B1A  }
0x12: {  	v3 =	vimm.s32 $0x38373635;
	v20 =	vunpack.c.0.s8.s32 v0;
	v0 =	vimm.s32 $0x15141312  }
0x13: {  	v1 =	vimm.s32 $0x34333231;
	v22 =	vunpack.c.0.s8.s32 v0;
	v0 =	vimm.s32 $0x19181716  }
0x14: {  	v18 =	vunpack.c.0.s8.s32 v1;
	v23 =	vunpack.c.0.s8.s32 v0;
	v0 =	vimm.s32 $0x21202F2E  }
0x15: {  	v1 =	vimm.s32 $0x11101F1E;
	v25 =	vunpack.c.0.s8.s32 v0;
	v0 =	vimm.s32 $0x210FEDCB  }
0x16: {  	v21 =	vunpack.c.0.s8.s32 v1;
	v1 =	vimm.s32 $0x2D2C2B2A;
	v0 =	vunpack.c.l.s4.s8 v0  }
0x17: {  	v19 =	vunpack.c.0.s8.s32 v3;
	v3 =	vimm.s32 $0x25242322;
	v24 =	vunpack.c.0.s8.s32 v1  }
0x18: {  	v1 =	vimm.s32 $0xA9876543;
	v61 =	vunpack.c.0.s8.s32 v0;
	v0 =	vimm.s32 $0x35343332  }
0x19: {  	v1 =	vunpack.c.l.s4.s8 v1;
	v62 =	vunpack.c.0.s8.s32 v0;
	v0 =	vimm.s32 $0x1E1D1C1B  }
0x1a: {  	v26 =	vunpack.c.0.s8.s32 v3;
	v33 =	vunpack.c.0.s8.s32 v0;
	v0 =	vimm.s32 $0x1211101F  }
0x1b: {  	v27 =	vunpack.c.0.s8.s32 v1;
	v34 =	vunpack.c.0.s8.s32 v0;
	v0 =	vimm.s32 $0x16151413  }
0x1c: {  	v3 =	vimm.s32 $0x29282726;
	v35 =	vunpack.c.0.s8.s32 v0;
	v0 =	vimm.s32 $0x2E2D2C2B  }
0x1d: {  	v28 =	vunpack.c.0.s8.s32 v3;
	v3 =	vcombine.low v27, v61;
	v0 =	vunpack.c.0.s8.s32 v0  }
0x1e: {  	v1 =	vimm.s32 $0x39383736  }
0x1f: {  	v31 =	vunpack.c.0.s8.s32 v1;
	v1 =	vand.u32 $0xF, v3;
	[tilespmem:$0x1FAF0] =	vst v0;
	v0 =	vimm.s32 $0x2221202F  }
0x20: {  	[tilespmem:$0x1FAE0] =	vst v1;
	v1 =	vimm.s32 $0x1A191817;
	v0 =	vunpack.c.0.s8.s32 v0  }
0x21: {  	v36 =	vunpack.c.0.s8.s32 v1;
	v1 =	vimm.s32 $0x26252423  }
0x22: {  	[tilespmem:$0x1FB00] =	vst v0;
	v0 =	vunpack.c.0.s8.s32 v1;
	_ =	sdelay $0x1  }
0x23: {  	[tilespmem:$0x1FB10] =	vst v0;
	v0 =	vimm.s32 $0x2A292827  }
0x24: {  	v0 =	vunpack.c.0.s8.s32 v0;
	_ =	sdelay $0x1  }
0x25: {  	[tilespmem:$0x1FB20] =	vst v0;
	v0 =	vimm.s32 $0x3E3D3C3B  }
0x26: {  	v0 =	vunpack.c.0.s8.s32 v0  }
0x27: {  	v1 =	vimm.s32 $0x3231303F  }
0x28: {  	[tilespmem:$0x1FB30] =	vst v0;
	v0 =	vunpack.c.0.s8.s32 v1;
	_ =	sdelay $0x1  }
0x29: {  	[tilespmem:$0x1FB40] =	vst v0;
	v0 =	vimm.s32 $0x3210FEDC  }
0x2a: {  	v0 =	vunpack.c.l.s4.s8 v0;
	_ =	sdelay $0x1  }
0x2b: {  	v0 =	vunpack.c.0.s8.s32 v0  }
0x2c: {  	v1 =	vimm.s32 $0x36353433  }
0x2d: {  	v1 =	vunpack.c.0.s8.s32 v1;
	[tilespmem:$0x1FB70] =	vst v0;
	v0 =	vimm.s32 $0x1F1E1D1C  }
0x2e: {  	v0 =	vunpack.c.0.s8.s32 v0  }
0x2f: {  	[tilespmem:$0x1FB50] =	vst v1;
	v1 =	vimm.s32 $0x3A393837  }
0x30: {  	v3 =	vimm.s32 $0xBA987654;
	v1 =	vunpack.c.0.s8.s32 v1;
	[tilespmem:$0x1FB90] =	vst v0;
	v0 =	vimm.s32 $0x13121110  }
0x31: {  	v3 =	vunpack.c.l.s4.s8 v3;
	v0 =	vunpack.c.0.s8.s32 v0  }
0x32: {  	[tilespmem:$0x1FB60] =	vst v1  }
0x33: {  	v1 =	vunpack.c.0.s8.s32 v3;
	[tilespmem:$0x1FBA0] =	vst v0;
	v0 =	vimm.s32 $0x17161514  }
0x34: {  	v0 =	vunpack.c.0.s8.s32 v0  }
0x35: {  	[tilespmem:$0x1FB80] =	vst v1;
	v1 =	vimm.s32 $0x1B1A1918  }
0x36: {  	[tilespmem:$0x1FBB0] =	vst v0;
	v0 =	vunpack.c.0.s8.s32 v1;
	_ =	sdelay $0x1  }
0x37: {  	[tilespmem:$0x1FBC0] =	vst v0;
	v0 =	vimm.s32 $0x2F2E2D2C  }
0x38: {  	v0 =	vunpack.c.0.s8.s32 v0;
	_ =	sdelay $0x1  }
0x39: {  	[tilespmem:$0x1FBD0] =	vst v0;
	v0 =	vimm.s32 $0x23222120  }
0x3a: {  	v0 =	vunpack.c.0.s8.s32 v0  }
0x3b: {  	v1 =	vimm.s32 $0x27262524  }
0x3c: {  	[tilespmem:$0x1FBE0] =	vst v0;
	v0 =	vunpack.c.0.s8.s32 v1;
	_ =	sdelay $0x1  }
0x3d: {  	[tilespmem:$0x1FBF0] =	vst v0;
	v0 =	vimm.s32 $0x2B2A2928  }
0x3e: {  	v0 =	vunpack.c.0.s8.s32 v0;
	_ =	sdelay $0x1  }
0x3f: {  	[tilespmem:$0x1FC00] =	vst v0;
	v0 =	vimm.s32 $0x3F3E3D3C  }
0x40: {  	v0 =	vunpack.c.0.s8.s32 v0  }
0x41: {  	v1 =	vimm.s32 $0x33323130  }
0x42: {  	[tilespmem:$0x1FC10] =	vst v0;
	v0 =	vunpack.c.0.s8.s32 v1;
	v1 =	vimm.s32 $0x37363534  }
0x43: {  	v1 =	vunpack.c.0.s8.s32 v1  }
0x44: {  	[tilespmem:$0x1FC20] =	vst v0;
	v0 =	vimm.s32 $0xFEDCBA98  }
0x45: {  	v3 =	vimm.s32 $0x76543210;
	v0 =	vunpack.c.l.s4.s8 v0;
	[tilespmem:$0x1FC30] =	vst v1;
	v1 =	vimm.s32 $0x3B3A3938  }
0x46: {  	v3 =	vunpack.c.l.s4.s8 v3;
	v1 =	vunpack.c.0.s8.s32 v1  }
0x47: {  	[tilespmem:$0x1FAA0] =	vst v6;
	v4 =	vimm.s32 $0x3D3C3B3A;
	v0 =	vunpack.c.0.s8.s32 v0  }
0x48: {  	v29 =	vunpack.c.0.s8.s32 v4;
	v3 =	vunpack.c.0.s8.s32 v3;
	[tilespmem:$0x1FC40] =	vst v1;
	v1 =	vimm.s32 $0x43210FED  }
0x49: {  	[tilespmem:$0x1FA90] =	vst v5;
	v4 =	vimm.s32 $0xCBA98765;
	v1 =	vunpack.c.l.s4.s8 v1;
	v0 =	vand.u32 $0xF, v0  }
0x4a: {  	s0 =	rddreg [dreg:$0x0];
	v4 =	vunpack.c.l.s4.s8 v4;
	[tilespmem:$0x1FAD0] =	vst v27;
	v0 =	vcombine.low v0, v3  }
0x4b: {  	s1 =	rddreg [dreg:$0x1];
	s7 =	simm.s32 $0x0;
	[tilespmem:$0x1FAC0] =	vst v61;
	v1 =	vunpack.c.0.s8.s32 v1  }
0x4c: {  	[smem:$0x7FF] =	sst s7;
	v2 =	vunpack.c.0.s8.s32 v4;
	[tilespmem:$0x1FC50] =	vst v0  }
0x4d: {  	s5 =	rddreg [dreg:$0x4];
	_ =	strace $0x80000047;
	[tilespmem:$0x1FC60] =	vst v1  }
0x4e: {  	[tilespmem:$0x1FC70] =	vst v2  }
0x4f: {  	[tilespmem:$0x1FCD0] =	vst v7  }
0x50: {  	[tilespmem:$0x1FCE0] =	vst v8  }
0x51: {  	[tilespmem:$0x1FCF0] =	vst v9  }
0x52: {  	[tilespmem:$0x1FD00] =	vst v10  }
0x53: {  	[tilespmem:$0x1FD50] =	vst v11  }
0x54: {  	[tilespmem:$0x1FD60] =	vst v12  }
0x55: {  	[tilespmem:$0x1FD70] =	vst v13  }
0x56: {  	[tilespmem:$0x1FD80] =	vst v14  }
0x57: {  	[tilespmem:$0x1FD90] =	vst v15  }
0x58: {  	[tilespmem:$0x1FDA0] =	vst v16  }
0x59: {  	vm0 =	vcmask $0x1F10;
	[tilespmem:$0x1FDB0] =	vst v18  }
0x5a: {  	v4 =	vsel vm0, v19, v18;
	[tilespmem:$0x1FDC0] =	vst v19  }
0x5b: {  	[tilespmem:$0x1FE10] =	vst v4  }
0x5c: {  	[tilespmem:$0x1FE30] =	vst v20  }
0x5d: {  	[tilespmem:$0x1FE40] =	vst v21  }
0x5e: {  	[tilespmem:$0x1FE50] =	vst v22  }
0x5f: {  	[tilespmem:$0x1FE60] =	vst v23  }
0x60: {  	[tilespmem:$0x1FE70] =	vst v24  }
0x61: {  	[tilespmem:$0x1FE80] =	vst v25  }
0x62: {  	v5 =	vimm.s32 $0x31303F3E;
	[tilespmem:$0x1FE90] =	vst v26  }
0x63: {  	v30 =	vunpack.c.0.s8.s32 v5;
	[tilespmem:$0x1FEA0] =	vst v28  }
0x64: {  	[tilespmem:$0x1FF10] =	vst v29  }
0x65: {  	[tilespmem:$0x1FF20] =	vst v30  }
0x66: {  	[tilespmem:$0x1FF30] =	vst v62  }
0x67: {  	v0 =	vimm.s32 $0xDCBA9876;
	[tilespmem:$0x1FF40] =	vst v31  }
0x68: {  	v5 =	vimm.s32 $0x543210FE;
	v0 =	vunpack.c.l.s4.s8 v0;
	[tilespmem:$0x1FF50] =	vst v33  }
0x69: {  	v5 =	vunpack.c.l.s4.s8 v5;
	v3 =	vimm.s32 $0x6543210F;
	[tilespmem:$0x1FF60] =	vst v34  }
0x6a: {  	v1 =	vunpack.c.l.s4.s8 v3;
	[tilespmem:$0x1FF70] =	vst v35;
	v0 =	vunpack.c.0.s8.s32 v0  }
0x6b: {  	v63 =	vimm.s32 $0xEDCBA987;
	v2 =	vunpack.c.0.s8.s32 v5;
	[tilespmem:$0x1FF80] =	vst v36  }
0x6c: {  	v3 =	vunpack.c.l.s4.s8 v63;
	[tilespmem:$0x1FC90] =	vst v0;
	v0 =	vunpack.c.0.s8.s32 v1  }
0x6d: {  	[tilespmem:$0x1FC80] =	vst v2  }
0x6e: {  	v1 =	vsel vm0, v10, v9;
	[tilespmem:$0x1FCA0] =	vst v0;
	v0 =	vunpack.c.0.s8.s32 v3  }
0x6f: {  	[tilespmem:$0x1FD30] =	vst v1;
	v3 =	vlaneseq.u32  }
0x70: {  	v2 =	vor.u32 $0x20, v3;
	[tilespmem:$0x1FCB0] =	vst v0  }
0x71: {  	v5 =	vor.u32 $0x30, v3;
	[tilespmem:$0x1FD10] =	vst v2  }
0x72: {  	v0 =	vor.u32 $0x10, v3;
	[tilespmem:$0x1FF90] =	vst v5  }
0x73: {  	v2 =	vsel vm0, v16, v15;
	[tilespmem:$0x1FCC0] =	vst v0  }
0x74: {  	v0 =	vsel vm0, v8, v7;
	[tilespmem:$0x1FE00] =	vst v2  }
0x75: {  	[tilespmem:$0x1FD20] =	vst v0;
	v0 =	vcombine.low v1, v0;
	v1 =	vsel vm0, v14, v13  }
0x76: {  	[tilespmem:$0x1FDE0] =	vst v1  }
0x77: {  	s2 =	srdreg.scid;
	s3 =	stileid.u32;
	[tilespmem:$0x1FD40] =	vst v0;
	v0 =	vsel vm0, v12, v11  }
0x78: {  	s15 =	simm.s32 $0x7;
	s17 =	simm.s32 $0x1;
	s18 =	simm.s32 $0x80;
	[tilespmem:$0x1FDD0] =	vst v0;
	v0 =	vcombine.low v1, v0;
	v1 =	vsel vm0, v23, v22  }
0x79: {  	s19 =	simm.s32 $0x100;
	s2 =	sand.u32 $0x1, s2;
	s3 =	sshll.u32 s3, $0x1;
	[tilespmem:$0x1FEC0] =	vst v1  }
0x7a: {  	s28 =	simm.s32 $0x20000;
	s29 =	simm.s32 $0x4;
	s3 =	sor.u32 s2, s3;
	[tilespmem:$0x1FDF0] =	vst v0;
	v0 =	vcombine.low v4, v2;
	v2 =	vsel vm0, v25, v24  }
0x7b: {  	s30 =	simm.s32 $0x6;
	s2 =	ssub.s32 $0x2, s2;
	s6 =	smul.u32 $0xC8, s3;
	[tilespmem:$0x1FEE0] =	vst v2  }
0x7c: {  	s31 =	simm.s32 $0xA200;
	s3 =	smul.u32 $0x32000, s3;
	s22 =	sshrl.u32 s2, $0x1;
	[tilespmem:$0x1FE20] =	vst v0;
	v0 =	vsel vm0, v21, v20  }
0x7d: {  	s4 =	sand.u32 $0x380, s6;
	s8 =	sshll.u32 s6, $0xA;
	s9 =	sshll.u32 s6, $0x7;
	v4 =	vsel vm0, v28, v26;
	[tilespmem:$0x1FEB0] =	vst v0;
	v0 =	vcombine.low v1, v0  }
0x7e: {  	s11 =	sor.u32 $0x2, s6;
	s12 =	sor.u32 $0x3, s6;
	s3 =	sor.u32 s3, s4;
	[tilespmem:$0x1FEF0] =	vst v4  }
0x7f: {  	s20 =	sand.u32 $0x7E0000, s8;
	s21 =	sand.u32 $0xE0000, s9;
	s8 =	sadd.s32 $0xF42800, s1;
	v1 =	vsel vm0, v31, v62;
	[tilespmem:$0x1FED0] =	vst v0;
	v0 =	vcombine.low v4, v2  }
0x80: {  	s1 =	ssub.s32 s2, s22;
	s22 =	simm.s32 $0x180;
	s3 =	ssub.s32 s3, s20;
	[tilespmem:$0x1FFB0] =	vst v1  }
0x81: {  	s4 =	simm.s32 $0x5;
	s1 =	smax.u32 s1, $0x1;
	s3 =	sadd.s32 s21, s3;
	[tilespmem:$0x1FF00] =	vst v0;
	v0 =	vsel vm0, v30, v29  }
0x82: {  	s20 =	simm.s32 $0x200;
	s23 =	sor.u32 $0x400, s3;
	s24 =	sshrl.u32 s3, $0x3;
	v2 =	vsel vm0, v34, v33;
	[tilespmem:$0x1FFA0] =	vst v0;
	v0 =	vcombine.low v1, v0  }
0x83: {  	s21 =	simm.s32 $0x2;
	s25 =	sshrl.u32 s23, $0x3;
	s2 =	sadd.s32 s0, s24;
	v4 =	vsel vm0, v36, v35;
	[tilespmem:$0x1FFD0] =	vst v2  }
0x84: {  	s23 =	simm.s32 $0x4200;
	s26 =	sadd.s32 s0, s25;
	[dreg:$0x6] =	wrdreg s2;
	[tilespmem:$0x1FFC0] =	vst v0;
	v0 =	vcombine.low v4, v2  }
0x85: {  	s24 =	simm.s32 $0x3;
	s25 =	simm.s32 $0x8200;
	[dreg:$0x7] =	wrdreg s26;
	[tilespmem:$0x1FFE0] =	vst v4  }
0x86: {  	[dreg:$0x8] =	wrdreg s1;
	s26 =	simm.s32 $0x400;
	s1 =	simm.s32 $0x0;
	[tilespmem:$0x1FFF0] =	vst v0  }
.LBB2_1:
0x87: {  	s2 =	rddreg [dreg:$0x2];
	s3 =	simm.s32 $0xC200  }
0x88: {  	[tilespmem:s3], [sflag:$0x7] =	stream.linear.gather [hbm4b:s2+s7], $0x80, $0x38;
	[tilespmem:$0x12300] =	vst v63  }
0x89: {  	_ =	swait.ge [sflag:s15], $0x80  }
0x8a: {  	[sflag:s15] =	ssyncset.done $0x0  }
0x8b: {  	[sflag:s15] =	ssyncadd.s32 $0xFFFFFF80  }
0x8c: {  	s13 =	simm.s32 $0xC280;
	s10 =	rddreg [dreg:$0x3]  }
0x8d: {  	[tilespmem:s13], [sflag:$0x7] =	stream.linear.gather [hbm4b:s10+s7], $0x80, $0x38;
	[tilespmem:$0x12300] =	vst v63  }
0x8e: {  	_ =	swait.ge [sflag:s15], $0x80  }
0x8f: {  	[sflag:s15] =	ssyncset.done $0x0;
	v46 =	vld [tilespmem:$0x1FB30]  }
0x90: {  	v47 =	vld [tilespmem:$0x1FB40];
	[sflag:s15] =	ssyncadd.s32 $0xFFFFFF80  }
0x91: {  	v4 =	vld [tilespmem:$0xC200]  }
0x92: {  	v36 =	vld [tilespmem:$0xC280]  }
0x93: {  	v34 =	vld [tilespmem:$0xC290]  }
0x94: {  	v31 =	vld [tilespmem:$0xC2A0]  }
0x95: {  	v30 =	vld [tilespmem:$0xC2B0]  }
0x96: {  	v17 =	vld [tilespmem:$0x1FA80];
	v0 =	vsel vm0, v47, v46;
	v5 =	vperm.xlane v4, v3  }
0x97: {  	[tilespmem:$0x1FA20] =	vst v0;
	v6 =	vperm.xlane v36, v3  }
0x98: {  	v12 =	vperm.xlane v34, v3;
	[tilespmem:$0xE300] =	vst v5  }
0x99: {  	v13 =	vperm.xlane v31, v3;
	[tilespmem:$0x10300] =	vst v6  }
0x9a: {  	v32 =	vld [tilespmem:$0x1FAB0];
	v14 =	vperm.xlane v30, v3;
	[tilespmem:$0x10380] =	vst v12  }
0x9b: {  	v15 =	vperm.xlane v36, v17;
	[tilespmem:$0x10400] =	vst v13  }
0x9c: {  	v16 =	vperm.xlane v34, v17;
	[tilespmem:$0x10480] =	vst v14  }
0x9d: {  	v18 =	vperm.xlane v31, v17;
	[tilespmem:$0x10500] =	vst v15  }
0x9e: {  	v35 =	vld [tilespmem:$0xC210];
	v19 =	vperm.xlane v30, v17;
	[tilespmem:$0x10580] =	vst v16  }
0x9f: {  	v59 =	vld [tilespmem:$0x1FAE0];
	v20 =	vperm.xlane v36, v32;
	[tilespmem:$0x10600] =	vst v18  }
0xa0: {  	v33 =	vld [tilespmem:$0xC220];
	v21 =	vperm.xlane v34, v32;
	[tilespmem:$0x10680] =	vst v19  }
0xa1: {  	v22 =	vperm.xlane v31, v32;
	[tilespmem:$0x10700] =	vst v20  }
0xa2: {  	v29 =	vld [tilespmem:$0xC230];
	v23 =	vperm.xlane v30, v32;
	[tilespmem:$0x10780] =	vst v21  }
0xa3: {  	v50 =	vld [tilespmem:$0x1FB70];
	v5 =	vperm.xlane v35, v3;
	[tilespmem:$0x10800] =	vst v22  }
0xa4: {  	v51 =	vld [tilespmem:$0x1FB80];
	v24 =	vperm.xlane v36, v59;
	[tilespmem:$0x10880] =	vst v23  }
0xa5: {  	v41 =	vld [tilespmem:$0x1FAF0];
	[tilespmem:$0xE380] =	vst v5;
	v5 =	vperm.xlane v33, v3  }
0xa6: {  	v43 =	vld [tilespmem:$0x1FB00];
	v25 =	vperm.xlane v34, v59;
	[tilespmem:$0x10900] =	vst v24  }
0xa7: {  	v44 =	vld [tilespmem:$0x1FB10];
	[tilespmem:$0xE400] =	vst v5;
	v5 =	vperm.xlane v29, v3  }
0xa8: {  	v45 =	vld [tilespmem:$0x1FB20];
	v26 =	vperm.xlane v33, v59;
	[tilespmem:$0x10980] =	vst v25  }
0xa9: {  	v48 =	vld [tilespmem:$0x1FB50];
	v9 =	vcombine.low v51, v50;
	[tilespmem:$0xE480] =	vst v5;
	v5 =	vperm.xlane v4, v17  }
0xaa: {  	v49 =	vld [tilespmem:$0x1FB60];
	v28 =	vperm.xlane v30, v59;
	[tilespmem:$0xEA00] =	vst v26  }
0xab: {  	v52 =	vld [tilespmem:$0x1FB90];
	v9 =	vand.u32 $0xF, v9;
	[tilespmem:$0xE500] =	vst v5;
	v5 =	vperm.xlane v35, v17  }
0xac: {  	v53 =	vld [tilespmem:$0x1FBA0];
	v37 =	vperm.xlane v36, v9;
	[tilespmem:$0x10A80] =	vst v28  }
0xad: {  	v54 =	vld [tilespmem:$0x1FBB0];
	[tilespmem:$0xE580] =	vst v5;
	v5 =	vperm.xlane v33, v17  }
0xae: {  	v55 =	vld [tilespmem:$0x1FBC0];
	v38 =	vperm.xlane v35, v9;
	[tilespmem:$0x10B00] =	vst v37  }
0xaf: {  	v20 =	vld [tilespmem:$0x1FC60];
	[tilespmem:$0xE600] =	vst v5;
	v5 =	vperm.xlane v29, v17  }
0xb0: {  	v10 =	vperm.xlane v33, v9;
	v14 =	vld [tilespmem:$0x1FC70];
	[tilespmem:$0xEB80] =	vst v38  }
0xb1: {  	v22 =	vld [tilespmem:$0x1FCE0];
	[tilespmem:$0xE680] =	vst v5;
	v5 =	vperm.xlane v4, v32  }
0xb2: {  	v40 =	vperm.xlane v31, v9;
	v23 =	vld [tilespmem:$0x1FCF0];
	[tilespmem:$0xEC00] =	vst v10  }
0xb3: {  	v24 =	vld [tilespmem:$0x1FCD0];
	[tilespmem:$0xE700] =	vst v5;
	v5 =	vperm.xlane v35, v32  }
0xb4: {  	v13 =	vsel vm0, v49, v48;
	v15 =	vld [tilespmem:$0x1FD00];
	[tilespmem:$0x10C00] =	vst v40  }
0xb5: {  	v56 =	vld [tilespmem:$0x1FBD0];
	v27 =	vcombine.low v13, v0;
	v0 =	vsel vm0, v53, v52;
	[tilespmem:$0xE780] =	vst v5;
	v5 =	vperm.xlane v33, v32  }
0xb6: {  	v57 =	vld [tilespmem:$0x1FBE0];
	v16 =	vperm.xlane v29, v9;
	[tilespmem:$0x1FA40] =	vst v0  }
0xb7: {  	v58 =	vld [tilespmem:$0x1FBF0];
	[tilespmem:$0xE800] =	vst v5;
	v5 =	vperm.xlane v29, v32  }
0xb8: {  	v60 =	vld [tilespmem:$0x1FC00];
	[tilespmem:$0xEC80] =	vst v16;
	v11 =	vcombine.low v14, v20  }
0xb9: {  	v61 =	vld [tilespmem:$0x1FC10];
	v26 =	vsel vm0, v23, v22;
	v6 =	vsel vm0, v24, v15;
	[tilespmem:$0xE880] =	vst v5;
	v5 =	vperm.xlane v4, v59  }
0xba: {  	v62 =	vld [tilespmem:$0x1FC20];
	[tilespmem:$0xCA80] =	vst v27;
	v25 =	vcombine.low v6, v26  }
0xbb: {  	v18 =	vld [tilespmem:$0x1FD80];
	v11 =	vand.u32 $0xF, v11;
	[tilespmem:$0xE900] =	vst v5;
	v5 =	vperm.xlane v35, v59  }
0xbc: {  	v7 =	vsel vm0, v43, v41;
	v8 =	vsel vm0, v45, v44;
	v40 =	vld [tilespmem:$0x1FD50];
	v12 =	vperm.xlane v36, v11;
	[tilespmem:$0xCD80] =	vst v25  }
0xbd: {  	v23 =	vld [tilespmem:$0x1FDA0];
	[tilespmem:$0xE980] =	vst v5;
	v5 =	vcombine.low v8, v7  }
0xbe: {  	v24 =	vld [tilespmem:$0x1FDB0];
	v16 =	vperm.xlane v35, v11;
	[tilespmem:$0x10D00] =	vst v12  }
0xbf: {  	v22 =	vld [tilespmem:$0x1FDC0];
	[tilespmem:$0xCA00] =	vst v5;
	v5 =	vperm.xlane v31, v59  }
0xc0: {  	v37 =	vperm.xlane v34, v11;
	v25 =	vld [tilespmem:$0x1FD90];
	[tilespmem:$0xED80] =	vst v16  }
0xc1: {  	v63 =	vld [tilespmem:$0x1FC30];
	[tilespmem:$0x10A00] =	vst v5;
	v5 =	vperm.xlane v29, v59  }
0xc2: {  	v38 =	vld [tilespmem:$0x1FD60];
	v19 =	vperm.xlane v31, v11;
	[tilespmem:$0x10D80] =	vst v37  }
0xc3: {  	v1 =	vsel vm0, v55, v54;
	v10 =	vld [tilespmem:$0x1FC90];
	v27 =	vsel vm0, v60, v58;
	[tilespmem:$0xEA80] =	vst v5;
	v5 =	vperm.xlane v4, v9  }
0xc4: {  	v15 =	vsel vm0, v40, v18;
	v12 =	vperm.xlane v33, v11;
	v16 =	vsel vm0, v24, v23;
	[tilespmem:$0x10E00] =	vst v19;
	v24 =	vld [tilespmem:$0x1FE40]  }
0xc5: {  	v18 =	vsel vm0, v25, v22;
	v25 =	vld [tilespmem:$0x1FE50];
	[tilespmem:$0xEB00] =	vst v5;
	v5 =	vcombine.low v1, v0;
	v0 =	vsel vm0, v57, v56  }
0xc6: {  	[tilespmem:$0x1FA50] =	vst v0;
	v39 =	vcombine.low v27, v0;
	v0 =	vld [tilespmem:$0x1FC40]  }
0xc7: {  	[tilespmem:$0xEE00] =	vst v12;
	v12 =	vld [tilespmem:$0x1FC80]  }
0xc8: {  	v37 =	vcombine.low v18, v16;
	[tilespmem:$0xCC00] =	vst v39;
	v39 =	vld [tilespmem:$0x1FD70]  }
0xc9: {  	[tilespmem:$0xCB80] =	vst v5;
	v5 =	vperm.xlane v34, v9  }
0xca: {  	v28 =	vsel vm0, v62, v61;
	[tilespmem:$0xCE80] =	vst v37;
	v37 =	vld [tilespmem:$0x1FE30]  }
0xcb: {  	v21 =	vperm.xlane v4, v11;
	v19 =	vsel vm0, v25, v24;
	v24 =	vld [tilespmem:$0x1FE60];
	[tilespmem:$0x10B80] =	vst v5;
	v5 =	vsel vm0, v0, v63  }
0xcc: {  	[tilespmem:$0xCD00] =	vst v11;
	v42 =	vcombine.low v5, v28  }
0xcd: {  	v40 =	vperm.xlane v30, v11;
	[tilespmem:$0xED00] =	vst v21;
	v21 =	vsel vm0, v39, v38;
	v39 =	vcombine.low v10, v12  }
0xce: {  	[tilespmem:$0xCC80] =	vst v42;
	v42 =	vcombine.low v15, v21  }
0xcf: {  	[tilespmem:$0x10E80] =	vst v40;
	v40 =	vld [tilespmem:$0x1FE90];
	v38 =	vperm.xlane v29, v11;
	v11 =	vand.u32 $0xF, v39  }
0xd0: {  	v22 =	vsel vm0, v37, v24;
	v37 =	vld [tilespmem:$0x1FEA0];
	[tilespmem:$0xCE00] =	vst v42;
	v42 =	vperm.xlane v4, v11  }
0xd1: {  	v39 =	vld [tilespmem:$0x1FE80]  }
0xd2: {  	[tilespmem:$0xEF00] =	vst v42;
	v42 =	vld [tilespmem:$0x1FE70];
	_ =	sdelay $0x2  }
0xd3: {  	[tilespmem:$0xC300] =	vst v3;
	v23 =	vperm.xlane v36, v11  }
0xd4: {  	[tilespmem:$0xC500] =	vst v17  }
0xd5: {  	[tilespmem:$0x10F00] =	vst v23;
	v23 =	vsel vm0, v40, v39;
	v24 =	vsel vm0, v42, v37  }
0xd6: {  	[tilespmem:$0xC700] =	vst v32;
	v40 =	vcombine.low v24, v23  }
0xd7: {  	[tilespmem:$0xC900] =	vst v59;
	v42 =	vld [tilespmem:$0x1FF20]  }
0xd8: {  	[tilespmem:$0xD000] =	vst v40;
	v40 =	vld [tilespmem:$0x1FF30]  }
0xd9: {  	[tilespmem:$0x1FA30] =	vst v1;
	v7 =	vcombine.low v7, v8  }
0xda: {  	[tilespmem:$0xCB00] =	vst v9  }
0xdb: {  	v2 =	vld [tilespmem:$0x1FCA0];
	[tilespmem:$0xDA00] =	vst v7;
	v25 =	vperm.xlane v35, v11  }
0xdc: {  	[tilespmem:$0xEE80] =	vst v38;
	v38 =	vcombine.low v22, v19;
	v39 =	vld [tilespmem:$0x1FF40]  }
0xdd: {  	v9 =	vperm.xlane v30, v9;
	[tilespmem:$0xEF80] =	vst v25;
	v25 =	vsel vm0, v40, v42;
	v42 =	vld [tilespmem:$0x1FF10]  }
0xde: {  	v1 =	vld [tilespmem:$0x1FCB0];
	[tilespmem:$0xCF80] =	vst v38;
	v38 =	vperm.xlane v31, v11  }
0xdf: {  	[tilespmem:$0x10C80] =	vst v9;
	v9 =	vperm.xlane v34, v11  }
0xe0: {  	[tilespmem:$0x11000] =	vst v38;
	v38 =	vperm.xlane v29, v11  }
0xe1: {  	[tilespmem:$0x10F80] =	vst v9;
	v9 =	vperm.xlane v33, v11  }
0xe2: {  	v5 =	vcombine.low v28, v5;
	[tilespmem:$0xF080] =	vst v38;
	v38 =	vld [tilespmem:$0x1FF60];
	v37 =	vsel vm0, v42, v39  }
0xe3: {  	[tilespmem:$0xF000] =	vst v9;
	v42 =	vcombine.low v1, v2;
	v39 =	vld [tilespmem:$0x1FF70];
	v9 =	vcombine.low v37, v25  }
0xe4: {  	[tilespmem:$0xDC80] =	vst v5  }
0xe5: {  	v42 =	vand.u32 $0xF, v42;
	[tilespmem:$0xD080] =	vst v9;
	v9 =	vperm.xlane v30, v11  }
0xe6: {  	[tilespmem:$0xCF00] =	vst v11;
	v11 =	vperm.xlane v36, v42  }
0xe7: {  	v40 =	vld [tilespmem:$0x1FF80];
	[tilespmem:$0x11080] =	vst v9;
	v9 =	vperm.xlane v4, v42  }
0xe8: {  	v38 =	vsel vm0, v39, v38;
	v39 =	vld [tilespmem:$0x1FF50];
	[tilespmem:$0x11100] =	vst v11;
	v11 =	vperm.xlane v35, v42  }
0xe9: {  	[tilespmem:$0xF100] =	vst v9;
	v9 =	vperm.xlane v34, v42  }
0xea: {  	[tilespmem:$0xF180] =	vst v11;
	v11 =	vsel vm0, v46, v49;
	v46 =	vld [tilespmem:$0x1FC50]  }
0xeb: {  	v49 =	vperm.xlane v29, v42;
	[tilespmem:$0x11180] =	vst v9;
	v9 =	vsel vm0, v48, v47  }
0xec: {  	[tilespmem:$0xD100] =	vst v42;
	v48 =	vcombine.low v11, v9  }
0xed: {  	[tilespmem:$0xF280] =	vst v49;
	v39 =	vsel vm0, v39, v40  }
0xee: {  	v40 =	vcombine.low v39, v38;
	[tilespmem:$0xD280] =	vst v48  }
0xef: {  	v48 =	vperm.xlane v4, v46;
	[tilespmem:$0xD300] =	vst v46  }
0xf0: {  	v49 =	vperm.xlane v36, v46;
	[tilespmem:$0xD180] =	vst v40  }
0xf1: {  	v55 =	vsel vm0, v52, v55;
	v52 =	vperm.xlane v34, v46;
	[tilespmem:$0xF300] =	vst v48  }
0xf2: {  	v54 =	vsel vm0, v54, v53;
	v53 =	vsel vm0, v58, v57;
	v57 =	vperm.xlane v31, v46;
	[tilespmem:$0x11300] =	vst v49  }
0xf3: {  	v40 =	vsel vm0, v44, v43;
	v43 =	vperm.xlane v33, v42;
	[tilespmem:$0x11380] =	vst v52  }
0xf4: {  	v41 =	vsel vm0, v41, v45;
	v58 =	vsel vm0, v63, v62;
	v62 =	vld [tilespmem:$0x1FA60];
	v44 =	vperm.xlane v31, v42;
	[tilespmem:$0x11400] =	vst v57  }
0xf5: {  	v63 =	vld [tilespmem:$0x1FA70];
	v42 =	vperm.xlane v30, v42;
	v45 =	vcombine.low v41, v40;
	[tilespmem:$0xF200] =	vst v43  }
0xf6: {  	v48 =	vcombine.low v55, v54;
	v54 =	vsel vm0, v56, v60;
	v60 =	vsel vm0, v61, v0;
	v0 =	vld [tilespmem:$0x1FD20];
	[tilespmem:$0x11200] =	vst v44  }
0xf7: {  	[tilespmem:$0x11280] =	vst v42;
	v55 =	vcombine.low v54, v53;
	v54 =	vld [tilespmem:$0x1FD30]  }
0xf8: {  	v49 =	vperm.xlane v35, v46;
	[tilespmem:$0xD200] =	vst v45  }
0xf9: {  	v56 =	vperm.xlane v33, v46;
	[tilespmem:$0xD380] =	vst v48  }
0xfa: {  	[tilespmem:$0xF380] =	vst v49  }
0xfb: {  	v57 =	vld [tilespmem:$0x1FDE0];
	v61 =	vcombine.low v60, v58;
	v44 =	vcombine.low v62, v63;
	[tilespmem:$0xF400] =	vst v56  }
0xfc: {  	v48 =	vperm.xlane v29, v46;
	[tilespmem:$0xD400] =	vst v55;
	v42 =	vcombine.low v0, v54;
	v0 =	vld [tilespmem:$0x1FDD0]  }
0xfd: {  	v49 =	vperm.xlane v30, v46;
	[tilespmem:$0xD480] =	vst v61  }
0xfe: {  	v44 =	vand.u32 $0xF, v44;
	[tilespmem:$0xF480] =	vst v48  }
0xff: {  	v52 =	vperm.xlane v4, v44;
	[tilespmem:$0x11480] =	vst v49  }
0x100: {  	v61 =	vld [tilespmem:$0x1FE10];
	v53 =	vperm.xlane v36, v44;
	[tilespmem:$0xD500] =	vst v44  }
0x101: {  	v55 =	vperm.xlane v35, v44;
	[tilespmem:$0xF500] =	vst v52;
	v43 =	vcombine.low v0, v57;
	v0 =	vld [tilespmem:$0x1FE00]  }
0x102: {  	v62 =	vld [tilespmem:$0x1FA90];
	v56 =	vperm.xlane v34, v44;
	[tilespmem:$0x11500] =	vst v53  }
0x103: {  	v63 =	vld [tilespmem:$0x1FAA0];
	v58 =	vperm.xlane v33, v44;
	[tilespmem:$0xF580] =	vst v55  }
0x104: {  	[tilespmem:$0x11580] =	vst v56  }
0x105: {  	v60 =	vperm.xlane v31, v44;
	[tilespmem:$0xF600] =	vst v58;
	v53 =	vld [tilespmem:$0x1FEC0]  }
0x106: {  	[tilespmem:$0xD580] =	vst v42;
	v42 =	vcombine.low v0, v61;
	v0 =	vld [tilespmem:$0x1FEB0]  }
0x107: {  	v48 =	vperm.xlane v29, v44;
	[tilespmem:$0x11600] =	vst v60  }
0x108: {  	v44 =	vperm.xlane v30, v44;
	[tilespmem:$0xD600] =	vst v43;
	v43 =	vcombine.low v62, v63  }
0x109: {  	[tilespmem:$0xF680] =	vst v48  }
0x10a: {  	[tilespmem:$0x11680] =	vst v44;
	v56 =	vld [tilespmem:$0x1FEF0];
	v43 =	vand.u32 $0xF, v43  }
0x10b: {  	v49 =	vperm.xlane v4, v43;
	[tilespmem:$0xD680] =	vst v42;
	v42 =	vcombine.low v0, v53;
	v0 =	vld [tilespmem:$0x1FEE0]  }
0x10c: {  	v52 =	vperm.xlane v36, v43;
	[tilespmem:$0xD700] =	vst v43  }
0x10d: {  	v54 =	vperm.xlane v35, v43;
	[tilespmem:$0xF700] =	vst v49  }
0x10e: {  	v55 =	vperm.xlane v34, v43;
	[tilespmem:$0x11700] =	vst v52  }
0x10f: {  	v60 =	vld [tilespmem:$0x1FFB0];
	v57 =	vperm.xlane v33, v43;
	[tilespmem:$0xF780] =	vst v54  }
0x110: {  	v58 =	vperm.xlane v31, v43;
	[tilespmem:$0x11780] =	vst v55;
	v44 =	vcombine.low v0, v56;
	v0 =	vld [tilespmem:$0x1FFA0]  }
0x111: {  	v63 =	vperm.xlane v29, v43;
	[tilespmem:$0xF800] =	vst v57  }
0x112: {  	v62 =	vld [tilespmem:$0x1FAD0];
	v43 =	vperm.xlane v30, v43;
	[tilespmem:$0x11800] =	vst v58  }
0x113: {  	v61 =	vld [tilespmem:$0x1FAC0];
	[tilespmem:$0xF880] =	vst v63  }
0x114: {  	v48 =	vld [tilespmem:$0x1FFE0];
	[tilespmem:$0x11880] =	vst v43;
	v56 =	vcombine.low v50, v51  }
0x115: {  	[tilespmem:$0xD780] =	vst v42;
	v50 =	vcombine.low v21, v15;
	v42 =	vcombine.low v0, v60;
	v0 =	vld [tilespmem:$0x1FFD0]  }
0x116: {  	[tilespmem:$0xD800] =	vst v44  }
0x117: {  	v7 =	vand.u32 $0xF, v56;
	[tilespmem:$0xDE00] =	vst v50;
	v56 =	vcombine.low v23, v24  }
0x118: {  	v44 =	vcombine.low v61, v62;
	[tilespmem:$0xDB00] =	vst v7  }
0x119: {  	[tilespmem:$0xE000] =	vst v56  }
0x11a: {  	v61 =	vperm.xlane v36, v7;
	v44 =	vand.u32 $0xF, v44;
	[tilespmem:$0xD880] =	vst v42;
	v42 =	vcombine.low v0, v48;
	v0 =	vld [tilespmem:$0x1FA20]  }
0x11b: {  	v63 =	vperm.xlane v35, v7;
	[tilespmem:$0xD900] =	vst v44  }
0x11c: {  	v5 =	vperm.xlane v29, v7;
	[tilespmem:$0x11B00] =	vst v61  }
0x11d: {  	v45 =	vperm.xlane v4, v44;
	[tilespmem:$0xFB80] =	vst v63  }
0x11e: {  	v62 =	vld [tilespmem:$0x1FA40];
	v47 =	vperm.xlane v36, v44;
	[tilespmem:$0xFC80] =	vst v5  }
0x11f: {  	v49 =	vperm.xlane v35, v44;
	[tilespmem:$0xF900] =	vst v45;
	v55 =	vcombine.low v0, v13;
	v0 =	vld [tilespmem:$0x1FA30]  }
0x120: {  	v52 =	vperm.xlane v34, v44;
	[tilespmem:$0x11900] =	vst v47  }
0x121: {  	v53 =	vperm.xlane v33, v44;
	[tilespmem:$0xF980] =	vst v49  }
0x122: {  	v54 =	vperm.xlane v31, v44;
	[tilespmem:$0x11980] =	vst v52  }
0x123: {  	v57 =	vperm.xlane v29, v44;
	[tilespmem:$0xFA00] =	vst v53  }
0x124: {  	v58 =	vperm.xlane v30, v44;
	[tilespmem:$0x11A00] =	vst v54;
	v8 =	vcombine.low v62, v0;
	v0 =	vld [tilespmem:$0x1FA50]  }
0x125: {  	v60 =	vperm.xlane v4, v7;
	[tilespmem:$0xFA80] =	vst v57  }
0x126: {  	v44 =	vperm.xlane v33, v7;
	[tilespmem:$0x11A80] =	vst v58  }
0x127: {  	[tilespmem:$0xFB00] =	vst v60  }
0x128: {  	v45 =	vperm.xlane v31, v7;
	[tilespmem:$0xFC00] =	vst v44  }
0x129: {  	[tilespmem:$0xD980] =	vst v42;
	v42 =	vperm.xlane v34, v7;
	v43 =	vcombine.low v0, v27;
	v0 =	vld [tilespmem:$0x1FCC0]  }
0x12a: {  	v58 =	vcombine.low v2, v1;
	[tilespmem:$0x11C00] =	vst v45;
	v7 =	vperm.xlane v30, v7  }
0x12b: {  	[tilespmem:$0x11B80] =	vst v42  }
0x12c: {  	[tilespmem:$0x11C80] =	vst v7;
	v7 =	vand.u32 $0xF, v58  }
0x12d: {  	v47 =	vcombine.low v20, v14;
	[tilespmem:$0xE100] =	vst v7  }
0x12e: {  	[tilespmem:$0xC380] =	vst v0;
	v0 =	vld [tilespmem:$0x1FD10]  }
0x12f: {  	[tilespmem:$0xDB80] =	vst v8;
	v8 =	vand.u32 $0xF, v47  }
0x130: {  	[tilespmem:$0xDA80] =	vst v55;
	v5 =	vperm.xlane v4, v8  }
0x131: {  	[tilespmem:$0xDD00] =	vst v8  }
0x132: {  	v48 =	vperm.xlane v36, v8;
	[tilespmem:$0xFD00] =	vst v5  }
0x133: {  	v5 =	vcombine.low v26, v6;
	[tilespmem:$0xC400] =	vst v0;
	v0 =	vld [tilespmem:$0x1FF90]  }
0x134: {  	v49 =	vperm.xlane v35, v8;
	[tilespmem:$0x11D00] =	vst v48  }
0x135: {  	[tilespmem:$0xDD80] =	vst v5;
	v5 =	vperm.xlane v34, v8  }
0x136: {  	[tilespmem:$0xFD80] =	vst v49  }
0x137: {  	v51 =	vperm.xlane v31, v8;
	[tilespmem:$0x11D80] =	vst v5  }
0x138: {  	v5 =	vperm.xlane v33, v8;
	[tilespmem:$0xC480] =	vst v0;
	v0 =	vld [tilespmem:$0x1FD40]  }
0x139: {  	v53 =	vperm.xlane v30, v8;
	[tilespmem:$0x11E00] =	vst v51  }
0x13a: {  	[tilespmem:$0xFE00] =	vst v5;
	v5 =	vcombine.low v16, v18  }
0x13b: {  	v52 =	vcombine.low v12, v10;
	[tilespmem:$0x11E80] =	vst v53  }
0x13c: {  	[tilespmem:$0xDE80] =	vst v5  }
0x13d: {  	v6 =	vand.u32 $0xF, v52;
	v5 =	vperm.xlane v29, v8;
	[tilespmem:$0xC580] =	vst v0;
	v0 =	vld [tilespmem:$0x1FDF0]  }
0x13e: {  	[tilespmem:$0xDF00] =	vst v6  }
0x13f: {  	[tilespmem:$0xFE80] =	vst v5;
	v5 =	vperm.xlane v4, v6  }
0x140: {  	[tilespmem:$0xDC00] =	vst v43  }
0x141: {  	v54 =	vperm.xlane v36, v6;
	[tilespmem:$0xFF00] =	vst v5  }
0x142: {  	v5 =	vcombine.low v19, v22;
	[tilespmem:$0xC600] =	vst v0;
	v0 =	vld [tilespmem:$0x1FE20]  }
0x143: {  	v55 =	vperm.xlane v35, v6;
	[tilespmem:$0x11F00] =	vst v54  }
0x144: {  	[tilespmem:$0xDF80] =	vst v5;
	v5 =	vperm.xlane v34, v6  }
0x145: {  	[tilespmem:$0xFF80] =	vst v55  }
0x146: {  	v57 =	vperm.xlane v31, v6;
	[tilespmem:$0x11F80] =	vst v5  }
0x147: {  	v5 =	vperm.xlane v33, v6;
	[tilespmem:$0xC680] =	vst v0;
	v0 =	vld [tilespmem:$0x1FED0]  }
0x148: {  	[tilespmem:$0x12000] =	vst v57;
	v4 =	vperm.xlane v4, v7  }
0x149: {  	[tilespmem:$0x10000] =	vst v5;
	v5 =	vcombine.low v25, v37  }
0x14a: {  	[tilespmem:$0x10100] =	vst v4  }
0x14b: {  	v4 =	vcombine.low v38, v39;
	[tilespmem:$0xE080] =	vst v5  }
0x14c: {  	v5 =	vperm.xlane v29, v6;
	[tilespmem:$0xC780] =	vst v0;
	v0 =	vld [tilespmem:$0x1FF00]  }
0x14d: {  	[tilespmem:$0xE180] =	vst v4;
	v4 =	vperm.xlane v34, v7  }
0x14e: {  	[tilespmem:$0x10080] =	vst v5;
	v5 =	vperm.xlane v36, v7  }
0x14f: {  	[tilespmem:$0x12180] =	vst v4  }
0x150: {  	v4 =	vperm.xlane v33, v7;
	[tilespmem:$0x12100] =	vst v5  }
0x151: {  	v5 =	vperm.xlane v35, v7;
	[tilespmem:$0xC800] =	vst v0;
	v0 =	vld [tilespmem:$0x1FFC0]  }
0x152: {  	[tilespmem:$0x10200] =	vst v4;
	v4 =	vperm.xlane v31, v7  }
0x153: {  	[tilespmem:$0x10180] =	vst v5;
	v5 =	vcombine.low v40, v41  }
0x154: {  	[tilespmem:$0x12200] =	vst v4  }
0x155: {  	v6 =	vperm.xlane v30, v6;
	[tilespmem:$0xE200] =	vst v5  }
0x156: {  	v5 =	vcombine.low v9, v11;
	[tilespmem:$0xC880] =	vst v0;
	v0 =	vld [tilespmem:$0x1FFF0]  }
0x157: {  	v4 =	vperm.xlane v29, v7;
	[tilespmem:$0x12080] =	vst v6  }
0x158: {  	[tilespmem:$0xE280] =	vst v5;
	v5 =	vperm.xlane v30, v7  }
0x159: {  	[tilespmem:$0x10280] =	vst v4  }
0x15a: {  	[tilespmem:$0x12280] =	vst v5  }
0x15b: {  	s14 =	rddreg [dreg:$0x6];
	[tilespmem:$0xC980] =	vst v0  }
0x15c: {  	[tilespmem:s7], [sflag:$0x1] =	stream.linear.gather [hbm4b:s14+s7], $0x80, $0x38;
	[tilespmem:$0x12300] =	vst v63  }
0x15d: {  	_ =	swait.ge [sflag:s17], $0x80  }
0x15e: {  	[sflag:s17] =	ssyncset.done $0x0  }
0x15f: {  	[sflag:s17] =	ssyncadd.s32 $0xFFFFFF80  }
0x160: {  	v4 =	vld [tilespmem:$0x0]  }
0x161: {  	v5 =	vld [tilespmem:$0x10]  }
0x162: {  	v59 =	vld [tilespmem:$0x20]  }
0x163: {  	v60 =	vld [tilespmem:$0x30]  }
0x164: {  	v61 =	vld [tilespmem:$0x40]  }
0x165: {  	v62 =	vld [tilespmem:$0x50];
	v4 =	vshrl.u32 v4, $0x1  }
0x166: {  	[tilespmem:$0x100] =	vst v4;
	v4 =	vshrl.u32 v5, $0x1;
	v5 =	vld [tilespmem:$0x60]  }
0x167: {  	v63 =	vld [tilespmem:$0x70];
	[tilespmem:$0x110] =	vst v4;
	v4 =	vshrl.u32 v59, $0x1  }
0x168: {  	[tilespmem:$0x120] =	vst v4;
	v4 =	vshrl.u32 v60, $0x1  }
0x169: {  	[tilespmem:$0x130] =	vst v4;
	v4 =	vshrl.u32 v61, $0x1  }
0x16a: {  	[tilespmem:$0x140] =	vst v4;
	v4 =	vshrl.u32 v62, $0x1  }
0x16b: {  	[tilespmem:$0x150] =	vst v4;
	v4 =	vshrl.u32 v5, $0x1  }
0x16c: {  	[tilespmem:$0x160] =	vst v4;
	v4 =	vshrl.u32 v63, $0x1  }
0x16d: {  	[tilespmem:$0x170] =	vst v4  }
0x16e: {  	[tilespmem:s20], [sflag:$0x3] =	stream.indirect.gather [hbm4b:s8+s18], $0x80, s19, s18, $0xb8;
	[tilespmem:$0x12300] =	vst v63  }
0x16f: {  	s2 =	simm.s32 $0x0;
	s16 =	rddreg [dreg:$0x7]  }
0x170: {  	[tilespmem:s18], [sflag:$0x2] =	stream.linear.gather [hbm4b:s16+s7], $0x80, $0x38;
	[tilespmem:$0x12300] =	vst v63  }
.LBB2_2:
0x171: {  	_ =	swait.ge [sflag:s21], $0x80  }
0x172: {  	[sflag:s21] =	ssyncset.done $0x0  }
0x173: {  	[sflag:s21] =	ssyncadd.s32 $0xFFFFFF80  }
0x174: {  	v4 =	vld [tilespmem:$0x80]  }
0x175: {  	v5 =	vld [tilespmem:$0x90]  }
0x176: {  	v6 =	vld [tilespmem:$0xA0]  }
0x177: {  	v7 =	vld [tilespmem:$0xB0]  }
0x178: {  	v8 =	vld [tilespmem:$0xC0]  }
0x179: {  	v9 =	vld [tilespmem:$0xD0];
	v4 =	vshrl.u32 v4, $0x1  }
0x17a: {  	[tilespmem:$0x180] =	vst v4;
	v4 =	vshrl.u32 v5, $0x1;
	v5 =	vld [tilespmem:$0xE0]  }
0x17b: {  	v63 =	vld [tilespmem:$0xF0];
	[tilespmem:$0x190] =	vst v4;
	v4 =	vshrl.u32 v6, $0x1  }
0x17c: {  	[tilespmem:$0x1A0] =	vst v4;
	v4 =	vshrl.u32 v7, $0x1  }
0x17d: {  	[tilespmem:$0x1B0] =	vst v4;
	v4 =	vshrl.u32 v8, $0x1  }
0x17e: {  	[tilespmem:$0x1C0] =	vst v4;
	v4 =	vshrl.u32 v9, $0x1  }
0x17f: {  	[tilespmem:$0x1D0] =	vst v4;
	v4 =	vshrl.u32 v5, $0x1  }
0x180: {  	[tilespmem:$0x1E0] =	vst v4;
	v4 =	vshrl.u32 v63, $0x1  }
0x181: {  	[tilespmem:$0x1F0] =	vst v4  }
0x182: {  	[tilespmem:s23], [sflag:$0x4] =	stream.indirect.gather [hbm4b:s8+s18], $0x80, s22, s18, $0xb8;
	[tilespmem:$0x12300] =	vst v63  }
0x183: {  	_ =	swait.ge [sflag:s24], $0x4000  }
0x184: {  	p1 =	seq.s32 s2, $0x0;
	[sflag:s24] =	ssyncset.done $0x0  }
0x185: {  	s9 =	simm.s32 @!p1 $0x5;
	[sflag:s24] =	ssyncadd.s32 $0xFFFFC000  }
0x186: {  	_ =	swait.ge @!p1 [sflag:s9], $0x2000  }
0x187: {  	s14 =	sshll.u32 s2, $0x1;
	[sflag:s9] =	ssyncset.done @!p1 $0x0  }
0x188: {  	s3 =	sshllo.u32 s2, $0x1;
	s16 =	simm.s32 $0x0;
	[sflag:s9] =	ssyncadd.s32 @!p1 $0xFFFFE000  }
.LBB2_3:
0x189: {  	s9 =	sshll.u32 s16, $0x4  }
0x18a: {  	v4 =	vld [tilespmem:s9+$0x0]  }
0x18b: {  	s10 =	simm.s32 $0xC500  }
0x18c: {  	v5 =	vld [tilespmem:s10+$0xFFFFFE00];
	_ =	sdelay $0x1  }
0x18d: {  	v6 =	vld [tilespmem:s10+$0xFFFFFE80]  }
0x18e: {  	v7 =	vld [tilespmem:s10+$0x0];
	v4 =	vshll.u32 v4, $0x6  }
0x18f: {  	v29 =	vand.u32 $0x40, v4;
	v4 =	vld [tilespmem:s10+$0xFFFFFF00]  }
0x190: {  	v30 =	vor.u32 s9, v3;
	v8 =	vld [tilespmem:s10+$0xFFFFFF80];
	v5 =	vadd.s32 v29, v5  }
0x191: {  	v31 =	vshll.u32 v30, $0x7;
	v9 =	vand.u32 $0xFFFFFF80, v5  }
0x192: {  	v6 =	vadd.s32 v29, v6;
	v5 =	vand.u32 $0x7F, v5;
	v9 =	vadd.s32 v31, v9  }
0x193: {  	v12 =	vld [tilespmem:s10+$0x180];
	v7 =	vadd.s32 v29, v7;
	v10 =	vand.u32 $0xFFFFFF80, v6;
	v5 =	vor.u32 v5, v9  }
0x194: {  	v6 =	vand.u32 $0x7F, v6;
	v9 =	vadd.s32 v31, v10;
	v10 =	vld [tilespmem:s10+$0x80];
	v4 =	vadd.s32 v29, v4  }
0x195: {  	v8 =	vadd.s32 v29, v8;
	v6 =	vor.u32 v6, v9;
	v11 =	vand.u32 $0xFFFFFF80, v4  }
0x196: {  	s13 =	simm.s32 $0xC900;
	v13 =	vand.u32 $0xFFFFFF80, v8;
	v4 =	vand.u32 $0x7F, v4;
	v9 =	vadd.s32 v31, v11;
	v11 =	vld [tilespmem:s10+$0x100]  }
0x197: {  	v14 =	vld [tilespmem:s13+$0x0];
	v8 =	vand.u32 $0x7F, v8;
	v4 =	vor.u32 v4, v9;
	v9 =	vadd.s32 v31, v13  }
0x198: {  	v12 =	vadd.s32 v29, v12;
	v5 =	vld.idx.msk [tilespmem:v5+s20+$0x0], $0xffff;
	v8 =	vor.u32 v8, v9;
	v9 =	vand.u32 $0xFFFFFF80, v7  }
0x199: {  	v15 =	vld [tilespmem:s13+$0xFFFFFF80];
	v7 =	vand.u32 $0x7F, v7;
	v10 =	vadd.s32 v29, v10;
	v9 =	vadd.s32 v31, v9  }
0x19a: {  	v13 =	vimm.f32 $0.0e+00;
	v6 =	vld.idx.msk [tilespmem:v6+s20+$0x0], $0xffff;
	v7 =	vor.u32 v7, v9;
	v9 =	vand.u32 $0xFFFFFF80, v10  }
0x19b: {  	v16 =	vld [tilespmem:s13+$0xFFFFFF00];
	v10 =	vand.u32 $0x7F, v10;
	v9 =	vadd.s32 v31, v9;
	v11 =	vadd.s32 v29, v11  }
0x19c: {  	v18 =	vld.idx.msk [tilespmem:v4+s20+$0x0], $0xffff;
	v9 =	vor.u32 v10, v9;
	v4 =	vand.u32 $0xFFFFFF80, v11;
	v10 =	vand.u32 $0xFFFFFF80, v12  }
0x19d: {  	v19 =	vld [tilespmem:s13+$0xFFFFFE00];
	v11 =	vand.u32 $0x7F, v11;
	v12 =	vand.u32 $0x7F, v12;
	v20 =	vmul.f32 v5, v5  }
0x19e: {  	v4 =	vadd.s32 v31, v4;
	v8 =	vld.idx.msk [tilespmem:v8+s20+$0x0], $0xffff;
	v10 =	vadd.s32 v31, v10;
	v5 =	vadd.f32 v5, v13  }
0x19f: {  	v21 =	vld [tilespmem:s13+$0xFFFFFE80];
	v11 =	vor.u32 v11, v4;
	v61 =	vmul.f32 v6, v6;
	v13 =	vadd.f32 v20, v13  }
0x1a0: {  	v4 =	vadd.s32 v29, v14;
	v22 =	vld.idx.msk [tilespmem:v7+s20+$0x0], $0xffff;
	v7 =	vor.u32 v12, v10  }
0x1a1: {  	v6 =	vadd.f32 v6, v5;
	v10 =	vadd.f32 v61, v13;
	v12 =	vmul.f32 v18, v18  }
0x1a2: {  	v14 =	vadd.s32 v29, v16;
	v5 =	vadd.s32 v29, v15;
	v9 =	vld.idx.msk [tilespmem:v9+s20+$0x0], $0xffff;
	v13 =	vadd.s32 v29, v19  }
0x1a3: {  	v6 =	vadd.f32 v18, v6;
	v10 =	vadd.f32 v12, v10;
	v12 =	vmul.f32 v8, v8  }
0x1a4: {  	v15 =	vadd.s32 v29, v21;
	v18 =	vand.u32 $0xFFFFFF80, v14;
	v16 =	vld.idx.msk [tilespmem:v11+s20+$0x0], $0xffff;
	v11 =	vand.u32 $0xFFFFFF80, v13  }
0x1a5: {  	v6 =	vadd.f32 v8, v6;
	v8 =	vadd.f32 v12, v10;
	v10 =	vmul.f32 v22, v22  }
0x1a6: {  	v7 =	vld.idx.msk [tilespmem:v7+s20+$0x0], $0xffff;
	v11 =	vadd.s32 v31, v11;
	v12 =	vand.u32 $0x7F, v13;
	v13 =	vand.u32 $0xFFFFFF80, v15  }
0x1a7: {  	v19 =	vadd.f32 v22, v6;
	v62 =	vmul.f32 v9, v9;
	v8 =	vadd.f32 v10, v8  }
0x1a8: {  	v10 =	vor.u32 v12, v11;
	v11 =	vand.u32 $0x7F, v15;
	v12 =	vadd.s32 v31, v13  }
0x1a9: {  	v6 =	vld [tilespmem:s13+$0x180];
	v13 =	vadd.f32 v9, v19;
	v63 =	vmul.f32 v16, v16;
	v19 =	vadd.f32 v62, v8  }
0x1aa: {  	v15 =	vadd.s32 v31, v18;
	v9 =	vor.u32 v11, v12;
	v12 =	vand.u32 $0x7F, v14;
	v11 =	vld [tilespmem:s13+$0x80]  }
0x1ab: {  	s9 =	simm.s32 $0x8;
	s10 =	simm.s32 $0xCD00;
	v8 =	vld [tilespmem:s13+$0x100];
	v13 =	vadd.f32 v16, v13;
	v16 =	vmul.f32 v7, v7;
	v14 =	vadd.f32 v63, v19  }
.LBB2_4:
0x1ac: {  	v18 =	vld [tilespmem:s10+$0x0];
	v12 =	vor.u32 v12, v15;
	v15 =	vand.u32 $0xFFFFFF80, v5;
	v5 =	vand.u32 $0x7F, v5  }
0x1ad: {  	v10 =	vld.idx.msk [tilespmem:v10+s20+$0x0], $0xffff;
	v15 =	vadd.s32 v31, v15;
	v7 =	vadd.f32 v7, v13;
	v13 =	vadd.f32 v16, v14  }
0x1ae: {  	v14 =	vld [tilespmem:s10+$0xFFFFFF80];
	v5 =	vor.u32 v5, v15;
	v15 =	vand.u32 $0xFFFFFF80, v4  }
0x1af: {  	v4 =	vand.u32 $0x7F, v4;
	v9 =	vld.idx.msk [tilespmem:v9+s20+$0x0], $0xffff;
	v15 =	vadd.s32 v31, v15;
	v11 =	vadd.s32 v29, v11  }
0x1b0: {  	v6 =	vadd.s32 v29, v6;
	v16 =	vld [tilespmem:s10+$0xFFFFFF00];
	v4 =	vor.u32 v4, v15;
	v15 =	vand.u32 $0xFFFFFF80, v11  }
0x1b1: {  	v11 =	vand.u32 $0x7F, v11;
	v8 =	vadd.s32 v29, v8;
	v12 =	vld.idx.msk [tilespmem:v12+s20+$0x0], $0xffff;
	v15 =	vadd.s32 v31, v15  }
0x1b2: {  	v20 =	vand.u32 $0xFFFFFF80, v6;
	v19 =	vld [tilespmem:s10+$0xFFFFFE00];
	v11 =	vor.u32 v11, v15;
	v15 =	vand.u32 $0xFFFFFF80, v8  }
0x1b3: {  	v21 =	vmul.f32 v10, v10;
	v22 =	vld.idx.msk [tilespmem:v5+s20+$0x0], $0xffff;
	v5 =	vand.u32 $0x7F, v8;
	v8 =	vadd.s32 v31, v15  }
0x1b4: {  	v15 =	vld [tilespmem:s10+$0xFFFFFE80];
	v8 =	vor.u32 v5, v8;
	v5 =	vand.u32 $0x7F, v6;
	v6 =	vadd.s32 v31, v20  }
0x1b5: {  	v7 =	vadd.f32 v10, v7;
	v10 =	vadd.f32 v21, v13;
	v13 =	vmul.f32 v9, v9;
	v20 =	vld.idx.msk [tilespmem:v4+s20+$0x0], $0xffff  }
0x1b6: {  	s9 =	sadd.s32 $0x8, s9;
	v4 =	vadd.s32 v29, v18;
	v6 =	vor.u32 v5, v6  }
0x1b7: {  	p0 =	slt.u32 s9, $0x38;
	v7 =	vadd.f32 v9, v7;
	v9 =	vadd.f32 v13, v10;
	v10 =	vmul.f32 v12, v12;
	v11 =	vld.idx.msk [tilespmem:v11+s20+$0x0], $0xffff  }
0x1b8: {  	v16 =	vadd.s32 v29, v16;
	v5 =	vadd.s32 v29, v14;
	v13 =	vadd.s32 v29, v19  }
0x1b9: {  	v7 =	vadd.f32 v12, v7;
	v9 =	vadd.f32 v10, v9;
	v10 =	vmul.f32 v22, v22;
	v14 =	vld.idx.msk [tilespmem:v8+s20+$0x0], $0xffff  }
0x1ba: {  	v8 =	vand.u32 $0xFFFFFF80, v13;
	v12 =	vadd.s32 v29, v15;
	v15 =	vand.u32 $0xFFFFFF80, v16  }
0x1bb: {  	v18 =	vadd.f32 v22, v7;
	v9 =	vadd.f32 v10, v9;
	v10 =	vmul.f32 v20, v20;
	v7 =	vld.idx.msk [tilespmem:v6+s20+$0x0], $0xffff  }
0x1bc: {  	v8 =	vadd.s32 v31, v8;
	v6 =	vand.u32 $0x7F, v13;
	v13 =	vand.u32 $0xFFFFFF80, v12  }
.Ltmp0:
0x1bd: {  	v18 =	vadd.f32 v20, v18;
	v9 =	vadd.f32 v10, v9;
	v19 =	vmul.f32 v11, v11;
	(pc) =	sbr.rel @p0 .LBB2_4-.Ltmp0, $4  }
0x1be: {  	v10 =	vor.u32 v6, v8;
	v8 =	vand.u32 $0x7F, v12;
	v12 =	vadd.s32 v31, v13  }
0x1bf: {  	v13 =	vadd.f32 v11, v18;
	v18 =	vadd.f32 v19, v9;
	v19 =	vmul.f32 v14, v14;
	v6 =	vld [tilespmem:s10+$0x180]  }
0x1c0: {  	v15 =	vadd.s32 v31, v15;
	v9 =	vor.u32 v8, v12;
	v12 =	vand.u32 $0x7F, v16;
	v11 =	vld [tilespmem:s10+$0x80]  }
0x1c1: {  	v13 =	vadd.f32 v14, v13;
	v14 =	vadd.f32 v19, v18;
	v16 =	vmul.f32 v7, v7;
	v8 =	vld [tilespmem:s10+$0x100];
	s10 =	sadd.s32 $0x400, s10  }
0x1c2: {  	_ =	sdelay $0x2  }
0x1c3: {  	v12 =	vor.u32 v12, v15;
	v15 =	vand.u32 $0xFFFFFF80, v5;
	v5 =	vand.u32 $0x7F, v5  }
0x1c4: {  	v10 =	vld.idx.msk [tilespmem:v10+s20+$0x0], $0xffff;
	v15 =	vadd.s32 v31, v15;
	v7 =	vadd.f32 v7, v13;
	v13 =	vadd.f32 v16, v14  }
0x1c5: {  	v14 =	vand.u32 $0xFFFFFF80, v4;
	v4 =	vand.u32 $0x7F, v4;
	v5 =	vor.u32 v5, v15  }
0x1c6: {  	v14 =	vadd.s32 v31, v14;
	v6 =	vadd.s32 v29, v6;
	v11 =	vadd.s32 v29, v11  }
0x1c7: {  	v9 =	vld.idx.msk [tilespmem:v9+s20+$0x0], $0xffff;
	v4 =	vor.u32 v4, v14;
	v15 =	vand.u32 $0xFFFFFF80, v11;
	v11 =	vand.u32 $0x7F, v11  }
0x1c8: {  	v8 =	vadd.s32 v29, v8;
	v14 =	vadd.s32 v31, v15;
	v15 =	vand.u32 $0xFFFFFF80, v6  }
0x1c9: {  	v12 =	vld.idx.msk [tilespmem:v12+s20+$0x0], $0xffff;
	v16 =	vmul.f32 v10, v10;
	v7 =	vadd.f32 v10, v7;
	v6 =	vand.u32 $0x7F, v6  }
0x1ca: {  	v11 =	vor.u32 v11, v14;
	v14 =	vand.u32 $0xFFFFFF80, v8;
	v8 =	vand.u32 $0x7F, v8  }
0x1cb: {  	v10 =	vadd.s32 v31, v15;
	v14 =	vadd.s32 v31, v14;
	v5 =	vld.idx.msk [tilespmem:v5+s20+$0x0], $0xffff;
	v13 =	vadd.f32 v16, v13  }
0x1cc: {  	v7 =	vadd.f32 v9, v7;
	v8 =	vor.u32 v8, v14;
	v14 =	vmul.f32 v9, v9  }
0x1cd: {  	v6 =	vor.u32 v6, v10;
	v4 =	vld.idx.msk [tilespmem:v4+s20+$0x0], $0xffff  }
0x1ce: {  	v9 =	vadd.f32 v14, v13;
	v10 =	vmul.f32 v12, v12;
	v7 =	vadd.f32 v12, v7  }
0x1cf: {  	v11 =	vld.idx.msk [tilespmem:v11+s20+$0x0], $0xffff  }
0x1d0: {  	v9 =	vadd.f32 v10, v9;
	v10 =	vmul.f32 v5, v5;
	v5 =	vadd.f32 v5, v7  }
0x1d1: {  	v7 =	vld.idx.msk [tilespmem:v8+s20+$0x0], $0xffff  }
0x1d2: {  	v8 =	vadd.f32 v10, v9;
	v9 =	vmul.f32 v4, v4;
	v4 =	vadd.f32 v4, v5  }
0x1d3: {  	v5 =	vld.idx.msk [tilespmem:v6+s20+$0x0], $0xffff  }
0x1d4: {  	v6 =	vadd.f32 v9, v8;
	v8 =	vmul.f32 v11, v11;
	v4 =	vadd.f32 v11, v4;
	_ =	sdelay $0x1  }
0x1d5: {  	v6 =	vadd.f32 v8, v6;
	v8 =	vmul.f32 v7, v7;
	v4 =	vadd.f32 v7, v4;
	_ =	sdelay $0x1  }
0x1d6: {  	v7 =	vmul.f32 v5, v5;
	v6 =	vadd.f32 v8, v6;
	v4 =	vadd.f32 v5, v4;
	_ =	sdelay $0x1  }
0x1d7: {  	v5 =	vadd.f32 v7, v6;
	v33 =	vmul.f32 $1.562500000e-02, v4;
	_ =	sdelay $0x1  }
0x1d8: {  	v4 =	vmul.f32 $1.562500000e-02, v5;
	v5 =	vmul.f32 v33, v33;
	_ =	sdelay $0x1  }
0x1d9: {  	v4 =	vsub.f32 v4, v5;
	_ =	sdelay $0x1  }
0x1da: {  	v4 =	vadd.f32 $9.999999960e-13, v4;
	_ =	sdelay $0x1  }
0x1db: {  	v5 =	vshrl.u32 v4, $0x1;
	v4 =	vmul.f32 $5.000000000e-01, v4  }
0x1dc: {  	v5 =	vsub.s32 $0x5F3759DF, v5  }
0x1dd: {  	v6 =	vmul.f32 v5, v4;
	_ =	sdelay $0x1  }
0x1de: {  	v6 =	vmul.f32 v5, v6;
	_ =	sdelay $0x1  }
0x1df: {  	v6 =	vsub.f32 $1.500000000e+00, v6;
	_ =	sdelay $0x1  }
0x1e0: {  	v5 =	vmul.f32 v5, v6;
	_ =	sdelay $0x1  }
0x1e1: {  	v6 =	vmul.f32 v5, v4;
	_ =	sdelay $0x1  }
0x1e2: {  	v6 =	vmul.f32 v6, v5;
	_ =	sdelay $0x1  }
0x1e3: {  	s10 =	simm.s32 $0xC900;
	v6 =	vsub.f32 $1.500000000e+00, v6  }
0x1e4: {  	s9 =	simm.s32 $0xC500;
	v28 =	vld [tilespmem:s10+$0x100]  }
0x1e5: {  	v10 =	vld [tilespmem:s9+$0x0];
	v5 =	vmul.f32 v6, v5  }
0x1e6: {  	v9 =	vld [tilespmem:s9+$0xFFFFFF80]  }
0x1e7: {  	v4 =	vmul.f32 v5, v4  }
0x1e8: {  	v6 =	vld [tilespmem:s9+$0x180]  }
0x1e9: {  	v4 =	vmul.f32 v4, v5  }
0x1ea: {  	v49 =	vadd.s32 v29, v28;
	v20 =	vadd.s32 v29, v10;
	v7 =	vld [tilespmem:s9+$0xFFFFFE80]  }
0x1eb: {  	v21 =	vand.u32 $0xFFFFFF80, v20;
	v18 =	vadd.s32 v29, v9;
	v4 =	vsub.f32 $1.500000000e+00, v4  }
0x1ec: {  	v8 =	vld [tilespmem:s9+$0xFFFFFF00];
	v20 =	vand.u32 $0x7F, v20;
	v21 =	vadd.s32 v31, v21;
	v19 =	vand.u32 $0xFFFFFF80, v18  }
0x1ed: {  	v18 =	vand.u32 $0x7F, v18;
	v34 =	vmul.f32 v4, v5;
	v4 =	vadd.s32 v29, v6;
	v5 =	vld [tilespmem:s9+$0xFFFFFE00]  }
0x1ee: {  	v20 =	vor.u32 v20, v21;
	v19 =	vadd.s32 v31, v19;
	v13 =	vand.u32 $0xFFFFFF80, v4  }
0x1ef: {  	v15 =	vld [tilespmem:s9+$0x100];
	v12 =	vadd.s32 v29, v7;
	v4 =	vand.u32 $0x7F, v4;
	v13 =	vadd.s32 v31, v13  }
0x1f0: {  	v11 =	vld [tilespmem:s9+$0x80];
	v18 =	vor.u32 v18, v19;
	v16 =	vand.u32 $0xFFFFFF80, v12;
	v4 =	vor.u32 v4, v13  }
0x1f1: {  	s13 =	simm.s32 $0x10300;
	v37 =	vld [tilespmem:s10+$0xFFFFFE00];
	v14 =	vadd.s32 v29, v8;
	v12 =	vand.u32 $0x7F, v12;
	v16 =	vadd.s32 v31, v16  }
0x1f2: {  	v44 =	vld [tilespmem:s13+$0xFFFFE300];
	v12 =	vor.u32 v12, v16;
	v13 =	vand.u32 $0xFFFFFF80, v14;
	v23 =	vadd.s32 v29, v5  }
0x1f3: {  	v21 =	vld [tilespmem:s13+$0xFFFFE080];
	v14 =	vand.u32 $0x7F, v14;
	v13 =	vadd.s32 v31, v13;
	v25 =	vand.u32 $0xFFFFFF80, v23  }
0x1f4: {  	v19 =	vld [tilespmem:s13+$0x380];
	v13 =	vor.u32 v14, v13;
	v23 =	vand.u32 $0x7F, v23;
	v25 =	vadd.s32 v31, v25  }
0x1f5: {  	v26 =	vadd.s32 v29, v15;
	v22 =	vadd.s32 v29, v11;
	v4 =	vld.idx.msk [tilespmem:v4+s20+$0x0], $0xffff;
	v23 =	vor.u32 v23, v25  }
0x1f6: {  	v24 =	vand.u32 $0xFFFFFF80, v22;
	v22 =	vand.u32 $0x7F, v22;
	v18 =	vld.idx.msk [tilespmem:v18+s20+$0x0], $0xffff;
	v25 =	vand.u32 $0xFFFFFF80, v26  }
0x1f7: {  	v24 =	vadd.s32 v31, v24;
	v16 =	vld [tilespmem:s13+$0xFFFFE380];
	v26 =	vand.u32 $0x7F, v26;
	v25 =	vadd.s32 v31, v25  }
0x1f8: {  	v51 =	vadd.s32 v29, v37;
	v22 =	vor.u32 v22, v24;
	v24 =	vor.u32 v26, v25;
	v25 =	vld.idx.msk [tilespmem:v12+s20+$0x0], $0xffff  }
0x1f9: {  	v52 =	vand.u32 $0xFFFFFF80, v49;
	v54 =	vand.u32 $0xFFFFFF80, v51;
	v63 =	vand.u32 $0x7F, v49;
	v13 =	vld.idx.msk [tilespmem:v13+s20+$0x0], $0xffff  }
0x1fa: {  	v59 =	vadd.s32 v31, v54;
	v6 =	vshll.u32 v6, $0x7;
	v4 =	vsub.f32 v4, v33;
	v23 =	vld.idx.msk [tilespmem:v23+s20+$0x0], $0xffff  }
0x1fb: {  	v52 =	vadd.s32 v31, v52;
	v26 =	vadd.s32 v30, v6;
	v6 =	vld.idx.msk [tilespmem:v20+s20+$0x0], $0xffff;
	v20 =	vshll.u32 v11, $0x7  }
0x1fc: {  	v8 =	vshll.u32 v8, $0x7;
	v35 =	vadd.s32 v30, v20;
	v20 =	vld [tilespmem:s10+$0x180];
	v4 =	vmul.f32 v4, v34  }
0x1fd: {  	v15 =	vshll.u32 v15, $0x7;
	v12 =	vadd.s32 v30, v8;
	v8 =	vsub.f32 v25, v33;
	v25 =	vld [tilespmem:s10+$0xFFFFFF80]  }
0x1fe: {  	v10 =	vshll.u32 v10, $0x7;
	v9 =	vshll.u32 v9, $0x7;
	v4 =	vmul.f32 v4, v16;
	v16 =	vld.idx.msk [tilespmem:v22+s20+$0x0], $0xffff  }
0x1ff: {  	v7 =	vshll.u32 v7, $0x7;
	v18 =	vsub.f32 v18, v33;
	v22 =	vsub.f32 v23, v33;
	v23 =	vld [tilespmem:s13+$0xFFFFE100]  }
0x200: {  	v11 =	vadd.s32 v30, v9;
	v9 =	vadd.s32 v30, v10;
	v19 =	vadd.f32 v4, v19;
	v4 =	vld.idx.msk [tilespmem:v24+s20+$0x0], $0xffff  }
0x201: {  	v13 =	vsub.f32 v13, v33;
	v6 =	vsub.f32 v6, v33;
	v10 =	vmul.f32 v22, v34;
	v22 =	vld [tilespmem:s13+$0xFFFFE200]  }
0x202: {  	v50 =	vld [tilespmem:s13+$0x80];
	v7 =	vadd.s32 v30, v7;
	v18 =	vmul.f32 v18, v34;
	v8 =	vmul.f32 v8, v34  }
0x203: {  	v14 =	vld [tilespmem:s13+$0xFFFFE000];
	v5 =	vshll.u32 v5, $0x7;
	v13 =	vmul.f32 v13, v34;
	v6 =	vmul.f32 v6, v34  }
0x204: {  	v24 =	vld [tilespmem:s13+$0xFFFFE180];
	v8 =	vmul.f32 v8, v21;
	v40 =	vadd.s32 v29, v25;
	v16 =	vsub.f32 v16, v33  }
0x205: {  	v21 =	vld [tilespmem:s10+$0xFFFFFF00];
	v13 =	vmul.f32 v13, v23;
	v23 =	vsub.f32 v4, v33;
	v4 =	vadd.s32 v30, v15  }
0x206: {  	v47 =	vld [tilespmem:s13+$0x0];
	v15 =	vmul.f32 v16, v34;
	v16 =	vmul.f32 v6, v22;
	v6 =	vadd.s32 v29, v20  }
0x207: {  	v53 =	vld [tilespmem:s13+$0x100];
	v5 =	vadd.s32 v30, v5;
	v42 =	vand.u32 $0xFFFFFF80, v40;
	v36 =	vand.u32 $0xFFFFFF80, v6  }
0x208: {  	v10 =	vmul.f32 v10, v14;
	v14 =	vld [tilespmem:s10+$0xFFFFFE80];
	v6 =	vand.u32 $0x7F, v6;
	v36 =	vadd.s32 v31, v36  }
0x209: {  	v8 =	vadd.f32 v8, v50;
	v18 =	vmul.f32 v18, v24;
	v24 =	vld [tilespmem:s10+$0x0];
	v6 =	vor.u32 v6, v36  }
0x20a: {  	v60 =	vld [tilespmem:s13+$0x180];
	v25 =	vshll.u32 v25, $0x7;
	v42 =	vadd.s32 v31, v42;
	v38 =	vadd.s32 v29, v21  }
0x20b: {  	[tilespmem:v7+s25+$0x0] =	vst.idx.msk $0xffff, v8;
	v7 =	vadd.s32 v30, v25;
	v41 =	vand.u32 $0xFFFFFF80, v38;
	v22 =	vmul.f32 v23, v34;
	v23 =	vld [tilespmem:s10+$0x80]  }
0x20c: {  	v56 =	vld [tilespmem:s13+$0x200];
	v47 =	vadd.f32 v10, v47;
	v38 =	vand.u32 $0x7F, v38;
	v41 =	vadd.s32 v31, v41  }
0x20d: {  	v20 =	vshll.u32 v20, $0x7;
	v27 =	vadd.s32 v29, v14;
	v38 =	vor.u32 v38, v41;
	v36 =	vld [tilespmem:s13+$0xFFFFE280]  }
0x20e: {  	v39 =	vand.u32 $0xFFFFFF80, v27;
	v27 =	vand.u32 $0x7F, v27;
	v43 =	vadd.s32 v29, v24;
	v55 =	vld.idx.msk [tilespmem:v6+s20+$0x0], $0xffff  }
0x20f: {  	v32 =	vld [tilespmem:s13+$0x300];
	s9 =	simm.s32 $0x10700;
	v39 =	vadd.s32 v31, v39;
	v45 =	vand.u32 $0xFFFFFF80, v43;
	v61 =	vand.u32 $0x7F, v43  }
0x210: {  	v57 =	vld [tilespmem:s9+$0xFFFFE380];
	v27 =	vor.u32 v27, v39;
	v46 =	vadd.s32 v29, v23;
	v6 =	vand.u32 $0x7F, v51  }
0x211: {  	v39 =	vld [tilespmem:s13+$0x280];
	v45 =	vadd.s32 v31, v45;
	v48 =	vand.u32 $0xFFFFFF80, v46;
	v51 =	vor.u32 v6, v59  }
0x212: {  	v62 =	vand.u32 $0x7F, v46;
	v48 =	vadd.s32 v31, v48;
	v36 =	vmul.f32 v15, v36;
	v15 =	vld [tilespmem:s9+$0xFFFFE080]  }
0x213: {  	[tilespmem:v26+s25+$0x0] =	vst.idx.msk $0xffff, v19;
	v6 =	vand.u32 $0x7F, v40;
	v40 =	vor.u32 v61, v45;
	v59 =	vld [tilespmem:s9+$0x380];
	v58 =	vsub.f32 v55, v33  }
0x214: {  	v26 =	vadd.f32 v13, v53;
	v43 =	vor.u32 v62, v48;
	v62 =	vld.idx.msk [tilespmem:v38+s20+$0x0], $0xffff;
	v42 =	vor.u32 v6, v42  }
0x215: {  	v60 =	vadd.f32 v18, v60;
	[tilespmem:v5+s25+$0x0] =	vst.idx.msk $0xffff, v47;
	v27 =	vld.idx.msk [tilespmem:v27+s20+$0x0], $0xffff;
	v19 =	vmul.f32 v58, v34  }
0x216: {  	v10 =	vmul.f32 v22, v44;
	v22 =	vadd.s32 v30, v20;
	v46 =	vor.u32 v63, v52;
	v13 =	vld.idx.msk [tilespmem:v51+s20+$0x0], $0xffff  }
0x217: {  	v14 =	vshll.u32 v14, $0x7;
	[tilespmem:v12+s25+$0x0] =	vst.idx.msk $0xffff, v26;
	v20 =	vshll.u32 v21, $0x7;
	v6 =	vld [tilespmem:s9+$0xFFFFE000];
	v18 =	vmul.f32 v19, v57  }
0x218: {  	v14 =	vadd.s32 v30, v14;
	[tilespmem:v11+s25+$0x0] =	vst.idx.msk $0xffff, v60;
	v10 =	vadd.f32 v10, v32;
	v21 =	vld.idx.msk [tilespmem:v40+s20+$0x0], $0xffff  }
0x219: {  	v24 =	vshll.u32 v24, $0x7;
	v61 =	vadd.f32 v16, v56;
	v63 =	vld.idx.msk [tilespmem:v42+s20+$0x0], $0xffff;
	v18 =	vadd.f32 v18, v59  }
0x21a: {  	v8 =	vadd.s32 v30, v20;
	v16 =	vadd.f32 v36, v39;
	v20 =	vld.idx.msk [tilespmem:v43+s20+$0x0], $0xffff;
	v27 =	vsub.f32 v27, v33  }
0x21b: {  	v23 =	vshll.u32 v23, $0x7;
	v19 =	vshll.u32 v37, $0x7;
	v25 =	vsub.f32 v13, v33;
	[tilespmem:v22+s25+$0x0] =	vst.idx.msk $0xffff, v18;
	v22 =	vld.idx.msk [tilespmem:v46+s20+$0x0], $0xffff  }
0x21c: {  	[tilespmem:v9+s25+$0x0] =	vst.idx.msk $0xffff, v61;
	v5 =	vadd.s32 v30, v19;
	v19 =	vshll.u32 v28, $0x7;
	v18 =	vadd.s32 v30, v23;
	v23 =	vld [tilespmem:s9+$0xFFFFE100]  }
0x21d: {  	v12 =	vld [tilespmem:s9+$0xFFFFE180];
	v13 =	vadd.s32 v30, v24;
	v24 =	vmul.f32 v25, v34;
	v25 =	vsub.f32 v62, v33  }
0x21e: {  	s10 =	simm.s32 $0x8;
	v11 =	vld [tilespmem:s9+$0xFFFFE200];
	s13 =	simm.s32 $0xCD00;
	v26 =	vmul.f32 v27, v34;
	v19 =	vadd.s32 v30, v19;
	v27 =	vsub.f32 v63, v33  }
.LBB2_6:
0x21f: {  	v9 =	vld [tilespmem:s13+$0x180];
	s10 =	sadd.s32 $0x8, s10;
	v24 =	vmul.f32 v24, v6;
	v6 =	vmul.f32 v25, v34;
	v21 =	vsub.f32 v21, v33  }
0x220: {  	v20 =	vsub.f32 v20, v33;
	v25 =	vld [tilespmem:s13+$0xFFFFFE80];
	p0 =	slt.u32 s10, $0x38;
	v15 =	vmul.f32 v26, v15;
	v26 =	vmul.f32 v27, v34  }
0x221: {  	v27 =	vld [tilespmem:s13+$0xFFFFFF00];
	v23 =	vmul.f32 v6, v23;
	v6 =	vmul.f32 v21, v34;
	v21 =	vsub.f32 v22, v33  }
0x222: {  	v20 =	vmul.f32 v20, v34;
	v22 =	vld [tilespmem:s13+$0xFFFFFF80];
	v12 =	vmul.f32 v26, v12;
	[tilespmem:v35+s25+$0x0] =	vst.idx.msk $0xffff, v16;
	v35 =	vmov v18  }
0x223: {  	v18 =	vld [tilespmem:s13+$0x0];
	v11 =	vmul.f32 v6, v11;
	v16 =	vmul.f32 v21, v34;
	[tilespmem:v4+s25+$0x0] =	vst.idx.msk $0xffff, v10;
	v4 =	vmov v19  }
0x224: {  	v19 =	vld [tilespmem:s13+$0x80];
	v6 =	vadd.s32 v29, v9  }
0x225: {  	v10 =	vadd.s32 v29, v25;
	v21 =	vshll.u32 v25, $0x7;
	v25 =	vld [tilespmem:s13+$0x100];
	v26 =	vand.u32 $0xFFFFFF80, v6  }
0x226: {  	v6 =	vand.u32 $0x7F, v6;
	v28 =	vld [tilespmem:s13+$0xFFFFFE00];
	v36 =	vadd.s32 v29, v27;
	v26 =	vadd.s32 v31, v26  }
0x227: {  	v37 =	vand.u32 $0xFFFFFF80, v10;
	v38 =	vadd.s32 v29, v22;
	v6 =	vor.u32 v6, v26;
	v26 =	vld [tilespmem:s9+$0xFFFFE280]  }
0x228: {  	v39 =	vand.u32 $0xFFFFFF80, v36;
	v40 =	vand.u32 $0xFFFFFF80, v38;
	v41 =	vadd.s32 v29, v18;
	v42 =	vld [tilespmem:s9+$0xFFFFE300]  }
0x229: {  	v37 =	vadd.s32 v31, v37;
	v43 =	vand.u32 $0xFFFFFF80, v41;
	v44 =	vadd.s32 v29, v19;
	v45 =	vld [tilespmem:s9+$0x0]  }
0x22a: {  	v39 =	vadd.s32 v31, v39;
	v46 =	vand.u32 $0xFFFFFF80, v44;
	v47 =	vadd.s32 v29, v25;
	v48 =	vld [tilespmem:s9+$0x80]  }
0x22b: {  	v40 =	vadd.s32 v31, v40;
	v49 =	vadd.s32 v29, v28;
	v50 =	vand.u32 $0xFFFFFF80, v47;
	v51 =	vld [tilespmem:s9+$0x100]  }
0x22c: {  	v43 =	vadd.s32 v31, v43;
	v46 =	vadd.s32 v31, v46;
	v52 =	vand.u32 $0xFFFFFF80, v49;
	v53 =	vld.idx.msk [tilespmem:v6+s20+$0x0], $0xffff  }
0x22d: {  	v6 =	vand.u32 $0x7F, v49;
	v50 =	vadd.s32 v31, v50;
	v49 =	vadd.s32 v31, v52;
	v52 =	vld [tilespmem:s9+$0x180]  }
0x22e: {  	v10 =	vand.u32 $0x7F, v10;
	v36 =	vand.u32 $0x7F, v36;
	v38 =	vand.u32 $0x7F, v38;
	v54 =	vld [tilespmem:s9+$0x200]  }
0x22f: {  	v41 =	vand.u32 $0x7F, v41;
	v44 =	vand.u32 $0x7F, v44;
	v47 =	vand.u32 $0x7F, v47;
	v55 =	vld [tilespmem:s9+$0x280]  }
0x230: {  	v10 =	vor.u32 v10, v37;
	v36 =	vor.u32 v36, v39;
	v49 =	vor.u32 v6, v49;
	v37 =	vld [tilespmem:s9+$0x300];
	s9 =	sadd.s32 $0x400, s9  }
0x231: {  	v38 =	vor.u32 v38, v40;
	v39 =	vor.u32 v41, v43;
	v40 =	vor.u32 v44, v46;
	v41 =	vld [tilespmem:s9+$0xFFFFE380]  }
0x232: {  	v20 =	vmul.f32 v20, v26;
	v43 =	vor.u32 v47, v50;
	v44 =	vsub.f32 v53, v33;
	v6 =	vld [tilespmem:s9+$0xFFFFE000]  }
0x233: {  	v42 =	vmul.f32 v16, v42;
	v24 =	vadd.f32 v24, v45;
	v45 =	vadd.f32 v15, v48;
	v26 =	vld [tilespmem:s9+$0x380]  }
0x234: {  	v9 =	vshll.u32 v9, $0x7;
	v16 =	vmul.f32 v44, v34;
	v44 =	vadd.f32 v23, v51;
	v15 =	vld [tilespmem:s9+$0xFFFFE080]  }
0x235: {  	v9 =	vadd.s32 v30, v9;
	v46 =	vadd.f32 v12, v52;
	v47 =	vadd.f32 v11, v54;
	v23 =	vld.idx.msk [tilespmem:v49+s20+$0x0], $0xffff  }
0x236: {  	v11 =	vld.idx.msk [tilespmem:v10+s20+$0x0], $0xffff;
	v12 =	vmul.f32 v16, v41;
	v16 =	vadd.f32 v20, v55;
	v10 =	vadd.f32 v42, v37  }
0x237: {  	v27 =	vshll.u32 v27, $0x7;
	v22 =	vshll.u32 v22, $0x7;
	v20 =	vshll.u32 v28, $0x7;
	v28 =	vld.idx.msk [tilespmem:v36+s20+$0x0], $0xffff;
	[tilespmem:v5+s25+$0x0] =	vst.idx.msk $0xffff, v24  }
0x238: {  	v18 =	vshll.u32 v18, $0x7;
	v19 =	vshll.u32 v19, $0x7;
	v36 =	vld.idx.msk [tilespmem:v38+s20+$0x0], $0xffff;
	v12 =	vadd.f32 v12, v26;
	[tilespmem:v14+s25+$0x0] =	vst.idx.msk $0xffff, v45  }
0x239: {  	v5 =	vadd.s32 v30, v20;
	v24 =	vshll.u32 v25, $0x7;
	v14 =	vadd.s32 v30, v21;
	v21 =	vld.idx.msk [tilespmem:v39+s20+$0x0], $0xffff  }
.Ltmp1:
0x23a: {  	v25 =	vadd.s32 v30, v27;
	v26 =	vadd.s32 v30, v22;
	v20 =	vld.idx.msk [tilespmem:v40+s20+$0x0], $0xffff;
	[tilespmem:v9+s25+$0x0] =	vst.idx.msk $0xffff, v12;
	(pc) =	sbr.rel @p0 .LBB2_6-.Ltmp1, $4  }
0x23b: {  	v37 =	vadd.s32 v30, v18;
	v18 =	vadd.s32 v30, v19;
	v9 =	vsub.f32 v23, v33;
	v22 =	vld.idx.msk [tilespmem:v43+s20+$0x0], $0xffff  }
0x23c: {  	v19 =	vadd.s32 v30, v24;
	v11 =	vsub.f32 v11, v33;
	v23 =	vld [tilespmem:s9+$0xFFFFE100];
	[tilespmem:v8+s25+$0x0] =	vst.idx.msk $0xffff, v44;
	v8 =	vmov v25  }
0x23d: {  	v24 =	vmul.f32 v9, v34;
	v25 =	vsub.f32 v28, v33;
	v12 =	vld [tilespmem:s9+$0xFFFFE180];
	[tilespmem:v7+s25+$0x0] =	vst.idx.msk $0xffff, v46;
	v7 =	vmov v26  }
0x23e: {  	s13 =	sadd.s32 $0x400, s13;
	v26 =	vmul.f32 v11, v34;
	v27 =	vsub.f32 v36, v33;
	v11 =	vld [tilespmem:s9+$0xFFFFE200];
	[tilespmem:v13+s25+$0x0] =	vst.idx.msk $0xffff, v47;
	v13 =	vmov v37  }
0x23f: {  	_ = 	snop  }
0x240: {  	v9 =	vld [tilespmem:s9+$0xFFFFE280]  }
0x241: {  	v28 =	vld [tilespmem:s9+$0xFFFFE300]  }
0x242: {  	v29 =	vld [tilespmem:s9+$0x0]  }
0x243: {  	[tilespmem:v35+s25+$0x0] =	vst.idx.msk $0xffff, v16;
	v51 =	vld [tilespmem:s9+$0x80]  }
0x244: {  	v6 =	vmul.f32 v24, v6;
	v52 =	vmul.f32 v25, v34;
	v21 =	vsub.f32 v21, v33;
	v53 =	vld [tilespmem:s9+$0x100]  }
0x245: {  	v20 =	vsub.f32 v20, v33;
	v55 =	vld [tilespmem:s9+$0x180];
	[tilespmem:v4+s25+$0x0] =	vst.idx.msk $0xffff, v10;
	v15 =	vmul.f32 v26, v15  }
0x246: {  	v56 =	vld [tilespmem:s9+$0x200];
	v54 =	vmul.f32 v27, v34;
	v22 =	vsub.f32 v22, v33;
	v23 =	vmul.f32 v52, v23  }
0x247: {  	v4 =	vld [tilespmem:s9+$0x300];
	v21 =	vmul.f32 v21, v34;
	v20 =	vmul.f32 v20, v34;
	v6 =	vadd.f32 v6, v29  }
0x248: {  	v57 =	vld [tilespmem:s9+$0x280];
	v12 =	vmul.f32 v54, v12;
	v59 =	vmul.f32 v22, v34;
	v58 =	vadd.f32 v15, v51  }
0x249: {  	s16 =	sadd.s32 $0x1, s16;
	v11 =	vmul.f32 v21, v11;
	v60 =	vadd.f32 v23, v53;
	[tilespmem:v5+s25+$0x0] =	vst.idx.msk $0xffff, v6  }
0x24a: {  	p0 =	sne.s32 s16, $0x8;
	v61 =	vadd.f32 v12, v55;
	v62 =	vmul.f32 v59, v28;
	[tilespmem:v14+s25+$0x0] =	vst.idx.msk $0xffff, v58  }
.Ltmp2:
0x24b: {  	v63 =	vadd.f32 v11, v56;
	v5 =	vmul.f32 v20, v9;
	[tilespmem:v8+s25+$0x0] =	vst.idx.msk $0xffff, v60;
	(pc) =	sbr.rel @p0 .LBB2_3-.Ltmp2, $4  }
0x24c: {  	[tilespmem:v7+s25+$0x0] =	vst.idx.msk $0xffff, v61;
	v4 =	vadd.f32 v62, v4  }
0x24d: {  	[tilespmem:v13+s25+$0x0] =	vst.idx.msk $0xffff, v63;
	v5 =	vadd.f32 v5, v57  }
0x24e: {  	[tilespmem:v19+s25+$0x0] =	vst.idx.msk $0xffff, v4  }
0x24f: {  	[tilespmem:v18+s25+$0x0] =	vst.idx.msk $0xffff, v5  }
0x250: {  	p0 =	seq.s32 s2, $0x63  }
0x251: {  	s9 =	sadd.s32 @!p0 s14, s11  }
0x252: {  	s10 =	sshll.u32 @!p0 s9, $0xA;
	s13 =	sand.u32 @!p0 $0x380, s9  }
0x253: {  	s9 =	sshll.u32 @!p0 s9, $0x7;
	s13 =	sor.u32 @!p0 s10, s13;
	s10 =	sand.u32 @!p0 $0xFFFE0000, s10  }
0x254: {  	s9 =	sand.u32 @!p0 $0x7FFE0000, s9;
	s10 =	ssub.s32 @!p0 s13, s10  }
0x255: {  	s9 =	sadd.s32 @!p0 s9, s10  }
0x256: {  	s9 =	sshrl.u32 @!p0 s9, $0x3  }
0x257: {  	s10 =	simm.s32 @!p0 $0x0;
	s9 =	sadd.s32 @!p0 s0, s9  }
0x258: {  	[tilespmem:s10], [sflag:$0x1] =	stream.linear.gather @!p0 [hbm4b:s9+s10], $0x80, $0x38;
	[tilespmem:$0x12300] =	vst v63  }
0x259: {  	s10 =	sadd.s32 s6, s14  }
0x25a: {  	s13 =	sshrl.u32 s10, $0x7  }
0x25b: {  	p2 =	sne.s32 s2, $0x63;
	s9 =	sshll.u32 s10, $0xA;
	s16 =	sshll.u32 s13, $0x11  }
.Ltmp3:
0x25c: {  	s10 =	sshll.u32 s13, $0x14;
	s9 =	ssub.s32 s9, s16;
	(pc) =	sbr.rel @p2 .LBB2_10-.Ltmp3, $4  }
0x25d: {  	s9 =	sadd.s32 s10, s9  }
0x25e: {  	s9 =	sshrl.u32 s9, $0x3  }
0x25f: {  	s9 =	sadd.s32 s5, s9  }
0x260: {  	[hbm4b:s9+s26] =	stream.strided.scatter [tilespmem:s25], [sflag:$0x5], $0x2000, s28, s26, $0x38;
	[tilespmem:$0x12300] =	vst v63  }
.Ltmp4:
0x261: {  	(pc) =	sbr.rel .LBB2_11-.Ltmp4, $4  }
0x262: {  	_ = 	snop  }
0x263: {  	_ =	swait.ge [sflag:s29], $0x4000  }
0x264: {  	[sflag:s29] =	ssyncset.done $0x0  }
0x265: {  	[sflag:s29] =	ssyncadd.s32 $0xFFFFC000  }
.LBB2_10:
0x266: {  	_ =	swait.ge [sflag:s17], $0x80  }
0x267: {  	[sflag:s17] =	ssyncset.done $0x0  }
0x268: {  	[sflag:s17] =	ssyncadd.s32 $0xFFFFFF80  }
0x269: {  	v4 =	vld [tilespmem:$0x0]  }
0x26a: {  	v5 =	vld [tilespmem:$0x10]  }
0x26b: {  	v6 =	vld [tilespmem:$0x20]  }
0x26c: {  	v7 =	vld [tilespmem:$0x30]  }
0x26d: {  	v8 =	vld [tilespmem:$0x40]  }
0x26e: {  	v9 =	vld [tilespmem:$0x50];
	v4 =	vshrl.u32 v4, $0x1  }
0x26f: {  	[tilespmem:$0x100] =	vst v4;
	v4 =	vshrl.u32 v5, $0x1;
	v5 =	vld [tilespmem:$0x60]  }
0x270: {  	v63 =	vld [tilespmem:$0x70];
	[tilespmem:$0x110] =	vst v4;
	v4 =	vshrl.u32 v6, $0x1  }
0x271: {  	[tilespmem:$0x120] =	vst v4;
	v4 =	vshrl.u32 v7, $0x1  }
0x272: {  	[tilespmem:$0x130] =	vst v4;
	v4 =	vshrl.u32 v8, $0x1  }
0x273: {  	[tilespmem:$0x140] =	vst v4;
	v4 =	vshrl.u32 v9, $0x1  }
0x274: {  	[tilespmem:$0x150] =	vst v4;
	v4 =	vshrl.u32 v5, $0x1  }
0x275: {  	[tilespmem:$0x160] =	vst v4;
	v4 =	vshrl.u32 v63, $0x1  }
.Ltmp5:
0x276: {  	[tilespmem:$0x170] =	vst v4;
	(pc) =	sbr.rel @p1 .LBB2_12-.Ltmp5, $4  }
0x277: {  	[tilespmem:s20], [sflag:$0x3] =	stream.indirect.gather [hbm4b:s8+s18], $0x80, s19, s18, $0xb8;
	[tilespmem:$0x12300] =	vst v63  }
0x278: {  	_ =	swait.ge [sflag:s29], $0x4000  }
0x279: {  	[sflag:s29] =	ssyncset.done $0x0  }
0x27a: {  	[sflag:s29] =	ssyncadd.s32 $0xFFFFC000  }
.LBB2_11:
0x27b: {  	_ =	swait.ge [sflag:s30], $0x2000  }
0x27c: {  	[sflag:s30] =	ssyncset.done $0x0  }
0x27d: {  	[sflag:s30] =	ssyncadd.s32 $0xFFFFE000  }
.LBB2_12:
0x27e: {  	s16 =	simm.s32 $0x0  }
.LBB2_13:
0x27f: {  	s9 =	sshll.u32 s16, $0x4  }
0x280: {  	v4 =	vld [tilespmem:s9+$0x80]  }
0x281: {  	s10 =	simm.s32 $0xC500  }
0x282: {  	v5 =	vld [tilespmem:s10+$0xFFFFFE00];
	_ =	sdelay $0x1  }
0x283: {  	v6 =	vld [tilespmem:s10+$0xFFFFFE80]  }
0x284: {  	v7 =	vld [tilespmem:s10+$0x0];
	v4 =	vshll.u32 v4, $0x6  }
0x285: {  	v29 =	vand.u32 $0x40, v4;
	v4 =	vld [tilespmem:s10+$0xFFFFFF00]  }
0x286: {  	v30 =	vor.u32 s9, v3;
	v8 =	vld [tilespmem:s10+$0xFFFFFF80];
	v5 =	vadd.s32 v29, v5  }
0x287: {  	v31 =	vshll.u32 v30, $0x7;
	v9 =	vand.u32 $0xFFFFFF80, v5  }
0x288: {  	v6 =	vadd.s32 v29, v6;
	v5 =	vand.u32 $0x7F, v5;
	v9 =	vadd.s32 v31, v9  }
0x289: {  	v12 =	vld [tilespmem:s10+$0x180];
	v7 =	vadd.s32 v29, v7;
	v10 =	vand.u32 $0xFFFFFF80, v6;
	v5 =	vor.u32 v5, v9  }
0x28a: {  	v6 =	vand.u32 $0x7F, v6;
	v9 =	vadd.s32 v31, v10;
	v10 =	vld [tilespmem:s10+$0x80];
	v4 =	vadd.s32 v29, v4  }
0x28b: {  	v8 =	vadd.s32 v29, v8;
	v6 =	vor.u32 v6, v9;
	v11 =	vand.u32 $0xFFFFFF80, v4  }
0x28c: {  	s13 =	simm.s32 $0xC900;
	v13 =	vand.u32 $0xFFFFFF80, v8;
	v4 =	vand.u32 $0x7F, v4;
	v9 =	vadd.s32 v31, v11;
	v11 =	vld [tilespmem:s10+$0x100]  }
0x28d: {  	v14 =	vld [tilespmem:s13+$0x0];
	v8 =	vand.u32 $0x7F, v8;
	v4 =	vor.u32 v4, v9;
	v9 =	vadd.s32 v31, v13  }
0x28e: {  	v12 =	vadd.s32 v29, v12;
	v5 =	vld.idx.msk [tilespmem:v5+s23+$0x0], $0xffff;
	v8 =	vor.u32 v8, v9;
	v9 =	vand.u32 $0xFFFFFF80, v7  }
0x28f: {  	v15 =	vld [tilespmem:s13+$0xFFFFFF80];
	v7 =	vand.u32 $0x7F, v7;
	v10 =	vadd.s32 v29, v10;
	v9 =	vadd.s32 v31, v9  }
0x290: {  	v13 =	vimm.f32 $0.0e+00;
	v6 =	vld.idx.msk [tilespmem:v6+s23+$0x0], $0xffff;
	v7 =	vor.u32 v7, v9;
	v9 =	vand.u32 $0xFFFFFF80, v10  }
0x291: {  	v16 =	vld [tilespmem:s13+$0xFFFFFF00];
	v10 =	vand.u32 $0x7F, v10;
	v9 =	vadd.s32 v31, v9;
	v11 =	vadd.s32 v29, v11  }
0x292: {  	v18 =	vld.idx.msk [tilespmem:v4+s23+$0x0], $0xffff;
	v9 =	vor.u32 v10, v9;
	v4 =	vand.u32 $0xFFFFFF80, v11;
	v10 =	vand.u32 $0xFFFFFF80, v12  }
0x293: {  	v19 =	vld [tilespmem:s13+$0xFFFFFE00];
	v11 =	vand.u32 $0x7F, v11;
	v12 =	vand.u32 $0x7F, v12;
	v20 =	vmul.f32 v5, v5  }
0x294: {  	v4 =	vadd.s32 v31, v4;
	v8 =	vld.idx.msk [tilespmem:v8+s23+$0x0], $0xffff;
	v10 =	vadd.s32 v31, v10;
	v5 =	vadd.f32 v5, v13  }
0x295: {  	v21 =	vld [tilespmem:s13+$0xFFFFFE80];
	v11 =	vor.u32 v11, v4;
	v61 =	vmul.f32 v6, v6;
	v13 =	vadd.f32 v20, v13  }
0x296: {  	v4 =	vadd.s32 v29, v14;
	v22 =	vld.idx.msk [tilespmem:v7+s23+$0x0], $0xffff;
	v7 =	vor.u32 v12, v10  }
0x297: {  	v6 =	vadd.f32 v6, v5;
	v10 =	vadd.f32 v61, v13;
	v12 =	vmul.f32 v18, v18  }
0x298: {  	v14 =	vadd.s32 v29, v16;
	v5 =	vadd.s32 v29, v15;
	v9 =	vld.idx.msk [tilespmem:v9+s23+$0x0], $0xffff;
	v13 =	vadd.s32 v29, v19  }
0x299: {  	v6 =	vadd.f32 v18, v6;
	v10 =	vadd.f32 v12, v10;
	v12 =	vmul.f32 v8, v8  }
0x29a: {  	v15 =	vadd.s32 v29, v21;
	v18 =	vand.u32 $0xFFFFFF80, v14;
	v16 =	vld.idx.msk [tilespmem:v11+s23+$0x0], $0xffff;
	v11 =	vand.u32 $0xFFFFFF80, v13  }
0x29b: {  	v6 =	vadd.f32 v8, v6;
	v8 =	vadd.f32 v12, v10;
	v10 =	vmul.f32 v22, v22  }
0x29c: {  	v7 =	vld.idx.msk [tilespmem:v7+s23+$0x0], $0xffff;
	v11 =	vadd.s32 v31, v11;
	v12 =	vand.u32 $0x7F, v13;
	v13 =	vand.u32 $0xFFFFFF80, v15  }
0x29d: {  	v19 =	vadd.f32 v22, v6;
	v62 =	vmul.f32 v9, v9;
	v8 =	vadd.f32 v10, v8  }
0x29e: {  	v10 =	vor.u32 v12, v11;
	v11 =	vand.u32 $0x7F, v15;
	v12 =	vadd.s32 v31, v13  }
0x29f: {  	v6 =	vld [tilespmem:s13+$0x180];
	v13 =	vadd.f32 v9, v19;
	v63 =	vmul.f32 v16, v16;
	v19 =	vadd.f32 v62, v8  }
0x2a0: {  	v15 =	vadd.s32 v31, v18;
	v9 =	vor.u32 v11, v12;
	v12 =	vand.u32 $0x7F, v14;
	v11 =	vld [tilespmem:s13+$0x80]  }
0x2a1: {  	s9 =	simm.s32 $0x8;
	s10 =	simm.s32 $0xCD00;
	v8 =	vld [tilespmem:s13+$0x100];
	v13 =	vadd.f32 v16, v13;
	v16 =	vmul.f32 v7, v7;
	v14 =	vadd.f32 v63, v19  }
.LBB2_14:
0x2a2: {  	v18 =	vld [tilespmem:s10+$0x0];
	v12 =	vor.u32 v12, v15;
	v15 =	vand.u32 $0xFFFFFF80, v5;
	v5 =	vand.u32 $0x7F, v5  }
0x2a3: {  	v10 =	vld.idx.msk [tilespmem:v10+s23+$0x0], $0xffff;
	v15 =	vadd.s32 v31, v15;
	v7 =	vadd.f32 v7, v13;
	v13 =	vadd.f32 v16, v14  }
0x2a4: {  	v14 =	vld [tilespmem:s10+$0xFFFFFF80];
	v5 =	vor.u32 v5, v15;
	v15 =	vand.u32 $0xFFFFFF80, v4  }
0x2a5: {  	v4 =	vand.u32 $0x7F, v4;
	v9 =	vld.idx.msk [tilespmem:v9+s23+$0x0], $0xffff;
	v15 =	vadd.s32 v31, v15;
	v11 =	vadd.s32 v29, v11  }
0x2a6: {  	v6 =	vadd.s32 v29, v6;
	v16 =	vld [tilespmem:s10+$0xFFFFFF00];
	v4 =	vor.u32 v4, v15;
	v15 =	vand.u32 $0xFFFFFF80, v11  }
0x2a7: {  	v11 =	vand.u32 $0x7F, v11;
	v8 =	vadd.s32 v29, v8;
	v12 =	vld.idx.msk [tilespmem:v12+s23+$0x0], $0xffff;
	v15 =	vadd.s32 v31, v15  }
0x2a8: {  	v20 =	vand.u32 $0xFFFFFF80, v6;
	v19 =	vld [tilespmem:s10+$0xFFFFFE00];
	v11 =	vor.u32 v11, v15;
	v15 =	vand.u32 $0xFFFFFF80, v8  }
0x2a9: {  	v21 =	vmul.f32 v10, v10;
	v22 =	vld.idx.msk [tilespmem:v5+s23+$0x0], $0xffff;
	v5 =	vand.u32 $0x7F, v8;
	v8 =	vadd.s32 v31, v15  }
0x2aa: {  	v15 =	vld [tilespmem:s10+$0xFFFFFE80];
	v8 =	vor.u32 v5, v8;
	v5 =	vand.u32 $0x7F, v6;
	v6 =	vadd.s32 v31, v20  }
0x2ab: {  	v7 =	vadd.f32 v10, v7;
	v10 =	vadd.f32 v21, v13;
	v13 =	vmul.f32 v9, v9;
	v20 =	vld.idx.msk [tilespmem:v4+s23+$0x0], $0xffff  }
0x2ac: {  	s9 =	sadd.s32 $0x8, s9;
	v4 =	vadd.s32 v29, v18;
	v6 =	vor.u32 v5, v6  }
0x2ad: {  	p1 =	slt.u32 s9, $0x38;
	v7 =	vadd.f32 v9, v7;
	v9 =	vadd.f32 v13, v10;
	v10 =	vmul.f32 v12, v12;
	v11 =	vld.idx.msk [tilespmem:v11+s23+$0x0], $0xffff  }
0x2ae: {  	v16 =	vadd.s32 v29, v16;
	v5 =	vadd.s32 v29, v14;
	v13 =	vadd.s32 v29, v19  }
0x2af: {  	v7 =	vadd.f32 v12, v7;
	v9 =	vadd.f32 v10, v9;
	v10 =	vmul.f32 v22, v22;
	v14 =	vld.idx.msk [tilespmem:v8+s23+$0x0], $0xffff  }
0x2b0: {  	v8 =	vand.u32 $0xFFFFFF80, v13;
	v12 =	vadd.s32 v29, v15;
	v15 =	vand.u32 $0xFFFFFF80, v16  }
0x2b1: {  	v18 =	vadd.f32 v22, v7;
	v9 =	vadd.f32 v10, v9;
	v10 =	vmul.f32 v20, v20;
	v7 =	vld.idx.msk [tilespmem:v6+s23+$0x0], $0xffff  }
0x2b2: {  	v8 =	vadd.s32 v31, v8;
	v6 =	vand.u32 $0x7F, v13;
	v13 =	vand.u32 $0xFFFFFF80, v12  }
.Ltmp6:
0x2b3: {  	v18 =	vadd.f32 v20, v18;
	v9 =	vadd.f32 v10, v9;
	v19 =	vmul.f32 v11, v11;
	(pc) =	sbr.rel @p1 .LBB2_14-.Ltmp6, $4  }
0x2b4: {  	v10 =	vor.u32 v6, v8;
	v8 =	vand.u32 $0x7F, v12;
	v12 =	vadd.s32 v31, v13  }
0x2b5: {  	v13 =	vadd.f32 v11, v18;
	v18 =	vadd.f32 v19, v9;
	v19 =	vmul.f32 v14, v14;
	v6 =	vld [tilespmem:s10+$0x180]  }
0x2b6: {  	v15 =	vadd.s32 v31, v15;
	v9 =	vor.u32 v8, v12;
	v12 =	vand.u32 $0x7F, v16;
	v11 =	vld [tilespmem:s10+$0x80]  }
0x2b7: {  	v13 =	vadd.f32 v14, v13;
	v14 =	vadd.f32 v19, v18;
	v16 =	vmul.f32 v7, v7;
	v8 =	vld [tilespmem:s10+$0x100];
	s10 =	sadd.s32 $0x400, s10  }
0x2b8: {  	_ =	sdelay $0x2  }
0x2b9: {  	v12 =	vor.u32 v12, v15;
	v15 =	vand.u32 $0xFFFFFF80, v5;
	v5 =	vand.u32 $0x7F, v5  }
0x2ba: {  	v10 =	vld.idx.msk [tilespmem:v10+s23+$0x0], $0xffff;
	v15 =	vadd.s32 v31, v15;
	v7 =	vadd.f32 v7, v13;
	v13 =	vadd.f32 v16, v14  }
0x2bb: {  	v14 =	vand.u32 $0xFFFFFF80, v4;
	v4 =	vand.u32 $0x7F, v4;
	v5 =	vor.u32 v5, v15  }
0x2bc: {  	v14 =	vadd.s32 v31, v14;
	v6 =	vadd.s32 v29, v6;
	v11 =	vadd.s32 v29, v11  }
0x2bd: {  	v9 =	vld.idx.msk [tilespmem:v9+s23+$0x0], $0xffff;
	v4 =	vor.u32 v4, v14;
	v15 =	vand.u32 $0xFFFFFF80, v11;
	v11 =	vand.u32 $0x7F, v11  }
0x2be: {  	v8 =	vadd.s32 v29, v8;
	v14 =	vadd.s32 v31, v15;
	v15 =	vand.u32 $0xFFFFFF80, v6  }
0x2bf: {  	v12 =	vld.idx.msk [tilespmem:v12+s23+$0x0], $0xffff;
	v16 =	vmul.f32 v10, v10;
	v7 =	vadd.f32 v10, v7;
	v6 =	vand.u32 $0x7F, v6  }
0x2c0: {  	v11 =	vor.u32 v11, v14;
	v14 =	vand.u32 $0xFFFFFF80, v8;
	v8 =	vand.u32 $0x7F, v8  }
0x2c1: {  	v10 =	vadd.s32 v31, v15;
	v14 =	vadd.s32 v31, v14;
	v5 =	vld.idx.msk [tilespmem:v5+s23+$0x0], $0xffff;
	v13 =	vadd.f32 v16, v13  }
0x2c2: {  	v7 =	vadd.f32 v9, v7;
	v8 =	vor.u32 v8, v14;
	v14 =	vmul.f32 v9, v9  }
0x2c3: {  	v6 =	vor.u32 v6, v10;
	v4 =	vld.idx.msk [tilespmem:v4+s23+$0x0], $0xffff  }
0x2c4: {  	v9 =	vadd.f32 v14, v13;
	v10 =	vmul.f32 v12, v12;
	v7 =	vadd.f32 v12, v7  }
0x2c5: {  	v11 =	vld.idx.msk [tilespmem:v11+s23+$0x0], $0xffff  }
0x2c6: {  	v9 =	vadd.f32 v10, v9;
	v10 =	vmul.f32 v5, v5;
	v5 =	vadd.f32 v5, v7  }
0x2c7: {  	v7 =	vld.idx.msk [tilespmem:v8+s23+$0x0], $0xffff  }
0x2c8: {  	v8 =	vadd.f32 v10, v9;
	v9 =	vmul.f32 v4, v4;
	v4 =	vadd.f32 v4, v5  }
0x2c9: {  	v5 =	vld.idx.msk [tilespmem:v6+s23+$0x0], $0xffff  }
0x2ca: {  	v6 =	vadd.f32 v9, v8;
	v8 =	vmul.f32 v11, v11;
	v4 =	vadd.f32 v11, v4;
	_ =	sdelay $0x1  }
0x2cb: {  	v6 =	vadd.f32 v8, v6;
	v8 =	vmul.f32 v7, v7;
	v4 =	vadd.f32 v7, v4;
	_ =	sdelay $0x1  }
0x2cc: {  	v7 =	vmul.f32 v5, v5;
	v6 =	vadd.f32 v8, v6;
	v4 =	vadd.f32 v5, v4;
	_ =	sdelay $0x1  }
0x2cd: {  	v5 =	vadd.f32 v7, v6;
	v33 =	vmul.f32 $1.562500000e-02, v4;
	_ =	sdelay $0x1  }
0x2ce: {  	v4 =	vmul.f32 $1.562500000e-02, v5;
	v5 =	vmul.f32 v33, v33;
	_ =	sdelay $0x1  }
0x2cf: {  	v4 =	vsub.f32 v4, v5;
	_ =	sdelay $0x1  }
0x2d0: {  	v4 =	vadd.f32 $9.999999960e-13, v4;
	_ =	sdelay $0x1  }
0x2d1: {  	v5 =	vshrl.u32 v4, $0x1;
	v4 =	vmul.f32 $5.000000000e-01, v4  }
0x2d2: {  	v5 =	vsub.s32 $0x5F3759DF, v5  }
0x2d3: {  	v6 =	vmul.f32 v5, v4;
	_ =	sdelay $0x1  }
0x2d4: {  	v6 =	vmul.f32 v5, v6;
	_ =	sdelay $0x1  }
0x2d5: {  	v6 =	vsub.f32 $1.500000000e+00, v6;
	_ =	sdelay $0x1  }
0x2d6: {  	v5 =	vmul.f32 v5, v6;
	_ =	sdelay $0x1  }
0x2d7: {  	v6 =	vmul.f32 v5, v4;
	_ =	sdelay $0x1  }
0x2d8: {  	v6 =	vmul.f32 v6, v5;
	_ =	sdelay $0x1  }
0x2d9: {  	s10 =	simm.s32 $0xC900;
	v6 =	vsub.f32 $1.500000000e+00, v6  }
0x2da: {  	s9 =	simm.s32 $0xC500;
	v28 =	vld [tilespmem:s10+$0x100]  }
0x2db: {  	v10 =	vld [tilespmem:s9+$0x0];
	v5 =	vmul.f32 v6, v5  }
0x2dc: {  	v9 =	vld [tilespmem:s9+$0xFFFFFF80]  }
0x2dd: {  	v4 =	vmul.f32 v5, v4  }
0x2de: {  	v6 =	vld [tilespmem:s9+$0x180]  }
0x2df: {  	v4 =	vmul.f32 v4, v5  }
0x2e0: {  	v49 =	vadd.s32 v29, v28;
	v20 =	vadd.s32 v29, v10;
	v7 =	vld [tilespmem:s9+$0xFFFFFE80]  }
0x2e1: {  	v21 =	vand.u32 $0xFFFFFF80, v20;
	v18 =	vadd.s32 v29, v9;
	v4 =	vsub.f32 $1.500000000e+00, v4  }
0x2e2: {  	v8 =	vld [tilespmem:s9+$0xFFFFFF00];
	v20 =	vand.u32 $0x7F, v20;
	v21 =	vadd.s32 v31, v21;
	v19 =	vand.u32 $0xFFFFFF80, v18  }
0x2e3: {  	v18 =	vand.u32 $0x7F, v18;
	v34 =	vmul.f32 v4, v5;
	v4 =	vadd.s32 v29, v6;
	v5 =	vld [tilespmem:s9+$0xFFFFFE00]  }
0x2e4: {  	v20 =	vor.u32 v20, v21;
	v19 =	vadd.s32 v31, v19;
	v13 =	vand.u32 $0xFFFFFF80, v4  }
0x2e5: {  	v15 =	vld [tilespmem:s9+$0x100];
	v12 =	vadd.s32 v29, v7;
	v4 =	vand.u32 $0x7F, v4;
	v13 =	vadd.s32 v31, v13  }
0x2e6: {  	v11 =	vld [tilespmem:s9+$0x80];
	v18 =	vor.u32 v18, v19;
	v16 =	vand.u32 $0xFFFFFF80, v12;
	v4 =	vor.u32 v4, v13  }
0x2e7: {  	s13 =	simm.s32 $0x10300;
	v37 =	vld [tilespmem:s10+$0xFFFFFE00];
	v14 =	vadd.s32 v29, v8;
	v12 =	vand.u32 $0x7F, v12;
	v16 =	vadd.s32 v31, v16  }
0x2e8: {  	v44 =	vld [tilespmem:s13+$0xFFFFE300];
	v12 =	vor.u32 v12, v16;
	v13 =	vand.u32 $0xFFFFFF80, v14;
	v23 =	vadd.s32 v29, v5  }
0x2e9: {  	v21 =	vld [tilespmem:s13+$0xFFFFE080];
	v14 =	vand.u32 $0x7F, v14;
	v13 =	vadd.s32 v31, v13;
	v25 =	vand.u32 $0xFFFFFF80, v23  }
0x2ea: {  	v19 =	vld [tilespmem:s13+$0x380];
	v13 =	vor.u32 v14, v13;
	v23 =	vand.u32 $0x7F, v23;
	v25 =	vadd.s32 v31, v25  }
0x2eb: {  	v26 =	vadd.s32 v29, v15;
	v22 =	vadd.s32 v29, v11;
	v4 =	vld.idx.msk [tilespmem:v4+s23+$0x0], $0xffff;
	v23 =	vor.u32 v23, v25  }
0x2ec: {  	v24 =	vand.u32 $0xFFFFFF80, v22;
	v22 =	vand.u32 $0x7F, v22;
	v18 =	vld.idx.msk [tilespmem:v18+s23+$0x0], $0xffff;
	v25 =	vand.u32 $0xFFFFFF80, v26  }
0x2ed: {  	v24 =	vadd.s32 v31, v24;
	v16 =	vld [tilespmem:s13+$0xFFFFE380];
	v26 =	vand.u32 $0x7F, v26;
	v25 =	vadd.s32 v31, v25  }
0x2ee: {  	v51 =	vadd.s32 v29, v37;
	v22 =	vor.u32 v22, v24;
	v24 =	vor.u32 v26, v25;
	v25 =	vld.idx.msk [tilespmem:v12+s23+$0x0], $0xffff  }
0x2ef: {  	v52 =	vand.u32 $0xFFFFFF80, v49;
	v54 =	vand.u32 $0xFFFFFF80, v51;
	v63 =	vand.u32 $0x7F, v49;
	v13 =	vld.idx.msk [tilespmem:v13+s23+$0x0], $0xffff  }
0x2f0: {  	v59 =	vadd.s32 v31, v54;
	v6 =	vshll.u32 v6, $0x7;
	v4 =	vsub.f32 v4, v33;
	v23 =	vld.idx.msk [tilespmem:v23+s23+$0x0], $0xffff  }
0x2f1: {  	v52 =	vadd.s32 v31, v52;
	v26 =	vadd.s32 v30, v6;
	v6 =	vld.idx.msk [tilespmem:v20+s23+$0x0], $0xffff;
	v20 =	vshll.u32 v11, $0x7  }
0x2f2: {  	v8 =	vshll.u32 v8, $0x7;
	v35 =	vadd.s32 v30, v20;
	v20 =	vld [tilespmem:s10+$0x180];
	v4 =	vmul.f32 v4, v34  }
0x2f3: {  	v15 =	vshll.u32 v15, $0x7;
	v12 =	vadd.s32 v30, v8;
	v8 =	vsub.f32 v25, v33;
	v25 =	vld [tilespmem:s10+$0xFFFFFF80]  }
0x2f4: {  	v10 =	vshll.u32 v10, $0x7;
	v9 =	vshll.u32 v9, $0x7;
	v4 =	vmul.f32 v4, v16;
	v16 =	vld.idx.msk [tilespmem:v22+s23+$0x0], $0xffff  }
0x2f5: {  	v7 =	vshll.u32 v7, $0x7;
	v18 =	vsub.f32 v18, v33;
	v22 =	vsub.f32 v23, v33;
	v23 =	vld [tilespmem:s13+$0xFFFFE100]  }
0x2f6: {  	v11 =	vadd.s32 v30, v9;
	v9 =	vadd.s32 v30, v10;
	v19 =	vadd.f32 v4, v19;
	v4 =	vld.idx.msk [tilespmem:v24+s23+$0x0], $0xffff  }
0x2f7: {  	v13 =	vsub.f32 v13, v33;
	v6 =	vsub.f32 v6, v33;
	v10 =	vmul.f32 v22, v34;
	v22 =	vld [tilespmem:s13+$0xFFFFE200]  }
0x2f8: {  	v50 =	vld [tilespmem:s13+$0x80];
	v7 =	vadd.s32 v30, v7;
	v18 =	vmul.f32 v18, v34;
	v8 =	vmul.f32 v8, v34  }
0x2f9: {  	v14 =	vld [tilespmem:s13+$0xFFFFE000];
	v5 =	vshll.u32 v5, $0x7;
	v13 =	vmul.f32 v13, v34;
	v6 =	vmul.f32 v6, v34  }
0x2fa: {  	v24 =	vld [tilespmem:s13+$0xFFFFE180];
	v8 =	vmul.f32 v8, v21;
	v40 =	vadd.s32 v29, v25;
	v16 =	vsub.f32 v16, v33  }
0x2fb: {  	v21 =	vld [tilespmem:s10+$0xFFFFFF00];
	v13 =	vmul.f32 v13, v23;
	v23 =	vsub.f32 v4, v33;
	v4 =	vadd.s32 v30, v15  }
0x2fc: {  	v47 =	vld [tilespmem:s13+$0x0];
	v15 =	vmul.f32 v16, v34;
	v16 =	vmul.f32 v6, v22;
	v6 =	vadd.s32 v29, v20  }
0x2fd: {  	v53 =	vld [tilespmem:s13+$0x100];
	v5 =	vadd.s32 v30, v5;
	v42 =	vand.u32 $0xFFFFFF80, v40;
	v36 =	vand.u32 $0xFFFFFF80, v6  }
0x2fe: {  	v10 =	vmul.f32 v10, v14;
	v14 =	vld [tilespmem:s10+$0xFFFFFE80];
	v6 =	vand.u32 $0x7F, v6;
	v36 =	vadd.s32 v31, v36  }
0x2ff: {  	v8 =	vadd.f32 v8, v50;
	v18 =	vmul.f32 v18, v24;
	v24 =	vld [tilespmem:s10+$0x0];
	v6 =	vor.u32 v6, v36  }
0x300: {  	v60 =	vld [tilespmem:s13+$0x180];
	v25 =	vshll.u32 v25, $0x7;
	v42 =	vadd.s32 v31, v42;
	v38 =	vadd.s32 v29, v21  }
0x301: {  	[tilespmem:v7+s31+$0x0] =	vst.idx.msk $0xffff, v8;
	v7 =	vadd.s32 v30, v25;
	v41 =	vand.u32 $0xFFFFFF80, v38;
	v22 =	vmul.f32 v23, v34;
	v23 =	vld [tilespmem:s10+$0x80]  }
0x302: {  	v56 =	vld [tilespmem:s13+$0x200];
	v47 =	vadd.f32 v10, v47;
	v38 =	vand.u32 $0x7F, v38;
	v41 =	vadd.s32 v31, v41  }
0x303: {  	v20 =	vshll.u32 v20, $0x7;
	v27 =	vadd.s32 v29, v14;
	v38 =	vor.u32 v38, v41;
	v36 =	vld [tilespmem:s13+$0xFFFFE280]  }
0x304: {  	v39 =	vand.u32 $0xFFFFFF80, v27;
	v27 =	vand.u32 $0x7F, v27;
	v43 =	vadd.s32 v29, v24;
	v55 =	vld.idx.msk [tilespmem:v6+s23+$0x0], $0xffff  }
0x305: {  	v32 =	vld [tilespmem:s13+$0x300];
	s9 =	simm.s32 $0x10700;
	v39 =	vadd.s32 v31, v39;
	v45 =	vand.u32 $0xFFFFFF80, v43;
	v61 =	vand.u32 $0x7F, v43  }
0x306: {  	v57 =	vld [tilespmem:s9+$0xFFFFE380];
	v27 =	vor.u32 v27, v39;
	v46 =	vadd.s32 v29, v23;
	v6 =	vand.u32 $0x7F, v51  }
0x307: {  	v39 =	vld [tilespmem:s13+$0x280];
	v45 =	vadd.s32 v31, v45;
	v48 =	vand.u32 $0xFFFFFF80, v46;
	v51 =	vor.u32 v6, v59  }
0x308: {  	v62 =	vand.u32 $0x7F, v46;
	v48 =	vadd.s32 v31, v48;
	v36 =	vmul.f32 v15, v36;
	v15 =	vld [tilespmem:s9+$0xFFFFE080]  }
0x309: {  	[tilespmem:v26+s31+$0x0] =	vst.idx.msk $0xffff, v19;
	v6 =	vand.u32 $0x7F, v40;
	v40 =	vor.u32 v61, v45;
	v59 =	vld [tilespmem:s9+$0x380];
	v58 =	vsub.f32 v55, v33  }
0x30a: {  	v26 =	vadd.f32 v13, v53;
	v43 =	vor.u32 v62, v48;
	v62 =	vld.idx.msk [tilespmem:v38+s23+$0x0], $0xffff;
	v42 =	vor.u32 v6, v42  }
0x30b: {  	v60 =	vadd.f32 v18, v60;
	[tilespmem:v5+s31+$0x0] =	vst.idx.msk $0xffff, v47;
	v27 =	vld.idx.msk [tilespmem:v27+s23+$0x0], $0xffff;
	v19 =	vmul.f32 v58, v34  }
0x30c: {  	v10 =	vmul.f32 v22, v44;
	v22 =	vadd.s32 v30, v20;
	v46 =	vor.u32 v63, v52;
	v13 =	vld.idx.msk [tilespmem:v51+s23+$0x0], $0xffff  }
0x30d: {  	v14 =	vshll.u32 v14, $0x7;
	[tilespmem:v12+s31+$0x0] =	vst.idx.msk $0xffff, v26;
	v20 =	vshll.u32 v21, $0x7;
	v6 =	vld [tilespmem:s9+$0xFFFFE000];
	v18 =	vmul.f32 v19, v57  }
0x30e: {  	v14 =	vadd.s32 v30, v14;
	[tilespmem:v11+s31+$0x0] =	vst.idx.msk $0xffff, v60;
	v10 =	vadd.f32 v10, v32;
	v21 =	vld.idx.msk [tilespmem:v40+s23+$0x0], $0xffff  }
0x30f: {  	v24 =	vshll.u32 v24, $0x7;
	v61 =	vadd.f32 v16, v56;
	v63 =	vld.idx.msk [tilespmem:v42+s23+$0x0], $0xffff;
	v18 =	vadd.f32 v18, v59  }
0x310: {  	v8 =	vadd.s32 v30, v20;
	v16 =	vadd.f32 v36, v39;
	v20 =	vld.idx.msk [tilespmem:v43+s23+$0x0], $0xffff;
	v27 =	vsub.f32 v27, v33  }
0x311: {  	v23 =	vshll.u32 v23, $0x7;
	v19 =	vshll.u32 v37, $0x7;
	v25 =	vsub.f32 v13, v33;
	[tilespmem:v22+s31+$0x0] =	vst.idx.msk $0xffff, v18;
	v22 =	vld.idx.msk [tilespmem:v46+s23+$0x0], $0xffff  }
0x312: {  	[tilespmem:v9+s31+$0x0] =	vst.idx.msk $0xffff, v61;
	v5 =	vadd.s32 v30, v19;
	v19 =	vshll.u32 v28, $0x7;
	v18 =	vadd.s32 v30, v23;
	v23 =	vld [tilespmem:s9+$0xFFFFE100]  }
0x313: {  	v12 =	vld [tilespmem:s9+$0xFFFFE180];
	v13 =	vadd.s32 v30, v24;
	v24 =	vmul.f32 v25, v34;
	v25 =	vsub.f32 v62, v33  }
0x314: {  	s10 =	simm.s32 $0x8;
	v11 =	vld [tilespmem:s9+$0xFFFFE200];
	s13 =	simm.s32 $0xCD00;
	v26 =	vmul.f32 v27, v34;
	v19 =	vadd.s32 v30, v19;
	v27 =	vsub.f32 v63, v33  }
.LBB2_16:
0x315: {  	v9 =	vld [tilespmem:s13+$0x180];
	s10 =	sadd.s32 $0x8, s10;
	v24 =	vmul.f32 v24, v6;
	v6 =	vmul.f32 v25, v34;
	v21 =	vsub.f32 v21, v33  }
0x316: {  	v20 =	vsub.f32 v20, v33;
	v25 =	vld [tilespmem:s13+$0xFFFFFE80];
	p1 =	slt.u32 s10, $0x38;
	v15 =	vmul.f32 v26, v15;
	v26 =	vmul.f32 v27, v34  }
0x317: {  	v27 =	vld [tilespmem:s13+$0xFFFFFF00];
	v23 =	vmul.f32 v6, v23;
	v6 =	vmul.f32 v21, v34;
	v21 =	vsub.f32 v22, v33  }
0x318: {  	v20 =	vmul.f32 v20, v34;
	v22 =	vld [tilespmem:s13+$0xFFFFFF80];
	v12 =	vmul.f32 v26, v12;
	[tilespmem:v35+s31+$0x0] =	vst.idx.msk $0xffff, v16;
	v35 =	vmov v18  }
0x319: {  	v18 =	vld [tilespmem:s13+$0x0];
	v11 =	vmul.f32 v6, v11;
	v16 =	vmul.f32 v21, v34;
	[tilespmem:v4+s31+$0x0] =	vst.idx.msk $0xffff, v10;
	v4 =	vmov v19  }
0x31a: {  	v19 =	vld [tilespmem:s13+$0x80];
	v6 =	vadd.s32 v29, v9  }
0x31b: {  	v10 =	vadd.s32 v29, v25;
	v21 =	vshll.u32 v25, $0x7;
	v25 =	vld [tilespmem:s13+$0x100];
	v26 =	vand.u32 $0xFFFFFF80, v6  }
0x31c: {  	v6 =	vand.u32 $0x7F, v6;
	v28 =	vld [tilespmem:s13+$0xFFFFFE00];
	v36 =	vadd.s32 v29, v27;
	v26 =	vadd.s32 v31, v26  }
0x31d: {  	v37 =	vand.u32 $0xFFFFFF80, v10;
	v38 =	vadd.s32 v29, v22;
	v6 =	vor.u32 v6, v26;
	v26 =	vld [tilespmem:s9+$0xFFFFE280]  }
0x31e: {  	v39 =	vand.u32 $0xFFFFFF80, v36;
	v40 =	vand.u32 $0xFFFFFF80, v38;
	v41 =	vadd.s32 v29, v18;
	v42 =	vld [tilespmem:s9+$0xFFFFE300]  }
0x31f: {  	v37 =	vadd.s32 v31, v37;
	v43 =	vand.u32 $0xFFFFFF80, v41;
	v44 =	vadd.s32 v29, v19;
	v45 =	vld [tilespmem:s9+$0x0]  }
0x320: {  	v39 =	vadd.s32 v31, v39;
	v46 =	vand.u32 $0xFFFFFF80, v44;
	v47 =	vadd.s32 v29, v25;
	v48 =	vld [tilespmem:s9+$0x80]  }
0x321: {  	v40 =	vadd.s32 v31, v40;
	v49 =	vadd.s32 v29, v28;
	v50 =	vand.u32 $0xFFFFFF80, v47;
	v51 =	vld [tilespmem:s9+$0x100]  }
0x322: {  	v43 =	vadd.s32 v31, v43;
	v46 =	vadd.s32 v31, v46;
	v52 =	vand.u32 $0xFFFFFF80, v49;
	v53 =	vld.idx.msk [tilespmem:v6+s23+$0x0], $0xffff  }
0x323: {  	v6 =	vand.u32 $0x7F, v49;
	v50 =	vadd.s32 v31, v50;
	v49 =	vadd.s32 v31, v52;
	v52 =	vld [tilespmem:s9+$0x180]  }
0x324: {  	v10 =	vand.u32 $0x7F, v10;
	v36 =	vand.u32 $0x7F, v36;
	v38 =	vand.u32 $0x7F, v38;
	v54 =	vld [tilespmem:s9+$0x200]  }
0x325: {  	v41 =	vand.u32 $0x7F, v41;
	v44 =	vand.u32 $0x7F, v44;
	v47 =	vand.u32 $0x7F, v47;
	v55 =	vld [tilespmem:s9+$0x280]  }
0x326: {  	v10 =	vor.u32 v10, v37;
	v36 =	vor.u32 v36, v39;
	v49 =	vor.u32 v6, v49;
	v37 =	vld [tilespmem:s9+$0x300];
	s9 =	sadd.s32 $0x400, s9  }
0x327: {  	v38 =	vor.u32 v38, v40;
	v39 =	vor.u32 v41, v43;
	v40 =	vor.u32 v44, v46;
	v41 =	vld [tilespmem:s9+$0xFFFFE380]  }
0x328: {  	v20 =	vmul.f32 v20, v26;
	v43 =	vor.u32 v47, v50;
	v44 =	vsub.f32 v53, v33;
	v6 =	vld [tilespmem:s9+$0xFFFFE000]  }
0x329: {  	v42 =	vmul.f32 v16, v42;
	v24 =	vadd.f32 v24, v45;
	v45 =	vadd.f32 v15, v48;
	v26 =	vld [tilespmem:s9+$0x380]  }
0x32a: {  	v9 =	vshll.u32 v9, $0x7;
	v16 =	vmul.f32 v44, v34;
	v44 =	vadd.f32 v23, v51;
	v15 =	vld [tilespmem:s9+$0xFFFFE080]  }
0x32b: {  	v9 =	vadd.s32 v30, v9;
	v46 =	vadd.f32 v12, v52;
	v47 =	vadd.f32 v11, v54;
	v23 =	vld.idx.msk [tilespmem:v49+s23+$0x0], $0xffff  }
0x32c: {  	v11 =	vld.idx.msk [tilespmem:v10+s23+$0x0], $0xffff;
	v12 =	vmul.f32 v16, v41;
	v16 =	vadd.f32 v20, v55;
	v10 =	vadd.f32 v42, v37  }
0x32d: {  	v27 =	vshll.u32 v27, $0x7;
	v22 =	vshll.u32 v22, $0x7;
	v20 =	vshll.u32 v28, $0x7;
	v28 =	vld.idx.msk [tilespmem:v36+s23+$0x0], $0xffff;
	[tilespmem:v5+s31+$0x0] =	vst.idx.msk $0xffff, v24  }
0x32e: {  	v18 =	vshll.u32 v18, $0x7;
	v19 =	vshll.u32 v19, $0x7;
	v36 =	vld.idx.msk [tilespmem:v38+s23+$0x0], $0xffff;
	v12 =	vadd.f32 v12, v26;
	[tilespmem:v14+s31+$0x0] =	vst.idx.msk $0xffff, v45  }
0x32f: {  	v5 =	vadd.s32 v30, v20;
	v24 =	vshll.u32 v25, $0x7;
	v14 =	vadd.s32 v30, v21;
	v21 =	vld.idx.msk [tilespmem:v39+s23+$0x0], $0xffff  }
.Ltmp7:
0x330: {  	v25 =	vadd.s32 v30, v27;
	v26 =	vadd.s32 v30, v22;
	v20 =	vld.idx.msk [tilespmem:v40+s23+$0x0], $0xffff;
	[tilespmem:v9+s31+$0x0] =	vst.idx.msk $0xffff, v12;
	(pc) =	sbr.rel @p1 .LBB2_16-.Ltmp7, $4  }
0x331: {  	v37 =	vadd.s32 v30, v18;
	v18 =	vadd.s32 v30, v19;
	v9 =	vsub.f32 v23, v33;
	v22 =	vld.idx.msk [tilespmem:v43+s23+$0x0], $0xffff  }
0x332: {  	v19 =	vadd.s32 v30, v24;
	v11 =	vsub.f32 v11, v33;
	v23 =	vld [tilespmem:s9+$0xFFFFE100];
	[tilespmem:v8+s31+$0x0] =	vst.idx.msk $0xffff, v44;
	v8 =	vmov v25  }
0x333: {  	v24 =	vmul.f32 v9, v34;
	v25 =	vsub.f32 v28, v33;
	v12 =	vld [tilespmem:s9+$0xFFFFE180];
	[tilespmem:v7+s31+$0x0] =	vst.idx.msk $0xffff, v46;
	v7 =	vmov v26  }
0x334: {  	s13 =	sadd.s32 $0x400, s13;
	v26 =	vmul.f32 v11, v34;
	v27 =	vsub.f32 v36, v33;
	v11 =	vld [tilespmem:s9+$0xFFFFE200];
	[tilespmem:v13+s31+$0x0] =	vst.idx.msk $0xffff, v47;
	v13 =	vmov v37  }
0x335: {  	_ = 	snop  }
0x336: {  	v9 =	vld [tilespmem:s9+$0xFFFFE280]  }
0x337: {  	v28 =	vld [tilespmem:s9+$0xFFFFE300]  }
0x338: {  	v29 =	vld [tilespmem:s9+$0x0]  }
0x339: {  	[tilespmem:v35+s31+$0x0] =	vst.idx.msk $0xffff, v16;
	v51 =	vld [tilespmem:s9+$0x80]  }
0x33a: {  	v6 =	vmul.f32 v24, v6;
	v52 =	vmul.f32 v25, v34;
	v21 =	vsub.f32 v21, v33;
	v53 =	vld [tilespmem:s9+$0x100]  }
0x33b: {  	v20 =	vsub.f32 v20, v33;
	v55 =	vld [tilespmem:s9+$0x180];
	[tilespmem:v4+s31+$0x0] =	vst.idx.msk $0xffff, v10;
	v15 =	vmul.f32 v26, v15  }
0x33c: {  	v56 =	vld [tilespmem:s9+$0x200];
	v54 =	vmul.f32 v27, v34;
	v22 =	vsub.f32 v22, v33;
	v23 =	vmul.f32 v52, v23  }
0x33d: {  	v4 =	vld [tilespmem:s9+$0x300];
	v21 =	vmul.f32 v21, v34;
	v20 =	vmul.f32 v20, v34;
	v6 =	vadd.f32 v6, v29  }
0x33e: {  	v57 =	vld [tilespmem:s9+$0x280];
	v12 =	vmul.f32 v54, v12;
	v59 =	vmul.f32 v22, v34;
	v58 =	vadd.f32 v15, v51  }
0x33f: {  	s16 =	sadd.s32 $0x1, s16;
	v11 =	vmul.f32 v21, v11;
	v60 =	vadd.f32 v23, v53;
	[tilespmem:v5+s31+$0x0] =	vst.idx.msk $0xffff, v6  }
0x340: {  	p1 =	sne.s32 s16, $0x8;
	v61 =	vadd.f32 v12, v55;
	v62 =	vmul.f32 v59, v28;
	[tilespmem:v14+s31+$0x0] =	vst.idx.msk $0xffff, v58  }
.Ltmp8:
0x341: {  	v63 =	vadd.f32 v11, v56;
	v5 =	vmul.f32 v20, v9;
	[tilespmem:v8+s31+$0x0] =	vst.idx.msk $0xffff, v60;
	(pc) =	sbr.rel @p1 .LBB2_13-.Ltmp8, $4  }
0x342: {  	[tilespmem:v7+s31+$0x0] =	vst.idx.msk $0xffff, v61;
	v4 =	vadd.f32 v62, v4  }
0x343: {  	[tilespmem:v13+s31+$0x0] =	vst.idx.msk $0xffff, v63;
	v5 =	vadd.f32 v5, v57  }
0x344: {  	[tilespmem:v19+s31+$0x0] =	vst.idx.msk $0xffff, v4  }
0x345: {  	[tilespmem:v18+s31+$0x0] =	vst.idx.msk $0xffff, v5  }
0x346: {  	s9 =	sadd.s32 @!p0 s14, s12  }
0x347: {  	s10 =	sshll.u32 @!p0 s9, $0xA;
	s13 =	sand.u32 @!p0 $0x380, s9  }
0x348: {  	s9 =	sshll.u32 @!p0 s9, $0x7;
	s13 =	sor.u32 @!p0 s10, s13;
	s10 =	sand.u32 @!p0 $0xFFFE0000, s10  }
0x349: {  	s9 =	sand.u32 @!p0 $0x7FFE0000, s9;
	s10 =	ssub.s32 @!p0 s13, s10  }
0x34a: {  	s3 =	sadd.s32 s6, s3;
	s9 =	sadd.s32 @!p0 s9, s10  }
0x34b: {  	s2 =	sadd.s32 $0x1, s2;
	s14 =	sshrl.u32 s3, $0x7;
	s9 =	sshrl.u32 @!p0 s9, $0x3  }
0x34c: {  	s13 =	simm.s32 @!p0 $0x80;
	s10 =	simm.s32 @!p0 $0x0;
	s9 =	sadd.s32 @!p0 s0, s9  }
0x34d: {  	[tilespmem:s13], [sflag:$0x2] =	stream.linear.gather @!p0 [hbm4b:s9+s10], $0x80, $0x38;
	[tilespmem:$0x12300] =	vst v63  }
0x34e: {  	s3 =	sshll.u32 s3, $0xA;
	s16 =	sshll.u32 s14, $0x11;
	p0 =	sne.s32 s2, $0x64  }
.Ltmp9:
0x34f: {  	s3 =	ssub.s32 s3, s16;
	s9 =	sshll.u32 s14, $0x14;
	(pc) =	sbr.rel @p0 .LBB2_2-.Ltmp9, $4  }
0x350: {  	s3 =	sadd.s32 s9, s3  }
0x351: {  	s3 =	sshrl.u32 s3, $0x3  }
0x352: {  	s3 =	sadd.s32 s5, s3  }
0x353: {  	[hbm4b:s3+s26] =	stream.strided.scatter [tilespmem:s31], [sflag:$0x6], $0x2000, s28, s26, $0x38;
	[tilespmem:$0x12300] =	vst v63  }
0x354: {  	_ =	swait.ge [sflag:s4], $0x2000  }
0x355: {  	[sflag:s4] =	ssyncset.done $0x0  }
0x356: {  	[sflag:s4] =	ssyncadd.s32 $0xFFFFE000  }
0x357: {  	_ =	swait.ge [sflag:s30], $0x2000  }
0x358: {  	s1 =	sadd.s32 $0x1, s1;
	s2 =	rddreg [dreg:$0x8]  }
0x359: {  	p0 =	sne.s32 s1, s2  }
.Ltmp10:
0x35a: {  	_ = 	snop;
	(pc) =	sbr.rel @p0 .LBB2_1-.Ltmp10, $3  }
0x35b: {  	_ =	sdelay $0x1  }
0x35c: {  	[sflag:s30] =	ssyncset.done $0x0  }
0x35d: {  	[sflag:s30] =	ssyncadd.s32 $0xFFFFE000  }
0x35e: {  	_ =	sfence.sel $0x180000  }
0x35f: {  	[bflag:$0x0] =	sbarrier.arrive $0xFFFF  }
0x360: {  	_ =	strace $0x90000047  }
0x361: {  	s0 =	stileid.u32;
	[bflag:$0x2] =	sbarrier.arrive $0xFFFF  }
0x362: {  	p0 =	sne.s32 s0, $0x0;
	s0 =	rddreg [dreg:$0x5]  }
0x363: {  	s0 =	sadd.s32 @!p0 $0x100000, s0  }
0x364: {  	[sflag:s0] =	ssyncadd.tile.s32 @!p0 $0x1;
	_ =	shalt  }
.Lfunc_end2:
_tile_overlayer_lowered:
.L_overlay_start_2:
0x365: {  	(tag) =	ssettag $0x2  }
0x366: {  	s0 =	rddreg [dreg:$0x0];
	s2 =	stileid.u32  }
0x367: {  	s1 =	rddreg [dreg:$0x1];
	p0 =	sne.s32 s2, $0x0  }
0x368: {  	s3 =	rddreg [dreg:$0x2];
	[bflag:$0x3] =	sbarrier.arrive $0xFFFF;
	s2 =	simm.s32 @!p0 $0x1C07  }
0x369: {  	[timem:s3], [sflag:s2] =	dma.local @!p0 [hbm:s0], s1  }
0x36a: {  	s0 =	simm.s32 @!p0 $0x7  }
0x36b: {  	_ =	swait.ge @!p0 [sflag:s0], s1  }
0x36c: {  	s1 =	ssub.s32 @!p0 $0x0, s1;
	[sflag:s0] =	ssyncset.done @!p0 $0x0  }
0x36d: {  	[sflag:s0] =	ssyncadd.s32 @!p0 s1  }
0x36e: {  	[bflag:$0x3] =	sbarrier.arrive $0xFFFF  }
0x36f: {  	_ =	shalt  }

</sc_bundles>
